<compile_context>
chip_gen: v7x
topology: tpu7x:2x2x1
jax: 0.10.2.dev20260603
libtpu: 0.0.44.dev20260713+nightly
codegen_flags: <defaults>
</compile_context>

<pallas_src>
import functools

import jax
import jax.numpy as jnp
from jax import lax
from jax.experimental import pallas as pl
from jax.experimental.pallas import tpu as pltpu
from jax.experimental.pallas import tpu_sc as plsc

N = 10000
E = 320000
IN_DIM = 128
HID = 16

NC = 2
NS = 16
NW = NC * NS
CH = 128
NCHUNK = 80
NPAD = 10240
ROWS_PER_TILE = NPAD // NS
NBUF = 8
DELAY = 6

NPK = N * HID // 128
NPADPK = NPAD * HID // 128

_mesh = plsc.VectorSubcoreMesh(core_axis_name="c", subcore_axis_name="s")
_sc_params = pltpu.CompilerParams(use_tc_tiling_on_sc=False)


def _stage_indices(ei_hbm, row, idx_v, wid):
    pltpu.sync_copy(ei_hbm.at[row].at[wid], idx_v)


def _sc_degree(ei_hbm, zeros_hbm, ones_hbm, out_hbm, dst_v, ones_v, acc_sh, sem):
    c = lax.axis_index("c")
    s = lax.axis_index("s")
    wid = s * NC + c
    base = s * ROWS_PER_TILE
    pltpu.sync_copy(zeros_hbm, acc_sh.at[pl.ds(base, ROWS_PER_TILE)])
    pltpu.sync_copy(ones_hbm, ones_v)
    _stage_indices(ei_hbm, 1, dst_v, wid)
    plsc.subcore_barrier()

    def fire(j, carry):
        pltpu.make_async_copy(ones_v, acc_sh.at[dst_v.at[j]], sem).start(add=True)
        return carry

    lax.fori_loop(0, NCHUNK, fire, 0)

    def drain(j, carry):
        pltpu.make_async_copy(ones_v, acc_sh.at[dst_v.at[j]], sem).wait()
        return carry

    lax.fori_loop(0, NCHUNK, drain, 0)
    plsc.subcore_barrier()
    pltpu.sync_copy(acc_sh.at[pl.ds(base, ROWS_PER_TILE)],
                    out_hbm.at[c].at[pl.ds(base, ROWS_PER_TILE)])


def _sc_scatter(g_hbm, ei_hbm, zeros_hbm, out_hbm,
                src_v, dst_v, rows_v, acc_sh, g_sh, gsem, ssem):
    c = lax.axis_index("c")
    s = lax.axis_index("s")
    wid = s * NC + c
    base = s * ROWS_PER_TILE
    pltpu.sync_copy(zeros_hbm, acc_sh.at[pl.ds(base, ROWS_PER_TILE)])
    gbase = s * (N // NS)
    pltpu.sync_copy(g_hbm.at[pl.ds(gbase, N // NS)],
                    g_sh.at[pl.ds(gbase, N // NS)])
    _stage_indices(ei_hbm, 0, src_v, wid)
    _stage_indices(ei_hbm, 1, dst_v, wid)
    plsc.subcore_barrier()

    def gather(j, b):
        pltpu.make_async_copy(
            g_sh.at[src_v.at[j]], rows_v.at[b], gsem.at[b]).start()

    def gather_wait(j, b):
        pltpu.make_async_copy(
            g_sh.at[src_v.at[j]], rows_v.at[b], gsem.at[b]).wait()

    def scatter(j, b):
        pltpu.make_async_copy(
            rows_v.at[b], acc_sh.at[dst_v.at[j]], ssem.at[b]).start(add=True)

    def scatter_wait(j, b):
        pltpu.make_async_copy(
            rows_v.at[b], acc_sh.at[dst_v.at[j]], ssem.at[b]).wait()

    for b in range(NBUF):
        gather(b, b)

    def body(o, carry):
        for b in range(NBUF):
            j = o * NBUF + b
            gather_wait(j, b)
            scatter(j, b)
            bd = (b - DELAY) % NBUF
            jd = j - DELAY

            @pl.when(jnp.logical_and(jd >= 0, jd + NBUF < NCHUNK))
            def _():
                scatter_wait(jd, bd)
                gather(jd + NBUF, bd)

        return carry

    lax.fori_loop(0, NCHUNK // NBUF, body, 0)
    for b in range(NBUF):
        scatter_wait(NCHUNK - NBUF + b, b)
    plsc.subcore_barrier()
    pltpu.sync_copy(acc_sh.at[pl.ds(base, ROWS_PER_TILE)],
                    out_hbm.at[c].at[pl.ds(base, ROWS_PER_TILE)])


def _tc1a(x_ref, w1e_ref, h8_ref):
    h8_ref[...] = jnp.dot(x_ref[...], w1e_ref[...],
                          preferred_element_type=jnp.float32)


def _tc1b(degp_ref, h8_ref, g1_ref, dinv_ref):
    degp = degp_ref[...]
    deg8 = degp[0] + degp[1] + 1.0
    dinv8 = lax.rsqrt(deg8)
    lane8 = lax.broadcasted_iota(jnp.int32, (NPK, 128), 1) // 16
    dinv = jnp.broadcast_to(dinv8[:, 0:1], (NPK, 128))
    for a in range(1, 8):
        dinv = jnp.where(lane8 == a,
                         jnp.broadcast_to(dinv8[:, a:a + 1], (NPK, 128)), dinv)
    h8r = h8_ref[...].reshape(NPK, 8, 128)
    lane = lax.broadcasted_iota(jnp.int32, (NPK, 128), 1) // 16
    hp = h8r[:, 0, :]
    for a in range(1, 8):
        hp = jnp.where(lane == a, h8r[:, a, :], hp)
    g1_ref[...] = hp * dinv
    dinv_ref[...] = dinv


def _tc2(accp_ref, g1_ref, dinv_ref, b1_ref, k2_ref, g2_ref):
    accp = accp_ref[...]
    acc = accp[0, :NPK, :] + accp[1, :NPK, :]
    dinv = dinv_ref[...]
    h1 = jnp.maximum(dinv * (acc + g1_ref[...]) + b1_ref[...], 0.0)
    g2_ref[...] = jnp.dot(h1, k2_ref[...],
                          preferred_element_type=jnp.float32) * dinv


def _tc3(accp_ref, g2_ref, dinv_ref, b2_ref, kfc_ref, bfc_ref, out_ref):
    accp = accp_ref[...]
    acc = accp[0, :NPK, :] + accp[1, :NPK, :]
    dinv = dinv_ref[...]
    h2 = jnp.maximum(dinv * (acc + g2_ref[...]) + b2_ref[...], 0.0)
    out_ref[...] = jnp.dot(h2, kfc_ref[...],
                           preferred_element_type=jnp.float32) + bfc_ref[...]


_deg_call = functools.partial(
    pl.kernel,
    mesh=_mesh,
    compiler_params=_sc_params,
    out_type=jax.ShapeDtypeStruct((NC, NPAD), jnp.float32),
    scratch_types=[
        pltpu.VMEM((NCHUNK, CH), jnp.int32),
        pltpu.VMEM((CH,), jnp.float32),
        pltpu.VMEM_SHARED((NPAD,), jnp.float32),
        pltpu.SemaphoreType.DMA,
    ],
)(_sc_degree)

_scatter_call = functools.partial(
    pl.kernel,
    mesh=_mesh,
    compiler_params=_sc_params,
    out_type=jax.ShapeDtypeStruct((NC, NPAD, HID), jnp.float32),
    scratch_types=[
        pltpu.VMEM((NCHUNK, CH), jnp.int32),
        pltpu.VMEM((NCHUNK, CH), jnp.int32),
        pltpu.VMEM((NBUF, CH, HID), jnp.float32),
        pltpu.VMEM_SHARED((NPAD, HID), jnp.float32),
        pltpu.VMEM_SHARED((N, HID), jnp.float32),
        pltpu.SemaphoreType.DMA((NBUF,)),
        pltpu.SemaphoreType.DMA((NBUF,)),
    ],
)(_sc_scatter)


def kernel(x, edge_index, W1, b1, W2, b2, Wfc, bfc):
    ei = edge_index.astype(jnp.int32)
    pad = NW * NCHUNK * CH - E
    pad_src = (jnp.arange(pad, dtype=jnp.int32) * 37) % N
    pad_dst = N + (jnp.arange(pad, dtype=jnp.int32) % (NPAD - N))
    ei3 = jnp.concatenate(
        [ei, jnp.stack([pad_src, pad_dst])], axis=1).reshape(2, NW, NCHUNK, CH)
    zeros_tile = jnp.zeros((ROWS_PER_TILE, HID), jnp.float32)
    eye8 = jnp.eye(8, dtype=jnp.float32)
    W1e = jnp.tile(W1, (1, 8))
    K2 = jnp.kron(eye8, W2)
    KFC = jnp.kron(eye8, Wfc)
    b1t = jnp.tile(b1, 8).reshape(1, 128)
    b2t = jnp.tile(b2, 8).reshape(1, 128)
    bfcr = bfc.reshape(1, 1)

    zeros1 = jnp.zeros((ROWS_PER_TILE,), jnp.float32)
    ones1 = jnp.ones((CH,), jnp.float32)
    degp = _deg_call(ei3, zeros1, ones1)[:, :N].reshape(NC, NPK, 8)

    h8 = pl.pallas_call(
        _tc1a,
        out_shape=jax.ShapeDtypeStruct((N, 128), jnp.float32),
    )(x, W1e)

    g1p, dinvp = pl.pallas_call(
        _tc1b,
        out_shape=(
            jax.ShapeDtypeStruct((NPK, 128), jnp.float32),
            jax.ShapeDtypeStruct((NPK, 128), jnp.float32),
        ),
    )(degp, h8)

    acc1p = _scatter_call(
        g1p.reshape(N, HID), ei3, zeros_tile).reshape(NC, NPADPK, 128)

    g2p = pl.pallas_call(
        _tc2,
        out_shape=jax.ShapeDtypeStruct((NPK, 128), jnp.float32),
    )(acc1p, g1p, dinvp, b1t, K2)

    acc2p = _scatter_call(
        g2p.reshape(N, HID), ei3, zeros_tile).reshape(NC, NPADPK, 128)

    outp = pl.pallas_call(
        _tc3,
        out_shape=jax.ShapeDtypeStruct((NPK, 8), jnp.float32),
    )(acc2p, g2p, dinvp, b2t, KFC, bfcr)

    return outp.reshape(N, 1)

# --- scband reference (transcript-rebuilt; emitter-appended) ---
"""Pipeline reference for scband-gcnmodel-44667659878955 (READ-ONLY COPY).

The authoritative reference and input builder live on the scoring server;
editing this copy changes nothing except your own understanding.
"""

import jax, jax.numpy as jnp
import numpy as np

N_NODES = 10000
N_EDGES = 320000
IN_DIM = 128
HID = 16
OUT_DIM = 1


def gcn_conv(x, edge_index, W, b):
    N = x.shape[0]
    src = edge_index[0]
    dst = edge_index[1]
    loop = jnp.arange(N, dtype=edge_index.dtype)
    src = jnp.concatenate([src, loop])
    dst = jnp.concatenate([dst, loop])
    deg = jnp.zeros((N,), dtype=x.dtype).at[dst].add(1.0)
    dinv = jnp.where(deg > 0, deg ** -0.5, 0.0)
    norm = dinv[src] * dinv[dst]
    h = x @ W
    msg = h[src] * norm[:, None]
    out = jnp.zeros((N, h.shape[1]), dtype=x.dtype).at[dst].add(msg)
    return out + b


def setup_inputs(seed: int = 0) -> dict:
    key = jax.random.key(seed)
    ks = jax.random.split(key, 8)
    x = jax.random.normal(ks[0], (N_NODES, IN_DIM), dtype=jnp.float32)
    edge_index = jax.random.randint(ks[1], (2, N_EDGES), 0, N_NODES, dtype=jnp.int64)
    s1 = 1.0 / np.sqrt(IN_DIM)
    s2 = 1.0 / np.sqrt(HID)
    W1 = jax.random.uniform(ks[2], (IN_DIM, HID), minval=-s1, maxval=s1, dtype=jnp.float32)
    b1 = jnp.zeros((HID,), dtype=jnp.float32)
    W2 = jax.random.uniform(ks[3], (HID, HID), minval=-s2, maxval=s2, dtype=jnp.float32)
    b2 = jnp.zeros((HID,), dtype=jnp.float32)
    Wfc = jax.random.uniform(ks[4], (HID, OUT_DIM), minval=-s2, maxval=s2, dtype=jnp.float32)
    bfc = jax.random.uniform(ks[5], (OUT_DIM,), minval=-s2, maxval=s2, dtype=jnp.float32)
    return {"x": x, "edge_index": edge_index, "W1": W1, "b1": b1, "W2": W2, "b2": b2, "Wfc": Wfc, "bfc": bfc}


def reference(x, edge_index, W1, b1, W2, b2, Wfc, bfc):
    h = jax.nn.relu(gcn_conv(x, edge_index, W1, b1))
    h = jax.nn.relu(gcn_conv(h, edge_index, W2, b2))
    return h @ Wfc + bfc

if __name__ == "__main__":
    import jax
    _d = setup_inputs()
    print(jax.jit(kernel)(*tuple(_d.values())))

</pallas_src>

<mosaic_0001>
#map = affine_map<(d0, d1) -> (0, 0, 0, 0)>
#map1 = affine_map<(d0, d1) -> (0)>
#map2 = affine_map<(d0, d1) -> (0, 0)>
module attributes {stable_mosaic.version = 14 : i64} {
  func.func @_sc_degree(%arg0: i32, %arg1: i32, %arg2: memref<2x32x80x128xi32, #tpu.memory_space<hbm>>, %arg3: memref<640xf32, #tpu.memory_space<hbm>>, %arg4: memref<128xf32, #tpu.memory_space<hbm>>, %arg5: memref<2x10240xf32, #tpu.memory_space<hbm>>, %arg6: memref<80x128xi32, #tpu.memory_space<vmem>>, %arg7: memref<128xf32, #tpu.memory_space<vmem>>, %arg8: memref<10240xf32, #tpu.memory_space<vmem_shared>>, %arg9: memref<!tpu.dma_semaphore, #tpu.memory_space<semaphore_mem>>) attributes {dimension_semantics = [#tpu.dimension_semantics<core_parallel>, #tpu.dimension_semantics<subcore_parallel>], iteration_bounds = array<i64: 2, 16>, scalar_prefetch = 0 : i64, scratch_operands = 4 : i64, tpu.core_type = #tpu.core_type<sc_vector_subcore>, window_params = [{transform_indices = #map}, {transform_indices = #map1}, {transform_indices = #map1}, {transform_indices = #map2}]} {
    %mul3A = arith.constant 2 : i32
    %mul3A_0 = arith.muli %arg1, %mul3A : i32
    %add3A = arith.addi %mul3A_0, %arg0 : i32
    %mul3A_1 = arith.constant 640 : i32
    %mul3A_2 = arith.muli %arg1, %mul3A_1 : i32
    "tpu.region"() ({
      %run_scoped3A_15 = tpu.sem_alloc : memref<!tpu.dma_semaphore, #tpu.memory_space<semaphore_mem>>
      %dma_start3A = tpu.memref_slice %arg8[%mul3A_2] : memref<10240xf32, #tpu.memory_space<vmem_shared>> -> memref<640xf32, #tpu.memory_space<vmem_shared>>
      tpu.enqueue_dma source(%arg3 : memref<640xf32, #tpu.memory_space<hbm>>) target(%dma_start3A : memref<640xf32, #tpu.memory_space<vmem_shared>>) target_semaphore(%run_scoped3A_15 : memref<!tpu.dma_semaphore, #tpu.memory_space<semaphore_mem>>)
      %dma_wait3A = tpu.memref_slice %arg8[%mul3A_2] : memref<10240xf32, #tpu.memory_space<vmem_shared>> -> memref<640xf32, #tpu.memory_space<vmem_shared>>
      tpu.wait_dma2 semaphore(%run_scoped3A_15 : memref<!tpu.dma_semaphore, #tpu.memory_space<semaphore_mem>>) src(%arg3 : memref<640xf32, #tpu.memory_space<hbm>>) dst(%dma_wait3A : memref<640xf32, #tpu.memory_space<vmem_shared>>)
      tpu.yield
    }) : () -> ()
    "tpu.region"() ({
      %run_scoped3A_15 = tpu.sem_alloc : memref<!tpu.dma_semaphore, #tpu.memory_space<semaphore_mem>>
      tpu.enqueue_dma source(%arg4 : memref<128xf32, #tpu.memory_space<hbm>>) target(%arg7 : memref<128xf32, #tpu.memory_space<vmem>>) target_semaphore(%run_scoped3A_15 : memref<!tpu.dma_semaphore, #tpu.memory_space<semaphore_mem>>)
      tpu.wait_dma2 semaphore(%run_scoped3A_15 : memref<!tpu.dma_semaphore, #tpu.memory_space<semaphore_mem>>) src(%arg4 : memref<128xf32, #tpu.memory_space<hbm>>) dst(%arg7 : memref<128xf32, #tpu.memory_space<vmem>>)
      tpu.yield
    }) : () -> ()
    %run_scoped3A = arith.constant 1 : i32
    "tpu.region"() ({
      %run_scoped3A_15 = tpu.sem_alloc : memref<!tpu.dma_semaphore, #tpu.memory_space<semaphore_mem>>
      %dma_start3A = arith.constant 0 : i32
      %dma_start3A_16 = arith.constant 0 : i32
      %dma_start3A_17 = arith.constant 0 : i32
      %dma_start3A_18 = tpu.memref_slice %arg2[%run_scoped3A, %dma_start3A, %dma_start3A_16, %dma_start3A_17] : memref<2x32x80x128xi32, #tpu.memory_space<hbm>> -> memref<1x32x80x128xi32, #tpu.memory_space<hbm>>
      %dma_start3A_19 = tpu.memref_squeeze %dma_start3A_18 : memref<1x32x80x128xi32, #tpu.memory_space<hbm>> -> memref<32x80x128xi32, #tpu.memory_space<hbm>>
      %dma_start3A_20 = arith.constant 0 : i32
      %dma_start3A_21 = arith.constant 0 : i32
      %dma_start3A_22 = tpu.memref_slice %dma_start3A_19[%add3A, %dma_start3A_20, %dma_start3A_21] : memref<32x80x128xi32, #tpu.memory_space<hbm>> -> memref<1x80x128xi32, #tpu.memory_space<hbm>>
      %dma_start3A_23 = tpu.memref_squeeze %dma_start3A_22 : memref<1x80x128xi32, #tpu.memory_space<hbm>> -> memref<80x128xi32, #tpu.memory_space<hbm>>
      %dma_start3A_24 = arith.constant 0 : i32
      %dma_start3A_25 = arith.constant 0 : i32
      %dma_start3A_26 = arith.constant 0 : i32
      %dma_start3A_27 = tpu.memref_slice %arg2[%run_scoped3A, %dma_start3A_24, %dma_start3A_25, %dma_start3A_26] : memref<2x32x80x128xi32, #tpu.memory_space<hbm>> -> memref<1x32x80x128xi32, #tpu.memory_space<hbm>>
      %dma_start3A_28 = tpu.memref_squeeze %dma_start3A_27 : memref<1x32x80x128xi32, #tpu.memory_space<hbm>> -> memref<32x80x128xi32, #tpu.memory_space<hbm>>
      %dma_start3A_29 = arith.constant 0 : i32
      %dma_start3A_30 = arith.constant 0 : i32
      %dma_start3A_31 = tpu.memref_slice %dma_start3A_28[%add3A, %dma_start3A_29, %dma_start3A_30] : memref<32x80x128xi32, #tpu.memory_space<hbm>> -> memref<1x80x128xi32, #tpu.memory_space<hbm>>
      %dma_start3A_32 = tpu.memref_squeeze %dma_start3A_31 : memref<1x80x128xi32, #tpu.memory_space<hbm>> -> memref<80x128xi32, #tpu.memory_space<hbm>>
      tpu.enqueue_dma source(%dma_start3A_32 : memref<80x128xi32, #tpu.memory_space<hbm>>) target(%arg6 : memref<80x128xi32, #tpu.memory_space<vmem>>) target_semaphore(%run_scoped3A_15 : memref<!tpu.dma_semaphore, #tpu.memory_space<semaphore_mem>>)
      %dma_wait3A = arith.constant 0 : i32
      %dma_wait3A_33 = arith.constant 0 : i32
      %dma_wait3A_34 = arith.constant 0 : i32
      %dma_wait3A_35 = tpu.memref_slice %arg2[%run_scoped3A, %dma_wait3A, %dma_wait3A_33, %dma_wait3A_34] : memref<2x32x80x128xi32, #tpu.memory_space<hbm>> -> memref<1x32x80x128xi32, #tpu.memory_space<hbm>>
      %dma_wait3A_36 = tpu.memref_squeeze %dma_wait3A_35 : memref<1x32x80x128xi32, #tpu.memory_space<hbm>> -> memref<32x80x128xi32, #tpu.memory_space<hbm>>
      %dma_wait3A_37 = arith.constant 0 : i32
      %dma_wait3A_38 = arith.constant 0 : i32
      %dma_wait3A_39 = tpu.memref_slice %dma_wait3A_36[%add3A, %dma_wait3A_37, %dma_wait3A_38] : memref<32x80x128xi32, #tpu.memory_space<hbm>> -> memref<1x80x128xi32, #tpu.memory_space<hbm>>
      %dma_wait3A_40 = tpu.memref_squeeze %dma_wait3A_39 : memref<1x80x128xi32, #tpu.memory_space<hbm>> -> memref<80x128xi32, #tpu.memory_space<hbm>>
      %dma_wait3A_41 = arith.constant 0 : i32
      %dma_wait3A_42 = arith.constant 0 : i32
      %dma_wait3A_43 = arith.constant 0 : i32
      %dma_wait3A_44 = tpu.memref_slice %arg2[%run_scoped3A, %dma_wait3A_41, %dma_wait3A_42, %dma_wait3A_43] : memref<2x32x80x128xi32, #tpu.memory_space<hbm>> -> memref<1x32x80x128xi32, #tpu.memory_space<hbm>>
      %dma_wait3A_45 = tpu.memref_squeeze %dma_wait3A_44 : memref<1x32x80x128xi32, #tpu.memory_space<hbm>> -> memref<32x80x128xi32, #tpu.memory_space<hbm>>
      %dma_wait3A_46 = arith.constant 0 : i32
      %dma_wait3A_47 = arith.constant 0 : i32
      %dma_wait3A_48 = tpu.memref_slice %dma_wait3A_45[%add3A, %dma_wait3A_46, %dma_wait3A_47] : memref<32x80x128xi32, #tpu.memory_space<hbm>> -> memref<1x80x128xi32, #tpu.memory_space<hbm>>
      %dma_wait3A_49 = tpu.memref_squeeze %dma_wait3A_48 : memref<1x80x128xi32, #tpu.memory_space<hbm>> -> memref<80x128xi32, #tpu.memory_space<hbm>>
      tpu.wait_dma2 semaphore(%run_scoped3A_15 : memref<!tpu.dma_semaphore, #tpu.memory_space<semaphore_mem>>) src(%dma_wait3A_49 : memref<80x128xi32, #tpu.memory_space<hbm>>) dst(%arg6 : memref<80x128xi32, #tpu.memory_space<vmem>>)
      tpu.yield
    }) : () -> ()
    %barrier3A = arith.constant 0 : index
    tpu.barrier barrier_id(%barrier3A)
    %scan3A = arith.constant 0 : i32
    %scan3A_3 = arith.constant 0 : i32
    %scan3A_4 = arith.constant 80 : i32
    %scan3A_5 = arith.addi %scan3A_3, %scan3A_4 : i32
    %scan3A_6 = arith.constant 1 : i32
    scf.for %scan3A_15 = %scan3A_3 to %scan3A_5 step %scan3A_6  : i32 {
      %dma_start3A = arith.constant 0 : i32
      %dma_start3A_16 = tpu.memref_slice %arg6[%scan3A_15, %dma_start3A] : memref<80x128xi32, #tpu.memory_space<vmem>> -> memref<1x128xi32, #tpu.memory_space<vmem>>
      %dma_start3A_17 = tpu.memref_squeeze %dma_start3A_16 : memref<1x128xi32, #tpu.memory_space<vmem>> -> memref<128xi32, #tpu.memory_space<vmem>>
      %dma_start3A_18 = arith.constant 0 : i32
      %dma_start3A_19 = tpu.memref_slice %arg8[%dma_start3A_18] : memref<10240xf32, #tpu.memory_space<vmem_shared>> -> memref<10240xf32, #tpu.memory_space<vmem_shared>>
      tpu.enqueue_indirect_dma source(%arg7 : memref<128xf32, #tpu.memory_space<vmem>>) target(%dma_start3A_19 : memref<10240xf32, #tpu.memory_space<vmem_shared>>) offsets(%dma_start3A_17 : memref<128xi32, #tpu.memory_space<vmem>>) semaphore(%arg9 : memref<!tpu.dma_semaphore, #tpu.memory_space<semaphore_mem>>) {add = true}
    }
    %scan3A_7 = arith.constant 80 : i32
    %scan3A_8 = arith.constant 0 : i32
    %scan3A_9 = arith.constant 0 : i32
    %scan3A_10 = arith.constant 80 : i32
    %scan3A_11 = arith.addi %scan3A_9, %scan3A_10 : i32
    %scan3A_12 = arith.constant 1 : i32
    scf.for %scan3A_15 = %scan3A_9 to %scan3A_11 step %scan3A_12  : i32 {
      %dma_wait3A = arith.constant 0 : i32
      %dma_wait3A_16 = tpu.memref_slice %arg6[%scan3A_15, %dma_wait3A] : memref<80x128xi32, #tpu.memory_space<vmem>> -> memref<1x128xi32, #tpu.memory_space<vmem>>
      %dma_wait3A_17 = tpu.memref_squeeze %dma_wait3A_16 : memref<1x128xi32, #tpu.memory_space<vmem>> -> memref<128xi32, #tpu.memory_space<vmem>>
      %dma_wait3A_18 = arith.constant 0 : i32
      %dma_wait3A_19 = tpu.memref_slice %arg8[%dma_wait3A_18] : memref<10240xf32, #tpu.memory_space<vmem_shared>> -> memref<10240xf32, #tpu.memory_space<vmem_shared>>
      tpu.wait_indirect_dma semaphore(%arg9 : memref<!tpu.dma_semaphore, #tpu.memory_space<semaphore_mem>>) src(%arg7 : memref<128xf32, #tpu.memory_space<vmem>>) dst(%dma_wait3A_19 : memref<10240xf32, #tpu.memory_space<vmem_shared>>)
    }
    %scan3A_13 = arith.constant 80 : i32
    %barrier3A_14 = arith.constant 0 : index
    tpu.barrier barrier_id(%barrier3A_14)
    "tpu.region"() ({
      %run_scoped3A_15 = tpu.sem_alloc : memref<!tpu.dma_semaphore, #tpu.memory_space<semaphore_mem>>
      %dma_start3A = arith.constant 0 : i32
      %dma_start3A_16 = tpu.memref_slice %arg5[%arg0, %dma_start3A] : memref<2x10240xf32, #tpu.memory_space<hbm>> -> memref<1x10240xf32, #tpu.memory_space<hbm>>
      %dma_start3A_17 = tpu.memref_squeeze %dma_start3A_16 : memref<1x10240xf32, #tpu.memory_space<hbm>> -> memref<10240xf32, #tpu.memory_space<hbm>>
      %dma_start3A_18 = tpu.memref_slice %dma_start3A_17[%mul3A_2] : memref<10240xf32, #tpu.memory_space<hbm>> -> memref<640xf32, #tpu.memory_space<hbm>>
      %dma_start3A_19 = tpu.memref_slice %arg8[%mul3A_2] : memref<10240xf32, #tpu.memory_space<vmem_shared>> -> memref<640xf32, #tpu.memory_space<vmem_shared>>
      tpu.enqueue_dma source(%dma_start3A_19 : memref<640xf32, #tpu.memory_space<vmem_shared>>) target(%dma_start3A_18 : memref<640xf32, #tpu.memory_space<hbm>>) target_semaphore(%run_scoped3A_15 : memref<!tpu.dma_semaphore, #tpu.memory_space<semaphore_mem>>)
      %dma_wait3A = arith.constant 0 : i32
      %dma_wait3A_20 = tpu.memref_slice %arg5[%arg0, %dma_wait3A] : memref<2x10240xf32, #tpu.memory_space<hbm>> -> memref<1x10240xf32, #tpu.memory_space<hbm>>
      %dma_wait3A_21 = tpu.memref_squeeze %dma_wait3A_20 : memref<1x10240xf32, #tpu.memory_space<hbm>> -> memref<10240xf32, #tpu.memory_space<hbm>>
      %dma_wait3A_22 = tpu.memref_slice %dma_wait3A_21[%mul3A_2] : memref<10240xf32, #tpu.memory_space<hbm>> -> memref<640xf32, #tpu.memory_space<hbm>>
      %dma_wait3A_23 = tpu.memref_slice %arg8[%mul3A_2] : memref<10240xf32, #tpu.memory_space<vmem_shared>> -> memref<640xf32, #tpu.memory_space<vmem_shared>>
      tpu.wait_dma2 semaphore(%run_scoped3A_15 : memref<!tpu.dma_semaphore, #tpu.memory_space<semaphore_mem>>) src(%dma_wait3A_23 : memref<640xf32, #tpu.memory_space<vmem_shared>>) dst(%dma_wait3A_22 : memref<640xf32, #tpu.memory_space<hbm>>)
      tpu.yield
    }) : () -> ()
    return
  }
}

#map = affine_map<(d0, d1) -> (0, 0)>
#map1 = affine_map<(d0, d1) -> (0, 0, 0, 0)>
#map2 = affine_map<(d0, d1) -> (0, 0, 0)>
module attributes {stable_mosaic.version = 14 : i64} {
  func.func @_sc_scatter(%arg0: i32, %arg1: i32, %arg2: memref<10000x16xf32, #tpu.memory_space<hbm>>, %arg3: memref<2x32x80x128xi32, #tpu.memory_space<hbm>>, %arg4: memref<640x16xf32, #tpu.memory_space<hbm>>, %arg5: memref<2x10240x16xf32, #tpu.memory_space<hbm>>, %arg6: memref<80x128xi32, #tpu.memory_space<vmem>>, %arg7: memref<80x128xi32, #tpu.memory_space<vmem>>, %arg8: memref<8x128x16xf32, #tpu.memory_space<vmem>>, %arg9: memref<10240x16xf32, #tpu.memory_space<vmem_shared>>, %arg10: memref<10000x16xf32, #tpu.memory_space<vmem_shared>>, %arg11: memref<8x!tpu.dma_semaphore, #tpu.memory_space<semaphore_mem>>, %arg12: memref<8x!tpu.dma_semaphore, #tpu.memory_space<semaphore_mem>>) attributes {dimension_semantics = [#tpu.dimension_semantics<core_parallel>, #tpu.dimension_semantics<subcore_parallel>], iteration_bounds = array<i64: 2, 16>, scalar_prefetch = 0 : i64, scratch_operands = 7 : i64, tpu.core_type = #tpu.core_type<sc_vector_subcore>, window_params = [{transform_indices = #map}, {transform_indices = #map1}, {transform_indices = #map}, {transform_indices = #map2}]} {
    %mul3A = arith.constant 2 : i32
    %mul3A_0 = arith.muli %arg1, %mul3A : i32
    %add3A = arith.addi %mul3A_0, %arg0 : i32
    %mul3A_1 = arith.constant 640 : i32
    %mul3A_2 = arith.muli %arg1, %mul3A_1 : i32
    "tpu.region"() ({
      %run_scoped3A_250 = tpu.sem_alloc : memref<!tpu.dma_semaphore, #tpu.memory_space<semaphore_mem>>
      %dma_start3A_251 = arith.constant 0 : i32
      %dma_start3A_252 = tpu.memref_slice %arg9[%mul3A_2, %dma_start3A_251] : memref<10240x16xf32, #tpu.memory_space<vmem_shared>> -> memref<640x16xf32, #tpu.memory_space<vmem_shared>>
      tpu.enqueue_dma source(%arg4 : memref<640x16xf32, #tpu.memory_space<hbm>>) target(%dma_start3A_252 : memref<640x16xf32, #tpu.memory_space<vmem_shared>>) target_semaphore(%run_scoped3A_250 : memref<!tpu.dma_semaphore, #tpu.memory_space<semaphore_mem>>)
      %dma_wait3A_253 = arith.constant 0 : i32
      %dma_wait3A_254 = tpu.memref_slice %arg9[%mul3A_2, %dma_wait3A_253] : memref<10240x16xf32, #tpu.memory_space<vmem_shared>> -> memref<640x16xf32, #tpu.memory_space<vmem_shared>>
      tpu.wait_dma2 semaphore(%run_scoped3A_250 : memref<!tpu.dma_semaphore, #tpu.memory_space<semaphore_mem>>) src(%arg4 : memref<640x16xf32, #tpu.memory_space<hbm>>) dst(%dma_wait3A_254 : memref<640x16xf32, #tpu.memory_space<vmem_shared>>)
      tpu.yield
    }) : () -> ()
    %mul3A_3 = arith.constant 625 : i32
    %mul3A_4 = arith.muli %arg1, %mul3A_3 : i32
    "tpu.region"() ({
      %run_scoped3A_250 = tpu.sem_alloc : memref<!tpu.dma_semaphore, #tpu.memory_space<semaphore_mem>>
      %dma_start3A_251 = arith.constant 0 : i32
      %dma_start3A_252 = tpu.memref_slice %arg10[%mul3A_4, %dma_start3A_251] : memref<10000x16xf32, #tpu.memory_space<vmem_shared>> -> memref<625x16xf32, #tpu.memory_space<vmem_shared>>
      %dma_start3A_253 = arith.constant 0 : i32
      %dma_start3A_254 = tpu.memref_slice %arg2[%mul3A_4, %dma_start3A_253] : memref<10000x16xf32, #tpu.memory_space<hbm>> -> memref<625x16xf32, #tpu.memory_space<hbm>>
      tpu.enqueue_dma source(%dma_start3A_254 : memref<625x16xf32, #tpu.memory_space<hbm>>) target(%dma_start3A_252 : memref<625x16xf32, #tpu.memory_space<vmem_shared>>) target_semaphore(%run_scoped3A_250 : memref<!tpu.dma_semaphore, #tpu.memory_space<semaphore_mem>>)
      %dma_wait3A_255 = arith.constant 0 : i32
      %dma_wait3A_256 = tpu.memref_slice %arg10[%mul3A_4, %dma_wait3A_255] : memref<10000x16xf32, #tpu.memory_space<vmem_shared>> -> memref<625x16xf32, #tpu.memory_space<vmem_shared>>
      %dma_wait3A_257 = arith.constant 0 : i32
      %dma_wait3A_258 = tpu.memref_slice %arg2[%mul3A_4, %dma_wait3A_257] : memref<10000x16xf32, #tpu.memory_space<hbm>> -> memref<625x16xf32, #tpu.memory_space<hbm>>
      tpu.wait_dma2 semaphore(%run_scoped3A_250 : memref<!tpu.dma_semaphore, #tpu.memory_space<semaphore_mem>>) src(%dma_wait3A_258 : memref<625x16xf32, #tpu.memory_space<hbm>>) dst(%dma_wait3A_256 : memref<625x16xf32, #tpu.memory_space<vmem_shared>>)
      tpu.yield
    }) : () -> ()
    %run_scoped3A = arith.constant 0 : i32
    "tpu.region"() ({
      %run_scoped3A_250 = tpu.sem_alloc : memref<!tpu.dma_semaphore, #tpu.memory_space<semaphore_mem>>
      %dma_start3A_251 = arith.constant 0 : i32
      %dma_start3A_252 = arith.constant 0 : i32
      %dma_start3A_253 = arith.constant 0 : i32
      %dma_start3A_254 = tpu.memref_slice %arg3[%run_scoped3A, %dma_start3A_251, %dma_start3A_252, %dma_start3A_253] : memref<2x32x80x128xi32, #tpu.memory_space<hbm>> -> memref<1x32x80x128xi32, #tpu.memory_space<hbm>>
      %dma_start3A_255 = tpu.memref_squeeze %dma_start3A_254 : memref<1x32x80x128xi32, #tpu.memory_space<hbm>> -> memref<32x80x128xi32, #tpu.memory_space<hbm>>
      %dma_start3A_256 = arith.constant 0 : i32
      %dma_start3A_257 = arith.constant 0 : i32
      %dma_start3A_258 = tpu.memref_slice %dma_start3A_255[%add3A, %dma_start3A_256, %dma_start3A_257] : memref<32x80x128xi32, #tpu.memory_space<hbm>> -> memref<1x80x128xi32, #tpu.memory_space<hbm>>
      %dma_start3A_259 = tpu.memref_squeeze %dma_start3A_258 : memref<1x80x128xi32, #tpu.memory_space<hbm>> -> memref<80x128xi32, #tpu.memory_space<hbm>>
      %dma_start3A_260 = arith.constant 0 : i32
      %dma_start3A_261 = arith.constant 0 : i32
      %dma_start3A_262 = arith.constant 0 : i32
      %dma_start3A_263 = tpu.memref_slice %arg3[%run_scoped3A, %dma_start3A_260, %dma_start3A_261, %dma_start3A_262] : memref<2x32x80x128xi32, #tpu.memory_space<hbm>> -> memref<1x32x80x128xi32, #tpu.memory_space<hbm>>
      %dma_start3A_264 = tpu.memref_squeeze %dma_start3A_263 : memref<1x32x80x128xi32, #tpu.memory_space<hbm>> -> memref<32x80x128xi32, #tpu.memory_space<hbm>>
      %dma_start3A_265 = arith.constant 0 : i32
      %dma_start3A_266 = arith.constant 0 : i32
      %dma_start3A_267 = tpu.memref_slice %dma_start3A_264[%add3A, %dma_start3A_265, %dma_start3A_266] : memref<32x80x128xi32, #tpu.memory_space<hbm>> -> memref<1x80x128xi32, #tpu.memory_space<hbm>>
      %dma_start3A_268 = tpu.memref_squeeze %dma_start3A_267 : memref<1x80x128xi32, #tpu.memory_space<hbm>> -> memref<80x128xi32, #tpu.memory_space<hbm>>
      tpu.enqueue_dma source(%dma_start3A_268 : memref<80x128xi32, #tpu.memory_space<hbm>>) target(%arg6 : memref<80x128xi32, #tpu.memory_space<vmem>>) target_semaphore(%run_scoped3A_250 : memref<!tpu.dma_semaphore, #tpu.memory_space<semaphore_mem>>)
      %dma_wait3A_269 = arith.constant 0 : i32
      %dma_wait3A_270 = arith.constant 0 : i32
      %dma_wait3A_271 = arith.constant 0 : i32
      %dma_wait3A_272 = tpu.memref_slice %arg3[%run_scoped3A, %dma_wait3A_269, %dma_wait3A_270, %dma_wait3A_271] : memref<2x32x80x128xi32, #tpu.memory_space<hbm>> -> memref<1x32x80x128xi32, #tpu.memory_space<hbm>>
      %dma_wait3A_273 = tpu.memref_squeeze %dma_wait3A_272 : memref<1x32x80x128xi32, #tpu.memory_space<hbm>> -> memref<32x80x128xi32, #tpu.memory_space<hbm>>
      %dma_wait3A_274 = arith.constant 0 : i32
      %dma_wait3A_275 = arith.constant 0 : i32
      %dma_wait3A_276 = tpu.memref_slice %dma_wait3A_273[%add3A, %dma_wait3A_274, %dma_wait3A_275] : memref<32x80x128xi32, #tpu.memory_space<hbm>> -> memref<1x80x128xi32, #tpu.memory_space<hbm>>
      %dma_wait3A_277 = tpu.memref_squeeze %dma_wait3A_276 : memref<1x80x128xi32, #tpu.memory_space<hbm>> -> memref<80x128xi32, #tpu.memory_space<hbm>>
      %dma_wait3A_278 = arith.constant 0 : i32
      %dma_wait3A_279 = arith.constant 0 : i32
      %dma_wait3A_280 = arith.constant 0 : i32
      %dma_wait3A_281 = tpu.memref_slice %arg3[%run_scoped3A, %dma_wait3A_278, %dma_wait3A_279, %dma_wait3A_280] : memref<2x32x80x128xi32, #tpu.memory_space<hbm>> -> memref<1x32x80x128xi32, #tpu.memory_space<hbm>>
      %dma_wait3A_282 = tpu.memref_squeeze %dma_wait3A_281 : memref<1x32x80x128xi32, #tpu.memory_space<hbm>> -> memref<32x80x128xi32, #tpu.memory_space<hbm>>
      %dma_wait3A_283 = arith.constant 0 : i32
      %dma_wait3A_284 = arith.constant 0 : i32
      %dma_wait3A_285 = tpu.memref_slice %dma_wait3A_282[%add3A, %dma_wait3A_283, %dma_wait3A_284] : memref<32x80x128xi32, #tpu.memory_space<hbm>> -> memref<1x80x128xi32, #tpu.memory_space<hbm>>
      %dma_wait3A_286 = tpu.memref_squeeze %dma_wait3A_285 : memref<1x80x128xi32, #tpu.memory_space<hbm>> -> memref<80x128xi32, #tpu.memory_space<hbm>>
      tpu.wait_dma2 semaphore(%run_scoped3A_250 : memref<!tpu.dma_semaphore, #tpu.memory_space<semaphore_mem>>) src(%dma_wait3A_286 : memref<80x128xi32, #tpu.memory_space<hbm>>) dst(%arg6 : memref<80x128xi32, #tpu.memory_space<vmem>>)
      tpu.yield
    }) : () -> ()
    %run_scoped3A_5 = arith.constant 1 : i32
    "tpu.region"() ({
      %run_scoped3A_250 = tpu.sem_alloc : memref<!tpu.dma_semaphore, #tpu.memory_space<semaphore_mem>>
      %dma_start3A_251 = arith.constant 0 : i32
      %dma_start3A_252 = arith.constant 0 : i32
      %dma_start3A_253 = arith.constant 0 : i32
      %dma_start3A_254 = tpu.memref_slice %arg3[%run_scoped3A_5, %dma_start3A_251, %dma_start3A_252, %dma_start3A_253] : memref<2x32x80x128xi32, #tpu.memory_space<hbm>> -> memref<1x32x80x128xi32, #tpu.memory_space<hbm>>
      %dma_start3A_255 = tpu.memref_squeeze %dma_start3A_254 : memref<1x32x80x128xi32, #tpu.memory_space<hbm>> -> memref<32x80x128xi32, #tpu.memory_space<hbm>>
      %dma_start3A_256 = arith.constant 0 : i32
      %dma_start3A_257 = arith.constant 0 : i32
      %dma_start3A_258 = tpu.memref_slice %dma_start3A_255[%add3A, %dma_start3A_256, %dma_start3A_257] : memref<32x80x128xi32, #tpu.memory_space<hbm>> -> memref<1x80x128xi32, #tpu.memory_space<hbm>>
      %dma_start3A_259 = tpu.memref_squeeze %dma_start3A_258 : memref<1x80x128xi32, #tpu.memory_space<hbm>> -> memref<80x128xi32, #tpu.memory_space<hbm>>
      %dma_start3A_260 = arith.constant 0 : i32
      %dma_start3A_261 = arith.constant 0 : i32
      %dma_start3A_262 = arith.constant 0 : i32
      %dma_start3A_263 = tpu.memref_slice %arg3[%run_scoped3A_5, %dma_start3A_260, %dma_start3A_261, %dma_start3A_262] : memref<2x32x80x128xi32, #tpu.memory_space<hbm>> -> memref<1x32x80x128xi32, #tpu.memory_space<hbm>>
      %dma_start3A_264 = tpu.memref_squeeze %dma_start3A_263 : memref<1x32x80x128xi32, #tpu.memory_space<hbm>> -> memref<32x80x128xi32, #tpu.memory_space<hbm>>
      %dma_start3A_265 = arith.constant 0 : i32
      %dma_start3A_266 = arith.constant 0 : i32
      %dma_start3A_267 = tpu.memref_slice %dma_start3A_264[%add3A, %dma_start3A_265, %dma_start3A_266] : memref<32x80x128xi32, #tpu.memory_space<hbm>> -> memref<1x80x128xi32, #tpu.memory_space<hbm>>
      %dma_start3A_268 = tpu.memref_squeeze %dma_start3A_267 : memref<1x80x128xi32, #tpu.memory_space<hbm>> -> memref<80x128xi32, #tpu.memory_space<hbm>>
      tpu.enqueue_dma source(%dma_start3A_268 : memref<80x128xi32, #tpu.memory_space<hbm>>) target(%arg7 : memref<80x128xi32, #tpu.memory_space<vmem>>) target_semaphore(%run_scoped3A_250 : memref<!tpu.dma_semaphore, #tpu.memory_space<semaphore_mem>>)
      %dma_wait3A_269 = arith.constant 0 : i32
      %dma_wait3A_270 = arith.constant 0 : i32
      %dma_wait3A_271 = arith.constant 0 : i32
      %dma_wait3A_272 = tpu.memref_slice %arg3[%run_scoped3A_5, %dma_wait3A_269, %dma_wait3A_270, %dma_wait3A_271] : memref<2x32x80x128xi32, #tpu.memory_space<hbm>> -> memref<1x32x80x128xi32, #tpu.memory_space<hbm>>
      %dma_wait3A_273 = tpu.memref_squeeze %dma_wait3A_272 : memref<1x32x80x128xi32, #tpu.memory_space<hbm>> -> memref<32x80x128xi32, #tpu.memory_space<hbm>>
      %dma_wait3A_274 = arith.constant 0 : i32
      %dma_wait3A_275 = arith.constant 0 : i32
      %dma_wait3A_276 = tpu.memref_slice %dma_wait3A_273[%add3A, %dma_wait3A_274, %dma_wait3A_275] : memref<32x80x128xi32, #tpu.memory_space<hbm>> -> memref<1x80x128xi32, #tpu.memory_space<hbm>>
      %dma_wait3A_277 = tpu.memref_squeeze %dma_wait3A_276 : memref<1x80x128xi32, #tpu.memory_space<hbm>> -> memref<80x128xi32, #tpu.memory_space<hbm>>
      %dma_wait3A_278 = arith.constant 0 : i32
      %dma_wait3A_279 = arith.constant 0 : i32
      %dma_wait3A_280 = arith.constant 0 : i32
      %dma_wait3A_281 = tpu.memref_slice %arg3[%run_scoped3A_5, %dma_wait3A_278, %dma_wait3A_279, %dma_wait3A_280] : memref<2x32x80x128xi32, #tpu.memory_space<hbm>> -> memref<1x32x80x128xi32, #tpu.memory_space<hbm>>
      %dma_wait3A_282 = tpu.memref_squeeze %dma_wait3A_281 : memref<1x32x80x128xi32, #tpu.memory_space<hbm>> -> memref<32x80x128xi32, #tpu.memory_space<hbm>>
      %dma_wait3A_283 = arith.constant 0 : i32
      %dma_wait3A_284 = arith.constant 0 : i32
      %dma_wait3A_285 = tpu.memref_slice %dma_wait3A_282[%add3A, %dma_wait3A_283, %dma_wait3A_284] : memref<32x80x128xi32, #tpu.memory_space<hbm>> -> memref<1x80x128xi32, #tpu.memory_space<hbm>>
      %dma_wait3A_286 = tpu.memref_squeeze %dma_wait3A_285 : memref<1x80x128xi32, #tpu.memory_space<hbm>> -> memref<80x128xi32, #tpu.memory_space<hbm>>
      tpu.wait_dma2 semaphore(%run_scoped3A_250 : memref<!tpu.dma_semaphore, #tpu.memory_space<semaphore_mem>>) src(%dma_wait3A_286 : memref<80x128xi32, #tpu.memory_space<hbm>>) dst(%arg7 : memref<80x128xi32, #tpu.memory_space<vmem>>)
      tpu.yield
    }) : () -> ()
    %barrier3A = arith.constant 0 : index
    tpu.barrier barrier_id(%barrier3A)
    %dma_start3A = arith.constant 0 : i32
    %dma_start3A_6 = arith.constant 0 : i32
    %dma_start3A_7 = arith.constant 0 : i32
    %dma_start3A_8 = arith.constant 0 : i32
    %dma_start3A_9 = arith.constant 0 : i32
    %dma_start3A_10 = tpu.memref_slice %arg8[%dma_start3A_6, %dma_start3A_8, %dma_start3A_9] : memref<8x128x16xf32, #tpu.memory_space<vmem>> -> memref<1x128x16xf32, #tpu.memory_space<vmem>>
    %dma_start3A_11 = tpu.memref_squeeze %dma_start3A_10 : memref<1x128x16xf32, #tpu.memory_space<vmem>> -> memref<128x16xf32, #tpu.memory_space<vmem>>
    %dma_start3A_12 = arith.constant 0 : i32
    %dma_start3A_13 = tpu.memref_slice %arg6[%dma_start3A, %dma_start3A_12] : memref<80x128xi32, #tpu.memory_space<vmem>> -> memref<1x128xi32, #tpu.memory_space<vmem>>
    %dma_start3A_14 = tpu.memref_squeeze %dma_start3A_13 : memref<1x128xi32, #tpu.memory_space<vmem>> -> memref<128xi32, #tpu.memory_space<vmem>>
    %dma_start3A_15 = arith.constant 0 : i32
    %dma_start3A_16 = arith.constant 0 : i32
    %dma_start3A_17 = tpu.memref_slice %arg10[%dma_start3A_15, %dma_start3A_16] : memref<10000x16xf32, #tpu.memory_space<vmem_shared>> -> memref<10000x16xf32, #tpu.memory_space<vmem_shared>>
    %dma_start3A_18 = tpu.memref_slice %arg11[%dma_start3A_7] : memref<8x!tpu.dma_semaphore, #tpu.memory_space<semaphore_mem>> -> memref<1x!tpu.dma_semaphore, #tpu.memory_space<semaphore_mem>>
    %dma_start3A_19 = tpu.memref_squeeze %dma_start3A_18 : memref<1x!tpu.dma_semaphore, #tpu.memory_space<semaphore_mem>> -> memref<!tpu.dma_semaphore, #tpu.memory_space<semaphore_mem>>
    tpu.enqueue_indirect_dma source(%dma_start3A_17 : memref<10000x16xf32, #tpu.memory_space<vmem_shared>>) target(%dma_start3A_11 : memref<128x16xf32, #tpu.memory_space<vmem>>) offsets(%dma_start3A_14 : memref<128xi32, #tpu.memory_space<vmem>>) semaphore(%dma_start3A_19 : memref<!tpu.dma_semaphore, #tpu.memory_space<semaphore_mem>>)
    %dma_start3A_20 = arith.constant 1 : i32
    %dma_start3A_21 = arith.constant 1 : i32
    %dma_start3A_22 = arith.constant 1 : i32
    %dma_start3A_23 = arith.constant 0 : i32
    %dma_start3A_24 = arith.constant 0 : i32
    %dma_start3A_25 = tpu.memref_slice %arg8[%dma_start3A_21, %dma_start3A_23, %dma_start3A_24] : memref<8x128x16xf32, #tpu.memory_space<vmem>> -> memref<1x128x16xf32, #tpu.memory_space<vmem>>
    %dma_start3A_26 = tpu.memref_squeeze %dma_start3A_25 : memref<1x128x16xf32, #tpu.memory_space<vmem>> -> memref<128x16xf32, #tpu.memory_space<vmem>>
    %dma_start3A_27 = arith.constant 0 : i32
    %dma_start3A_28 = tpu.memref_slice %arg6[%dma_start3A_20, %dma_start3A_27] : memref<80x128xi32, #tpu.memory_space<vmem>> -> memref<1x128xi32, #tpu.memory_space<vmem>>
    %dma_start3A_29 = tpu.memref_squeeze %dma_start3A_28 : memref<1x128xi32, #tpu.memory_space<vmem>> -> memref<128xi32, #tpu.memory_space<vmem>>
    %dma_start3A_30 = arith.constant 0 : i32
    %dma_start3A_31 = arith.constant 0 : i32
    %dma_start3A_32 = tpu.memref_slice %arg10[%dma_start3A_30, %dma_start3A_31] : memref<10000x16xf32, #tpu.memory_space<vmem_shared>> -> memref<10000x16xf32, #tpu.memory_space<vmem_shared>>
    %dma_start3A_33 = tpu.memref_slice %arg11[%dma_start3A_22] : memref<8x!tpu.dma_semaphore, #tpu.memory_space<semaphore_mem>> -> memref<1x!tpu.dma_semaphore, #tpu.memory_space<semaphore_mem>>
    %dma_start3A_34 = tpu.memref_squeeze %dma_start3A_33 : memref<1x!tpu.dma_semaphore, #tpu.memory_space<semaphore_mem>> -> memref<!tpu.dma_semaphore, #tpu.memory_space<semaphore_mem>>
    tpu.enqueue_indirect_dma source(%dma_start3A_32 : memref<10000x16xf32, #tpu.memory_space<vmem_shared>>) target(%dma_start3A_26 : memref<128x16xf32, #tpu.memory_space<vmem>>) offsets(%dma_start3A_29 : memref<128xi32, #tpu.memory_space<vmem>>) semaphore(%dma_start3A_34 : memref<!tpu.dma_semaphore, #tpu.memory_space<semaphore_mem>>)
    %dma_start3A_35 = arith.constant 2 : i32
    %dma_start3A_36 = arith.constant 2 : i32
    %dma_start3A_37 = arith.constant 2 : i32
    %dma_start3A_38 = arith.constant 0 : i32
    %dma_start3A_39 = arith.constant 0 : i32
    %dma_start3A_40 = tpu.memref_slice %arg8[%dma_start3A_36, %dma_start3A_38, %dma_start3A_39] : memref<8x128x16xf32, #tpu.memory_space<vmem>> -> memref<1x128x16xf32, #tpu.memory_space<vmem>>
    %dma_start3A_41 = tpu.memref_squeeze %dma_start3A_40 : memref<1x128x16xf32, #tpu.memory_space<vmem>> -> memref<128x16xf32, #tpu.memory_space<vmem>>
    %dma_start3A_42 = arith.constant 0 : i32
    %dma_start3A_43 = tpu.memref_slice %arg6[%dma_start3A_35, %dma_start3A_42] : memref<80x128xi32, #tpu.memory_space<vmem>> -> memref<1x128xi32, #tpu.memory_space<vmem>>
    %dma_start3A_44 = tpu.memref_squeeze %dma_start3A_43 : memref<1x128xi32, #tpu.memory_space<vmem>> -> memref<128xi32, #tpu.memory_space<vmem>>
    %dma_start3A_45 = arith.constant 0 : i32
    %dma_start3A_46 = arith.constant 0 : i32
    %dma_start3A_47 = tpu.memref_slice %arg10[%dma_start3A_45, %dma_start3A_46] : memref<10000x16xf32, #tpu.memory_space<vmem_shared>> -> memref<10000x16xf32, #tpu.memory_space<vmem_shared>>
    %dma_start3A_48 = tpu.memref_slice %arg11[%dma_start3A_37] : memref<8x!tpu.dma_semaphore, #tpu.memory_space<semaphore_mem>> -> memref<1x!tpu.dma_semaphore, #tpu.memory_space<semaphore_mem>>
    %dma_start3A_49 = tpu.memref_squeeze %dma_start3A_48 : memref<1x!tpu.dma_semaphore, #tpu.memory_space<semaphore_mem>> -> memref<!tpu.dma_semaphore, #tpu.memory_space<semaphore_mem>>
    tpu.enqueue_indirect_dma source(%dma_start3A_47 : memref<10000x16xf32, #tpu.memory_space<vmem_shared>>) target(%dma_start3A_41 : memref<128x16xf32, #tpu.memory_space<vmem>>) offsets(%dma_start3A_44 : memref<128xi32, #tpu.memory_space<vmem>>) semaphore(%dma_start3A_49 : memref<!tpu.dma_semaphore, #tpu.memory_space<semaphore_mem>>)
    %dma_start3A_50 = arith.constant 3 : i32
    %dma_start3A_51 = arith.constant 3 : i32
    %dma_start3A_52 = arith.constant 3 : i32
    %dma_start3A_53 = arith.constant 0 : i32
    %dma_start3A_54 = arith.constant 0 : i32
    %dma_start3A_55 = tpu.memref_slice %arg8[%dma_start3A_51, %dma_start3A_53, %dma_start3A_54] : memref<8x128x16xf32, #tpu.memory_space<vmem>> -> memref<1x128x16xf32, #tpu.memory_space<vmem>>
    %dma_start3A_56 = tpu.memref_squeeze %dma_start3A_55 : memref<1x128x16xf32, #tpu.memory_space<vmem>> -> memref<128x16xf32, #tpu.memory_space<vmem>>
    %dma_start3A_57 = arith.constant 0 : i32
    %dma_start3A_58 = tpu.memref_slice %arg6[%dma_start3A_50, %dma_start3A_57] : memref<80x128xi32, #tpu.memory_space<vmem>> -> memref<1x128xi32, #tpu.memory_space<vmem>>
    %dma_start3A_59 = tpu.memref_squeeze %dma_start3A_58 : memref<1x128xi32, #tpu.memory_space<vmem>> -> memref<128xi32, #tpu.memory_space<vmem>>
    %dma_start3A_60 = arith.constant 0 : i32
    %dma_start3A_61 = arith.constant 0 : i32
    %dma_start3A_62 = tpu.memref_slice %arg10[%dma_start3A_60, %dma_start3A_61] : memref<10000x16xf32, #tpu.memory_space<vmem_shared>> -> memref<10000x16xf32, #tpu.memory_space<vmem_shared>>
    %dma_start3A_63 = tpu.memref_slice %arg11[%dma_start3A_52] : memref<8x!tpu.dma_semaphore, #tpu.memory_space<semaphore_mem>> -> memref<1x!tpu.dma_semaphore, #tpu.memory_space<semaphore_mem>>
    %dma_start3A_64 = tpu.memref_squeeze %dma_start3A_63 : memref<1x!tpu.dma_semaphore, #tpu.memory_space<semaphore_mem>> -> memref<!tpu.dma_semaphore, #tpu.memory_space<semaphore_mem>>
    tpu.enqueue_indirect_dma source(%dma_start3A_62 : memref<10000x16xf32, #tpu.memory_space<vmem_shared>>) target(%dma_start3A_56 : memref<128x16xf32, #tpu.memory_space<vmem>>) offsets(%dma_start3A_59 : memref<128xi32, #tpu.memory_space<vmem>>) semaphore(%dma_start3A_64 : memref<!tpu.dma_semaphore, #tpu.memory_space<semaphore_mem>>)
    %dma_start3A_65 = arith.constant 4 : i32
    %dma_start3A_66 = arith.constant 4 : i32
    %dma_start3A_67 = arith.constant 4 : i32
    %dma_start3A_68 = arith.constant 0 : i32
    %dma_start3A_69 = arith.constant 0 : i32
    %dma_start3A_70 = tpu.memref_slice %arg8[%dma_start3A_66, %dma_start3A_68, %dma_start3A_69] : memref<8x128x16xf32, #tpu.memory_space<vmem>> -> memref<1x128x16xf32, #tpu.memory_space<vmem>>
    %dma_start3A_71 = tpu.memref_squeeze %dma_start3A_70 : memref<1x128x16xf32, #tpu.memory_space<vmem>> -> memref<128x16xf32, #tpu.memory_space<vmem>>
    %dma_start3A_72 = arith.constant 0 : i32
    %dma_start3A_73 = tpu.memref_slice %arg6[%dma_start3A_65, %dma_start3A_72] : memref<80x128xi32, #tpu.memory_space<vmem>> -> memref<1x128xi32, #tpu.memory_space<vmem>>
    %dma_start3A_74 = tpu.memref_squeeze %dma_start3A_73 : memref<1x128xi32, #tpu.memory_space<vmem>> -> memref<128xi32, #tpu.memory_space<vmem>>
    %dma_start3A_75 = arith.constant 0 : i32
    %dma_start3A_76 = arith.constant 0 : i32
    %dma_start3A_77 = tpu.memref_slice %arg10[%dma_start3A_75, %dma_start3A_76] : memref<10000x16xf32, #tpu.memory_space<vmem_shared>> -> memref<10000x16xf32, #tpu.memory_space<vmem_shared>>
    %dma_start3A_78 = tpu.memref_slice %arg11[%dma_start3A_67] : memref<8x!tpu.dma_semaphore, #tpu.memory_space<semaphore_mem>> -> memref<1x!tpu.dma_semaphore, #tpu.memory_space<semaphore_mem>>
    %dma_start3A_79 = tpu.memref_squeeze %dma_start3A_78 : memref<1x!tpu.dma_semaphore, #tpu.memory_space<semaphore_mem>> -> memref<!tpu.dma_semaphore, #tpu.memory_space<semaphore_mem>>
    tpu.enqueue_indirect_dma source(%dma_start3A_77 : memref<10000x16xf32, #tpu.memory_space<vmem_shared>>) target(%dma_start3A_71 : memref<128x16xf32, #tpu.memory_space<vmem>>) offsets(%dma_start3A_74 : memref<128xi32, #tpu.memory_space<vmem>>) semaphore(%dma_start3A_79 : memref<!tpu.dma_semaphore, #tpu.memory_space<semaphore_mem>>)
    %dma_start3A_80 = arith.constant 5 : i32
    %dma_start3A_81 = arith.constant 5 : i32
    %dma_start3A_82 = arith.constant 5 : i32
    %dma_start3A_83 = arith.constant 0 : i32
    %dma_start3A_84 = arith.constant 0 : i32
    %dma_start3A_85 = tpu.memref_slice %arg8[%dma_start3A_81, %dma_start3A_83, %dma_start3A_84] : memref<8x128x16xf32, #tpu.memory_space<vmem>> -> memref<1x128x16xf32, #tpu.memory_space<vmem>>
    %dma_start3A_86 = tpu.memref_squeeze %dma_start3A_85 : memref<1x128x16xf32, #tpu.memory_space<vmem>> -> memref<128x16xf32, #tpu.memory_space<vmem>>
    %dma_start3A_87 = arith.constant 0 : i32
    %dma_start3A_88 = tpu.memref_slice %arg6[%dma_start3A_80, %dma_start3A_87] : memref<80x128xi32, #tpu.memory_space<vmem>> -> memref<1x128xi32, #tpu.memory_space<vmem>>
    %dma_start3A_89 = tpu.memref_squeeze %dma_start3A_88 : memref<1x128xi32, #tpu.memory_space<vmem>> -> memref<128xi32, #tpu.memory_space<vmem>>
    %dma_start3A_90 = arith.constant 0 : i32
    %dma_start3A_91 = arith.constant 0 : i32
    %dma_start3A_92 = tpu.memref_slice %arg10[%dma_start3A_90, %dma_start3A_91] : memref<10000x16xf32, #tpu.memory_space<vmem_shared>> -> memref<10000x16xf32, #tpu.memory_space<vmem_shared>>
    %dma_start3A_93 = tpu.memref_slice %arg11[%dma_start3A_82] : memref<8x!tpu.dma_semaphore, #tpu.memory_space<semaphore_mem>> -> memref<1x!tpu.dma_semaphore, #tpu.memory_space<semaphore_mem>>
    %dma_start3A_94 = tpu.memref_squeeze %dma_start3A_93 : memref<1x!tpu.dma_semaphore, #tpu.memory_space<semaphore_mem>> -> memref<!tpu.dma_semaphore, #tpu.memory_space<semaphore_mem>>
    tpu.enqueue_indirect_dma source(%dma_start3A_92 : memref<10000x16xf32, #tpu.memory_space<vmem_shared>>) target(%dma_start3A_86 : memref<128x16xf32, #tpu.memory_space<vmem>>) offsets(%dma_start3A_89 : memref<128xi32, #tpu.memory_space<vmem>>) semaphore(%dma_start3A_94 : memref<!tpu.dma_semaphore, #tpu.memory_space<semaphore_mem>>)
    %dma_start3A_95 = arith.constant 6 : i32
    %dma_start3A_96 = arith.constant 6 : i32
    %dma_start3A_97 = arith.constant 6 : i32
    %dma_start3A_98 = arith.constant 0 : i32
    %dma_start3A_99 = arith.constant 0 : i32
    %dma_start3A_100 = tpu.memref_slice %arg8[%dma_start3A_96, %dma_start3A_98, %dma_start3A_99] : memref<8x128x16xf32, #tpu.memory_space<vmem>> -> memref<1x128x16xf32, #tpu.memory_space<vmem>>
    %dma_start3A_101 = tpu.memref_squeeze %dma_start3A_100 : memref<1x128x16xf32, #tpu.memory_space<vmem>> -> memref<128x16xf32, #tpu.memory_space<vmem>>
    %dma_start3A_102 = arith.constant 0 : i32
    %dma_start3A_103 = tpu.memref_slice %arg6[%dma_start3A_95, %dma_start3A_102] : memref<80x128xi32, #tpu.memory_space<vmem>> -> memref<1x128xi32, #tpu.memory_space<vmem>>
    %dma_start3A_104 = tpu.memref_squeeze %dma_start3A_103 : memref<1x128xi32, #tpu.memory_space<vmem>> -> memref<128xi32, #tpu.memory_space<vmem>>
    %dma_start3A_105 = arith.constant 0 : i32
    %dma_start3A_106 = arith.constant 0 : i32
    %dma_start3A_107 = tpu.memref_slice %arg10[%dma_start3A_105, %dma_start3A_106] : memref<10000x16xf32, #tpu.memory_space<vmem_shared>> -> memref<10000x16xf32, #tpu.memory_space<vmem_shared>>
    %dma_start3A_108 = tpu.memref_slice %arg11[%dma_start3A_97] : memref<8x!tpu.dma_semaphore, #tpu.memory_space<semaphore_mem>> -> memref<1x!tpu.dma_semaphore, #tpu.memory_space<semaphore_mem>>
    %dma_start3A_109 = tpu.memref_squeeze %dma_start3A_108 : memref<1x!tpu.dma_semaphore, #tpu.memory_space<semaphore_mem>> -> memref<!tpu.dma_semaphore, #tpu.memory_space<semaphore_mem>>
    tpu.enqueue_indirect_dma source(%dma_start3A_107 : memref<10000x16xf32, #tpu.memory_space<vmem_shared>>) target(%dma_start3A_101 : memref<128x16xf32, #tpu.memory_space<vmem>>) offsets(%dma_start3A_104 : memref<128xi32, #tpu.memory_space<vmem>>) semaphore(%dma_start3A_109 : memref<!tpu.dma_semaphore, #tpu.memory_space<semaphore_mem>>)
    %dma_start3A_110 = arith.constant 7 : i32
    %dma_start3A_111 = arith.constant 7 : i32
    %dma_start3A_112 = arith.constant 7 : i32
    %dma_start3A_113 = arith.constant 0 : i32
    %dma_start3A_114 = arith.constant 0 : i32
    %dma_start3A_115 = tpu.memref_slice %arg8[%dma_start3A_111, %dma_start3A_113, %dma_start3A_114] : memref<8x128x16xf32, #tpu.memory_space<vmem>> -> memref<1x128x16xf32, #tpu.memory_space<vmem>>
    %dma_start3A_116 = tpu.memref_squeeze %dma_start3A_115 : memref<1x128x16xf32, #tpu.memory_space<vmem>> -> memref<128x16xf32, #tpu.memory_space<vmem>>
    %dma_start3A_117 = arith.constant 0 : i32
    %dma_start3A_118 = tpu.memref_slice %arg6[%dma_start3A_110, %dma_start3A_117] : memref<80x128xi32, #tpu.memory_space<vmem>> -> memref<1x128xi32, #tpu.memory_space<vmem>>
    %dma_start3A_119 = tpu.memref_squeeze %dma_start3A_118 : memref<1x128xi32, #tpu.memory_space<vmem>> -> memref<128xi32, #tpu.memory_space<vmem>>
    %dma_start3A_120 = arith.constant 0 : i32
    %dma_start3A_121 = arith.constant 0 : i32
    %dma_start3A_122 = tpu.memref_slice %arg10[%dma_start3A_120, %dma_start3A_121] : memref<10000x16xf32, #tpu.memory_space<vmem_shared>> -> memref<10000x16xf32, #tpu.memory_space<vmem_shared>>
    %dma_start3A_123 = tpu.memref_slice %arg11[%dma_start3A_112] : memref<8x!tpu.dma_semaphore, #tpu.memory_space<semaphore_mem>> -> memref<1x!tpu.dma_semaphore, #tpu.memory_space<semaphore_mem>>
    %dma_start3A_124 = tpu.memref_squeeze %dma_start3A_123 : memref<1x!tpu.dma_semaphore, #tpu.memory_space<semaphore_mem>> -> memref<!tpu.dma_semaphore, #tpu.memory_space<semaphore_mem>>
    tpu.enqueue_indirect_dma source(%dma_start3A_122 : memref<10000x16xf32, #tpu.memory_space<vmem_shared>>) target(%dma_start3A_116 : memref<128x16xf32, #tpu.memory_space<vmem>>) offsets(%dma_start3A_119 : memref<128xi32, #tpu.memory_space<vmem>>) semaphore(%dma_start3A_124 : memref<!tpu.dma_semaphore, #tpu.memory_space<semaphore_mem>>)
    %scan3A = arith.constant 0 : i32
    %scan3A_125 = arith.constant 0 : i32
    %scan3A_126 = arith.constant 10 : i32
    %scan3A_127 = arith.addi %scan3A_125, %scan3A_126 : i32
    %scan3A_128 = arith.constant 1 : i32
    scf.for %scan3A_250 = %scan3A_125 to %scan3A_127 step %scan3A_128  : i32 {
      %mul3A_251 = arith.constant 8 : i32
      %mul3A_252 = arith.muli %scan3A_250, %mul3A_251 : i32
      %add3A_253 = arith.constant 0 : i32
      %add3A_254 = arith.addi %mul3A_252, %add3A_253 : i32
      %dma_wait3A_255 = arith.constant 0 : i32
      %dma_wait3A_256 = arith.constant 0 : i32
      %dma_wait3A_257 = arith.constant 0 : i32
      %dma_wait3A_258 = arith.constant 0 : i32
      %dma_wait3A_259 = tpu.memref_slice %arg8[%dma_wait3A_255, %dma_wait3A_257, %dma_wait3A_258] : memref<8x128x16xf32, #tpu.memory_space<vmem>> -> memref<1x128x16xf32, #tpu.memory_space<vmem>>
      %dma_wait3A_260 = tpu.memref_squeeze %dma_wait3A_259 : memref<1x128x16xf32, #tpu.memory_space<vmem>> -> memref<128x16xf32, #tpu.memory_space<vmem>>
      %dma_wait3A_261 = arith.constant 0 : i32
      %dma_wait3A_262 = tpu.memref_slice %arg6[%add3A_254, %dma_wait3A_261] : memref<80x128xi32, #tpu.memory_space<vmem>> -> memref<1x128xi32, #tpu.memory_space<vmem>>
      %dma_wait3A_263 = tpu.memref_squeeze %dma_wait3A_262 : memref<1x128xi32, #tpu.memory_space<vmem>> -> memref<128xi32, #tpu.memory_space<vmem>>
      %dma_wait3A_264 = arith.constant 0 : i32
      %dma_wait3A_265 = arith.constant 0 : i32
      %dma_wait3A_266 = tpu.memref_slice %arg10[%dma_wait3A_264, %dma_wait3A_265] : memref<10000x16xf32, #tpu.memory_space<vmem_shared>> -> memref<10000x16xf32, #tpu.memory_space<vmem_shared>>
      %dma_wait3A_267 = tpu.memref_slice %arg11[%dma_wait3A_256] : memref<8x!tpu.dma_semaphore, #tpu.memory_space<semaphore_mem>> -> memref<1x!tpu.dma_semaphore, #tpu.memory_space<semaphore_mem>>
      %dma_wait3A_268 = tpu.memref_squeeze %dma_wait3A_267 : memref<1x!tpu.dma_semaphore, #tpu.memory_space<semaphore_mem>> -> memref<!tpu.dma_semaphore, #tpu.memory_space<semaphore_mem>>
      tpu.wait_indirect_dma semaphore(%dma_wait3A_268 : memref<!tpu.dma_semaphore, #tpu.memory_space<semaphore_mem>>) src(%dma_wait3A_266 : memref<10000x16xf32, #tpu.memory_space<vmem_shared>>) dst(%dma_wait3A_260 : memref<128x16xf32, #tpu.memory_space<vmem>>)
      %dma_start3A_269 = arith.constant 0 : i32
      %dma_start3A_270 = arith.constant 0 : i32
      %dma_start3A_271 = arith.constant 0 : i32
      %dma_start3A_272 = arith.constant 0 : i32
      %dma_start3A_273 = tpu.memref_slice %arg8[%dma_start3A_269, %dma_start3A_271, %dma_start3A_272] : memref<8x128x16xf32, #tpu.memory_space<vmem>> -> memref<1x128x16xf32, #tpu.memory_space<vmem>>
      %dma_start3A_274 = tpu.memref_squeeze %dma_start3A_273 : memref<1x128x16xf32, #tpu.memory_space<vmem>> -> memref<128x16xf32, #tpu.memory_space<vmem>>
      %dma_start3A_275 = arith.constant 0 : i32
      %dma_start3A_276 = tpu.memref_slice %arg7[%add3A_254, %dma_start3A_275] : memref<80x128xi32, #tpu.memory_space<vmem>> -> memref<1x128xi32, #tpu.memory_space<vmem>>
      %dma_start3A_277 = tpu.memref_squeeze %dma_start3A_276 : memref<1x128xi32, #tpu.memory_space<vmem>> -> memref<128xi32, #tpu.memory_space<vmem>>
      %dma_start3A_278 = arith.constant 0 : i32
      %dma_start3A_279 = arith.constant 0 : i32
      %dma_start3A_280 = tpu.memref_slice %arg9[%dma_start3A_278, %dma_start3A_279] : memref<10240x16xf32, #tpu.memory_space<vmem_shared>> -> memref<10240x16xf32, #tpu.memory_space<vmem_shared>>
      %dma_start3A_281 = tpu.memref_slice %arg12[%dma_start3A_270] : memref<8x!tpu.dma_semaphore, #tpu.memory_space<semaphore_mem>> -> memref<1x!tpu.dma_semaphore, #tpu.memory_space<semaphore_mem>>
      %dma_start3A_282 = tpu.memref_squeeze %dma_start3A_281 : memref<1x!tpu.dma_semaphore, #tpu.memory_space<semaphore_mem>> -> memref<!tpu.dma_semaphore, #tpu.memory_space<semaphore_mem>>
      tpu.enqueue_indirect_dma source(%dma_start3A_274 : memref<128x16xf32, #tpu.memory_space<vmem>>) target(%dma_start3A_280 : memref<10240x16xf32, #tpu.memory_space<vmem_shared>>) offsets(%dma_start3A_277 : memref<128xi32, #tpu.memory_space<vmem>>) semaphore(%dma_start3A_282 : memref<!tpu.dma_semaphore, #tpu.memory_space<semaphore_mem>>) {add = true}
      %sub3A = arith.constant 6 : i32
      %sub3A_283 = arith.subi %add3A_254, %sub3A : i32
      %ge3A = arith.constant 0 : i32
      %ge3A_284 = arith.cmpi sge, %sub3A_283, %ge3A : i32
      %add3A_285 = arith.constant 8 : i32
      %add3A_286 = arith.addi %sub3A_283, %add3A_285 : i32
      %lt3A = arith.constant 80 : i32
      %lt3A_287 = arith.cmpi slt, %add3A_286, %lt3A : i32
      %and3A = arith.andi %ge3A_284, %lt3A_287 : i1
      %convert_element_type3A = arith.extui %and3A : i1 to i32
      %cond3A = arith.constant 0 : i32
      %cond3A_288 = arith.cmpi ne, %convert_element_type3A, %cond3A : i32
      scf.if %cond3A_288 {
        %dma_wait3A_597 = arith.constant 2 : i32
        %dma_wait3A_598 = arith.constant 2 : i32
        %dma_wait3A_599 = arith.constant 0 : i32
        %dma_wait3A_600 = arith.constant 0 : i32
        %dma_wait3A_601 = tpu.memref_slice %arg8[%dma_wait3A_597, %dma_wait3A_599, %dma_wait3A_600] : memref<8x128x16xf32, #tpu.memory_space<vmem>> -> memref<1x128x16xf32, #tpu.memory_space<vmem>>
        %dma_wait3A_602 = tpu.memref_squeeze %dma_wait3A_601 : memref<1x128x16xf32, #tpu.memory_space<vmem>> -> memref<128x16xf32, #tpu.memory_space<vmem>>
        %dma_wait3A_603 = arith.constant 0 : i32
        %dma_wait3A_604 = tpu.memref_slice %arg7[%sub3A_283, %dma_wait3A_603] : memref<80x128xi32, #tpu.memory_space<vmem>> -> memref<1x128xi32, #tpu.memory_space<vmem>>
        %dma_wait3A_605 = tpu.memref_squeeze %dma_wait3A_604 : memref<1x128xi32, #tpu.memory_space<vmem>> -> memref<128xi32, #tpu.memory_space<vmem>>
        %dma_wait3A_606 = arith.constant 0 : i32
        %dma_wait3A_607 = arith.constant 0 : i32
        %dma_wait3A_608 = tpu.memref_slice %arg9[%dma_wait3A_606, %dma_wait3A_607] : memref<10240x16xf32, #tpu.memory_space<vmem_shared>> -> memref<10240x16xf32, #tpu.memory_space<vmem_shared>>
        %dma_wait3A_609 = tpu.memref_slice %arg12[%dma_wait3A_598] : memref<8x!tpu.dma_semaphore, #tpu.memory_space<semaphore_mem>> -> memref<1x!tpu.dma_semaphore, #tpu.memory_space<semaphore_mem>>
        %dma_wait3A_610 = tpu.memref_squeeze %dma_wait3A_609 : memref<1x!tpu.dma_semaphore, #tpu.memory_space<semaphore_mem>> -> memref<!tpu.dma_semaphore, #tpu.memory_space<semaphore_mem>>
        tpu.wait_indirect_dma semaphore(%dma_wait3A_610 : memref<!tpu.dma_semaphore, #tpu.memory_space<semaphore_mem>>) src(%dma_wait3A_602 : memref<128x16xf32, #tpu.memory_space<vmem>>) dst(%dma_wait3A_608 : memref<10240x16xf32, #tpu.memory_space<vmem_shared>>)
        %add3A_611 = arith.constant 8 : i32
        %add3A_612 = arith.addi %sub3A_283, %add3A_611 : i32
        %dma_start3A_613 = arith.constant 2 : i32
        %dma_start3A_614 = arith.constant 2 : i32
        %dma_start3A_615 = arith.constant 0 : i32
        %dma_start3A_616 = arith.constant 0 : i32
        %dma_start3A_617 = tpu.memref_slice %arg8[%dma_start3A_613, %dma_start3A_615, %dma_start3A_616] : memref<8x128x16xf32, #tpu.memory_space<vmem>> -> memref<1x128x16xf32, #tpu.memory_space<vmem>>
        %dma_start3A_618 = tpu.memref_squeeze %dma_start3A_617 : memref<1x128x16xf32, #tpu.memory_space<vmem>> -> memref<128x16xf32, #tpu.memory_space<vmem>>
        %dma_start3A_619 = arith.constant 0 : i32
        %dma_start3A_620 = tpu.memref_slice %arg6[%add3A_612, %dma_start3A_619] : memref<80x128xi32, #tpu.memory_space<vmem>> -> memref<1x128xi32, #tpu.memory_space<vmem>>
        %dma_start3A_621 = tpu.memref_squeeze %dma_start3A_620 : memref<1x128xi32, #tpu.memory_space<vmem>> -> memref<128xi32, #tpu.memory_space<vmem>>
        %dma_start3A_622 = arith.constant 0 : i32
        %dma_start3A_623 = arith.constant 0 : i32
        %dma_start3A_624 = tpu.memref_slice %arg10[%dma_start3A_622, %dma_start3A_623] : memref<10000x16xf32, #tpu.memory_space<vmem_shared>> -> memref<10000x16xf32, #tpu.memory_space<vmem_shared>>
        %dma_start3A_625 = tpu.memref_slice %arg11[%dma_start3A_614] : memref<8x!tpu.dma_semaphore, #tpu.memory_space<semaphore_mem>> -> memref<1x!tpu.dma_semaphore, #tpu.memory_space<semaphore_mem>>
        %dma_start3A_626 = tpu.memref_squeeze %dma_start3A_625 : memref<1x!tpu.dma_semaphore, #tpu.memory_space<semaphore_mem>> -> memref<!tpu.dma_semaphore, #tpu.memory_space<semaphore_mem>>
        tpu.enqueue_indirect_dma source(%dma_start3A_624 : memref<10000x16xf32, #tpu.memory_space<vmem_shared>>) target(%dma_start3A_618 : memref<128x16xf32, #tpu.memory_space<vmem>>) offsets(%dma_start3A_621 : memref<128xi32, #tpu.memory_space<vmem>>) semaphore(%dma_start3A_626 : memref<!tpu.dma_semaphore, #tpu.memory_space<semaphore_mem>>)
      } else {
      }
      %mul3A_289 = arith.constant 8 : i32
      %mul3A_290 = arith.muli %scan3A_250, %mul3A_289 : i32
      %add3A_291 = arith.constant 1 : i32
      %add3A_292 = arith.addi %mul3A_290, %add3A_291 : i32
      %dma_wait3A_293 = arith.constant 1 : i32
      %dma_wait3A_294 = arith.constant 1 : i32
      %dma_wait3A_295 = arith.constant 0 : i32
      %dma_wait3A_296 = arith.constant 0 : i32
      %dma_wait3A_297 = tpu.memref_slice %arg8[%dma_wait3A_293, %dma_wait3A_295, %dma_wait3A_296] : memref<8x128x16xf32, #tpu.memory_space<vmem>> -> memref<1x128x16xf32, #tpu.memory_space<vmem>>
      %dma_wait3A_298 = tpu.memref_squeeze %dma_wait3A_297 : memref<1x128x16xf32, #tpu.memory_space<vmem>> -> memref<128x16xf32, #tpu.memory_space<vmem>>
      %dma_wait3A_299 = arith.constant 0 : i32
      %dma_wait3A_300 = tpu.memref_slice %arg6[%add3A_292, %dma_wait3A_299] : memref<80x128xi32, #tpu.memory_space<vmem>> -> memref<1x128xi32, #tpu.memory_space<vmem>>
      %dma_wait3A_301 = tpu.memref_squeeze %dma_wait3A_300 : memref<1x128xi32, #tpu.memory_space<vmem>> -> memref<128xi32, #tpu.memory_space<vmem>>
      %dma_wait3A_302 = arith.constant 0 : i32
      %dma_wait3A_303 = arith.constant 0 : i32
      %dma_wait3A_304 = tpu.memref_slice %arg10[%dma_wait3A_302, %dma_wait3A_303] : memref<10000x16xf32, #tpu.memory_space<vmem_shared>> -> memref<10000x16xf32, #tpu.memory_space<vmem_shared>>
      %dma_wait3A_305 = tpu.memref_slice %arg11[%dma_wait3A_294] : memref<8x!tpu.dma_semaphore, #tpu.memory_space<semaphore_mem>> -> memref<1x!tpu.dma_semaphore, #tpu.memory_space<semaphore_mem>>
      %dma_wait3A_306 = tpu.memref_squeeze %dma_wait3A_305 : memref<1x!tpu.dma_semaphore, #tpu.memory_space<semaphore_mem>> -> memref<!tpu.dma_semaphore, #tpu.memory_space<semaphore_mem>>
      tpu.wait_indirect_dma semaphore(%dma_wait3A_306 : memref<!tpu.dma_semaphore, #tpu.memory_space<semaphore_mem>>) src(%dma_wait3A_304 : memref<10000x16xf32, #tpu.memory_space<vmem_shared>>) dst(%dma_wait3A_298 : memref<128x16xf32, #tpu.memory_space<vmem>>)
      %dma_start3A_307 = arith.constant 1 : i32
      %dma_start3A_308 = arith.constant 1 : i32
      %dma_start3A_309 = arith.constant 0 : i32
      %dma_start3A_310 = arith.constant 0 : i32
      %dma_start3A_311 = tpu.memref_slice %arg8[%dma_start3A_307, %dma_start3A_309, %dma_start3A_310] : memref<8x128x16xf32, #tpu.memory_space<vmem>> -> memref<1x128x16xf32, #tpu.memory_space<vmem>>
      %dma_start3A_312 = tpu.memref_squeeze %dma_start3A_311 : memref<1x128x16xf32, #tpu.memory_space<vmem>> -> memref<128x16xf32, #tpu.memory_space<vmem>>
      %dma_start3A_313 = arith.constant 0 : i32
      %dma_start3A_314 = tpu.memref_slice %arg7[%add3A_292, %dma_start3A_313] : memref<80x128xi32, #tpu.memory_space<vmem>> -> memref<1x128xi32, #tpu.memory_space<vmem>>
      %dma_start3A_315 = tpu.memref_squeeze %dma_start3A_314 : memref<1x128xi32, #tpu.memory_space<vmem>> -> memref<128xi32, #tpu.memory_space<vmem>>
      %dma_start3A_316 = arith.constant 0 : i32
      %dma_start3A_317 = arith.constant 0 : i32
      %dma_start3A_318 = tpu.memref_slice %arg9[%dma_start3A_316, %dma_start3A_317] : memref<10240x16xf32, #tpu.memory_space<vmem_shared>> -> memref<10240x16xf32, #tpu.memory_space<vmem_shared>>
      %dma_start3A_319 = tpu.memref_slice %arg12[%dma_start3A_308] : memref<8x!tpu.dma_semaphore, #tpu.memory_space<semaphore_mem>> -> memref<1x!tpu.dma_semaphore, #tpu.memory_space<semaphore_mem>>
      %dma_start3A_320 = tpu.memref_squeeze %dma_start3A_319 : memref<1x!tpu.dma_semaphore, #tpu.memory_space<semaphore_mem>> -> memref<!tpu.dma_semaphore, #tpu.memory_space<semaphore_mem>>
      tpu.enqueue_indirect_dma source(%dma_start3A_312 : memref<128x16xf32, #tpu.memory_space<vmem>>) target(%dma_start3A_318 : memref<10240x16xf32, #tpu.memory_space<vmem_shared>>) offsets(%dma_start3A_315 : memref<128xi32, #tpu.memory_space<vmem>>) semaphore(%dma_start3A_320 : memref<!tpu.dma_semaphore, #tpu.memory_space<semaphore_mem>>) {add = true}
      %sub3A_321 = arith.constant 6 : i32
      %sub3A_322 = arith.subi %add3A_292, %sub3A_321 : i32
      %ge3A_323 = arith.constant 0 : i32
      %ge3A_324 = arith.cmpi sge, %sub3A_322, %ge3A_323 : i32
      %add3A_325 = arith.constant 8 : i32
      %add3A_326 = arith.addi %sub3A_322, %add3A_325 : i32
      %lt3A_327 = arith.constant 80 : i32
      %lt3A_328 = arith.cmpi slt, %add3A_326, %lt3A_327 : i32
      %and3A_329 = arith.andi %ge3A_324, %lt3A_328 : i1
      %convert_element_type3A_330 = arith.extui %and3A_329 : i1 to i32
      %cond3A_331 = arith.constant 0 : i32
      %cond3A_332 = arith.cmpi ne, %convert_element_type3A_330, %cond3A_331 : i32
      scf.if %cond3A_332 {
        %dma_wait3A_597 = arith.constant 3 : i32
        %dma_wait3A_598 = arith.constant 3 : i32
        %dma_wait3A_599 = arith.constant 0 : i32
        %dma_wait3A_600 = arith.constant 0 : i32
        %dma_wait3A_601 = tpu.memref_slice %arg8[%dma_wait3A_597, %dma_wait3A_599, %dma_wait3A_600] : memref<8x128x16xf32, #tpu.memory_space<vmem>> -> memref<1x128x16xf32, #tpu.memory_space<vmem>>
        %dma_wait3A_602 = tpu.memref_squeeze %dma_wait3A_601 : memref<1x128x16xf32, #tpu.memory_space<vmem>> -> memref<128x16xf32, #tpu.memory_space<vmem>>
        %dma_wait3A_603 = arith.constant 0 : i32
        %dma_wait3A_604 = tpu.memref_slice %arg7[%sub3A_322, %dma_wait3A_603] : memref<80x128xi32, #tpu.memory_space<vmem>> -> memref<1x128xi32, #tpu.memory_space<vmem>>
        %dma_wait3A_605 = tpu.memref_squeeze %dma_wait3A_604 : memref<1x128xi32, #tpu.memory_space<vmem>> -> memref<128xi32, #tpu.memory_space<vmem>>
        %dma_wait3A_606 = arith.constant 0 : i32
        %dma_wait3A_607 = arith.constant 0 : i32
        %dma_wait3A_608 = tpu.memref_slice %arg9[%dma_wait3A_606, %dma_wait3A_607] : memref<10240x16xf32, #tpu.memory_space<vmem_shared>> -> memref<10240x16xf32, #tpu.memory_space<vmem_shared>>
        %dma_wait3A_609 = tpu.memref_slice %arg12[%dma_wait3A_598] : memref<8x!tpu.dma_semaphore, #tpu.memory_space<semaphore_mem>> -> memref<1x!tpu.dma_semaphore, #tpu.memory_space<semaphore_mem>>
        %dma_wait3A_610 = tpu.memref_squeeze %dma_wait3A_609 : memref<1x!tpu.dma_semaphore, #tpu.memory_space<semaphore_mem>> -> memref<!tpu.dma_semaphore, #tpu.memory_space<semaphore_mem>>
        tpu.wait_indirect_dma semaphore(%dma_wait3A_610 : memref<!tpu.dma_semaphore, #tpu.memory_space<semaphore_mem>>) src(%dma_wait3A_602 : memref<128x16xf32, #tpu.memory_space<vmem>>) dst(%dma_wait3A_608 : memref<10240x16xf32, #tpu.memory_space<vmem_shared>>)
        %add3A_611 = arith.constant 8 : i32
        %add3A_612 = arith.addi %sub3A_322, %add3A_611 : i32
        %dma_start3A_613 = arith.constant 3 : i32
        %dma_start3A_614 = arith.constant 3 : i32
        %dma_start3A_615 = arith.constant 0 : i32
        %dma_start3A_616 = arith.constant 0 : i32
        %dma_start3A_617 = tpu.memref_slice %arg8[%dma_start3A_613, %dma_start3A_615, %dma_start3A_616] : memref<8x128x16xf32, #tpu.memory_space<vmem>> -> memref<1x128x16xf32, #tpu.memory_space<vmem>>
        %dma_start3A_618 = tpu.memref_squeeze %dma_start3A_617 : memref<1x128x16xf32, #tpu.memory_space<vmem>> -> memref<128x16xf32, #tpu.memory_space<vmem>>
        %dma_start3A_619 = arith.constant 0 : i32
        %dma_start3A_620 = tpu.memref_slice %arg6[%add3A_612, %dma_start3A_619] : memref<80x128xi32, #tpu.memory_space<vmem>> -> memref<1x128xi32, #tpu.memory_space<vmem>>
        %dma_start3A_621 = tpu.memref_squeeze %dma_start3A_620 : memref<1x128xi32, #tpu.memory_space<vmem>> -> memref<128xi32, #tpu.memory_space<vmem>>
        %dma_start3A_622 = arith.constant 0 : i32
        %dma_start3A_623 = arith.constant 0 : i32
        %dma_start3A_624 = tpu.memref_slice %arg10[%dma_start3A_622, %dma_start3A_623] : memref<10000x16xf32, #tpu.memory_space<vmem_shared>> -> memref<10000x16xf32, #tpu.memory_space<vmem_shared>>
        %dma_start3A_625 = tpu.memref_slice %arg11[%dma_start3A_614] : memref<8x!tpu.dma_semaphore, #tpu.memory_space<semaphore_mem>> -> memref<1x!tpu.dma_semaphore, #tpu.memory_space<semaphore_mem>>
        %dma_start3A_626 = tpu.memref_squeeze %dma_start3A_625 : memref<1x!tpu.dma_semaphore, #tpu.memory_space<semaphore_mem>> -> memref<!tpu.dma_semaphore, #tpu.memory_space<semaphore_mem>>
        tpu.enqueue_indirect_dma source(%dma_start3A_624 : memref<10000x16xf32, #tpu.memory_space<vmem_shared>>) target(%dma_start3A_618 : memref<128x16xf32, #tpu.memory_space<vmem>>) offsets(%dma_start3A_621 : memref<128xi32, #tpu.memory_space<vmem>>) semaphore(%dma_start3A_626 : memref<!tpu.dma_semaphore, #tpu.memory_space<semaphore_mem>>)
      } else {
      }
      %mul3A_333 = arith.constant 8 : i32
      %mul3A_334 = arith.muli %scan3A_250, %mul3A_333 : i32
      %add3A_335 = arith.constant 2 : i32
      %add3A_336 = arith.addi %mul3A_334, %add3A_335 : i32
      %dma_wait3A_337 = arith.constant 2 : i32
      %dma_wait3A_338 = arith.constant 2 : i32
      %dma_wait3A_339 = arith.constant 0 : i32
      %dma_wait3A_340 = arith.constant 0 : i32
      %dma_wait3A_341 = tpu.memref_slice %arg8[%dma_wait3A_337, %dma_wait3A_339, %dma_wait3A_340] : memref<8x128x16xf32, #tpu.memory_space<vmem>> -> memref<1x128x16xf32, #tpu.memory_space<vmem>>
      %dma_wait3A_342 = tpu.memref_squeeze %dma_wait3A_341 : memref<1x128x16xf32, #tpu.memory_space<vmem>> -> memref<128x16xf32, #tpu.memory_space<vmem>>
      %dma_wait3A_343 = arith.constant 0 : i32
      %dma_wait3A_344 = tpu.memref_slice %arg6[%add3A_336, %dma_wait3A_343] : memref<80x128xi32, #tpu.memory_space<vmem>> -> memref<1x128xi32, #tpu.memory_space<vmem>>
      %dma_wait3A_345 = tpu.memref_squeeze %dma_wait3A_344 : memref<1x128xi32, #tpu.memory_space<vmem>> -> memref<128xi32, #tpu.memory_space<vmem>>
      %dma_wait3A_346 = arith.constant 0 : i32
      %dma_wait3A_347 = arith.constant 0 : i32
      %dma_wait3A_348 = tpu.memref_slice %arg10[%dma_wait3A_346, %dma_wait3A_347] : memref<10000x16xf32, #tpu.memory_space<vmem_shared>> -> memref<10000x16xf32, #tpu.memory_space<vmem_shared>>
      %dma_wait3A_349 = tpu.memref_slice %arg11[%dma_wait3A_338] : memref<8x!tpu.dma_semaphore, #tpu.memory_space<semaphore_mem>> -> memref<1x!tpu.dma_semaphore, #tpu.memory_space<semaphore_mem>>
      %dma_wait3A_350 = tpu.memref_squeeze %dma_wait3A_349 : memref<1x!tpu.dma_semaphore, #tpu.memory_space<semaphore_mem>> -> memref<!tpu.dma_semaphore, #tpu.memory_space<semaphore_mem>>
      tpu.wait_indirect_dma semaphore(%dma_wait3A_350 : memref<!tpu.dma_semaphore, #tpu.memory_space<semaphore_mem>>) src(%dma_wait3A_348 : memref<10000x16xf32, #tpu.memory_space<vmem_shared>>) dst(%dma_wait3A_342 : memref<128x16xf32, #tpu.memory_space<vmem>>)
      %dma_start3A_351 = arith.constant 2 : i32
      %dma_start3A_352 = arith.constant 2 : i32
      %dma_start3A_353 = arith.constant 0 : i32
      %dma_start3A_354 = arith.constant 0 : i32
      %dma_start3A_355 = tpu.memref_slice %arg8[%dma_start3A_351, %dma_start3A_353, %dma_start3A_354] : memref<8x128x16xf32, #tpu.memory_space<vmem>> -> memref<1x128x16xf32, #tpu.memory_space<vmem>>
      %dma_start3A_356 = tpu.memref_squeeze %dma_start3A_355 : memref<1x128x16xf32, #tpu.memory_space<vmem>> -> memref<128x16xf32, #tpu.memory_space<vmem>>
      %dma_start3A_357 = arith.constant 0 : i32
      %dma_start3A_358 = tpu.memref_slice %arg7[%add3A_336, %dma_start3A_357] : memref<80x128xi32, #tpu.memory_space<vmem>> -> memref<1x128xi32, #tpu.memory_space<vmem>>
      %dma_start3A_359 = tpu.memref_squeeze %dma_start3A_358 : memref<1x128xi32, #tpu.memory_space<vmem>> -> memref<128xi32, #tpu.memory_space<vmem>>
      %dma_start3A_360 = arith.constant 0 : i32
      %dma_start3A_361 = arith.constant 0 : i32
      %dma_start3A_362 = tpu.memref_slice %arg9[%dma_start3A_360, %dma_start3A_361] : memref<10240x16xf32, #tpu.memory_space<vmem_shared>> -> memref<10240x16xf32, #tpu.memory_space<vmem_shared>>
      %dma_start3A_363 = tpu.memref_slice %arg12[%dma_start3A_352] : memref<8x!tpu.dma_semaphore, #tpu.memory_space<semaphore_mem>> -> memref<1x!tpu.dma_semaphore, #tpu.memory_space<semaphore_mem>>
      %dma_start3A_364 = tpu.memref_squeeze %dma_start3A_363 : memref<1x!tpu.dma_semaphore, #tpu.memory_space<semaphore_mem>> -> memref<!tpu.dma_semaphore, #tpu.memory_space<semaphore_mem>>
      tpu.enqueue_indirect_dma source(%dma_start3A_356 : memref<128x16xf32, #tpu.memory_space<vmem>>) target(%dma_start3A_362 : memref<10240x16xf32, #tpu.memory_space<vmem_shared>>) offsets(%dma_start3A_359 : memref<128xi32, #tpu.memory_space<vmem>>) semaphore(%dma_start3A_364 : memref<!tpu.dma_semaphore, #tpu.memory_space<semaphore_mem>>) {add = true}
      %sub3A_365 = arith.constant 6 : i32
      %sub3A_366 = arith.subi %add3A_336, %sub3A_365 : i32
      %ge3A_367 = arith.constant 0 : i32
      %ge3A_368 = arith.cmpi sge, %sub3A_366, %ge3A_367 : i32
      %add3A_369 = arith.constant 8 : i32
      %add3A_370 = arith.addi %sub3A_366, %add3A_369 : i32
      %lt3A_371 = arith.constant 80 : i32
      %lt3A_372 = arith.cmpi slt, %add3A_370, %lt3A_371 : i32
      %and3A_373 = arith.andi %ge3A_368, %lt3A_372 : i1
      %convert_element_type3A_374 = arith.extui %and3A_373 : i1 to i32
      %cond3A_375 = arith.constant 0 : i32
      %cond3A_376 = arith.cmpi ne, %convert_element_type3A_374, %cond3A_375 : i32
      scf.if %cond3A_376 {
        %dma_wait3A_597 = arith.constant 4 : i32
        %dma_wait3A_598 = arith.constant 4 : i32
        %dma_wait3A_599 = arith.constant 0 : i32
        %dma_wait3A_600 = arith.constant 0 : i32
        %dma_wait3A_601 = tpu.memref_slice %arg8[%dma_wait3A_597, %dma_wait3A_599, %dma_wait3A_600] : memref<8x128x16xf32, #tpu.memory_space<vmem>> -> memref<1x128x16xf32, #tpu.memory_space<vmem>>
        %dma_wait3A_602 = tpu.memref_squeeze %dma_wait3A_601 : memref<1x128x16xf32, #tpu.memory_space<vmem>> -> memref<128x16xf32, #tpu.memory_space<vmem>>
        %dma_wait3A_603 = arith.constant 0 : i32
        %dma_wait3A_604 = tpu.memref_slice %arg7[%sub3A_366, %dma_wait3A_603] : memref<80x128xi32, #tpu.memory_space<vmem>> -> memref<1x128xi32, #tpu.memory_space<vmem>>
        %dma_wait3A_605 = tpu.memref_squeeze %dma_wait3A_604 : memref<1x128xi32, #tpu.memory_space<vmem>> -> memref<128xi32, #tpu.memory_space<vmem>>
        %dma_wait3A_606 = arith.constant 0 : i32
        %dma_wait3A_607 = arith.constant 0 : i32
        %dma_wait3A_608 = tpu.memref_slice %arg9[%dma_wait3A_606, %dma_wait3A_607] : memref<10240x16xf32, #tpu.memory_space<vmem_shared>> -> memref<10240x16xf32, #tpu.memory_space<vmem_shared>>
        %dma_wait3A_609 = tpu.memref_slice %arg12[%dma_wait3A_598] : memref<8x!tpu.dma_semaphore, #tpu.memory_space<semaphore_mem>> -> memref<1x!tpu.dma_semaphore, #tpu.memory_space<semaphore_mem>>
        %dma_wait3A_610 = tpu.memref_squeeze %dma_wait3A_609 : memref<1x!tpu.dma_semaphore, #tpu.memory_space<semaphore_mem>> -> memref<!tpu.dma_semaphore, #tpu.memory_space<semaphore_mem>>
        tpu.wait_indirect_dma semaphore(%dma_wait3A_610 : memref<!tpu.dma_semaphore, #tpu.memory_space<semaphore_mem>>) src(%dma_wait3A_602 : memref<128x16xf32, #tpu.memory_space<vmem>>) dst(%dma_wait3A_608 : memref<10240x16xf32, #tpu.memory_space<vmem_shared>>)
        %add3A_611 = arith.constant 8 : i32
        %add3A_612 = arith.addi %sub3A_366, %add3A_611 : i32
        %dma_start3A_613 = arith.constant 4 : i32
        %dma_start3A_614 = arith.constant 4 : i32
        %dma_start3A_615 = arith.constant 0 : i32
        %dma_start3A_616 = arith.constant 0 : i32
        %dma_start3A_617 = tpu.memref_slice %arg8[%dma_start3A_613, %dma_start3A_615, %dma_start3A_616] : memref<8x128x16xf32, #tpu.memory_space<vmem>> -> memref<1x128x16xf32, #tpu.memory_space<vmem>>
        %dma_start3A_618 = tpu.memref_squeeze %dma_start3A_617 : memref<1x128x16xf32, #tpu.memory_space<vmem>> -> memref<128x16xf32, #tpu.memory_space<vmem>>
        %dma_start3A_619 = arith.constant 0 : i32
        %dma_start3A_620 = tpu.memref_slice %arg6[%add3A_612, %dma_start3A_619] : memref<80x128xi32, #tpu.memory_space<vmem>> -> memref<1x128xi32, #tpu.memory_space<vmem>>
        %dma_start3A_621 = tpu.memref_squeeze %dma_start3A_620 : memref<1x128xi32, #tpu.memory_space<vmem>> -> memref<128xi32, #tpu.memory_space<vmem>>
        %dma_start3A_622 = arith.constant 0 : i32
        %dma_start3A_623 = arith.constant 0 : i32
        %dma_start3A_624 = tpu.memref_slice %arg10[%dma_start3A_622, %dma_start3A_623] : memref<10000x16xf32, #tpu.memory_space<vmem_shared>> -> memref<10000x16xf32, #tpu.memory_space<vmem_shared>>
        %dma_start3A_625 = tpu.memref_slice %arg11[%dma_start3A_614] : memref<8x!tpu.dma_semaphore, #tpu.memory_space<semaphore_mem>> -> memref<1x!tpu.dma_semaphore, #tpu.memory_space<semaphore_mem>>
        %dma_start3A_626 = tpu.memref_squeeze %dma_start3A_625 : memref<1x!tpu.dma_semaphore, #tpu.memory_space<semaphore_mem>> -> memref<!tpu.dma_semaphore, #tpu.memory_space<semaphore_mem>>
        tpu.enqueue_indirect_dma source(%dma_start3A_624 : memref<10000x16xf32, #tpu.memory_space<vmem_shared>>) target(%dma_start3A_618 : memref<128x16xf32, #tpu.memory_space<vmem>>) offsets(%dma_start3A_621 : memref<128xi32, #tpu.memory_space<vmem>>) semaphore(%dma_start3A_626 : memref<!tpu.dma_semaphore, #tpu.memory_space<semaphore_mem>>)
      } else {
      }
      %mul3A_377 = arith.constant 8 : i32
      %mul3A_378 = arith.muli %scan3A_250, %mul3A_377 : i32
      %add3A_379 = arith.constant 3 : i32
      %add3A_380 = arith.addi %mul3A_378, %add3A_379 : i32
      %dma_wait3A_381 = arith.constant 3 : i32
      %dma_wait3A_382 = arith.constant 3 : i32
      %dma_wait3A_383 = arith.constant 0 : i32
      %dma_wait3A_384 = arith.constant 0 : i32
      %dma_wait3A_385 = tpu.memref_slice %arg8[%dma_wait3A_381, %dma_wait3A_383, %dma_wait3A_384] : memref<8x128x16xf32, #tpu.memory_space<vmem>> -> memref<1x128x16xf32, #tpu.memory_space<vmem>>
      %dma_wait3A_386 = tpu.memref_squeeze %dma_wait3A_385 : memref<1x128x16xf32, #tpu.memory_space<vmem>> -> memref<128x16xf32, #tpu.memory_space<vmem>>
      %dma_wait3A_387 = arith.constant 0 : i32
      %dma_wait3A_388 = tpu.memref_slice %arg6[%add3A_380, %dma_wait3A_387] : memref<80x128xi32, #tpu.memory_space<vmem>> -> memref<1x128xi32, #tpu.memory_space<vmem>>
      %dma_wait3A_389 = tpu.memref_squeeze %dma_wait3A_388 : memref<1x128xi32, #tpu.memory_space<vmem>> -> memref<128xi32, #tpu.memory_space<vmem>>
      %dma_wait3A_390 = arith.constant 0 : i32
      %dma_wait3A_391 = arith.constant 0 : i32
      %dma_wait3A_392 = tpu.memref_slice %arg10[%dma_wait3A_390, %dma_wait3A_391] : memref<10000x16xf32, #tpu.memory_space<vmem_shared>> -> memref<10000x16xf32, #tpu.memory_space<vmem_shared>>
      %dma_wait3A_393 = tpu.memref_slice %arg11[%dma_wait3A_382] : memref<8x!tpu.dma_semaphore, #tpu.memory_space<semaphore_mem>> -> memref<1x!tpu.dma_semaphore, #tpu.memory_space<semaphore_mem>>
      %dma_wait3A_394 = tpu.memref_squeeze %dma_wait3A_393 : memref<1x!tpu.dma_semaphore, #tpu.memory_space<semaphore_mem>> -> memref<!tpu.dma_semaphore, #tpu.memory_space<semaphore_mem>>
      tpu.wait_indirect_dma semaphore(%dma_wait3A_394 : memref<!tpu.dma_semaphore, #tpu.memory_space<semaphore_mem>>) src(%dma_wait3A_392 : memref<10000x16xf32, #tpu.memory_space<vmem_shared>>) dst(%dma_wait3A_386 : memref<128x16xf32, #tpu.memory_space<vmem>>)
      %dma_start3A_395 = arith.constant 3 : i32
      %dma_start3A_396 = arith.constant 3 : i32
      %dma_start3A_397 = arith.constant 0 : i32
      %dma_start3A_398 = arith.constant 0 : i32
      %dma_start3A_399 = tpu.memref_slice %arg8[%dma_start3A_395, %dma_start3A_397, %dma_start3A_398] : memref<8x128x16xf32, #tpu.memory_space<vmem>> -> memref<1x128x16xf32, #tpu.memory_space<vmem>>
      %dma_start3A_400 = tpu.memref_squeeze %dma_start3A_399 : memref<1x128x16xf32, #tpu.memory_space<vmem>> -> memref<128x16xf32, #tpu.memory_space<vmem>>
      %dma_start3A_401 = arith.constant 0 : i32
      %dma_start3A_402 = tpu.memref_slice %arg7[%add3A_380, %dma_start3A_401] : memref<80x128xi32, #tpu.memory_space<vmem>> -> memref<1x128xi32, #tpu.memory_space<vmem>>
      %dma_start3A_403 = tpu.memref_squeeze %dma_start3A_402 : memref<1x128xi32, #tpu.memory_space<vmem>> -> memref<128xi32, #tpu.memory_space<vmem>>
      %dma_start3A_404 = arith.constant 0 : i32
      %dma_start3A_405 = arith.constant 0 : i32
      %dma_start3A_406 = tpu.memref_slice %arg9[%dma_start3A_404, %dma_start3A_405] : memref<10240x16xf32, #tpu.memory_space<vmem_shared>> -> memref<10240x16xf32, #tpu.memory_space<vmem_shared>>
      %dma_start3A_407 = tpu.memref_slice %arg12[%dma_start3A_396] : memref<8x!tpu.dma_semaphore, #tpu.memory_space<semaphore_mem>> -> memref<1x!tpu.dma_semaphore, #tpu.memory_space<semaphore_mem>>
      %dma_start3A_408 = tpu.memref_squeeze %dma_start3A_407 : memref<1x!tpu.dma_semaphore, #tpu.memory_space<semaphore_mem>> -> memref<!tpu.dma_semaphore, #tpu.memory_space<semaphore_mem>>
      tpu.enqueue_indirect_dma source(%dma_start3A_400 : memref<128x16xf32, #tpu.memory_space<vmem>>) target(%dma_start3A_406 : memref<10240x16xf32, #tpu.memory_space<vmem_shared>>) offsets(%dma_start3A_403 : memref<128xi32, #tpu.memory_space<vmem>>) semaphore(%dma_start3A_408 : memref<!tpu.dma_semaphore, #tpu.memory_space<semaphore_mem>>) {add = true}
      %sub3A_409 = arith.constant 6 : i32
      %sub3A_410 = arith.subi %add3A_380, %sub3A_409 : i32
      %ge3A_411 = arith.constant 0 : i32
      %ge3A_412 = arith.cmpi sge, %sub3A_410, %ge3A_411 : i32
      %add3A_413 = arith.constant 8 : i32
      %add3A_414 = arith.addi %sub3A_410, %add3A_413 : i32
      %lt3A_415 = arith.constant 80 : i32
      %lt3A_416 = arith.cmpi slt, %add3A_414, %lt3A_415 : i32
      %and3A_417 = arith.andi %ge3A_412, %lt3A_416 : i1
      %convert_element_type3A_418 = arith.extui %and3A_417 : i1 to i32
      %cond3A_419 = arith.constant 0 : i32
      %cond3A_420 = arith.cmpi ne, %convert_element_type3A_418, %cond3A_419 : i32
      scf.if %cond3A_420 {
        %dma_wait3A_597 = arith.constant 5 : i32
        %dma_wait3A_598 = arith.constant 5 : i32
        %dma_wait3A_599 = arith.constant 0 : i32
        %dma_wait3A_600 = arith.constant 0 : i32
        %dma_wait3A_601 = tpu.memref_slice %arg8[%dma_wait3A_597, %dma_wait3A_599, %dma_wait3A_600] : memref<8x128x16xf32, #tpu.memory_space<vmem>> -> memref<1x128x16xf32, #tpu.memory_space<vmem>>
        %dma_wait3A_602 = tpu.memref_squeeze %dma_wait3A_601 : memref<1x128x16xf32, #tpu.memory_space<vmem>> -> memref<128x16xf32, #tpu.memory_space<vmem>>
        %dma_wait3A_603 = arith.constant 0 : i32
        %dma_wait3A_604 = tpu.memref_slice %arg7[%sub3A_410, %dma_wait3A_603] : memref<80x128xi32, #tpu.memory_space<vmem>> -> memref<1x128xi32, #tpu.memory_space<vmem>>
        %dma_wait3A_605 = tpu.memref_squeeze %dma_wait3A_604 : memref<1x128xi32, #tpu.memory_space<vmem>> -> memref<128xi32, #tpu.memory_space<vmem>>
        %dma_wait3A_606 = arith.constant 0 : i32
        %dma_wait3A_607 = arith.constant 0 : i32
        %dma_wait3A_608 = tpu.memref_slice %arg9[%dma_wait3A_606, %dma_wait3A_607] : memref<10240x16xf32, #tpu.memory_space<vmem_shared>> -> memref<10240x16xf32, #tpu.memory_space<vmem_shared>>
        %dma_wait3A_609 = tpu.memref_slice %arg12[%dma_wait3A_598] : memref<8x!tpu.dma_semaphore, #tpu.memory_space<semaphore_mem>> -> memref<1x!tpu.dma_semaphore, #tpu.memory_space<semaphore_mem>>
        %dma_wait3A_610 = tpu.memref_squeeze %dma_wait3A_609 : memref<1x!tpu.dma_semaphore, #tpu.memory_space<semaphore_mem>> -> memref<!tpu.dma_semaphore, #tpu.memory_space<semaphore_mem>>
        tpu.wait_indirect_dma semaphore(%dma_wait3A_610 : memref<!tpu.dma_semaphore, #tpu.memory_space<semaphore_mem>>) src(%dma_wait3A_602 : memref<128x16xf32, #tpu.memory_space<vmem>>) dst(%dma_wait3A_608 : memref<10240x16xf32, #tpu.memory_space<vmem_shared>>)
        %add3A_611 = arith.constant 8 : i32
        %add3A_612 = arith.addi %sub3A_410, %add3A_611 : i32
        %dma_start3A_613 = arith.constant 5 : i32
        %dma_start3A_614 = arith.constant 5 : i32
        %dma_start3A_615 = arith.constant 0 : i32
        %dma_start3A_616 = arith.constant 0 : i32
        %dma_start3A_617 = tpu.memref_slice %arg8[%dma_start3A_613, %dma_start3A_615, %dma_start3A_616] : memref<8x128x16xf32, #tpu.memory_space<vmem>> -> memref<1x128x16xf32, #tpu.memory_space<vmem>>
        %dma_start3A_618 = tpu.memref_squeeze %dma_start3A_617 : memref<1x128x16xf32, #tpu.memory_space<vmem>> -> memref<128x16xf32, #tpu.memory_space<vmem>>
        %dma_start3A_619 = arith.constant 0 : i32
        %dma_start3A_620 = tpu.memref_slice %arg6[%add3A_612, %dma_start3A_619] : memref<80x128xi32, #tpu.memory_space<vmem>> -> memref<1x128xi32, #tpu.memory_space<vmem>>
        %dma_start3A_621 = tpu.memref_squeeze %dma_start3A_620 : memref<1x128xi32, #tpu.memory_space<vmem>> -> memref<128xi32, #tpu.memory_space<vmem>>
        %dma_start3A_622 = arith.constant 0 : i32
        %dma_start3A_623 = arith.constant 0 : i32
        %dma_start3A_624 = tpu.memref_slice %arg10[%dma_start3A_622, %dma_start3A_623] : memref<10000x16xf32, #tpu.memory_space<vmem_shared>> -> memref<10000x16xf32, #tpu.memory_space<vmem_shared>>
        %dma_start3A_625 = tpu.memref_slice %arg11[%dma_start3A_614] : memref<8x!tpu.dma_semaphore, #tpu.memory_space<semaphore_mem>> -> memref<1x!tpu.dma_semaphore, #tpu.memory_space<semaphore_mem>>
        %dma_start3A_626 = tpu.memref_squeeze %dma_start3A_625 : memref<1x!tpu.dma_semaphore, #tpu.memory_space<semaphore_mem>> -> memref<!tpu.dma_semaphore, #tpu.memory_space<semaphore_mem>>
        tpu.enqueue_indirect_dma source(%dma_start3A_624 : memref<10000x16xf32, #tpu.memory_space<vmem_shared>>) target(%dma_start3A_618 : memref<128x16xf32, #tpu.memory_space<vmem>>) offsets(%dma_start3A_621 : memref<128xi32, #tpu.memory_space<vmem>>) semaphore(%dma_start3A_626 : memref<!tpu.dma_semaphore, #tpu.memory_space<semaphore_mem>>)
      } else {
      }
      %mul3A_421 = arith.constant 8 : i32
      %mul3A_422 = arith.muli %scan3A_250, %mul3A_421 : i32
      %add3A_423 = arith.constant 4 : i32
      %add3A_424 = arith.addi %mul3A_422, %add3A_423 : i32
      %dma_wait3A_425 = arith.constant 4 : i32
      %dma_wait3A_426 = arith.constant 4 : i32
      %dma_wait3A_427 = arith.constant 0 : i32
      %dma_wait3A_428 = arith.constant 0 : i32
      %dma_wait3A_429 = tpu.memref_slice %arg8[%dma_wait3A_425, %dma_wait3A_427, %dma_wait3A_428] : memref<8x128x16xf32, #tpu.memory_space<vmem>> -> memref<1x128x16xf32, #tpu.memory_space<vmem>>
      %dma_wait3A_430 = tpu.memref_squeeze %dma_wait3A_429 : memref<1x128x16xf32, #tpu.memory_space<vmem>> -> memref<128x16xf32, #tpu.memory_space<vmem>>
      %dma_wait3A_431 = arith.constant 0 : i32
      %dma_wait3A_432 = tpu.memref_slice %arg6[%add3A_424, %dma_wait3A_431] : memref<80x128xi32, #tpu.memory_space<vmem>> -> memref<1x128xi32, #tpu.memory_space<vmem>>
      %dma_wait3A_433 = tpu.memref_squeeze %dma_wait3A_432 : memref<1x128xi32, #tpu.memory_space<vmem>> -> memref<128xi32, #tpu.memory_space<vmem>>
      %dma_wait3A_434 = arith.constant 0 : i32
      %dma_wait3A_435 = arith.constant 0 : i32
      %dma_wait3A_436 = tpu.memref_slice %arg10[%dma_wait3A_434, %dma_wait3A_435] : memref<10000x16xf32, #tpu.memory_space<vmem_shared>> -> memref<10000x16xf32, #tpu.memory_space<vmem_shared>>
      %dma_wait3A_437 = tpu.memref_slice %arg11[%dma_wait3A_426] : memref<8x!tpu.dma_semaphore, #tpu.memory_space<semaphore_mem>> -> memref<1x!tpu.dma_semaphore, #tpu.memory_space<semaphore_mem>>
      %dma_wait3A_438 = tpu.memref_squeeze %dma_wait3A_437 : memref<1x!tpu.dma_semaphore, #tpu.memory_space<semaphore_mem>> -> memref<!tpu.dma_semaphore, #tpu.memory_space<semaphore_mem>>
      tpu.wait_indirect_dma semaphore(%dma_wait3A_438 : memref<!tpu.dma_semaphore, #tpu.memory_space<semaphore_mem>>) src(%dma_wait3A_436 : memref<10000x16xf32, #tpu.memory_space<vmem_shared>>) dst(%dma_wait3A_430 : memref<128x16xf32, #tpu.memory_space<vmem>>)
      %dma_start3A_439 = arith.constant 4 : i32
      %dma_start3A_440 = arith.constant 4 : i32
      %dma_start3A_441 = arith.constant 0 : i32
      %dma_start3A_442 = arith.constant 0 : i32
      %dma_start3A_443 = tpu.memref_slice %arg8[%dma_start3A_439, %dma_start3A_441, %dma_start3A_442] : memref<8x128x16xf32, #tpu.memory_space<vmem>> -> memref<1x128x16xf32, #tpu.memory_space<vmem>>
      %dma_start3A_444 = tpu.memref_squeeze %dma_start3A_443 : memref<1x128x16xf32, #tpu.memory_space<vmem>> -> memref<128x16xf32, #tpu.memory_space<vmem>>
      %dma_start3A_445 = arith.constant 0 : i32
      %dma_start3A_446 = tpu.memref_slice %arg7[%add3A_424, %dma_start3A_445] : memref<80x128xi32, #tpu.memory_space<vmem>> -> memref<1x128xi32, #tpu.memory_space<vmem>>
      %dma_start3A_447 = tpu.memref_squeeze %dma_start3A_446 : memref<1x128xi32, #tpu.memory_space<vmem>> -> memref<128xi32, #tpu.memory_space<vmem>>
      %dma_start3A_448 = arith.constant 0 : i32
      %dma_start3A_449 = arith.constant 0 : i32
      %dma_start3A_450 = tpu.memref_slice %arg9[%dma_start3A_448, %dma_start3A_449] : memref<10240x16xf32, #tpu.memory_space<vmem_shared>> -> memref<10240x16xf32, #tpu.memory_space<vmem_shared>>
      %dma_start3A_451 = tpu.memref_slice %arg12[%dma_start3A_440] : memref<8x!tpu.dma_semaphore, #tpu.memory_space<semaphore_mem>> -> memref<1x!tpu.dma_semaphore, #tpu.memory_space<semaphore_mem>>
      %dma_start3A_452 = tpu.memref_squeeze %dma_start3A_451 : memref<1x!tpu.dma_semaphore, #tpu.memory_space<semaphore_mem>> -> memref<!tpu.dma_semaphore, #tpu.memory_space<semaphore_mem>>
      tpu.enqueue_indirect_dma source(%dma_start3A_444 : memref<128x16xf32, #tpu.memory_space<vmem>>) target(%dma_start3A_450 : memref<10240x16xf32, #tpu.memory_space<vmem_shared>>) offsets(%dma_start3A_447 : memref<128xi32, #tpu.memory_space<vmem>>) semaphore(%dma_start3A_452 : memref<!tpu.dma_semaphore, #tpu.memory_space<semaphore_mem>>) {add = true}
      %sub3A_453 = arith.constant 6 : i32
      %sub3A_454 = arith.subi %add3A_424, %sub3A_453 : i32
      %ge3A_455 = arith.constant 0 : i32
      %ge3A_456 = arith.cmpi sge, %sub3A_454, %ge3A_455 : i32
      %add3A_457 = arith.constant 8 : i32
      %add3A_458 = arith.addi %sub3A_454, %add3A_457 : i32
      %lt3A_459 = arith.constant 80 : i32
      %lt3A_460 = arith.cmpi slt, %add3A_458, %lt3A_459 : i32
      %and3A_461 = arith.andi %ge3A_456, %lt3A_460 : i1
      %convert_element_type3A_462 = arith.extui %and3A_461 : i1 to i32
      %cond3A_463 = arith.constant 0 : i32
      %cond3A_464 = arith.cmpi ne, %convert_element_type3A_462, %cond3A_463 : i32
      scf.if %cond3A_464 {
        %dma_wait3A_597 = arith.constant 6 : i32
        %dma_wait3A_598 = arith.constant 6 : i32
        %dma_wait3A_599 = arith.constant 0 : i32
        %dma_wait3A_600 = arith.constant 0 : i32
        %dma_wait3A_601 = tpu.memref_slice %arg8[%dma_wait3A_597, %dma_wait3A_599, %dma_wait3A_600] : memref<8x128x16xf32, #tpu.memory_space<vmem>> -> memref<1x128x16xf32, #tpu.memory_space<vmem>>
        %dma_wait3A_602 = tpu.memref_squeeze %dma_wait3A_601 : memref<1x128x16xf32, #tpu.memory_space<vmem>> -> memref<128x16xf32, #tpu.memory_space<vmem>>
        %dma_wait3A_603 = arith.constant 0 : i32
        %dma_wait3A_604 = tpu.memref_slice %arg7[%sub3A_454, %dma_wait3A_603] : memref<80x128xi32, #tpu.memory_space<vmem>> -> memref<1x128xi32, #tpu.memory_space<vmem>>
        %dma_wait3A_605 = tpu.memref_squeeze %dma_wait3A_604 : memref<1x128xi32, #tpu.memory_space<vmem>> -> memref<128xi32, #tpu.memory_space<vmem>>
        %dma_wait3A_606 = arith.constant 0 : i32
        %dma_wait3A_607 = arith.constant 0 : i32
        %dma_wait3A_608 = tpu.memref_slice %arg9[%dma_wait3A_606, %dma_wait3A_607] : memref<10240x16xf32, #tpu.memory_space<vmem_shared>> -> memref<10240x16xf32, #tpu.memory_space<vmem_shared>>
        %dma_wait3A_609 = tpu.memref_slice %arg12[%dma_wait3A_598] : memref<8x!tpu.dma_semaphore, #tpu.memory_space<semaphore_mem>> -> memref<1x!tpu.dma_semaphore, #tpu.memory_space<semaphore_mem>>
        %dma_wait3A_610 = tpu.memref_squeeze %dma_wait3A_609 : memref<1x!tpu.dma_semaphore, #tpu.memory_space<semaphore_mem>> -> memref<!tpu.dma_semaphore, #tpu.memory_space<semaphore_mem>>
        tpu.wait_indirect_dma semaphore(%dma_wait3A_610 : memref<!tpu.dma_semaphore, #tpu.memory_space<semaphore_mem>>) src(%dma_wait3A_602 : memref<128x16xf32, #tpu.memory_space<vmem>>) dst(%dma_wait3A_608 : memref<10240x16xf32, #tpu.memory_space<vmem_shared>>)
        %add3A_611 = arith.constant 8 : i32
        %add3A_612 = arith.addi %sub3A_454, %add3A_611 : i32
        %dma_start3A_613 = arith.constant 6 : i32
        %dma_start3A_614 = arith.constant 6 : i32
        %dma_start3A_615 = arith.constant 0 : i32
        %dma_start3A_616 = arith.constant 0 : i32
        %dma_start3A_617 = tpu.memref_slice %arg8[%dma_start3A_613, %dma_start3A_615, %dma_start3A_616] : memref<8x128x16xf32, #tpu.memory_space<vmem>> -> memref<1x128x16xf32, #tpu.memory_space<vmem>>
        %dma_start3A_618 = tpu.memref_squeeze %dma_start3A_617 : memref<1x128x16xf32, #tpu.memory_space<vmem>> -> memref<128x16xf32, #tpu.memory_space<vmem>>
        %dma_start3A_619 = arith.constant 0 : i32
        %dma_start3A_620 = tpu.memref_slice %arg6[%add3A_612, %dma_start3A_619] : memref<80x128xi32, #tpu.memory_space<vmem>> -> memref<1x128xi32, #tpu.memory_space<vmem>>
        %dma_start3A_621 = tpu.memref_squeeze %dma_start3A_620 : memref<1x128xi32, #tpu.memory_space<vmem>> -> memref<128xi32, #tpu.memory_space<vmem>>
        %dma_start3A_622 = arith.constant 0 : i32
        %dma_start3A_623 = arith.constant 0 : i32
        %dma_start3A_624 = tpu.memref_slice %arg10[%dma_start3A_622, %dma_start3A_623] : memref<10000x16xf32, #tpu.memory_space<vmem_shared>> -> memref<10000x16xf32, #tpu.memory_space<vmem_shared>>
        %dma_start3A_625 = tpu.memref_slice %arg11[%dma_start3A_614] : memref<8x!tpu.dma_semaphore, #tpu.memory_space<semaphore_mem>> -> memref<1x!tpu.dma_semaphore, #tpu.memory_space<semaphore_mem>>
        %dma_start3A_626 = tpu.memref_squeeze %dma_start3A_625 : memref<1x!tpu.dma_semaphore, #tpu.memory_space<semaphore_mem>> -> memref<!tpu.dma_semaphore, #tpu.memory_space<semaphore_mem>>
        tpu.enqueue_indirect_dma source(%dma_start3A_624 : memref<10000x16xf32, #tpu.memory_space<vmem_shared>>) target(%dma_start3A_618 : memref<128x16xf32, #tpu.memory_space<vmem>>) offsets(%dma_start3A_621 : memref<128xi32, #tpu.memory_space<vmem>>) semaphore(%dma_start3A_626 : memref<!tpu.dma_semaphore, #tpu.memory_space<semaphore_mem>>)
      } else {
      }
      %mul3A_465 = arith.constant 8 : i32
      %mul3A_466 = arith.muli %scan3A_250, %mul3A_465 : i32
      %add3A_467 = arith.constant 5 : i32
      %add3A_468 = arith.addi %mul3A_466, %add3A_467 : i32
      %dma_wait3A_469 = arith.constant 5 : i32
      %dma_wait3A_470 = arith.constant 5 : i32
      %dma_wait3A_471 = arith.constant 0 : i32
      %dma_wait3A_472 = arith.constant 0 : i32
      %dma_wait3A_473 = tpu.memref_slice %arg8[%dma_wait3A_469, %dma_wait3A_471, %dma_wait3A_472] : memref<8x128x16xf32, #tpu.memory_space<vmem>> -> memref<1x128x16xf32, #tpu.memory_space<vmem>>
      %dma_wait3A_474 = tpu.memref_squeeze %dma_wait3A_473 : memref<1x128x16xf32, #tpu.memory_space<vmem>> -> memref<128x16xf32, #tpu.memory_space<vmem>>
      %dma_wait3A_475 = arith.constant 0 : i32
      %dma_wait3A_476 = tpu.memref_slice %arg6[%add3A_468, %dma_wait3A_475] : memref<80x128xi32, #tpu.memory_space<vmem>> -> memref<1x128xi32, #tpu.memory_space<vmem>>
      %dma_wait3A_477 = tpu.memref_squeeze %dma_wait3A_476 : memref<1x128xi32, #tpu.memory_space<vmem>> -> memref<128xi32, #tpu.memory_space<vmem>>
      %dma_wait3A_478 = arith.constant 0 : i32
      %dma_wait3A_479 = arith.constant 0 : i32
      %dma_wait3A_480 = tpu.memref_slice %arg10[%dma_wait3A_478, %dma_wait3A_479] : memref<10000x16xf32, #tpu.memory_space<vmem_shared>> -> memref<10000x16xf32, #tpu.memory_space<vmem_shared>>
      %dma_wait3A_481 = tpu.memref_slice %arg11[%dma_wait3A_470] : memref<8x!tpu.dma_semaphore, #tpu.memory_space<semaphore_mem>> -> memref<1x!tpu.dma_semaphore, #tpu.memory_space<semaphore_mem>>
      %dma_wait3A_482 = tpu.memref_squeeze %dma_wait3A_481 : memref<1x!tpu.dma_semaphore, #tpu.memory_space<semaphore_mem>> -> memref<!tpu.dma_semaphore, #tpu.memory_space<semaphore_mem>>
      tpu.wait_indirect_dma semaphore(%dma_wait3A_482 : memref<!tpu.dma_semaphore, #tpu.memory_space<semaphore_mem>>) src(%dma_wait3A_480 : memref<10000x16xf32, #tpu.memory_space<vmem_shared>>) dst(%dma_wait3A_474 : memref<128x16xf32, #tpu.memory_space<vmem>>)
      %dma_start3A_483 = arith.constant 5 : i32
      %dma_start3A_484 = arith.constant 5 : i32
      %dma_start3A_485 = arith.constant 0 : i32
      %dma_start3A_486 = arith.constant 0 : i32
      %dma_start3A_487 = tpu.memref_slice %arg8[%dma_start3A_483, %dma_start3A_485, %dma_start3A_486] : memref<8x128x16xf32, #tpu.memory_space<vmem>> -> memref<1x128x16xf32, #tpu.memory_space<vmem>>
      %dma_start3A_488 = tpu.memref_squeeze %dma_start3A_487 : memref<1x128x16xf32, #tpu.memory_space<vmem>> -> memref<128x16xf32, #tpu.memory_space<vmem>>
      %dma_start3A_489 = arith.constant 0 : i32
      %dma_start3A_490 = tpu.memref_slice %arg7[%add3A_468, %dma_start3A_489] : memref<80x128xi32, #tpu.memory_space<vmem>> -> memref<1x128xi32, #tpu.memory_space<vmem>>
      %dma_start3A_491 = tpu.memref_squeeze %dma_start3A_490 : memref<1x128xi32, #tpu.memory_space<vmem>> -> memref<128xi32, #tpu.memory_space<vmem>>
      %dma_start3A_492 = arith.constant 0 : i32
      %dma_start3A_493 = arith.constant 0 : i32
      %dma_start3A_494 = tpu.memref_slice %arg9[%dma_start3A_492, %dma_start3A_493] : memref<10240x16xf32, #tpu.memory_space<vmem_shared>> -> memref<10240x16xf32, #tpu.memory_space<vmem_shared>>
      %dma_start3A_495 = tpu.memref_slice %arg12[%dma_start3A_484] : memref<8x!tpu.dma_semaphore, #tpu.memory_space<semaphore_mem>> -> memref<1x!tpu.dma_semaphore, #tpu.memory_space<semaphore_mem>>
      %dma_start3A_496 = tpu.memref_squeeze %dma_start3A_495 : memref<1x!tpu.dma_semaphore, #tpu.memory_space<semaphore_mem>> -> memref<!tpu.dma_semaphore, #tpu.memory_space<semaphore_mem>>
      tpu.enqueue_indirect_dma source(%dma_start3A_488 : memref<128x16xf32, #tpu.memory_space<vmem>>) target(%dma_start3A_494 : memref<10240x16xf32, #tpu.memory_space<vmem_shared>>) offsets(%dma_start3A_491 : memref<128xi32, #tpu.memory_space<vmem>>) semaphore(%dma_start3A_496 : memref<!tpu.dma_semaphore, #tpu.memory_space<semaphore_mem>>) {add = true}
      %sub3A_497 = arith.constant 6 : i32
      %sub3A_498 = arith.subi %add3A_468, %sub3A_497 : i32
      %ge3A_499 = arith.constant 0 : i32
      %ge3A_500 = arith.cmpi sge, %sub3A_498, %ge3A_499 : i32
      %add3A_501 = arith.constant 8 : i32
      %add3A_502 = arith.addi %sub3A_498, %add3A_501 : i32
      %lt3A_503 = arith.constant 80 : i32
      %lt3A_504 = arith.cmpi slt, %add3A_502, %lt3A_503 : i32
      %and3A_505 = arith.andi %ge3A_500, %lt3A_504 : i1
      %convert_element_type3A_506 = arith.extui %and3A_505 : i1 to i32
      %cond3A_507 = arith.constant 0 : i32
      %cond3A_508 = arith.cmpi ne, %convert_element_type3A_506, %cond3A_507 : i32
      scf.if %cond3A_508 {
        %dma_wait3A_597 = arith.constant 7 : i32
        %dma_wait3A_598 = arith.constant 7 : i32
        %dma_wait3A_599 = arith.constant 0 : i32
        %dma_wait3A_600 = arith.constant 0 : i32
        %dma_wait3A_601 = tpu.memref_slice %arg8[%dma_wait3A_597, %dma_wait3A_599, %dma_wait3A_600] : memref<8x128x16xf32, #tpu.memory_space<vmem>> -> memref<1x128x16xf32, #tpu.memory_space<vmem>>
        %dma_wait3A_602 = tpu.memref_squeeze %dma_wait3A_601 : memref<1x128x16xf32, #tpu.memory_space<vmem>> -> memref<128x16xf32, #tpu.memory_space<vmem>>
        %dma_wait3A_603 = arith.constant 0 : i32
        %dma_wait3A_604 = tpu.memref_slice %arg7[%sub3A_498, %dma_wait3A_603] : memref<80x128xi32, #tpu.memory_space<vmem>> -> memref<1x128xi32, #tpu.memory_space<vmem>>
        %dma_wait3A_605 = tpu.memref_squeeze %dma_wait3A_604 : memref<1x128xi32, #tpu.memory_space<vmem>> -> memref<128xi32, #tpu.memory_space<vmem>>
        %dma_wait3A_606 = arith.constant 0 : i32
        %dma_wait3A_607 = arith.constant 0 : i32
        %dma_wait3A_608 = tpu.memref_slice %arg9[%dma_wait3A_606, %dma_wait3A_607] : memref<10240x16xf32, #tpu.memory_space<vmem_shared>> -> memref<10240x16xf32, #tpu.memory_space<vmem_shared>>
        %dma_wait3A_609 = tpu.memref_slice %arg12[%dma_wait3A_598] : memref<8x!tpu.dma_semaphore, #tpu.memory_space<semaphore_mem>> -> memref<1x!tpu.dma_semaphore, #tpu.memory_space<semaphore_mem>>
        %dma_wait3A_610 = tpu.memref_squeeze %dma_wait3A_609 : memref<1x!tpu.dma_semaphore, #tpu.memory_space<semaphore_mem>> -> memref<!tpu.dma_semaphore, #tpu.memory_space<semaphore_mem>>
        tpu.wait_indirect_dma semaphore(%dma_wait3A_610 : memref<!tpu.dma_semaphore, #tpu.memory_space<semaphore_mem>>) src(%dma_wait3A_602 : memref<128x16xf32, #tpu.memory_space<vmem>>) dst(%dma_wait3A_608 : memref<10240x16xf32, #tpu.memory_space<vmem_shared>>)
        %add3A_611 = arith.constant 8 : i32
        %add3A_612 = arith.addi %sub3A_498, %add3A_611 : i32
        %dma_start3A_613 = arith.constant 7 : i32
        %dma_start3A_614 = arith.constant 7 : i32
        %dma_start3A_615 = arith.constant 0 : i32
        %dma_start3A_616 = arith.constant 0 : i32
        %dma_start3A_617 = tpu.memref_slice %arg8[%dma_start3A_613, %dma_start3A_615, %dma_start3A_616] : memref<8x128x16xf32, #tpu.memory_space<vmem>> -> memref<1x128x16xf32, #tpu.memory_space<vmem>>
        %dma_start3A_618 = tpu.memref_squeeze %dma_start3A_617 : memref<1x128x16xf32, #tpu.memory_space<vmem>> -> memref<128x16xf32, #tpu.memory_space<vmem>>
        %dma_start3A_619 = arith.constant 0 : i32
        %dma_start3A_620 = tpu.memref_slice %arg6[%add3A_612, %dma_start3A_619] : memref<80x128xi32, #tpu.memory_space<vmem>> -> memref<1x128xi32, #tpu.memory_space<vmem>>
        %dma_start3A_621 = tpu.memref_squeeze %dma_start3A_620 : memref<1x128xi32, #tpu.memory_space<vmem>> -> memref<128xi32, #tpu.memory_space<vmem>>
        %dma_start3A_622 = arith.constant 0 : i32
        %dma_start3A_623 = arith.constant 0 : i32
        %dma_start3A_624 = tpu.memref_slice %arg10[%dma_start3A_622, %dma_start3A_623] : memref<10000x16xf32, #tpu.memory_space<vmem_shared>> -> memref<10000x16xf32, #tpu.memory_space<vmem_shared>>
        %dma_start3A_625 = tpu.memref_slice %arg11[%dma_start3A_614] : memref<8x!tpu.dma_semaphore, #tpu.memory_space<semaphore_mem>> -> memref<1x!tpu.dma_semaphore, #tpu.memory_space<semaphore_mem>>
        %dma_start3A_626 = tpu.memref_squeeze %dma_start3A_625 : memref<1x!tpu.dma_semaphore, #tpu.memory_space<semaphore_mem>> -> memref<!tpu.dma_semaphore, #tpu.memory_space<semaphore_mem>>
        tpu.enqueue_indirect_dma source(%dma_start3A_624 : memref<10000x16xf32, #tpu.memory_space<vmem_shared>>) target(%dma_start3A_618 : memref<128x16xf32, #tpu.memory_space<vmem>>) offsets(%dma_start3A_621 : memref<128xi32, #tpu.memory_space<vmem>>) semaphore(%dma_start3A_626 : memref<!tpu.dma_semaphore, #tpu.memory_space<semaphore_mem>>)
      } else {
      }
      %mul3A_509 = arith.constant 8 : i32
      %mul3A_510 = arith.muli %scan3A_250, %mul3A_509 : i32
      %add3A_511 = arith.constant 6 : i32
      %add3A_512 = arith.addi %mul3A_510, %add3A_511 : i32
      %dma_wait3A_513 = arith.constant 6 : i32
      %dma_wait3A_514 = arith.constant 6 : i32
      %dma_wait3A_515 = arith.constant 0 : i32
      %dma_wait3A_516 = arith.constant 0 : i32
      %dma_wait3A_517 = tpu.memref_slice %arg8[%dma_wait3A_513, %dma_wait3A_515, %dma_wait3A_516] : memref<8x128x16xf32, #tpu.memory_space<vmem>> -> memref<1x128x16xf32, #tpu.memory_space<vmem>>
      %dma_wait3A_518 = tpu.memref_squeeze %dma_wait3A_517 : memref<1x128x16xf32, #tpu.memory_space<vmem>> -> memref<128x16xf32, #tpu.memory_space<vmem>>
      %dma_wait3A_519 = arith.constant 0 : i32
      %dma_wait3A_520 = tpu.memref_slice %arg6[%add3A_512, %dma_wait3A_519] : memref<80x128xi32, #tpu.memory_space<vmem>> -> memref<1x128xi32, #tpu.memory_space<vmem>>
      %dma_wait3A_521 = tpu.memref_squeeze %dma_wait3A_520 : memref<1x128xi32, #tpu.memory_space<vmem>> -> memref<128xi32, #tpu.memory_space<vmem>>
      %dma_wait3A_522 = arith.constant 0 : i32
      %dma_wait3A_523 = arith.constant 0 : i32
      %dma_wait3A_524 = tpu.memref_slice %arg10[%dma_wait3A_522, %dma_wait3A_523] : memref<10000x16xf32, #tpu.memory_space<vmem_shared>> -> memref<10000x16xf32, #tpu.memory_space<vmem_shared>>
      %dma_wait3A_525 = tpu.memref_slice %arg11[%dma_wait3A_514] : memref<8x!tpu.dma_semaphore, #tpu.memory_space<semaphore_mem>> -> memref<1x!tpu.dma_semaphore, #tpu.memory_space<semaphore_mem>>
      %dma_wait3A_526 = tpu.memref_squeeze %dma_wait3A_525 : memref<1x!tpu.dma_semaphore, #tpu.memory_space<semaphore_mem>> -> memref<!tpu.dma_semaphore, #tpu.memory_space<semaphore_mem>>
      tpu.wait_indirect_dma semaphore(%dma_wait3A_526 : memref<!tpu.dma_semaphore, #tpu.memory_space<semaphore_mem>>) src(%dma_wait3A_524 : memref<10000x16xf32, #tpu.memory_space<vmem_shared>>) dst(%dma_wait3A_518 : memref<128x16xf32, #tpu.memory_space<vmem>>)
      %dma_start3A_527 = arith.constant 6 : i32
      %dma_start3A_528 = arith.constant 6 : i32
      %dma_start3A_529 = arith.constant 0 : i32
      %dma_start3A_530 = arith.constant 0 : i32
      %dma_start3A_531 = tpu.memref_slice %arg8[%dma_start3A_527, %dma_start3A_529, %dma_start3A_530] : memref<8x128x16xf32, #tpu.memory_space<vmem>> -> memref<1x128x16xf32, #tpu.memory_space<vmem>>
      %dma_start3A_532 = tpu.memref_squeeze %dma_start3A_531 : memref<1x128x16xf32, #tpu.memory_space<vmem>> -> memref<128x16xf32, #tpu.memory_space<vmem>>
      %dma_start3A_533 = arith.constant 0 : i32
      %dma_start3A_534 = tpu.memref_slice %arg7[%add3A_512, %dma_start3A_533] : memref<80x128xi32, #tpu.memory_space<vmem>> -> memref<1x128xi32, #tpu.memory_space<vmem>>
      %dma_start3A_535 = tpu.memref_squeeze %dma_start3A_534 : memref<1x128xi32, #tpu.memory_space<vmem>> -> memref<128xi32, #tpu.memory_space<vmem>>
      %dma_start3A_536 = arith.constant 0 : i32
      %dma_start3A_537 = arith.constant 0 : i32
      %dma_start3A_538 = tpu.memref_slice %arg9[%dma_start3A_536, %dma_start3A_537] : memref<10240x16xf32, #tpu.memory_space<vmem_shared>> -> memref<10240x16xf32, #tpu.memory_space<vmem_shared>>
      %dma_start3A_539 = tpu.memref_slice %arg12[%dma_start3A_528] : memref<8x!tpu.dma_semaphore, #tpu.memory_space<semaphore_mem>> -> memref<1x!tpu.dma_semaphore, #tpu.memory_space<semaphore_mem>>
      %dma_start3A_540 = tpu.memref_squeeze %dma_start3A_539 : memref<1x!tpu.dma_semaphore, #tpu.memory_space<semaphore_mem>> -> memref<!tpu.dma_semaphore, #tpu.memory_space<semaphore_mem>>
      tpu.enqueue_indirect_dma source(%dma_start3A_532 : memref<128x16xf32, #tpu.memory_space<vmem>>) target(%dma_start3A_538 : memref<10240x16xf32, #tpu.memory_space<vmem_shared>>) offsets(%dma_start3A_535 : memref<128xi32, #tpu.memory_space<vmem>>) semaphore(%dma_start3A_540 : memref<!tpu.dma_semaphore, #tpu.memory_space<semaphore_mem>>) {add = true}
      %sub3A_541 = arith.constant 6 : i32
      %sub3A_542 = arith.subi %add3A_512, %sub3A_541 : i32
      %ge3A_543 = arith.constant 0 : i32
      %ge3A_544 = arith.cmpi sge, %sub3A_542, %ge3A_543 : i32
      %add3A_545 = arith.constant 8 : i32
      %add3A_546 = arith.addi %sub3A_542, %add3A_545 : i32
      %lt3A_547 = arith.constant 80 : i32
      %lt3A_548 = arith.cmpi slt, %add3A_546, %lt3A_547 : i32
      %and3A_549 = arith.andi %ge3A_544, %lt3A_548 : i1
      %convert_element_type3A_550 = arith.extui %and3A_549 : i1 to i32
      %cond3A_551 = arith.constant 0 : i32
      %cond3A_552 = arith.cmpi ne, %convert_element_type3A_550, %cond3A_551 : i32
      scf.if %cond3A_552 {
        %dma_wait3A_597 = arith.constant 0 : i32
        %dma_wait3A_598 = arith.constant 0 : i32
        %dma_wait3A_599 = arith.constant 0 : i32
        %dma_wait3A_600 = arith.constant 0 : i32
        %dma_wait3A_601 = tpu.memref_slice %arg8[%dma_wait3A_597, %dma_wait3A_599, %dma_wait3A_600] : memref<8x128x16xf32, #tpu.memory_space<vmem>> -> memref<1x128x16xf32, #tpu.memory_space<vmem>>
        %dma_wait3A_602 = tpu.memref_squeeze %dma_wait3A_601 : memref<1x128x16xf32, #tpu.memory_space<vmem>> -> memref<128x16xf32, #tpu.memory_space<vmem>>
        %dma_wait3A_603 = arith.constant 0 : i32
        %dma_wait3A_604 = tpu.memref_slice %arg7[%sub3A_542, %dma_wait3A_603] : memref<80x128xi32, #tpu.memory_space<vmem>> -> memref<1x128xi32, #tpu.memory_space<vmem>>
        %dma_wait3A_605 = tpu.memref_squeeze %dma_wait3A_604 : memref<1x128xi32, #tpu.memory_space<vmem>> -> memref<128xi32, #tpu.memory_space<vmem>>
        %dma_wait3A_606 = arith.constant 0 : i32
        %dma_wait3A_607 = arith.constant 0 : i32
        %dma_wait3A_608 = tpu.memref_slice %arg9[%dma_wait3A_606, %dma_wait3A_607] : memref<10240x16xf32, #tpu.memory_space<vmem_shared>> -> memref<10240x16xf32, #tpu.memory_space<vmem_shared>>
        %dma_wait3A_609 = tpu.memref_slice %arg12[%dma_wait3A_598] : memref<8x!tpu.dma_semaphore, #tpu.memory_space<semaphore_mem>> -> memref<1x!tpu.dma_semaphore, #tpu.memory_space<semaphore_mem>>
        %dma_wait3A_610 = tpu.memref_squeeze %dma_wait3A_609 : memref<1x!tpu.dma_semaphore, #tpu.memory_space<semaphore_mem>> -> memref<!tpu.dma_semaphore, #tpu.memory_space<semaphore_mem>>
        tpu.wait_indirect_dma semaphore(%dma_wait3A_610 : memref<!tpu.dma_semaphore, #tpu.memory_space<semaphore_mem>>) src(%dma_wait3A_602 : memref<128x16xf32, #tpu.memory_space<vmem>>) dst(%dma_wait3A_608 : memref<10240x16xf32, #tpu.memory_space<vmem_shared>>)
        %add3A_611 = arith.constant 8 : i32
        %add3A_612 = arith.addi %sub3A_542, %add3A_611 : i32
        %dma_start3A_613 = arith.constant 0 : i32
        %dma_start3A_614 = arith.constant 0 : i32
        %dma_start3A_615 = arith.constant 0 : i32
        %dma_start3A_616 = arith.constant 0 : i32
        %dma_start3A_617 = tpu.memref_slice %arg8[%dma_start3A_613, %dma_start3A_615, %dma_start3A_616] : memref<8x128x16xf32, #tpu.memory_space<vmem>> -> memref<1x128x16xf32, #tpu.memory_space<vmem>>
        %dma_start3A_618 = tpu.memref_squeeze %dma_start3A_617 : memref<1x128x16xf32, #tpu.memory_space<vmem>> -> memref<128x16xf32, #tpu.memory_space<vmem>>
        %dma_start3A_619 = arith.constant 0 : i32
        %dma_start3A_620 = tpu.memref_slice %arg6[%add3A_612, %dma_start3A_619] : memref<80x128xi32, #tpu.memory_space<vmem>> -> memref<1x128xi32, #tpu.memory_space<vmem>>
        %dma_start3A_621 = tpu.memref_squeeze %dma_start3A_620 : memref<1x128xi32, #tpu.memory_space<vmem>> -> memref<128xi32, #tpu.memory_space<vmem>>
        %dma_start3A_622 = arith.constant 0 : i32
        %dma_start3A_623 = arith.constant 0 : i32
        %dma_start3A_624 = tpu.memref_slice %arg10[%dma_start3A_622, %dma_start3A_623] : memref<10000x16xf32, #tpu.memory_space<vmem_shared>> -> memref<10000x16xf32, #tpu.memory_space<vmem_shared>>
        %dma_start3A_625 = tpu.memref_slice %arg11[%dma_start3A_614] : memref<8x!tpu.dma_semaphore, #tpu.memory_space<semaphore_mem>> -> memref<1x!tpu.dma_semaphore, #tpu.memory_space<semaphore_mem>>
        %dma_start3A_626 = tpu.memref_squeeze %dma_start3A_625 : memref<1x!tpu.dma_semaphore, #tpu.memory_space<semaphore_mem>> -> memref<!tpu.dma_semaphore, #tpu.memory_space<semaphore_mem>>
        tpu.enqueue_indirect_dma source(%dma_start3A_624 : memref<10000x16xf32, #tpu.memory_space<vmem_shared>>) target(%dma_start3A_618 : memref<128x16xf32, #tpu.memory_space<vmem>>) offsets(%dma_start3A_621 : memref<128xi32, #tpu.memory_space<vmem>>) semaphore(%dma_start3A_626 : memref<!tpu.dma_semaphore, #tpu.memory_space<semaphore_mem>>)
      } else {
      }
      %mul3A_553 = arith.constant 8 : i32
      %mul3A_554 = arith.muli %scan3A_250, %mul3A_553 : i32
      %add3A_555 = arith.constant 7 : i32
      %add3A_556 = arith.addi %mul3A_554, %add3A_555 : i32
      %dma_wait3A_557 = arith.constant 7 : i32
      %dma_wait3A_558 = arith.constant 7 : i32
      %dma_wait3A_559 = arith.constant 0 : i32
      %dma_wait3A_560 = arith.constant 0 : i32
      %dma_wait3A_561 = tpu.memref_slice %arg8[%dma_wait3A_557, %dma_wait3A_559, %dma_wait3A_560] : memref<8x128x16xf32, #tpu.memory_space<vmem>> -> memref<1x128x16xf32, #tpu.memory_space<vmem>>
      %dma_wait3A_562 = tpu.memref_squeeze %dma_wait3A_561 : memref<1x128x16xf32, #tpu.memory_space<vmem>> -> memref<128x16xf32, #tpu.memory_space<vmem>>
      %dma_wait3A_563 = arith.constant 0 : i32
      %dma_wait3A_564 = tpu.memref_slice %arg6[%add3A_556, %dma_wait3A_563] : memref<80x128xi32, #tpu.memory_space<vmem>> -> memref<1x128xi32, #tpu.memory_space<vmem>>
      %dma_wait3A_565 = tpu.memref_squeeze %dma_wait3A_564 : memref<1x128xi32, #tpu.memory_space<vmem>> -> memref<128xi32, #tpu.memory_space<vmem>>
      %dma_wait3A_566 = arith.constant 0 : i32
      %dma_wait3A_567 = arith.constant 0 : i32
      %dma_wait3A_568 = tpu.memref_slice %arg10[%dma_wait3A_566, %dma_wait3A_567] : memref<10000x16xf32, #tpu.memory_space<vmem_shared>> -> memref<10000x16xf32, #tpu.memory_space<vmem_shared>>
      %dma_wait3A_569 = tpu.memref_slice %arg11[%dma_wait3A_558] : memref<8x!tpu.dma_semaphore, #tpu.memory_space<semaphore_mem>> -> memref<1x!tpu.dma_semaphore, #tpu.memory_space<semaphore_mem>>
      %dma_wait3A_570 = tpu.memref_squeeze %dma_wait3A_569 : memref<1x!tpu.dma_semaphore, #tpu.memory_space<semaphore_mem>> -> memref<!tpu.dma_semaphore, #tpu.memory_space<semaphore_mem>>
      tpu.wait_indirect_dma semaphore(%dma_wait3A_570 : memref<!tpu.dma_semaphore, #tpu.memory_space<semaphore_mem>>) src(%dma_wait3A_568 : memref<10000x16xf32, #tpu.memory_space<vmem_shared>>) dst(%dma_wait3A_562 : memref<128x16xf32, #tpu.memory_space<vmem>>)
      %dma_start3A_571 = arith.constant 7 : i32
      %dma_start3A_572 = arith.constant 7 : i32
      %dma_start3A_573 = arith.constant 0 : i32
      %dma_start3A_574 = arith.constant 0 : i32
      %dma_start3A_575 = tpu.memref_slice %arg8[%dma_start3A_571, %dma_start3A_573, %dma_start3A_574] : memref<8x128x16xf32, #tpu.memory_space<vmem>> -> memref<1x128x16xf32, #tpu.memory_space<vmem>>
      %dma_start3A_576 = tpu.memref_squeeze %dma_start3A_575 : memref<1x128x16xf32, #tpu.memory_space<vmem>> -> memref<128x16xf32, #tpu.memory_space<vmem>>
      %dma_start3A_577 = arith.constant 0 : i32
      %dma_start3A_578 = tpu.memref_slice %arg7[%add3A_556, %dma_start3A_577] : memref<80x128xi32, #tpu.memory_space<vmem>> -> memref<1x128xi32, #tpu.memory_space<vmem>>
      %dma_start3A_579 = tpu.memref_squeeze %dma_start3A_578 : memref<1x128xi32, #tpu.memory_space<vmem>> -> memref<128xi32, #tpu.memory_space<vmem>>
      %dma_start3A_580 = arith.constant 0 : i32
      %dma_start3A_581 = arith.constant 0 : i32
      %dma_start3A_582 = tpu.memref_slice %arg9[%dma_start3A_580, %dma_start3A_581] : memref<10240x16xf32, #tpu.memory_space<vmem_shared>> -> memref<10240x16xf32, #tpu.memory_space<vmem_shared>>
      %dma_start3A_583 = tpu.memref_slice %arg12[%dma_start3A_572] : memref<8x!tpu.dma_semaphore, #tpu.memory_space<semaphore_mem>> -> memref<1x!tpu.dma_semaphore, #tpu.memory_space<semaphore_mem>>
      %dma_start3A_584 = tpu.memref_squeeze %dma_start3A_583 : memref<1x!tpu.dma_semaphore, #tpu.memory_space<semaphore_mem>> -> memref<!tpu.dma_semaphore, #tpu.memory_space<semaphore_mem>>
      tpu.enqueue_indirect_dma source(%dma_start3A_576 : memref<128x16xf32, #tpu.memory_space<vmem>>) target(%dma_start3A_582 : memref<10240x16xf32, #tpu.memory_space<vmem_shared>>) offsets(%dma_start3A_579 : memref<128xi32, #tpu.memory_space<vmem>>) semaphore(%dma_start3A_584 : memref<!tpu.dma_semaphore, #tpu.memory_space<semaphore_mem>>) {add = true}
      %sub3A_585 = arith.constant 6 : i32
      %sub3A_586 = arith.subi %add3A_556, %sub3A_585 : i32
      %ge3A_587 = arith.constant 0 : i32
      %ge3A_588 = arith.cmpi sge, %sub3A_586, %ge3A_587 : i32
      %add3A_589 = arith.constant 8 : i32
      %add3A_590 = arith.addi %sub3A_586, %add3A_589 : i32
      %lt3A_591 = arith.constant 80 : i32
      %lt3A_592 = arith.cmpi slt, %add3A_590, %lt3A_591 : i32
      %and3A_593 = arith.andi %ge3A_588, %lt3A_592 : i1
      %convert_element_type3A_594 = arith.extui %and3A_593 : i1 to i32
      %cond3A_595 = arith.constant 0 : i32
      %cond3A_596 = arith.cmpi ne, %convert_element_type3A_594, %cond3A_595 : i32
      scf.if %cond3A_596 {
        %dma_wait3A_597 = arith.constant 1 : i32
        %dma_wait3A_598 = arith.constant 1 : i32
        %dma_wait3A_599 = arith.constant 0 : i32
        %dma_wait3A_600 = arith.constant 0 : i32
        %dma_wait3A_601 = tpu.memref_slice %arg8[%dma_wait3A_597, %dma_wait3A_599, %dma_wait3A_600] : memref<8x128x16xf32, #tpu.memory_space<vmem>> -> memref<1x128x16xf32, #tpu.memory_space<vmem>>
        %dma_wait3A_602 = tpu.memref_squeeze %dma_wait3A_601 : memref<1x128x16xf32, #tpu.memory_space<vmem>> -> memref<128x16xf32, #tpu.memory_space<vmem>>
        %dma_wait3A_603 = arith.constant 0 : i32
        %dma_wait3A_604 = tpu.memref_slice %arg7[%sub3A_586, %dma_wait3A_603] : memref<80x128xi32, #tpu.memory_space<vmem>> -> memref<1x128xi32, #tpu.memory_space<vmem>>
        %dma_wait3A_605 = tpu.memref_squeeze %dma_wait3A_604 : memref<1x128xi32, #tpu.memory_space<vmem>> -> memref<128xi32, #tpu.memory_space<vmem>>
        %dma_wait3A_606 = arith.constant 0 : i32
        %dma_wait3A_607 = arith.constant 0 : i32
        %dma_wait3A_608 = tpu.memref_slice %arg9[%dma_wait3A_606, %dma_wait3A_607] : memref<10240x16xf32, #tpu.memory_space<vmem_shared>> -> memref<10240x16xf32, #tpu.memory_space<vmem_shared>>
        %dma_wait3A_609 = tpu.memref_slice %arg12[%dma_wait3A_598] : memref<8x!tpu.dma_semaphore, #tpu.memory_space<semaphore_mem>> -> memref<1x!tpu.dma_semaphore, #tpu.memory_space<semaphore_mem>>
        %dma_wait3A_610 = tpu.memref_squeeze %dma_wait3A_609 : memref<1x!tpu.dma_semaphore, #tpu.memory_space<semaphore_mem>> -> memref<!tpu.dma_semaphore, #tpu.memory_space<semaphore_mem>>
        tpu.wait_indirect_dma semaphore(%dma_wait3A_610 : memref<!tpu.dma_semaphore, #tpu.memory_space<semaphore_mem>>) src(%dma_wait3A_602 : memref<128x16xf32, #tpu.memory_space<vmem>>) dst(%dma_wait3A_608 : memref<10240x16xf32, #tpu.memory_space<vmem_shared>>)
        %add3A_611 = arith.constant 8 : i32
        %add3A_612 = arith.addi %sub3A_586, %add3A_611 : i32
        %dma_start3A_613 = arith.constant 1 : i32
        %dma_start3A_614 = arith.constant 1 : i32
        %dma_start3A_615 = arith.constant 0 : i32
        %dma_start3A_616 = arith.constant 0 : i32
        %dma_start3A_617 = tpu.memref_slice %arg8[%dma_start3A_613, %dma_start3A_615, %dma_start3A_616] : memref<8x128x16xf32, #tpu.memory_space<vmem>> -> memref<1x128x16xf32, #tpu.memory_space<vmem>>
        %dma_start3A_618 = tpu.memref_squeeze %dma_start3A_617 : memref<1x128x16xf32, #tpu.memory_space<vmem>> -> memref<128x16xf32, #tpu.memory_space<vmem>>
        %dma_start3A_619 = arith.constant 0 : i32
        %dma_start3A_620 = tpu.memref_slice %arg6[%add3A_612, %dma_start3A_619] : memref<80x128xi32, #tpu.memory_space<vmem>> -> memref<1x128xi32, #tpu.memory_space<vmem>>
        %dma_start3A_621 = tpu.memref_squeeze %dma_start3A_620 : memref<1x128xi32, #tpu.memory_space<vmem>> -> memref<128xi32, #tpu.memory_space<vmem>>
        %dma_start3A_622 = arith.constant 0 : i32
        %dma_start3A_623 = arith.constant 0 : i32
        %dma_start3A_624 = tpu.memref_slice %arg10[%dma_start3A_622, %dma_start3A_623] : memref<10000x16xf32, #tpu.memory_space<vmem_shared>> -> memref<10000x16xf32, #tpu.memory_space<vmem_shared>>
        %dma_start3A_625 = tpu.memref_slice %arg11[%dma_start3A_614] : memref<8x!tpu.dma_semaphore, #tpu.memory_space<semaphore_mem>> -> memref<1x!tpu.dma_semaphore, #tpu.memory_space<semaphore_mem>>
        %dma_start3A_626 = tpu.memref_squeeze %dma_start3A_625 : memref<1x!tpu.dma_semaphore, #tpu.memory_space<semaphore_mem>> -> memref<!tpu.dma_semaphore, #tpu.memory_space<semaphore_mem>>
        tpu.enqueue_indirect_dma source(%dma_start3A_624 : memref<10000x16xf32, #tpu.memory_space<vmem_shared>>) target(%dma_start3A_618 : memref<128x16xf32, #tpu.memory_space<vmem>>) offsets(%dma_start3A_621 : memref<128xi32, #tpu.memory_space<vmem>>) semaphore(%dma_start3A_626 : memref<!tpu.dma_semaphore, #tpu.memory_space<semaphore_mem>>)
      } else {
      }
    }
    %scan3A_129 = arith.constant 10 : i32
    %dma_wait3A = arith.constant 0 : i32
    %dma_wait3A_130 = arith.constant 72 : i32
    %dma_wait3A_131 = arith.constant 0 : i32
    %dma_wait3A_132 = arith.constant 0 : i32
    %dma_wait3A_133 = arith.constant 0 : i32
    %dma_wait3A_134 = tpu.memref_slice %arg8[%dma_wait3A, %dma_wait3A_132, %dma_wait3A_133] : memref<8x128x16xf32, #tpu.memory_space<vmem>> -> memref<1x128x16xf32, #tpu.memory_space<vmem>>
    %dma_wait3A_135 = tpu.memref_squeeze %dma_wait3A_134 : memref<1x128x16xf32, #tpu.memory_space<vmem>> -> memref<128x16xf32, #tpu.memory_space<vmem>>
    %dma_wait3A_136 = arith.constant 0 : i32
    %dma_wait3A_137 = tpu.memref_slice %arg7[%dma_wait3A_130, %dma_wait3A_136] : memref<80x128xi32, #tpu.memory_space<vmem>> -> memref<1x128xi32, #tpu.memory_space<vmem>>
    %dma_wait3A_138 = tpu.memref_squeeze %dma_wait3A_137 : memref<1x128xi32, #tpu.memory_space<vmem>> -> memref<128xi32, #tpu.memory_space<vmem>>
    %dma_wait3A_139 = arith.constant 0 : i32
    %dma_wait3A_140 = arith.constant 0 : i32
    %dma_wait3A_141 = tpu.memref_slice %arg9[%dma_wait3A_139, %dma_wait3A_140] : memref<10240x16xf32, #tpu.memory_space<vmem_shared>> -> memref<10240x16xf32, #tpu.memory_space<vmem_shared>>
    %dma_wait3A_142 = tpu.memref_slice %arg12[%dma_wait3A_131] : memref<8x!tpu.dma_semaphore, #tpu.memory_space<semaphore_mem>> -> memref<1x!tpu.dma_semaphore, #tpu.memory_space<semaphore_mem>>
    %dma_wait3A_143 = tpu.memref_squeeze %dma_wait3A_142 : memref<1x!tpu.dma_semaphore, #tpu.memory_space<semaphore_mem>> -> memref<!tpu.dma_semaphore, #tpu.memory_space<semaphore_mem>>
    tpu.wait_indirect_dma semaphore(%dma_wait3A_143 : memref<!tpu.dma_semaphore, #tpu.memory_space<semaphore_mem>>) src(%dma_wait3A_135 : memref<128x16xf32, #tpu.memory_space<vmem>>) dst(%dma_wait3A_141 : memref<10240x16xf32, #tpu.memory_space<vmem_shared>>)
    %dma_wait3A_144 = arith.constant 1 : i32
    %dma_wait3A_145 = arith.constant 73 : i32
    %dma_wait3A_146 = arith.constant 1 : i32
    %dma_wait3A_147 = arith.constant 0 : i32
    %dma_wait3A_148 = arith.constant 0 : i32
    %dma_wait3A_149 = tpu.memref_slice %arg8[%dma_wait3A_144, %dma_wait3A_147, %dma_wait3A_148] : memref<8x128x16xf32, #tpu.memory_space<vmem>> -> memref<1x128x16xf32, #tpu.memory_space<vmem>>
    %dma_wait3A_150 = tpu.memref_squeeze %dma_wait3A_149 : memref<1x128x16xf32, #tpu.memory_space<vmem>> -> memref<128x16xf32, #tpu.memory_space<vmem>>
    %dma_wait3A_151 = arith.constant 0 : i32
    %dma_wait3A_152 = tpu.memref_slice %arg7[%dma_wait3A_145, %dma_wait3A_151] : memref<80x128xi32, #tpu.memory_space<vmem>> -> memref<1x128xi32, #tpu.memory_space<vmem>>
    %dma_wait3A_153 = tpu.memref_squeeze %dma_wait3A_152 : memref<1x128xi32, #tpu.memory_space<vmem>> -> memref<128xi32, #tpu.memory_space<vmem>>
    %dma_wait3A_154 = arith.constant 0 : i32
    %dma_wait3A_155 = arith.constant 0 : i32
    %dma_wait3A_156 = tpu.memref_slice %arg9[%dma_wait3A_154, %dma_wait3A_155] : memref<10240x16xf32, #tpu.memory_space<vmem_shared>> -> memref<10240x16xf32, #tpu.memory_space<vmem_shared>>
    %dma_wait3A_157 = tpu.memref_slice %arg12[%dma_wait3A_146] : memref<8x!tpu.dma_semaphore, #tpu.memory_space<semaphore_mem>> -> memref<1x!tpu.dma_semaphore, #tpu.memory_space<semaphore_mem>>
    %dma_wait3A_158 = tpu.memref_squeeze %dma_wait3A_157 : memref<1x!tpu.dma_semaphore, #tpu.memory_space<semaphore_mem>> -> memref<!tpu.dma_semaphore, #tpu.memory_space<semaphore_mem>>
    tpu.wait_indirect_dma semaphore(%dma_wait3A_158 : memref<!tpu.dma_semaphore, #tpu.memory_space<semaphore_mem>>) src(%dma_wait3A_150 : memref<128x16xf32, #tpu.memory_space<vmem>>) dst(%dma_wait3A_156 : memref<10240x16xf32, #tpu.memory_space<vmem_shared>>)
    %dma_wait3A_159 = arith.constant 2 : i32
    %dma_wait3A_160 = arith.constant 74 : i32
    %dma_wait3A_161 = arith.constant 2 : i32
    %dma_wait3A_162 = arith.constant 0 : i32
    %dma_wait3A_163 = arith.constant 0 : i32
    %dma_wait3A_164 = tpu.memref_slice %arg8[%dma_wait3A_159, %dma_wait3A_162, %dma_wait3A_163] : memref<8x128x16xf32, #tpu.memory_space<vmem>> -> memref<1x128x16xf32, #tpu.memory_space<vmem>>
    %dma_wait3A_165 = tpu.memref_squeeze %dma_wait3A_164 : memref<1x128x16xf32, #tpu.memory_space<vmem>> -> memref<128x16xf32, #tpu.memory_space<vmem>>
    %dma_wait3A_166 = arith.constant 0 : i32
    %dma_wait3A_167 = tpu.memref_slice %arg7[%dma_wait3A_160, %dma_wait3A_166] : memref<80x128xi32, #tpu.memory_space<vmem>> -> memref<1x128xi32, #tpu.memory_space<vmem>>
    %dma_wait3A_168 = tpu.memref_squeeze %dma_wait3A_167 : memref<1x128xi32, #tpu.memory_space<vmem>> -> memref<128xi32, #tpu.memory_space<vmem>>
    %dma_wait3A_169 = arith.constant 0 : i32
    %dma_wait3A_170 = arith.constant 0 : i32
    %dma_wait3A_171 = tpu.memref_slice %arg9[%dma_wait3A_169, %dma_wait3A_170] : memref<10240x16xf32, #tpu.memory_space<vmem_shared>> -> memref<10240x16xf32, #tpu.memory_space<vmem_shared>>
    %dma_wait3A_172 = tpu.memref_slice %arg12[%dma_wait3A_161] : memref<8x!tpu.dma_semaphore, #tpu.memory_space<semaphore_mem>> -> memref<1x!tpu.dma_semaphore, #tpu.memory_space<semaphore_mem>>
    %dma_wait3A_173 = tpu.memref_squeeze %dma_wait3A_172 : memref<1x!tpu.dma_semaphore, #tpu.memory_space<semaphore_mem>> -> memref<!tpu.dma_semaphore, #tpu.memory_space<semaphore_mem>>
    tpu.wait_indirect_dma semaphore(%dma_wait3A_173 : memref<!tpu.dma_semaphore, #tpu.memory_space<semaphore_mem>>) src(%dma_wait3A_165 : memref<128x16xf32, #tpu.memory_space<vmem>>) dst(%dma_wait3A_171 : memref<10240x16xf32, #tpu.memory_space<vmem_shared>>)
    %dma_wait3A_174 = arith.constant 3 : i32
    %dma_wait3A_175 = arith.constant 75 : i32
    %dma_wait3A_176 = arith.constant 3 : i32
    %dma_wait3A_177 = arith.constant 0 : i32
    %dma_wait3A_178 = arith.constant 0 : i32
    %dma_wait3A_179 = tpu.memref_slice %arg8[%dma_wait3A_174, %dma_wait3A_177, %dma_wait3A_178] : memref<8x128x16xf32, #tpu.memory_space<vmem>> -> memref<1x128x16xf32, #tpu.memory_space<vmem>>
    %dma_wait3A_180 = tpu.memref_squeeze %dma_wait3A_179 : memref<1x128x16xf32, #tpu.memory_space<vmem>> -> memref<128x16xf32, #tpu.memory_space<vmem>>
    %dma_wait3A_181 = arith.constant 0 : i32
    %dma_wait3A_182 = tpu.memref_slice %arg7[%dma_wait3A_175, %dma_wait3A_181] : memref<80x128xi32, #tpu.memory_space<vmem>> -> memref<1x128xi32, #tpu.memory_space<vmem>>
    %dma_wait3A_183 = tpu.memref_squeeze %dma_wait3A_182 : memref<1x128xi32, #tpu.memory_space<vmem>> -> memref<128xi32, #tpu.memory_space<vmem>>
    %dma_wait3A_184 = arith.constant 0 : i32
    %dma_wait3A_185 = arith.constant 0 : i32
    %dma_wait3A_186 = tpu.memref_slice %arg9[%dma_wait3A_184, %dma_wait3A_185] : memref<10240x16xf32, #tpu.memory_space<vmem_shared>> -> memref<10240x16xf32, #tpu.memory_space<vmem_shared>>
    %dma_wait3A_187 = tpu.memref_slice %arg12[%dma_wait3A_176] : memref<8x!tpu.dma_semaphore, #tpu.memory_space<semaphore_mem>> -> memref<1x!tpu.dma_semaphore, #tpu.memory_space<semaphore_mem>>
    %dma_wait3A_188 = tpu.memref_squeeze %dma_wait3A_187 : memref<1x!tpu.dma_semaphore, #tpu.memory_space<semaphore_mem>> -> memref<!tpu.dma_semaphore, #tpu.memory_space<semaphore_mem>>
    tpu.wait_indirect_dma semaphore(%dma_wait3A_188 : memref<!tpu.dma_semaphore, #tpu.memory_space<semaphore_mem>>) src(%dma_wait3A_180 : memref<128x16xf32, #tpu.memory_space<vmem>>) dst(%dma_wait3A_186 : memref<10240x16xf32, #tpu.memory_space<vmem_shared>>)
    %dma_wait3A_189 = arith.constant 4 : i32
    %dma_wait3A_190 = arith.constant 76 : i32
    %dma_wait3A_191 = arith.constant 4 : i32
    %dma_wait3A_192 = arith.constant 0 : i32
    %dma_wait3A_193 = arith.constant 0 : i32
    %dma_wait3A_194 = tpu.memref_slice %arg8[%dma_wait3A_189, %dma_wait3A_192, %dma_wait3A_193] : memref<8x128x16xf32, #tpu.memory_space<vmem>> -> memref<1x128x16xf32, #tpu.memory_space<vmem>>
    %dma_wait3A_195 = tpu.memref_squeeze %dma_wait3A_194 : memref<1x128x16xf32, #tpu.memory_space<vmem>> -> memref<128x16xf32, #tpu.memory_space<vmem>>
    %dma_wait3A_196 = arith.constant 0 : i32
    %dma_wait3A_197 = tpu.memref_slice %arg7[%dma_wait3A_190, %dma_wait3A_196] : memref<80x128xi32, #tpu.memory_space<vmem>> -> memref<1x128xi32, #tpu.memory_space<vmem>>
    %dma_wait3A_198 = tpu.memref_squeeze %dma_wait3A_197 : memref<1x128xi32, #tpu.memory_space<vmem>> -> memref<128xi32, #tpu.memory_space<vmem>>
    %dma_wait3A_199 = arith.constant 0 : i32
    %dma_wait3A_200 = arith.constant 0 : i32
    %dma_wait3A_201 = tpu.memref_slice %arg9[%dma_wait3A_199, %dma_wait3A_200] : memref<10240x16xf32, #tpu.memory_space<vmem_shared>> -> memref<10240x16xf32, #tpu.memory_space<vmem_shared>>
    %dma_wait3A_202 = tpu.memref_slice %arg12[%dma_wait3A_191] : memref<8x!tpu.dma_semaphore, #tpu.memory_space<semaphore_mem>> -> memref<1x!tpu.dma_semaphore, #tpu.memory_space<semaphore_mem>>
    %dma_wait3A_203 = tpu.memref_squeeze %dma_wait3A_202 : memref<1x!tpu.dma_semaphore, #tpu.memory_space<semaphore_mem>> -> memref<!tpu.dma_semaphore, #tpu.memory_space<semaphore_mem>>
    tpu.wait_indirect_dma semaphore(%dma_wait3A_203 : memref<!tpu.dma_semaphore, #tpu.memory_space<semaphore_mem>>) src(%dma_wait3A_195 : memref<128x16xf32, #tpu.memory_space<vmem>>) dst(%dma_wait3A_201 : memref<10240x16xf32, #tpu.memory_space<vmem_shared>>)
    %dma_wait3A_204 = arith.constant 5 : i32
    %dma_wait3A_205 = arith.constant 77 : i32
    %dma_wait3A_206 = arith.constant 5 : i32
    %dma_wait3A_207 = arith.constant 0 : i32
    %dma_wait3A_208 = arith.constant 0 : i32
    %dma_wait3A_209 = tpu.memref_slice %arg8[%dma_wait3A_204, %dma_wait3A_207, %dma_wait3A_208] : memref<8x128x16xf32, #tpu.memory_space<vmem>> -> memref<1x128x16xf32, #tpu.memory_space<vmem>>
    %dma_wait3A_210 = tpu.memref_squeeze %dma_wait3A_209 : memref<1x128x16xf32, #tpu.memory_space<vmem>> -> memref<128x16xf32, #tpu.memory_space<vmem>>
    %dma_wait3A_211 = arith.constant 0 : i32
    %dma_wait3A_212 = tpu.memref_slice %arg7[%dma_wait3A_205, %dma_wait3A_211] : memref<80x128xi32, #tpu.memory_space<vmem>> -> memref<1x128xi32, #tpu.memory_space<vmem>>
    %dma_wait3A_213 = tpu.memref_squeeze %dma_wait3A_212 : memref<1x128xi32, #tpu.memory_space<vmem>> -> memref<128xi32, #tpu.memory_space<vmem>>
    %dma_wait3A_214 = arith.constant 0 : i32
    %dma_wait3A_215 = arith.constant 0 : i32
    %dma_wait3A_216 = tpu.memref_slice %arg9[%dma_wait3A_214, %dma_wait3A_215] : memref<10240x16xf32, #tpu.memory_space<vmem_shared>> -> memref<10240x16xf32, #tpu.memory_space<vmem_shared>>
    %dma_wait3A_217 = tpu.memref_slice %arg12[%dma_wait3A_206] : memref<8x!tpu.dma_semaphore, #tpu.memory_space<semaphore_mem>> -> memref<1x!tpu.dma_semaphore, #tpu.memory_space<semaphore_mem>>
    %dma_wait3A_218 = tpu.memref_squeeze %dma_wait3A_217 : memref<1x!tpu.dma_semaphore, #tpu.memory_space<semaphore_mem>> -> memref<!tpu.dma_semaphore, #tpu.memory_space<semaphore_mem>>
    tpu.wait_indirect_dma semaphore(%dma_wait3A_218 : memref<!tpu.dma_semaphore, #tpu.memory_space<semaphore_mem>>) src(%dma_wait3A_210 : memref<128x16xf32, #tpu.memory_space<vmem>>) dst(%dma_wait3A_216 : memref<10240x16xf32, #tpu.memory_space<vmem_shared>>)
    %dma_wait3A_219 = arith.constant 6 : i32
    %dma_wait3A_220 = arith.constant 78 : i32
    %dma_wait3A_221 = arith.constant 6 : i32
    %dma_wait3A_222 = arith.constant 0 : i32
    %dma_wait3A_223 = arith.constant 0 : i32
    %dma_wait3A_224 = tpu.memref_slice %arg8[%dma_wait3A_219, %dma_wait3A_222, %dma_wait3A_223] : memref<8x128x16xf32, #tpu.memory_space<vmem>> -> memref<1x128x16xf32, #tpu.memory_space<vmem>>
    %dma_wait3A_225 = tpu.memref_squeeze %dma_wait3A_224 : memref<1x128x16xf32, #tpu.memory_space<vmem>> -> memref<128x16xf32, #tpu.memory_space<vmem>>
    %dma_wait3A_226 = arith.constant 0 : i32
    %dma_wait3A_227 = tpu.memref_slice %arg7[%dma_wait3A_220, %dma_wait3A_226] : memref<80x128xi32, #tpu.memory_space<vmem>> -> memref<1x128xi32, #tpu.memory_space<vmem>>
    %dma_wait3A_228 = tpu.memref_squeeze %dma_wait3A_227 : memref<1x128xi32, #tpu.memory_space<vmem>> -> memref<128xi32, #tpu.memory_space<vmem>>
    %dma_wait3A_229 = arith.constant 0 : i32
    %dma_wait3A_230 = arith.constant 0 : i32
    %dma_wait3A_231 = tpu.memref_slice %arg9[%dma_wait3A_229, %dma_wait3A_230] : memref<10240x16xf32, #tpu.memory_space<vmem_shared>> -> memref<10240x16xf32, #tpu.memory_space<vmem_shared>>
    %dma_wait3A_232 = tpu.memref_slice %arg12[%dma_wait3A_221] : memref<8x!tpu.dma_semaphore, #tpu.memory_space<semaphore_mem>> -> memref<1x!tpu.dma_semaphore, #tpu.memory_space<semaphore_mem>>
    %dma_wait3A_233 = tpu.memref_squeeze %dma_wait3A_232 : memref<1x!tpu.dma_semaphore, #tpu.memory_space<semaphore_mem>> -> memref<!tpu.dma_semaphore, #tpu.memory_space<semaphore_mem>>
    tpu.wait_indirect_dma semaphore(%dma_wait3A_233 : memref<!tpu.dma_semaphore, #tpu.memory_space<semaphore_mem>>) src(%dma_wait3A_225 : memref<128x16xf32, #tpu.memory_space<vmem>>) dst(%dma_wait3A_231 : memref<10240x16xf32, #tpu.memory_space<vmem_shared>>)
    %dma_wait3A_234 = arith.constant 7 : i32
    %dma_wait3A_235 = arith.constant 79 : i32
    %dma_wait3A_236 = arith.constant 7 : i32
    %dma_wait3A_237 = arith.constant 0 : i32
    %dma_wait3A_238 = arith.constant 0 : i32
    %dma_wait3A_239 = tpu.memref_slice %arg8[%dma_wait3A_234, %dma_wait3A_237, %dma_wait3A_238] : memref<8x128x16xf32, #tpu.memory_space<vmem>> -> memref<1x128x16xf32, #tpu.memory_space<vmem>>
    %dma_wait3A_240 = tpu.memref_squeeze %dma_wait3A_239 : memref<1x128x16xf32, #tpu.memory_space<vmem>> -> memref<128x16xf32, #tpu.memory_space<vmem>>
    %dma_wait3A_241 = arith.constant 0 : i32
    %dma_wait3A_242 = tpu.memref_slice %arg7[%dma_wait3A_235, %dma_wait3A_241] : memref<80x128xi32, #tpu.memory_space<vmem>> -> memref<1x128xi32, #tpu.memory_space<vmem>>
    %dma_wait3A_243 = tpu.memref_squeeze %dma_wait3A_242 : memref<1x128xi32, #tpu.memory_space<vmem>> -> memref<128xi32, #tpu.memory_space<vmem>>
    %dma_wait3A_244 = arith.constant 0 : i32
    %dma_wait3A_245 = arith.constant 0 : i32
    %dma_wait3A_246 = tpu.memref_slice %arg9[%dma_wait3A_244, %dma_wait3A_245] : memref<10240x16xf32, #tpu.memory_space<vmem_shared>> -> memref<10240x16xf32, #tpu.memory_space<vmem_shared>>
    %dma_wait3A_247 = tpu.memref_slice %arg12[%dma_wait3A_236] : memref<8x!tpu.dma_semaphore, #tpu.memory_space<semaphore_mem>> -> memref<1x!tpu.dma_semaphore, #tpu.memory_space<semaphore_mem>>
    %dma_wait3A_248 = tpu.memref_squeeze %dma_wait3A_247 : memref<1x!tpu.dma_semaphore, #tpu.memory_space<semaphore_mem>> -> memref<!tpu.dma_semaphore, #tpu.memory_space<semaphore_mem>>
    tpu.wait_indirect_dma semaphore(%dma_wait3A_248 : memref<!tpu.dma_semaphore, #tpu.memory_space<semaphore_mem>>) src(%dma_wait3A_240 : memref<128x16xf32, #tpu.memory_space<vmem>>) dst(%dma_wait3A_246 : memref<10240x16xf32, #tpu.memory_space<vmem_shared>>)
    %barrier3A_249 = arith.constant 0 : index
    tpu.barrier barrier_id(%barrier3A_249)
    "tpu.region"() ({
      %run_scoped3A_250 = tpu.sem_alloc : memref<!tpu.dma_semaphore, #tpu.memory_space<semaphore_mem>>
      %dma_start3A_251 = arith.constant 0 : i32
      %dma_start3A_252 = arith.constant 0 : i32
      %dma_start3A_253 = tpu.memref_slice %arg5[%arg0, %dma_start3A_251, %dma_start3A_252] : memref<2x10240x16xf32, #tpu.memory_space<hbm>> -> memref<1x10240x16xf32, #tpu.memory_space<hbm>>
      %dma_start3A_254 = tpu.memref_squeeze %dma_start3A_253 : memref<1x10240x16xf32, #tpu.memory_space<hbm>> -> memref<10240x16xf32, #tpu.memory_space<hbm>>
      %dma_start3A_255 = arith.constant 0 : i32
      %dma_start3A_256 = tpu.memref_slice %dma_start3A_254[%mul3A_2, %dma_start3A_255] : memref<10240x16xf32, #tpu.memory_space<hbm>> -> memref<640x16xf32, #tpu.memory_space<hbm>>
      %dma_start3A_257 = arith.constant 0 : i32
      %dma_start3A_258 = tpu.memref_slice %arg9[%mul3A_2, %dma_start3A_257] : memref<10240x16xf32, #tpu.memory_space<vmem_shared>> -> memref<640x16xf32, #tpu.memory_space<vmem_shared>>
      tpu.enqueue_dma source(%dma_start3A_258 : memref<640x16xf32, #tpu.memory_space<vmem_shared>>) target(%dma_start3A_256 : memref<640x16xf32, #tpu.memory_space<hbm>>) target_semaphore(%run_scoped3A_250 : memref<!tpu.dma_semaphore, #tpu.memory_space<semaphore_mem>>)
      %dma_wait3A_259 = arith.constant 0 : i32
      %dma_wait3A_260 = arith.constant 0 : i32
      %dma_wait3A_261 = tpu.memref_slice %arg5[%arg0, %dma_wait3A_259, %dma_wait3A_260] : memref<2x10240x16xf32, #tpu.memory_space<hbm>> -> memref<1x10240x16xf32, #tpu.memory_space<hbm>>
      %dma_wait3A_262 = tpu.memref_squeeze %dma_wait3A_261 : memref<1x10240x16xf32, #tpu.memory_space<hbm>> -> memref<10240x16xf32, #tpu.memory_space<hbm>>
      %dma_wait3A_263 = arith.constant 0 : i32
      %dma_wait3A_264 = tpu.memref_slice %dma_wait3A_262[%mul3A_2, %dma_wait3A_263] : memref<10240x16xf32, #tpu.memory_space<hbm>> -> memref<640x16xf32, #tpu.memory_space<hbm>>
      %dma_wait3A_265 = arith.constant 0 : i32
      %dma_wait3A_266 = tpu.memref_slice %arg9[%mul3A_2, %dma_wait3A_265] : memref<10240x16xf32, #tpu.memory_space<vmem_shared>> -> memref<640x16xf32, #tpu.memory_space<vmem_shared>>
      tpu.wait_dma2 semaphore(%run_scoped3A_250 : memref<!tpu.dma_semaphore, #tpu.memory_space<semaphore_mem>>) src(%dma_wait3A_266 : memref<640x16xf32, #tpu.memory_space<vmem_shared>>) dst(%dma_wait3A_264 : memref<640x16xf32, #tpu.memory_space<hbm>>)
      tpu.yield
    }) : () -> ()
    return
  }
}

#map = affine_map<(d0, d1) -> (0, 0)>
#map1 = affine_map<(d0, d1) -> (0, 0, 0, 0)>
#map2 = affine_map<(d0, d1) -> (0, 0, 0)>
module attributes {stable_mosaic.version = 14 : i64} {
  func.func @_sc_scatter(%arg0: i32, %arg1: i32, %arg2: memref<10000x16xf32, #tpu.memory_space<hbm>>, %arg3: memref<2x32x80x128xi32, #tpu.memory_space<hbm>>, %arg4: memref<640x16xf32, #tpu.memory_space<hbm>>, %arg5: memref<2x10240x16xf32, #tpu.memory_space<hbm>>, %arg6: memref<80x128xi32, #tpu.memory_space<vmem>>, %arg7: memref<80x128xi32, #tpu.memory_space<vmem>>, %arg8: memref<8x128x16xf32, #tpu.memory_space<vmem>>, %arg9: memref<10240x16xf32, #tpu.memory_space<vmem_shared>>, %arg10: memref<10000x16xf32, #tpu.memory_space<vmem_shared>>, %arg11: memref<8x!tpu.dma_semaphore, #tpu.memory_space<semaphore_mem>>, %arg12: memref<8x!tpu.dma_semaphore, #tpu.memory_space<semaphore_mem>>) attributes {dimension_semantics = [#tpu.dimension_semantics<core_parallel>, #tpu.dimension_semantics<subcore_parallel>], iteration_bounds = array<i64: 2, 16>, scalar_prefetch = 0 : i64, scratch_operands = 7 : i64, tpu.core_type = #tpu.core_type<sc_vector_subcore>, window_params = [{transform_indices = #map}, {transform_indices = #map1}, {transform_indices = #map}, {transform_indices = #map2}]} {
    %mul3A = arith.constant 2 : i32
    %mul3A_0 = arith.muli %arg1, %mul3A : i32
    %add3A = arith.addi %mul3A_0, %arg0 : i32
    %mul3A_1 = arith.constant 640 : i32
    %mul3A_2 = arith.muli %arg1, %mul3A_1 : i32
    "tpu.region"() ({
      %run_scoped3A_250 = tpu.sem_alloc : memref<!tpu.dma_semaphore, #tpu.memory_space<semaphore_mem>>
      %dma_start3A_251 = arith.constant 0 : i32
      %dma_start3A_252 = tpu.memref_slice %arg9[%mul3A_2, %dma_start3A_251] : memref<10240x16xf32, #tpu.memory_space<vmem_shared>> -> memref<640x16xf32, #tpu.memory_space<vmem_shared>>
      tpu.enqueue_dma source(%arg4 : memref<640x16xf32, #tpu.memory_space<hbm>>) target(%dma_start3A_252 : memref<640x16xf32, #tpu.memory_space<vmem_shared>>) target_semaphore(%run_scoped3A_250 : memref<!tpu.dma_semaphore, #tpu.memory_space<semaphore_mem>>)
      %dma_wait3A_253 = arith.constant 0 : i32
      %dma_wait3A_254 = tpu.memref_slice %arg9[%mul3A_2, %dma_wait3A_253] : memref<10240x16xf32, #tpu.memory_space<vmem_shared>> -> memref<640x16xf32, #tpu.memory_space<vmem_shared>>
      tpu.wait_dma2 semaphore(%run_scoped3A_250 : memref<!tpu.dma_semaphore, #tpu.memory_space<semaphore_mem>>) src(%arg4 : memref<640x16xf32, #tpu.memory_space<hbm>>) dst(%dma_wait3A_254 : memref<640x16xf32, #tpu.memory_space<vmem_shared>>)
      tpu.yield
    }) : () -> ()
    %mul3A_3 = arith.constant 625 : i32
    %mul3A_4 = arith.muli %arg1, %mul3A_3 : i32
    "tpu.region"() ({
      %run_scoped3A_250 = tpu.sem_alloc : memref<!tpu.dma_semaphore, #tpu.memory_space<semaphore_mem>>
      %dma_start3A_251 = arith.constant 0 : i32
      %dma_start3A_252 = tpu.memref_slice %arg10[%mul3A_4, %dma_start3A_251] : memref<10000x16xf32, #tpu.memory_space<vmem_shared>> -> memref<625x16xf32, #tpu.memory_space<vmem_shared>>
      %dma_start3A_253 = arith.constant 0 : i32
      %dma_start3A_254 = tpu.memref_slice %arg2[%mul3A_4, %dma_start3A_253] : memref<10000x16xf32, #tpu.memory_space<hbm>> -> memref<625x16xf32, #tpu.memory_space<hbm>>
      tpu.enqueue_dma source(%dma_start3A_254 : memref<625x16xf32, #tpu.memory_space<hbm>>) target(%dma_start3A_252 : memref<625x16xf32, #tpu.memory_space<vmem_shared>>) target_semaphore(%run_scoped3A_250 : memref<!tpu.dma_semaphore, #tpu.memory_space<semaphore_mem>>)
      %dma_wait3A_255 = arith.constant 0 : i32
      %dma_wait3A_256 = tpu.memref_slice %arg10[%mul3A_4, %dma_wait3A_255] : memref<10000x16xf32, #tpu.memory_space<vmem_shared>> -> memref<625x16xf32, #tpu.memory_space<vmem_shared>>
      %dma_wait3A_257 = arith.constant 0 : i32
      %dma_wait3A_258 = tpu.memref_slice %arg2[%mul3A_4, %dma_wait3A_257] : memref<10000x16xf32, #tpu.memory_space<hbm>> -> memref<625x16xf32, #tpu.memory_space<hbm>>
      tpu.wait_dma2 semaphore(%run_scoped3A_250 : memref<!tpu.dma_semaphore, #tpu.memory_space<semaphore_mem>>) src(%dma_wait3A_258 : memref<625x16xf32, #tpu.memory_space<hbm>>) dst(%dma_wait3A_256 : memref<625x16xf32, #tpu.memory_space<vmem_shared>>)
      tpu.yield
    }) : () -> ()
    %run_scoped3A = arith.constant 0 : i32
    "tpu.region"() ({
      %run_scoped3A_250 = tpu.sem_alloc : memref<!tpu.dma_semaphore, #tpu.memory_space<semaphore_mem>>
      %dma_start3A_251 = arith.constant 0 : i32
      %dma_start3A_252 = arith.constant 0 : i32
      %dma_start3A_253 = arith.constant 0 : i32
      %dma_start3A_254 = tpu.memref_slice %arg3[%run_scoped3A, %dma_start3A_251, %dma_start3A_252, %dma_start3A_253] : memref<2x32x80x128xi32, #tpu.memory_space<hbm>> -> memref<1x32x80x128xi32, #tpu.memory_space<hbm>>
      %dma_start3A_255 = tpu.memref_squeeze %dma_start3A_254 : memref<1x32x80x128xi32, #tpu.memory_space<hbm>> -> memref<32x80x128xi32, #tpu.memory_space<hbm>>
      %dma_start3A_256 = arith.constant 0 : i32
      %dma_start3A_257 = arith.constant 0 : i32
      %dma_start3A_258 = tpu.memref_slice %dma_start3A_255[%add3A, %dma_start3A_256, %dma_start3A_257] : memref<32x80x128xi32, #tpu.memory_space<hbm>> -> memref<1x80x128xi32, #tpu.memory_space<hbm>>
      %dma_start3A_259 = tpu.memref_squeeze %dma_start3A_258 : memref<1x80x128xi32, #tpu.memory_space<hbm>> -> memref<80x128xi32, #tpu.memory_space<hbm>>
      %dma_start3A_260 = arith.constant 0 : i32
      %dma_start3A_261 = arith.constant 0 : i32
      %dma_start3A_262 = arith.constant 0 : i32
      %dma_start3A_263 = tpu.memref_slice %arg3[%run_scoped3A, %dma_start3A_260, %dma_start3A_261, %dma_start3A_262] : memref<2x32x80x128xi32, #tpu.memory_space<hbm>> -> memref<1x32x80x128xi32, #tpu.memory_space<hbm>>
      %dma_start3A_264 = tpu.memref_squeeze %dma_start3A_263 : memref<1x32x80x128xi32, #tpu.memory_space<hbm>> -> memref<32x80x128xi32, #tpu.memory_space<hbm>>
      %dma_start3A_265 = arith.constant 0 : i32
      %dma_start3A_266 = arith.constant 0 : i32
      %dma_start3A_267 = tpu.memref_slice %dma_start3A_264[%add3A, %dma_start3A_265, %dma_start3A_266] : memref<32x80x128xi32, #tpu.memory_space<hbm>> -> memref<1x80x128xi32, #tpu.memory_space<hbm>>
      %dma_start3A_268 = tpu.memref_squeeze %dma_start3A_267 : memref<1x80x128xi32, #tpu.memory_space<hbm>> -> memref<80x128xi32, #tpu.memory_space<hbm>>
      tpu.enqueue_dma source(%dma_start3A_268 : memref<80x128xi32, #tpu.memory_space<hbm>>) target(%arg6 : memref<80x128xi32, #tpu.memory_space<vmem>>) target_semaphore(%run_scoped3A_250 : memref<!tpu.dma_semaphore, #tpu.memory_space<semaphore_mem>>)
      %dma_wait3A_269 = arith.constant 0 : i32
      %dma_wait3A_270 = arith.constant 0 : i32
      %dma_wait3A_271 = arith.constant 0 : i32
      %dma_wait3A_272 = tpu.memref_slice %arg3[%run_scoped3A, %dma_wait3A_269, %dma_wait3A_270, %dma_wait3A_271] : memref<2x32x80x128xi32, #tpu.memory_space<hbm>> -> memref<1x32x80x128xi32, #tpu.memory_space<hbm>>
      %dma_wait3A_273 = tpu.memref_squeeze %dma_wait3A_272 : memref<1x32x80x128xi32, #tpu.memory_space<hbm>> -> memref<32x80x128xi32, #tpu.memory_space<hbm>>
      %dma_wait3A_274 = arith.constant 0 : i32
      %dma_wait3A_275 = arith.constant 0 : i32
      %dma_wait3A_276 = tpu.memref_slice %dma_wait3A_273[%add3A, %dma_wait3A_274, %dma_wait3A_275] : memref<32x80x128xi32, #tpu.memory_space<hbm>> -> memref<1x80x128xi32, #tpu.memory_space<hbm>>
      %dma_wait3A_277 = tpu.memref_squeeze %dma_wait3A_276 : memref<1x80x128xi32, #tpu.memory_space<hbm>> -> memref<80x128xi32, #tpu.memory_space<hbm>>
      %dma_wait3A_278 = arith.constant 0 : i32
      %dma_wait3A_279 = arith.constant 0 : i32
      %dma_wait3A_280 = arith.constant 0 : i32
      %dma_wait3A_281 = tpu.memref_slice %arg3[%run_scoped3A, %dma_wait3A_278, %dma_wait3A_279, %dma_wait3A_280] : memref<2x32x80x128xi32, #tpu.memory_space<hbm>> -> memref<1x32x80x128xi32, #tpu.memory_space<hbm>>
      %dma_wait3A_282 = tpu.memref_squeeze %dma_wait3A_281 : memref<1x32x80x128xi32, #tpu.memory_space<hbm>> -> memref<32x80x128xi32, #tpu.memory_space<hbm>>
      %dma_wait3A_283 = arith.constant 0 : i32
      %dma_wait3A_284 = arith.constant 0 : i32
      %dma_wait3A_285 = tpu.memref_slice %dma_wait3A_282[%add3A, %dma_wait3A_283, %dma_wait3A_284] : memref<32x80x128xi32, #tpu.memory_space<hbm>> -> memref<1x80x128xi32, #tpu.memory_space<hbm>>
      %dma_wait3A_286 = tpu.memref_squeeze %dma_wait3A_285 : memref<1x80x128xi32, #tpu.memory_space<hbm>> -> memref<80x128xi32, #tpu.memory_space<hbm>>
      tpu.wait_dma2 semaphore(%run_scoped3A_250 : memref<!tpu.dma_semaphore, #tpu.memory_space<semaphore_mem>>) src(%dma_wait3A_286 : memref<80x128xi32, #tpu.memory_space<hbm>>) dst(%arg6 : memref<80x128xi32, #tpu.memory_space<vmem>>)
      tpu.yield
    }) : () -> ()
    %run_scoped3A_5 = arith.constant 1 : i32
    "tpu.region"() ({
      %run_scoped3A_250 = tpu.sem_alloc : memref<!tpu.dma_semaphore, #tpu.memory_space<semaphore_mem>>
      %dma_start3A_251 = arith.constant 0 : i32
      %dma_start3A_252 = arith.constant 0 : i32
      %dma_start3A_253 = arith.constant 0 : i32
      %dma_start3A_254 = tpu.memref_slice %arg3[%run_scoped3A_5, %dma_start3A_251, %dma_start3A_252, %dma_start3A_253] : memref<2x32x80x128xi32, #tpu.memory_space<hbm>> -> memref<1x32x80x128xi32, #tpu.memory_space<hbm>>
      %dma_start3A_255 = tpu.memref_squeeze %dma_start3A_254 : memref<1x32x80x128xi32, #tpu.memory_space<hbm>> -> memref<32x80x128xi32, #tpu.memory_space<hbm>>
      %dma_start3A_256 = arith.constant 0 : i32
      %dma_start3A_257 = arith.constant 0 : i32
      %dma_start3A_258 = tpu.memref_slice %dma_start3A_255[%add3A, %dma_start3A_256, %dma_start3A_257] : memref<32x80x128xi32, #tpu.memory_space<hbm>> -> memref<1x80x128xi32, #tpu.memory_space<hbm>>
      %dma_start3A_259 = tpu.memref_squeeze %dma_start3A_258 : memref<1x80x128xi32, #tpu.memory_space<hbm>> -> memref<80x128xi32, #tpu.memory_space<hbm>>
      %dma_start3A_260 = arith.constant 0 : i32
      %dma_start3A_261 = arith.constant 0 : i32
      %dma_start3A_262 = arith.constant 0 : i32
      %dma_start3A_263 = tpu.memref_slice %arg3[%run_scoped3A_5, %dma_start3A_260, %dma_start3A_261, %dma_start3A_262] : memref<2x32x80x128xi32, #tpu.memory_space<hbm>> -> memref<1x32x80x128xi32, #tpu.memory_space<hbm>>
      %dma_start3A_264 = tpu.memref_squeeze %dma_start3A_263 : memref<1x32x80x128xi32, #tpu.memory_space<hbm>> -> memref<32x80x128xi32, #tpu.memory_space<hbm>>
      %dma_start3A_265 = arith.constant 0 : i32
      %dma_start3A_266 = arith.constant 0 : i32
      %dma_start3A_267 = tpu.memref_slice %dma_start3A_264[%add3A, %dma_start3A_265, %dma_start3A_266] : memref<32x80x128xi32, #tpu.memory_space<hbm>> -> memref<1x80x128xi32, #tpu.memory_space<hbm>>
      %dma_start3A_268 = tpu.memref_squeeze %dma_start3A_267 : memref<1x80x128xi32, #tpu.memory_space<hbm>> -> memref<80x128xi32, #tpu.memory_space<hbm>>
      tpu.enqueue_dma source(%dma_start3A_268 : memref<80x128xi32, #tpu.memory_space<hbm>>) target(%arg7 : memref<80x128xi32, #tpu.memory_space<vmem>>) target_semaphore(%run_scoped3A_250 : memref<!tpu.dma_semaphore, #tpu.memory_space<semaphore_mem>>)
      %dma_wait3A_269 = arith.constant 0 : i32
      %dma_wait3A_270 = arith.constant 0 : i32
      %dma_wait3A_271 = arith.constant 0 : i32
      %dma_wait3A_272 = tpu.memref_slice %arg3[%run_scoped3A_5, %dma_wait3A_269, %dma_wait3A_270, %dma_wait3A_271] : memref<2x32x80x128xi32, #tpu.memory_space<hbm>> -> memref<1x32x80x128xi32, #tpu.memory_space<hbm>>
      %dma_wait3A_273 = tpu.memref_squeeze %dma_wait3A_272 : memref<1x32x80x128xi32, #tpu.memory_space<hbm>> -> memref<32x80x128xi32, #tpu.memory_space<hbm>>
      %dma_wait3A_274 = arith.constant 0 : i32
      %dma_wait3A_275 = arith.constant 0 : i32
      %dma_wait3A_276 = tpu.memref_slice %dma_wait3A_273[%add3A, %dma_wait3A_274, %dma_wait3A_275] : memref<32x80x128xi32, #tpu.memory_space<hbm>> -> memref<1x80x128xi32, #tpu.memory_space<hbm>>
      %dma_wait3A_277 = tpu.memref_squeeze %dma_wait3A_276 : memref<1x80x128xi32, #tpu.memory_space<hbm>> -> memref<80x128xi32, #tpu.memory_space<hbm>>
      %dma_wait3A_278 = arith.constant 0 : i32
      %dma_wait3A_279 = arith.constant 0 : i32
      %dma_wait3A_280 = arith.constant 0 : i32
      %dma_wait3A_281 = tpu.memref_slice %arg3[%run_scoped3A_5, %dma_wait3A_278, %dma_wait3A_279, %dma_wait3A_280] : memref<2x32x80x128xi32, #tpu.memory_space<hbm>> -> memref<1x32x80x128xi32, #tpu.memory_space<hbm>>
      %dma_wait3A_282 = tpu.memref_squeeze %dma_wait3A_281 : memref<1x32x80x128xi32, #tpu.memory_space<hbm>> -> memref<32x80x128xi32, #tpu.memory_space<hbm>>
      %dma_wait3A_283 = arith.constant 0 : i32
      %dma_wait3A_284 = arith.constant 0 : i32
      %dma_wait3A_285 = tpu.memref_slice %dma_wait3A_282[%add3A, %dma_wait3A_283, %dma_wait3A_284] : memref<32x80x128xi32, #tpu.memory_space<hbm>> -> memref<1x80x128xi32, #tpu.memory_space<hbm>>
      %dma_wait3A_286 = tpu.memref_squeeze %dma_wait3A_285 : memref<1x80x128xi32, #tpu.memory_space<hbm>> -> memref<80x128xi32, #tpu.memory_space<hbm>>
      tpu.wait_dma2 semaphore(%run_scoped3A_250 : memref<!tpu.dma_semaphore, #tpu.memory_space<semaphore_mem>>) src(%dma_wait3A_286 : memref<80x128xi32, #tpu.memory_space<hbm>>) dst(%arg7 : memref<80x128xi32, #tpu.memory_space<vmem>>)
      tpu.yield
    }) : () -> ()
    %barrier3A = arith.constant 0 : index
    tpu.barrier barrier_id(%barrier3A)
    %dma_start3A = arith.constant 0 : i32
    %dma_start3A_6 = arith.constant 0 : i32
    %dma_start3A_7 = arith.constant 0 : i32
    %dma_start3A_8 = arith.constant 0 : i32
    %dma_start3A_9 = arith.constant 0 : i32
    %dma_start3A_10 = tpu.memref_slice %arg8[%dma_start3A_6, %dma_start3A_8, %dma_start3A_9] : memref<8x128x16xf32, #tpu.memory_space<vmem>> -> memref<1x128x16xf32, #tpu.memory_space<vmem>>
    %dma_start3A_11 = tpu.memref_squeeze %dma_start3A_10 : memref<1x128x16xf32, #tpu.memory_space<vmem>> -> memref<128x16xf32, #tpu.memory_space<vmem>>
    %dma_start3A_12 = arith.constant 0 : i32
    %dma_start3A_13 = tpu.memref_slice %arg6[%dma_start3A, %dma_start3A_12] : memref<80x128xi32, #tpu.memory_space<vmem>> -> memref<1x128xi32, #tpu.memory_space<vmem>>
    %dma_start3A_14 = tpu.memref_squeeze %dma_start3A_13 : memref<1x128xi32, #tpu.memory_space<vmem>> -> memref<128xi32, #tpu.memory_space<vmem>>
    %dma_start3A_15 = arith.constant 0 : i32
    %dma_start3A_16 = arith.constant 0 : i32
    %dma_start3A_17 = tpu.memref_slice %arg10[%dma_start3A_15, %dma_start3A_16] : memref<10000x16xf32, #tpu.memory_space<vmem_shared>> -> memref<10000x16xf32, #tpu.memory_space<vmem_shared>>
    %dma_start3A_18 = tpu.memref_slice %arg11[%dma_start3A_7] : memref<8x!tpu.dma_semaphore, #tpu.memory_space<semaphore_mem>> -> memref<1x!tpu.dma_semaphore, #tpu.memory_space<semaphore_mem>>
    %dma_start3A_19 = tpu.memref_squeeze %dma_start3A_18 : memref<1x!tpu.dma_semaphore, #tpu.memory_space<semaphore_mem>> -> memref<!tpu.dma_semaphore, #tpu.memory_space<semaphore_mem>>
    tpu.enqueue_indirect_dma source(%dma_start3A_17 : memref<10000x16xf32, #tpu.memory_space<vmem_shared>>) target(%dma_start3A_11 : memref<128x16xf32, #tpu.memory_space<vmem>>) offsets(%dma_start3A_14 : memref<128xi32, #tpu.memory_space<vmem>>) semaphore(%dma_start3A_19 : memref<!tpu.dma_semaphore, #tpu.memory_space<semaphore_mem>>)
    %dma_start3A_20 = arith.constant 1 : i32
    %dma_start3A_21 = arith.constant 1 : i32
    %dma_start3A_22 = arith.constant 1 : i32
    %dma_start3A_23 = arith.constant 0 : i32
    %dma_start3A_24 = arith.constant 0 : i32
    %dma_start3A_25 = tpu.memref_slice %arg8[%dma_start3A_21, %dma_start3A_23, %dma_start3A_24] : memref<8x128x16xf32, #tpu.memory_space<vmem>> -> memref<1x128x16xf32, #tpu.memory_space<vmem>>
    %dma_start3A_26 = tpu.memref_squeeze %dma_start3A_25 : memref<1x128x16xf32, #tpu.memory_space<vmem>> -> memref<128x16xf32, #tpu.memory_space<vmem>>
    %dma_start3A_27 = arith.constant 0 : i32
    %dma_start3A_28 = tpu.memref_slice %arg6[%dma_start3A_20, %dma_start3A_27] : memref<80x128xi32, #tpu.memory_space<vmem>> -> memref<1x128xi32, #tpu.memory_space<vmem>>
    %dma_start3A_29 = tpu.memref_squeeze %dma_start3A_28 : memref<1x128xi32, #tpu.memory_space<vmem>> -> memref<128xi32, #tpu.memory_space<vmem>>
    %dma_start3A_30 = arith.constant 0 : i32
    %dma_start3A_31 = arith.constant 0 : i32
    %dma_start3A_32 = tpu.memref_slice %arg10[%dma_start3A_30, %dma_start3A_31] : memref<10000x16xf32, #tpu.memory_space<vmem_shared>> -> memref<10000x16xf32, #tpu.memory_space<vmem_shared>>
    %dma_start3A_33 = tpu.memref_slice %arg11[%dma_start3A_22] : memref<8x!tpu.dma_semaphore, #tpu.memory_space<semaphore_mem>> -> memref<1x!tpu.dma_semaphore, #tpu.memory_space<semaphore_mem>>
    %dma_start3A_34 = tpu.memref_squeeze %dma_start3A_33 : memref<1x!tpu.dma_semaphore, #tpu.memory_space<semaphore_mem>> -> memref<!tpu.dma_semaphore, #tpu.memory_space<semaphore_mem>>
    tpu.enqueue_indirect_dma source(%dma_start3A_32 : memref<10000x16xf32, #tpu.memory_space<vmem_shared>>) target(%dma_start3A_26 : memref<128x16xf32, #tpu.memory_space<vmem>>) offsets(%dma_start3A_29 : memref<128xi32, #tpu.memory_space<vmem>>) semaphore(%dma_start3A_34 : memref<!tpu.dma_semaphore, #tpu.memory_space<semaphore_mem>>)
    %dma_start3A_35 = arith.constant 2 : i32
    %dma_start3A_36 = arith.constant 2 : i32
    %dma_start3A_37 = arith.constant 2 : i32
    %dma_start3A_38 = arith.constant 0 : i32
    %dma_start3A_39 = arith.constant 0 : i32
    %dma_start3A_40 = tpu.memref_slice %arg8[%dma_start3A_36, %dma_start3A_38, %dma_start3A_39] : memref<8x128x16xf32, #tpu.memory_space<vmem>> -> memref<1x128x16xf32, #tpu.memory_space<vmem>>
    %dma_start3A_41 = tpu.memref_squeeze %dma_start3A_40 : memref<1x128x16xf32, #tpu.memory_space<vmem>> -> memref<128x16xf32, #tpu.memory_space<vmem>>
    %dma_start3A_42 = arith.constant 0 : i32
    %dma_start3A_43 = tpu.memref_slice %arg6[%dma_start3A_35, %dma_start3A_42] : memref<80x128xi32, #tpu.memory_space<vmem>> -> memref<1x128xi32, #tpu.memory_space<vmem>>
    %dma_start3A_44 = tpu.memref_squeeze %dma_start3A_43 : memref<1x128xi32, #tpu.memory_space<vmem>> -> memref<128xi32, #tpu.memory_space<vmem>>
    %dma_start3A_45 = arith.constant 0 : i32
    %dma_start3A_46 = arith.constant 0 : i32
    %dma_start3A_47 = tpu.memref_slice %arg10[%dma_start3A_45, %dma_start3A_46] : memref<10000x16xf32, #tpu.memory_space<vmem_shared>> -> memref<10000x16xf32, #tpu.memory_space<vmem_shared>>
    %dma_start3A_48 = tpu.memref_slice %arg11[%dma_start3A_37] : memref<8x!tpu.dma_semaphore, #tpu.memory_space<semaphore_mem>> -> memref<1x!tpu.dma_semaphore, #tpu.memory_space<semaphore_mem>>
    %dma_start3A_49 = tpu.memref_squeeze %dma_start3A_48 : memref<1x!tpu.dma_semaphore, #tpu.memory_space<semaphore_mem>> -> memref<!tpu.dma_semaphore, #tpu.memory_space<semaphore_mem>>
    tpu.enqueue_indirect_dma source(%dma_start3A_47 : memref<10000x16xf32, #tpu.memory_space<vmem_shared>>) target(%dma_start3A_41 : memref<128x16xf32, #tpu.memory_space<vmem>>) offsets(%dma_start3A_44 : memref<128xi32, #tpu.memory_space<vmem>>) semaphore(%dma_start3A_49 : memref<!tpu.dma_semaphore, #tpu.memory_space<semaphore_mem>>)
    %dma_start3A_50 = arith.constant 3 : i32
    %dma_start3A_51 = arith.constant 3 : i32
    %dma_start3A_52 = arith.constant 3 : i32
    %dma_start3A_53 = arith.constant 0 : i32
    %dma_start3A_54 = arith.constant 0 : i32
    %dma_start3A_55 = tpu.memref_slice %arg8[%dma_start3A_51, %dma_start3A_53, %dma_start3A_54] : memref<8x128x16xf32, #tpu.memory_space<vmem>> -> memref<1x128x16xf32, #tpu.memory_space<vmem>>
    %dma_start3A_56 = tpu.memref_squeeze %dma_start3A_55 : memref<1x128x16xf32, #tpu.memory_space<vmem>> -> memref<128x16xf32, #tpu.memory_space<vmem>>
    %dma_start3A_57 = arith.constant 0 : i32
    %dma_start3A_58 = tpu.memref_slice %arg6[%dma_start3A_50, %dma_start3A_57] : memref<80x128xi32, #tpu.memory_space<vmem>> -> memref<1x128xi32, #tpu.memory_space<vmem>>
    %dma_start3A_59 = tpu.memref_squeeze %dma_start3A_58 : memref<1x128xi32, #tpu.memory_space<vmem>> -> memref<128xi32, #tpu.memory_space<vmem>>
    %dma_start3A_60 = arith.constant 0 : i32
    %dma_start3A_61 = arith.constant 0 : i32
    %dma_start3A_62 = tpu.memref_slice %arg10[%dma_start3A_60, %dma_start3A_61] : memref<10000x16xf32, #tpu.memory_space<vmem_shared>> -> memref<10000x16xf32, #tpu.memory_space<vmem_shared>>
    %dma_start3A_63 = tpu.memref_slice %arg11[%dma_start3A_52] : memref<8x!tpu.dma_semaphore, #tpu.memory_space<semaphore_mem>> -> memref<1x!tpu.dma_semaphore, #tpu.memory_space<semaphore_mem>>
    %dma_start3A_64 = tpu.memref_squeeze %dma_start3A_63 : memref<1x!tpu.dma_semaphore, #tpu.memory_space<semaphore_mem>> -> memref<!tpu.dma_semaphore, #tpu.memory_space<semaphore_mem>>
    tpu.enqueue_indirect_dma source(%dma_start3A_62 : memref<10000x16xf32, #tpu.memory_space<vmem_shared>>) target(%dma_start3A_56 : memref<128x16xf32, #tpu.memory_space<vmem>>) offsets(%dma_start3A_59 : memref<128xi32, #tpu.memory_space<vmem>>) semaphore(%dma_start3A_64 : memref<!tpu.dma_semaphore, #tpu.memory_space<semaphore_mem>>)
    %dma_start3A_65 = arith.constant 4 : i32
    %dma_start3A_66 = arith.constant 4 : i32
    %dma_start3A_67 = arith.constant 4 : i32
    %dma_start3A_68 = arith.constant 0 : i32
    %dma_start3A_69 = arith.constant 0 : i32
    %dma_start3A_70 = tpu.memref_slice %arg8[%dma_start3A_66, %dma_start3A_68, %dma_start3A_69] : memref<8x128x16xf32, #tpu.memory_space<vmem>> -> memref<1x128x16xf32, #tpu.memory_space<vmem>>
    %dma_start3A_71 = tpu.memref_squeeze %dma_start3A_70 : memref<1x128x16xf32, #tpu.memory_space<vmem>> -> memref<128x16xf32, #tpu.memory_space<vmem>>
    %dma_start3A_72 = arith.constant 0 : i32
    %dma_start3A_73 = tpu.memref_slice %arg6[%dma_start3A_65, %dma_start3A_72] : memref<80x128xi32, #tpu.memory_space<vmem>> -> memref<1x128xi32, #tpu.memory_space<vmem>>
    %dma_start3A_74 = tpu.memref_squeeze %dma_start3A_73 : memref<1x128xi32, #tpu.memory_space<vmem>> -> memref<128xi32, #tpu.memory_space<vmem>>
    %dma_start3A_75 = arith.constant 0 : i32
    %dma_start3A_76 = arith.constant 0 : i32
    %dma_start3A_77 = tpu.memref_slice %arg10[%dma_start3A_75, %dma_start3A_76] : memref<10000x16xf32, #tpu.memory_space<vmem_shared>> -> memref<10000x16xf32, #tpu.memory_space<vmem_shared>>
    %dma_start3A_78 = tpu.memref_slice %arg11[%dma_start3A_67] : memref<8x!tpu.dma_semaphore, #tpu.memory_space<semaphore_mem>> -> memref<1x!tpu.dma_semaphore, #tpu.memory_space<semaphore_mem>>
    %dma_start3A_79 = tpu.memref_squeeze %dma_start3A_78 : memref<1x!tpu.dma_semaphore, #tpu.memory_space<semaphore_mem>> -> memref<!tpu.dma_semaphore, #tpu.memory_space<semaphore_mem>>
    tpu.enqueue_indirect_dma source(%dma_start3A_77 : memref<10000x16xf32, #tpu.memory_space<vmem_shared>>) target(%dma_start3A_71 : memref<128x16xf32, #tpu.memory_space<vmem>>) offsets(%dma_start3A_74 : memref<128xi32, #tpu.memory_space<vmem>>) semaphore(%dma_start3A_79 : memref<!tpu.dma_semaphore, #tpu.memory_space<semaphore_mem>>)
    %dma_start3A_80 = arith.constant 5 : i32
    %dma_start3A_81 = arith.constant 5 : i32
    %dma_start3A_82 = arith.constant 5 : i32
    %dma_start3A_83 = arith.constant 0 : i32
    %dma_start3A_84 = arith.constant 0 : i32
    %dma_start3A_85 = tpu.memref_slice %arg8[%dma_start3A_81, %dma_start3A_83, %dma_start3A_84] : memref<8x128x16xf32, #tpu.memory_space<vmem>> -> memref<1x128x16xf32, #tpu.memory_space<vmem>>
    %dma_start3A_86 = tpu.memref_squeeze %dma_start3A_85 : memref<1x128x16xf32, #tpu.memory_space<vmem>> -> memref<128x16xf32, #tpu.memory_space<vmem>>
    %dma_start3A_87 = arith.constant 0 : i32
    %dma_start3A_88 = tpu.memref_slice %arg6[%dma_start3A_80, %dma_start3A_87] : memref<80x128xi32, #tpu.memory_space<vmem>> -> memref<1x128xi32, #tpu.memory_space<vmem>>
    %dma_start3A_89 = tpu.memref_squeeze %dma_start3A_88 : memref<1x128xi32, #tpu.memory_space<vmem>> -> memref<128xi32, #tpu.memory_space<vmem>>
    %dma_start3A_90 = arith.constant 0 : i32
    %dma_start3A_91 = arith.constant 0 : i32
    %dma_start3A_92 = tpu.memref_slice %arg10[%dma_start3A_90, %dma_start3A_91] : memref<10000x16xf32, #tpu.memory_space<vmem_shared>> -> memref<10000x16xf32, #tpu.memory_space<vmem_shared>>
    %dma_start3A_93 = tpu.memref_slice %arg11[%dma_start3A_82] : memref<8x!tpu.dma_semaphore, #tpu.memory_space<semaphore_mem>> -> memref<1x!tpu.dma_semaphore, #tpu.memory_space<semaphore_mem>>
    %dma_start3A_94 = tpu.memref_squeeze %dma_start3A_93 : memref<1x!tpu.dma_semaphore, #tpu.memory_space<semaphore_mem>> -> memref<!tpu.dma_semaphore, #tpu.memory_space<semaphore_mem>>
    tpu.enqueue_indirect_dma source(%dma_start3A_92 : memref<10000x16xf32, #tpu.memory_space<vmem_shared>>) target(%dma_start3A_86 : memref<128x16xf32, #tpu.memory_space<vmem>>) offsets(%dma_start3A_89 : memref<128xi32, #tpu.memory_space<vmem>>) semaphore(%dma_start3A_94 : memref<!tpu.dma_semaphore, #tpu.memory_space<semaphore_mem>>)
    %dma_start3A_95 = arith.constant 6 : i32
    %dma_start3A_96 = arith.constant 6 : i32
    %dma_start3A_97 = arith.constant 6 : i32
    %dma_start3A_98 = arith.constant 0 : i32
    %dma_start3A_99 = arith.constant 0 : i32
    %dma_start3A_100 = tpu.memref_slice %arg8[%dma_start3A_96, %dma_start3A_98, %dma_start3A_99] : memref<8x128x16xf32, #tpu.memory_space<vmem>> -> memref<1x128x16xf32, #tpu.memory_space<vmem>>
    %dma_start3A_101 = tpu.memref_squeeze %dma_start3A_100 : memref<1x128x16xf32, #tpu.memory_space<vmem>> -> memref<128x16xf32, #tpu.memory_space<vmem>>
    %dma_start3A_102 = arith.constant 0 : i32
    %dma_start3A_103 = tpu.memref_slice %arg6[%dma_start3A_95, %dma_start3A_102] : memref<80x128xi32, #tpu.memory_space<vmem>> -> memref<1x128xi32, #tpu.memory_space<vmem>>
    %dma_start3A_104 = tpu.memref_squeeze %dma_start3A_103 : memref<1x128xi32, #tpu.memory_space<vmem>> -> memref<128xi32, #tpu.memory_space<vmem>>
    %dma_start3A_105 = arith.constant 0 : i32
    %dma_start3A_106 = arith.constant 0 : i32
    %dma_start3A_107 = tpu.memref_slice %arg10[%dma_start3A_105, %dma_start3A_106] : memref<10000x16xf32, #tpu.memory_space<vmem_shared>> -> memref<10000x16xf32, #tpu.memory_space<vmem_shared>>
    %dma_start3A_108 = tpu.memref_slice %arg11[%dma_start3A_97] : memref<8x!tpu.dma_semaphore, #tpu.memory_space<semaphore_mem>> -> memref<1x!tpu.dma_semaphore, #tpu.memory_space<semaphore_mem>>
    %dma_start3A_109 = tpu.memref_squeeze %dma_start3A_108 : memref<1x!tpu.dma_semaphore, #tpu.memory_space<semaphore_mem>> -> memref<!tpu.dma_semaphore, #tpu.memory_space<semaphore_mem>>
    tpu.enqueue_indirect_dma source(%dma_start3A_107 : memref<10000x16xf32, #tpu.memory_space<vmem_shared>>) target(%dma_start3A_101 : memref<128x16xf32, #tpu.memory_space<vmem>>) offsets(%dma_start3A_104 : memref<128xi32, #tpu.memory_space<vmem>>) semaphore(%dma_start3A_109 : memref<!tpu.dma_semaphore, #tpu.memory_space<semaphore_mem>>)
    %dma_start3A_110 = arith.constant 7 : i32
    %dma_start3A_111 = arith.constant 7 : i32
    %dma_start3A_112 = arith.constant 7 : i32
    %dma_start3A_113 = arith.constant 0 : i32
    %dma_start3A_114 = arith.constant 0 : i32
    %dma_start3A_115 = tpu.memref_slice %arg8[%dma_start3A_111, %dma_start3A_113, %dma_start3A_114] : memref<8x128x16xf32, #tpu.memory_space<vmem>> -> memref<1x128x16xf32, #tpu.memory_space<vmem>>
    %dma_start3A_116 = tpu.memref_squeeze %dma_start3A_115 : memref<1x128x16xf32, #tpu.memory_space<vmem>> -> memref<128x16xf32, #tpu.memory_space<vmem>>
    %dma_start3A_117 = arith.constant 0 : i32
    %dma_start3A_118 = tpu.memref_slice %arg6[%dma_start3A_110, %dma_start3A_117] : memref<80x128xi32, #tpu.memory_space<vmem>> -> memref<1x128xi32, #tpu.memory_space<vmem>>
    %dma_start3A_119 = tpu.memref_squeeze %dma_start3A_118 : memref<1x128xi32, #tpu.memory_space<vmem>> -> memref<128xi32, #tpu.memory_space<vmem>>
    %dma_start3A_120 = arith.constant 0 : i32
    %dma_start3A_121 = arith.constant 0 : i32
    %dma_start3A_122 = tpu.memref_slice %arg10[%dma_start3A_120, %dma_start3A_121] : memref<10000x16xf32, #tpu.memory_space<vmem_shared>> -> memref<10000x16xf32, #tpu.memory_space<vmem_shared>>
    %dma_start3A_123 = tpu.memref_slice %arg11[%dma_start3A_112] : memref<8x!tpu.dma_semaphore, #tpu.memory_space<semaphore_mem>> -> memref<1x!tpu.dma_semaphore, #tpu.memory_space<semaphore_mem>>
    %dma_start3A_124 = tpu.memref_squeeze %dma_start3A_123 : memref<1x!tpu.dma_semaphore, #tpu.memory_space<semaphore_mem>> -> memref<!tpu.dma_semaphore, #tpu.memory_space<semaphore_mem>>
    tpu.enqueue_indirect_dma source(%dma_start3A_122 : memref<10000x16xf32, #tpu.memory_space<vmem_shared>>) target(%dma_start3A_116 : memref<128x16xf32, #tpu.memory_space<vmem>>) offsets(%dma_start3A_119 : memref<128xi32, #tpu.memory_space<vmem>>) semaphore(%dma_start3A_124 : memref<!tpu.dma_semaphore, #tpu.memory_space<semaphore_mem>>)
    %scan3A = arith.constant 0 : i32
    %scan3A_125 = arith.constant 0 : i32
    %scan3A_126 = arith.constant 10 : i32
    %scan3A_127 = arith.addi %scan3A_125, %scan3A_126 : i32
    %scan3A_128 = arith.constant 1 : i32
    scf.for %scan3A_250 = %scan3A_125 to %scan3A_127 step %scan3A_128  : i32 {
      %mul3A_251 = arith.constant 8 : i32
      %mul3A_252 = arith.muli %scan3A_250, %mul3A_251 : i32
      %add3A_253 = arith.constant 0 : i32
      %add3A_254 = arith.addi %mul3A_252, %add3A_253 : i32
      %dma_wait3A_255 = arith.constant 0 : i32
      %dma_wait3A_256 = arith.constant 0 : i32
      %dma_wait3A_257 = arith.constant 0 : i32
      %dma_wait3A_258 = arith.constant 0 : i32
      %dma_wait3A_259 = tpu.memref_slice %arg8[%dma_wait3A_255, %dma_wait3A_257, %dma_wait3A_258] : memref<8x128x16xf32, #tpu.memory_space<vmem>> -> memref<1x128x16xf32, #tpu.memory_space<vmem>>
      %dma_wait3A_260 = tpu.memref_squeeze %dma_wait3A_259 : memref<1x128x16xf32, #tpu.memory_space<vmem>> -> memref<128x16xf32, #tpu.memory_space<vmem>>
      %dma_wait3A_261 = arith.constant 0 : i32
      %dma_wait3A_262 = tpu.memref_slice %arg6[%add3A_254, %dma_wait3A_261] : memref<80x128xi32, #tpu.memory_space<vmem>> -> memref<1x128xi32, #tpu.memory_space<vmem>>
      %dma_wait3A_263 = tpu.memref_squeeze %dma_wait3A_262 : memref<1x128xi32, #tpu.memory_space<vmem>> -> memref<128xi32, #tpu.memory_space<vmem>>
      %dma_wait3A_264 = arith.constant 0 : i32
      %dma_wait3A_265 = arith.constant 0 : i32
      %dma_wait3A_266 = tpu.memref_slice %arg10[%dma_wait3A_264, %dma_wait3A_265] : memref<10000x16xf32, #tpu.memory_space<vmem_shared>> -> memref<10000x16xf32, #tpu.memory_space<vmem_shared>>
      %dma_wait3A_267 = tpu.memref_slice %arg11[%dma_wait3A_256] : memref<8x!tpu.dma_semaphore, #tpu.memory_space<semaphore_mem>> -> memref<1x!tpu.dma_semaphore, #tpu.memory_space<semaphore_mem>>
      %dma_wait3A_268 = tpu.memref_squeeze %dma_wait3A_267 : memref<1x!tpu.dma_semaphore, #tpu.memory_space<semaphore_mem>> -> memref<!tpu.dma_semaphore, #tpu.memory_space<semaphore_mem>>
      tpu.wait_indirect_dma semaphore(%dma_wait3A_268 : memref<!tpu.dma_semaphore, #tpu.memory_space<semaphore_mem>>) src(%dma_wait3A_266 : memref<10000x16xf32, #tpu.memory_space<vmem_shared>>) dst(%dma_wait3A_260 : memref<128x16xf32, #tpu.memory_space<vmem>>)
      %dma_start3A_269 = arith.constant 0 : i32
      %dma_start3A_270 = arith.constant 0 : i32
      %dma_start3A_271 = arith.constant 0 : i32
      %dma_start3A_272 = arith.constant 0 : i32
      %dma_start3A_273 = tpu.memref_slice %arg8[%dma_start3A_269, %dma_start3A_271, %dma_start3A_272] : memref<8x128x16xf32, #tpu.memory_space<vmem>> -> memref<1x128x16xf32, #tpu.memory_space<vmem>>
      %dma_start3A_274 = tpu.memref_squeeze %dma_start3A_273 : memref<1x128x16xf32, #tpu.memory_space<vmem>> -> memref<128x16xf32, #tpu.memory_space<vmem>>
      %dma_start3A_275 = arith.constant 0 : i32
      %dma_start3A_276 = tpu.memref_slice %arg7[%add3A_254, %dma_start3A_275] : memref<80x128xi32, #tpu.memory_space<vmem>> -> memref<1x128xi32, #tpu.memory_space<vmem>>
      %dma_start3A_277 = tpu.memref_squeeze %dma_start3A_276 : memref<1x128xi32, #tpu.memory_space<vmem>> -> memref<128xi32, #tpu.memory_space<vmem>>
      %dma_start3A_278 = arith.constant 0 : i32
      %dma_start3A_279 = arith.constant 0 : i32
      %dma_start3A_280 = tpu.memref_slice %arg9[%dma_start3A_278, %dma_start3A_279] : memref<10240x16xf32, #tpu.memory_space<vmem_shared>> -> memref<10240x16xf32, #tpu.memory_space<vmem_shared>>
      %dma_start3A_281 = tpu.memref_slice %arg12[%dma_start3A_270] : memref<8x!tpu.dma_semaphore, #tpu.memory_space<semaphore_mem>> -> memref<1x!tpu.dma_semaphore, #tpu.memory_space<semaphore_mem>>
      %dma_start3A_282 = tpu.memref_squeeze %dma_start3A_281 : memref<1x!tpu.dma_semaphore, #tpu.memory_space<semaphore_mem>> -> memref<!tpu.dma_semaphore, #tpu.memory_space<semaphore_mem>>
      tpu.enqueue_indirect_dma source(%dma_start3A_274 : memref<128x16xf32, #tpu.memory_space<vmem>>) target(%dma_start3A_280 : memref<10240x16xf32, #tpu.memory_space<vmem_shared>>) offsets(%dma_start3A_277 : memref<128xi32, #tpu.memory_space<vmem>>) semaphore(%dma_start3A_282 : memref<!tpu.dma_semaphore, #tpu.memory_space<semaphore_mem>>) {add = true}
      %sub3A = arith.constant 6 : i32
      %sub3A_283 = arith.subi %add3A_254, %sub3A : i32
      %ge3A = arith.constant 0 : i32
      %ge3A_284 = arith.cmpi sge, %sub3A_283, %ge3A : i32
      %add3A_285 = arith.constant 8 : i32
      %add3A_286 = arith.addi %sub3A_283, %add3A_285 : i32
      %lt3A = arith.constant 80 : i32
      %lt3A_287 = arith.cmpi slt, %add3A_286, %lt3A : i32
      %and3A = arith.andi %ge3A_284, %lt3A_287 : i1
      %convert_element_type3A = arith.extui %and3A : i1 to i32
      %cond3A = arith.constant 0 : i32
      %cond3A_288 = arith.cmpi ne, %convert_element_type3A, %cond3A : i32
      scf.if %cond3A_288 {
        %dma_wait3A_597 = arith.constant 2 : i32
        %dma_wait3A_598 = arith.constant 2 : i32
        %dma_wait3A_599 = arith.constant 0 : i32
        %dma_wait3A_600 = arith.constant 0 : i32
        %dma_wait3A_601 = tpu.memref_slice %arg8[%dma_wait3A_597, %dma_wait3A_599, %dma_wait3A_600] : memref<8x128x16xf32, #tpu.memory_space<vmem>> -> memref<1x128x16xf32, #tpu.memory_space<vmem>>
        %dma_wait3A_602 = tpu.memref_squeeze %dma_wait3A_601 : memref<1x128x16xf32, #tpu.memory_space<vmem>> -> memref<128x16xf32, #tpu.memory_space<vmem>>
        %dma_wait3A_603 = arith.constant 0 : i32
        %dma_wait3A_604 = tpu.memref_slice %arg7[%sub3A_283, %dma_wait3A_603] : memref<80x128xi32, #tpu.memory_space<vmem>> -> memref<1x128xi32, #tpu.memory_space<vmem>>
        %dma_wait3A_605 = tpu.memref_squeeze %dma_wait3A_604 : memref<1x128xi32, #tpu.memory_space<vmem>> -> memref<128xi32, #tpu.memory_space<vmem>>
        %dma_wait3A_606 = arith.constant 0 : i32
        %dma_wait3A_607 = arith.constant 0 : i32
        %dma_wait3A_608 = tpu.memref_slice %arg9[%dma_wait3A_606, %dma_wait3A_607] : memref<10240x16xf32, #tpu.memory_space<vmem_shared>> -> memref<10240x16xf32, #tpu.memory_space<vmem_shared>>
        %dma_wait3A_609 = tpu.memref_slice %arg12[%dma_wait3A_598] : memref<8x!tpu.dma_semaphore, #tpu.memory_space<semaphore_mem>> -> memref<1x!tpu.dma_semaphore, #tpu.memory_space<semaphore_mem>>
        %dma_wait3A_610 = tpu.memref_squeeze %dma_wait3A_609 : memref<1x!tpu.dma_semaphore, #tpu.memory_space<semaphore_mem>> -> memref<!tpu.dma_semaphore, #tpu.memory_space<semaphore_mem>>
        tpu.wait_indirect_dma semaphore(%dma_wait3A_610 : memref<!tpu.dma_semaphore, #tpu.memory_space<semaphore_mem>>) src(%dma_wait3A_602 : memref<128x16xf32, #tpu.memory_space<vmem>>) dst(%dma_wait3A_608 : memref<10240x16xf32, #tpu.memory_space<vmem_shared>>)
        %add3A_611 = arith.constant 8 : i32
        %add3A_612 = arith.addi %sub3A_283, %add3A_611 : i32
        %dma_start3A_613 = arith.constant 2 : i32
        %dma_start3A_614 = arith.constant 2 : i32
        %dma_start3A_615 = arith.constant 0 : i32
        %dma_start3A_616 = arith.constant 0 : i32
        %dma_start3A_617 = tpu.memref_slice %arg8[%dma_start3A_613, %dma_start3A_615, %dma_start3A_616] : memref<8x128x16xf32, #tpu.memory_space<vmem>> -> memref<1x128x16xf32, #tpu.memory_space<vmem>>
        %dma_start3A_618 = tpu.memref_squeeze %dma_start3A_617 : memref<1x128x16xf32, #tpu.memory_space<vmem>> -> memref<128x16xf32, #tpu.memory_space<vmem>>
        %dma_start3A_619 = arith.constant 0 : i32
        %dma_start3A_620 = tpu.memref_slice %arg6[%add3A_612, %dma_start3A_619] : memref<80x128xi32, #tpu.memory_space<vmem>> -> memref<1x128xi32, #tpu.memory_space<vmem>>
        %dma_start3A_621 = tpu.memref_squeeze %dma_start3A_620 : memref<1x128xi32, #tpu.memory_space<vmem>> -> memref<128xi32, #tpu.memory_space<vmem>>
        %dma_start3A_622 = arith.constant 0 : i32
        %dma_start3A_623 = arith.constant 0 : i32
        %dma_start3A_624 = tpu.memref_slice %arg10[%dma_start3A_622, %dma_start3A_623] : memref<10000x16xf32, #tpu.memory_space<vmem_shared>> -> memref<10000x16xf32, #tpu.memory_space<vmem_shared>>
        %dma_start3A_625 = tpu.memref_slice %arg11[%dma_start3A_614] : memref<8x!tpu.dma_semaphore, #tpu.memory_space<semaphore_mem>> -> memref<1x!tpu.dma_semaphore, #tpu.memory_space<semaphore_mem>>
        %dma_start3A_626 = tpu.memref_squeeze %dma_start3A_625 : memref<1x!tpu.dma_semaphore, #tpu.memory_space<semaphore_mem>> -> memref<!tpu.dma_semaphore, #tpu.memory_space<semaphore_mem>>
        tpu.enqueue_indirect_dma source(%dma_start3A_624 : memref<10000x16xf32, #tpu.memory_space<vmem_shared>>) target(%dma_start3A_618 : memref<128x16xf32, #tpu.memory_space<vmem>>) offsets(%dma_start3A_621 : memref<128xi32, #tpu.memory_space<vmem>>) semaphore(%dma_start3A_626 : memref<!tpu.dma_semaphore, #tpu.memory_space<semaphore_mem>>)
      } else {
      }
      %mul3A_289 = arith.constant 8 : i32
      %mul3A_290 = arith.muli %scan3A_250, %mul3A_289 : i32
      %add3A_291 = arith.constant 1 : i32
      %add3A_292 = arith.addi %mul3A_290, %add3A_291 : i32
      %dma_wait3A_293 = arith.constant 1 : i32
      %dma_wait3A_294 = arith.constant 1 : i32
      %dma_wait3A_295 = arith.constant 0 : i32
      %dma_wait3A_296 = arith.constant 0 : i32
      %dma_wait3A_297 = tpu.memref_slice %arg8[%dma_wait3A_293, %dma_wait3A_295, %dma_wait3A_296] : memref<8x128x16xf32, #tpu.memory_space<vmem>> -> memref<1x128x16xf32, #tpu.memory_space<vmem>>
      %dma_wait3A_298 = tpu.memref_squeeze %dma_wait3A_297 : memref<1x128x16xf32, #tpu.memory_space<vmem>> -> memref<128x16xf32, #tpu.memory_space<vmem>>
      %dma_wait3A_299 = arith.constant 0 : i32
      %dma_wait3A_300 = tpu.memref_slice %arg6[%add3A_292, %dma_wait3A_299] : memref<80x128xi32, #tpu.memory_space<vmem>> -> memref<1x128xi32, #tpu.memory_space<vmem>>
      %dma_wait3A_301 = tpu.memref_squeeze %dma_wait3A_300 : memref<1x128xi32, #tpu.memory_space<vmem>> -> memref<128xi32, #tpu.memory_space<vmem>>
      %dma_wait3A_302 = arith.constant 0 : i32
      %dma_wait3A_303 = arith.constant 0 : i32
      %dma_wait3A_304 = tpu.memref_slice %arg10[%dma_wait3A_302, %dma_wait3A_303] : memref<10000x16xf32, #tpu.memory_space<vmem_shared>> -> memref<10000x16xf32, #tpu.memory_space<vmem_shared>>
      %dma_wait3A_305 = tpu.memref_slice %arg11[%dma_wait3A_294] : memref<8x!tpu.dma_semaphore, #tpu.memory_space<semaphore_mem>> -> memref<1x!tpu.dma_semaphore, #tpu.memory_space<semaphore_mem>>
      %dma_wait3A_306 = tpu.memref_squeeze %dma_wait3A_305 : memref<1x!tpu.dma_semaphore, #tpu.memory_space<semaphore_mem>> -> memref<!tpu.dma_semaphore, #tpu.memory_space<semaphore_mem>>
      tpu.wait_indirect_dma semaphore(%dma_wait3A_306 : memref<!tpu.dma_semaphore, #tpu.memory_space<semaphore_mem>>) src(%dma_wait3A_304 : memref<10000x16xf32, #tpu.memory_space<vmem_shared>>) dst(%dma_wait3A_298 : memref<128x16xf32, #tpu.memory_space<vmem>>)
      %dma_start3A_307 = arith.constant 1 : i32
      %dma_start3A_308 = arith.constant 1 : i32
      %dma_start3A_309 = arith.constant 0 : i32
      %dma_start3A_310 = arith.constant 0 : i32
      %dma_start3A_311 = tpu.memref_slice %arg8[%dma_start3A_307, %dma_start3A_309, %dma_start3A_310] : memref<8x128x16xf32, #tpu.memory_space<vmem>> -> memref<1x128x16xf32, #tpu.memory_space<vmem>>
      %dma_start3A_312 = tpu.memref_squeeze %dma_start3A_311 : memref<1x128x16xf32, #tpu.memory_space<vmem>> -> memref<128x16xf32, #tpu.memory_space<vmem>>
      %dma_start3A_313 = arith.constant 0 : i32
      %dma_start3A_314 = tpu.memref_slice %arg7[%add3A_292, %dma_start3A_313] : memref<80x128xi32, #tpu.memory_space<vmem>> -> memref<1x128xi32, #tpu.memory_space<vmem>>
      %dma_start3A_315 = tpu.memref_squeeze %dma_start3A_314 : memref<1x128xi32, #tpu.memory_space<vmem>> -> memref<128xi32, #tpu.memory_space<vmem>>
      %dma_start3A_316 = arith.constant 0 : i32
      %dma_start3A_317 = arith.constant 0 : i32
      %dma_start3A_318 = tpu.memref_slice %arg9[%dma_start3A_316, %dma_start3A_317] : memref<10240x16xf32, #tpu.memory_space<vmem_shared>> -> memref<10240x16xf32, #tpu.memory_space<vmem_shared>>
      %dma_start3A_319 = tpu.memref_slice %arg12[%dma_start3A_308] : memref<8x!tpu.dma_semaphore, #tpu.memory_space<semaphore_mem>> -> memref<1x!tpu.dma_semaphore, #tpu.memory_space<semaphore_mem>>
      %dma_start3A_320 = tpu.memref_squeeze %dma_start3A_319 : memref<1x!tpu.dma_semaphore, #tpu.memory_space<semaphore_mem>> -> memref<!tpu.dma_semaphore, #tpu.memory_space<semaphore_mem>>
      tpu.enqueue_indirect_dma source(%dma_start3A_312 : memref<128x16xf32, #tpu.memory_space<vmem>>) target(%dma_start3A_318 : memref<10240x16xf32, #tpu.memory_space<vmem_shared>>) offsets(%dma_start3A_315 : memref<128xi32, #tpu.memory_space<vmem>>) semaphore(%dma_start3A_320 : memref<!tpu.dma_semaphore, #tpu.memory_space<semaphore_mem>>) {add = true}
      %sub3A_321 = arith.constant 6 : i32
      %sub3A_322 = arith.subi %add3A_292, %sub3A_321 : i32
      %ge3A_323 = arith.constant 0 : i32
      %ge3A_324 = arith.cmpi sge, %sub3A_322, %ge3A_323 : i32
      %add3A_325 = arith.constant 8 : i32
      %add3A_326 = arith.addi %sub3A_322, %add3A_325 : i32
      %lt3A_327 = arith.constant 80 : i32
      %lt3A_328 = arith.cmpi slt, %add3A_326, %lt3A_327 : i32
      %and3A_329 = arith.andi %ge3A_324, %lt3A_328 : i1
      %convert_element_type3A_330 = arith.extui %and3A_329 : i1 to i32
      %cond3A_331 = arith.constant 0 : i32
      %cond3A_332 = arith.cmpi ne, %convert_element_type3A_330, %cond3A_331 : i32
      scf.if %cond3A_332 {
        %dma_wait3A_597 = arith.constant 3 : i32
        %dma_wait3A_598 = arith.constant 3 : i32
        %dma_wait3A_599 = arith.constant 0 : i32
        %dma_wait3A_600 = arith.constant 0 : i32
        %dma_wait3A_601 = tpu.memref_slice %arg8[%dma_wait3A_597, %dma_wait3A_599, %dma_wait3A_600] : memref<8x128x16xf32, #tpu.memory_space<vmem>> -> memref<1x128x16xf32, #tpu.memory_space<vmem>>
        %dma_wait3A_602 = tpu.memref_squeeze %dma_wait3A_601 : memref<1x128x16xf32, #tpu.memory_space<vmem>> -> memref<128x16xf32, #tpu.memory_space<vmem>>
        %dma_wait3A_603 = arith.constant 0 : i32
        %dma_wait3A_604 = tpu.memref_slice %arg7[%sub3A_322, %dma_wait3A_603] : memref<80x128xi32, #tpu.memory_space<vmem>> -> memref<1x128xi32, #tpu.memory_space<vmem>>
        %dma_wait3A_605 = tpu.memref_squeeze %dma_wait3A_604 : memref<1x128xi32, #tpu.memory_space<vmem>> -> memref<128xi32, #tpu.memory_space<vmem>>
        %dma_wait3A_606 = arith.constant 0 : i32
        %dma_wait3A_607 = arith.constant 0 : i32
        %dma_wait3A_608 = tpu.memref_slice %arg9[%dma_wait3A_606, %dma_wait3A_607] : memref<10240x16xf32, #tpu.memory_space<vmem_shared>> -> memref<10240x16xf32, #tpu.memory_space<vmem_shared>>
        %dma_wait3A_609 = tpu.memref_slice %arg12[%dma_wait3A_598] : memref<8x!tpu.dma_semaphore, #tpu.memory_space<semaphore_mem>> -> memref<1x!tpu.dma_semaphore, #tpu.memory_space<semaphore_mem>>
        %dma_wait3A_610 = tpu.memref_squeeze %dma_wait3A_609 : memref<1x!tpu.dma_semaphore, #tpu.memory_space<semaphore_mem>> -> memref<!tpu.dma_semaphore, #tpu.memory_space<semaphore_mem>>
        tpu.wait_indirect_dma semaphore(%dma_wait3A_610 : memref<!tpu.dma_semaphore, #tpu.memory_space<semaphore_mem>>) src(%dma_wait3A_602 : memref<128x16xf32, #tpu.memory_space<vmem>>) dst(%dma_wait3A_608 : memref<10240x16xf32, #tpu.memory_space<vmem_shared>>)
        %add3A_611 = arith.constant 8 : i32
        %add3A_612 = arith.addi %sub3A_322, %add3A_611 : i32
        %dma_start3A_613 = arith.constant 3 : i32
        %dma_start3A_614 = arith.constant 3 : i32
        %dma_start3A_615 = arith.constant 0 : i32
        %dma_start3A_616 = arith.constant 0 : i32
        %dma_start3A_617 = tpu.memref_slice %arg8[%dma_start3A_613, %dma_start3A_615, %dma_start3A_616] : memref<8x128x16xf32, #tpu.memory_space<vmem>> -> memref<1x128x16xf32, #tpu.memory_space<vmem>>
        %dma_start3A_618 = tpu.memref_squeeze %dma_start3A_617 : memref<1x128x16xf32, #tpu.memory_space<vmem>> -> memref<128x16xf32, #tpu.memory_space<vmem>>
        %dma_start3A_619 = arith.constant 0 : i32
        %dma_start3A_620 = tpu.memref_slice %arg6[%add3A_612, %dma_start3A_619] : memref<80x128xi32, #tpu.memory_space<vmem>> -> memref<1x128xi32, #tpu.memory_space<vmem>>
        %dma_start3A_621 = tpu.memref_squeeze %dma_start3A_620 : memref<1x128xi32, #tpu.memory_space<vmem>> -> memref<128xi32, #tpu.memory_space<vmem>>
        %dma_start3A_622 = arith.constant 0 : i32
        %dma_start3A_623 = arith.constant 0 : i32
        %dma_start3A_624 = tpu.memref_slice %arg10[%dma_start3A_622, %dma_start3A_623] : memref<10000x16xf32, #tpu.memory_space<vmem_shared>> -> memref<10000x16xf32, #tpu.memory_space<vmem_shared>>
        %dma_start3A_625 = tpu.memref_slice %arg11[%dma_start3A_614] : memref<8x!tpu.dma_semaphore, #tpu.memory_space<semaphore_mem>> -> memref<1x!tpu.dma_semaphore, #tpu.memory_space<semaphore_mem>>
        %dma_start3A_626 = tpu.memref_squeeze %dma_start3A_625 : memref<1x!tpu.dma_semaphore, #tpu.memory_space<semaphore_mem>> -> memref<!tpu.dma_semaphore, #tpu.memory_space<semaphore_mem>>
        tpu.enqueue_indirect_dma source(%dma_start3A_624 : memref<10000x16xf32, #tpu.memory_space<vmem_shared>>) target(%dma_start3A_618 : memref<128x16xf32, #tpu.memory_space<vmem>>) offsets(%dma_start3A_621 : memref<128xi32, #tpu.memory_space<vmem>>) semaphore(%dma_start3A_626 : memref<!tpu.dma_semaphore, #tpu.memory_space<semaphore_mem>>)
      } else {
      }
      %mul3A_333 = arith.constant 8 : i32
      %mul3A_334 = arith.muli %scan3A_250, %mul3A_333 : i32
      %add3A_335 = arith.constant 2 : i32
      %add3A_336 = arith.addi %mul3A_334, %add3A_335 : i32
      %dma_wait3A_337 = arith.constant 2 : i32
      %dma_wait3A_338 = arith.constant 2 : i32
      %dma_wait3A_339 = arith.constant 0 : i32
      %dma_wait3A_340 = arith.constant 0 : i32
      %dma_wait3A_341 = tpu.memref_slice %arg8[%dma_wait3A_337, %dma_wait3A_339, %dma_wait3A_340] : memref<8x128x16xf32, #tpu.memory_space<vmem>> -> memref<1x128x16xf32, #tpu.memory_space<vmem>>
      %dma_wait3A_342 = tpu.memref_squeeze %dma_wait3A_341 : memref<1x128x16xf32, #tpu.memory_space<vmem>> -> memref<128x16xf32, #tpu.memory_space<vmem>>
      %dma_wait3A_343 = arith.constant 0 : i32
      %dma_wait3A_344 = tpu.memref_slice %arg6[%add3A_336, %dma_wait3A_343] : memref<80x128xi32, #tpu.memory_space<vmem>> -> memref<1x128xi32, #tpu.memory_space<vmem>>
      %dma_wait3A_345 = tpu.memref_squeeze %dma_wait3A_344 : memref<1x128xi32, #tpu.memory_space<vmem>> -> memref<128xi32, #tpu.memory_space<vmem>>
      %dma_wait3A_346 = arith.constant 0 : i32
      %dma_wait3A_347 = arith.constant 0 : i32
      %dma_wait3A_348 = tpu.memref_slice %arg10[%dma_wait3A_346, %dma_wait3A_347] : memref<10000x16xf32, #tpu.memory_space<vmem_shared>> -> memref<10000x16xf32, #tpu.memory_space<vmem_shared>>
      %dma_wait3A_349 = tpu.memref_slice %arg11[%dma_wait3A_338] : memref<8x!tpu.dma_semaphore, #tpu.memory_space<semaphore_mem>> -> memref<1x!tpu.dma_semaphore, #tpu.memory_space<semaphore_mem>>
      %dma_wait3A_350 = tpu.memref_squeeze %dma_wait3A_349 : memref<1x!tpu.dma_semaphore, #tpu.memory_space<semaphore_mem>> -> memref<!tpu.dma_semaphore, #tpu.memory_space<semaphore_mem>>
      tpu.wait_indirect_dma semaphore(%dma_wait3A_350 : memref<!tpu.dma_semaphore, #tpu.memory_space<semaphore_mem>>) src(%dma_wait3A_348 : memref<10000x16xf32, #tpu.memory_space<vmem_shared>>) dst(%dma_wait3A_342 : memref<128x16xf32, #tpu.memory_space<vmem>>)
      %dma_start3A_351 = arith.constant 2 : i32
      %dma_start3A_352 = arith.constant 2 : i32
      %dma_start3A_353 = arith.constant 0 : i32
      %dma_start3A_354 = arith.constant 0 : i32
      %dma_start3A_355 = tpu.memref_slice %arg8[%dma_start3A_351, %dma_start3A_353, %dma_start3A_354] : memref<8x128x16xf32, #tpu.memory_space<vmem>> -> memref<1x128x16xf32, #tpu.memory_space<vmem>>
      %dma_start3A_356 = tpu.memref_squeeze %dma_start3A_355 : memref<1x128x16xf32, #tpu.memory_space<vmem>> -> memref<128x16xf32, #tpu.memory_space<vmem>>
      %dma_start3A_357 = arith.constant 0 : i32
      %dma_start3A_358 = tpu.memref_slice %arg7[%add3A_336, %dma_start3A_357] : memref<80x128xi32, #tpu.memory_space<vmem>> -> memref<1x128xi32, #tpu.memory_space<vmem>>
      %dma_start3A_359 = tpu.memref_squeeze %dma_start3A_358 : memref<1x128xi32, #tpu.memory_space<vmem>> -> memref<128xi32, #tpu.memory_space<vmem>>
      %dma_start3A_360 = arith.constant 0 : i32
      %dma_start3A_361 = arith.constant 0 : i32
      %dma_start3A_362 = tpu.memref_slice %arg9[%dma_start3A_360, %dma_start3A_361] : memref<10240x16xf32, #tpu.memory_space<vmem_shared>> -> memref<10240x16xf32, #tpu.memory_space<vmem_shared>>
      %dma_start3A_363 = tpu.memref_slice %arg12[%dma_start3A_352] : memref<8x!tpu.dma_semaphore, #tpu.memory_space<semaphore_mem>> -> memref<1x!tpu.dma_semaphore, #tpu.memory_space<semaphore_mem>>
      %dma_start3A_364 = tpu.memref_squeeze %dma_start3A_363 : memref<1x!tpu.dma_semaphore, #tpu.memory_space<semaphore_mem>> -> memref<!tpu.dma_semaphore, #tpu.memory_space<semaphore_mem>>
      tpu.enqueue_indirect_dma source(%dma_start3A_356 : memref<128x16xf32, #tpu.memory_space<vmem>>) target(%dma_start3A_362 : memref<10240x16xf32, #tpu.memory_space<vmem_shared>>) offsets(%dma_start3A_359 : memref<128xi32, #tpu.memory_space<vmem>>) semaphore(%dma_start3A_364 : memref<!tpu.dma_semaphore, #tpu.memory_space<semaphore_mem>>) {add = true}
      %sub3A_365 = arith.constant 6 : i32
      %sub3A_366 = arith.subi %add3A_336, %sub3A_365 : i32
      %ge3A_367 = arith.constant 0 : i32
      %ge3A_368 = arith.cmpi sge, %sub3A_366, %ge3A_367 : i32
      %add3A_369 = arith.constant 8 : i32
      %add3A_370 = arith.addi %sub3A_366, %add3A_369 : i32
      %lt3A_371 = arith.constant 80 : i32
      %lt3A_372 = arith.cmpi slt, %add3A_370, %lt3A_371 : i32
      %and3A_373 = arith.andi %ge3A_368, %lt3A_372 : i1
      %convert_element_type3A_374 = arith.extui %and3A_373 : i1 to i32
      %cond3A_375 = arith.constant 0 : i32
      %cond3A_376 = arith.cmpi ne, %convert_element_type3A_374, %cond3A_375 : i32
      scf.if %cond3A_376 {
        %dma_wait3A_597 = arith.constant 4 : i32
        %dma_wait3A_598 = arith.constant 4 : i32
        %dma_wait3A_599 = arith.constant 0 : i32
        %dma_wait3A_600 = arith.constant 0 : i32
        %dma_wait3A_601 = tpu.memref_slice %arg8[%dma_wait3A_597, %dma_wait3A_599, %dma_wait3A_600] : memref<8x128x16xf32, #tpu.memory_space<vmem>> -> memref<1x128x16xf32, #tpu.memory_space<vmem>>
        %dma_wait3A_602 = tpu.memref_squeeze %dma_wait3A_601 : memref<1x128x16xf32, #tpu.memory_space<vmem>> -> memref<128x16xf32, #tpu.memory_space<vmem>>
        %dma_wait3A_603 = arith.constant 0 : i32
        %dma_wait3A_604 = tpu.memref_slice %arg7[%sub3A_366, %dma_wait3A_603] : memref<80x128xi32, #tpu.memory_space<vmem>> -> memref<1x128xi32, #tpu.memory_space<vmem>>
        %dma_wait3A_605 = tpu.memref_squeeze %dma_wait3A_604 : memref<1x128xi32, #tpu.memory_space<vmem>> -> memref<128xi32, #tpu.memory_space<vmem>>
        %dma_wait3A_606 = arith.constant 0 : i32
        %dma_wait3A_607 = arith.constant 0 : i32
        %dma_wait3A_608 = tpu.memref_slice %arg9[%dma_wait3A_606, %dma_wait3A_607] : memref<10240x16xf32, #tpu.memory_space<vmem_shared>> -> memref<10240x16xf32, #tpu.memory_space<vmem_shared>>
        %dma_wait3A_609 = tpu.memref_slice %arg12[%dma_wait3A_598] : memref<8x!tpu.dma_semaphore, #tpu.memory_space<semaphore_mem>> -> memref<1x!tpu.dma_semaphore, #tpu.memory_space<semaphore_mem>>
        %dma_wait3A_610 = tpu.memref_squeeze %dma_wait3A_609 : memref<1x!tpu.dma_semaphore, #tpu.memory_space<semaphore_mem>> -> memref<!tpu.dma_semaphore, #tpu.memory_space<semaphore_mem>>
        tpu.wait_indirect_dma semaphore(%dma_wait3A_610 : memref<!tpu.dma_semaphore, #tpu.memory_space<semaphore_mem>>) src(%dma_wait3A_602 : memref<128x16xf32, #tpu.memory_space<vmem>>) dst(%dma_wait3A_608 : memref<10240x16xf32, #tpu.memory_space<vmem_shared>>)
        %add3A_611 = arith.constant 8 : i32
        %add3A_612 = arith.addi %sub3A_366, %add3A_611 : i32
        %dma_start3A_613 = arith.constant 4 : i32
        %dma_start3A_614 = arith.constant 4 : i32
        %dma_start3A_615 = arith.constant 0 : i32
        %dma_start3A_616 = arith.constant 0 : i32
        %dma_start3A_617 = tpu.memref_slice %arg8[%dma_start3A_613, %dma_start3A_615, %dma_start3A_616] : memref<8x128x16xf32, #tpu.memory_space<vmem>> -> memref<1x128x16xf32, #tpu.memory_space<vmem>>
        %dma_start3A_618 = tpu.memref_squeeze %dma_start3A_617 : memref<1x128x16xf32, #tpu.memory_space<vmem>> -> memref<128x16xf32, #tpu.memory_space<vmem>>
        %dma_start3A_619 = arith.constant 0 : i32
        %dma_start3A_620 = tpu.memref_slice %arg6[%add3A_612, %dma_start3A_619] : memref<80x128xi32, #tpu.memory_space<vmem>> -> memref<1x128xi32, #tpu.memory_space<vmem>>
        %dma_start3A_621 = tpu.memref_squeeze %dma_start3A_620 : memref<1x128xi32, #tpu.memory_space<vmem>> -> memref<128xi32, #tpu.memory_space<vmem>>
        %dma_start3A_622 = arith.constant 0 : i32
        %dma_start3A_623 = arith.constant 0 : i32
        %dma_start3A_624 = tpu.memref_slice %arg10[%dma_start3A_622, %dma_start3A_623] : memref<10000x16xf32, #tpu.memory_space<vmem_shared>> -> memref<10000x16xf32, #tpu.memory_space<vmem_shared>>
        %dma_start3A_625 = tpu.memref_slice %arg11[%dma_start3A_614] : memref<8x!tpu.dma_semaphore, #tpu.memory_space<semaphore_mem>> -> memref<1x!tpu.dma_semaphore, #tpu.memory_space<semaphore_mem>>
        %dma_start3A_626 = tpu.memref_squeeze %dma_start3A_625 : memref<1x!tpu.dma_semaphore, #tpu.memory_space<semaphore_mem>> -> memref<!tpu.dma_semaphore, #tpu.memory_space<semaphore_mem>>
        tpu.enqueue_indirect_dma source(%dma_start3A_624 : memref<10000x16xf32, #tpu.memory_space<vmem_shared>>) target(%dma_start3A_618 : memref<128x16xf32, #tpu.memory_space<vmem>>) offsets(%dma_start3A_621 : memref<128xi32, #tpu.memory_space<vmem>>) semaphore(%dma_start3A_626 : memref<!tpu.dma_semaphore, #tpu.memory_space<semaphore_mem>>)
      } else {
      }
      %mul3A_377 = arith.constant 8 : i32
      %mul3A_378 = arith.muli %scan3A_250, %mul3A_377 : i32
      %add3A_379 = arith.constant 3 : i32
      %add3A_380 = arith.addi %mul3A_378, %add3A_379 : i32
      %dma_wait3A_381 = arith.constant 3 : i32
      %dma_wait3A_382 = arith.constant 3 : i32
      %dma_wait3A_383 = arith.constant 0 : i32
      %dma_wait3A_384 = arith.constant 0 : i32
      %dma_wait3A_385 = tpu.memref_slice %arg8[%dma_wait3A_381, %dma_wait3A_383, %dma_wait3A_384] : memref<8x128x16xf32, #tpu.memory_space<vmem>> -> memref<1x128x16xf32, #tpu.memory_space<vmem>>
      %dma_wait3A_386 = tpu.memref_squeeze %dma_wait3A_385 : memref<1x128x16xf32, #tpu.memory_space<vmem>> -> memref<128x16xf32, #tpu.memory_space<vmem>>
      %dma_wait3A_387 = arith.constant 0 : i32
      %dma_wait3A_388 = tpu.memref_slice %arg6[%add3A_380, %dma_wait3A_387] : memref<80x128xi32, #tpu.memory_space<vmem>> -> memref<1x128xi32, #tpu.memory_space<vmem>>
      %dma_wait3A_389 = tpu.memref_squeeze %dma_wait3A_388 : memref<1x128xi32, #tpu.memory_space<vmem>> -> memref<128xi32, #tpu.memory_space<vmem>>
      %dma_wait3A_390 = arith.constant 0 : i32
      %dma_wait3A_391 = arith.constant 0 : i32
      %dma_wait3A_392 = tpu.memref_slice %arg10[%dma_wait3A_390, %dma_wait3A_391] : memref<10000x16xf32, #tpu.memory_space<vmem_shared>> -> memref<10000x16xf32, #tpu.memory_space<vmem_shared>>
      %dma_wait3A_393 = tpu.memref_slice %arg11[%dma_wait3A_382] : memref<8x!tpu.dma_semaphore, #tpu.memory_space<semaphore_mem>> -> memref<1x!tpu.dma_semaphore, #tpu.memory_space<semaphore_mem>>
      %dma_wait3A_394 = tpu.memref_squeeze %dma_wait3A_393 : memref<1x!tpu.dma_semaphore, #tpu.memory_space<semaphore_mem>> -> memref<!tpu.dma_semaphore, #tpu.memory_space<semaphore_mem>>
      tpu.wait_indirect_dma semaphore(%dma_wait3A_394 : memref<!tpu.dma_semaphore, #tpu.memory_space<semaphore_mem>>) src(%dma_wait3A_392 : memref<10000x16xf32, #tpu.memory_space<vmem_shared>>) dst(%dma_wait3A_386 : memref<128x16xf32, #tpu.memory_space<vmem>>)
      %dma_start3A_395 = arith.constant 3 : i32
      %dma_start3A_396 = arith.constant 3 : i32
      %dma_start3A_397 = arith.constant 0 : i32
      %dma_start3A_398 = arith.constant 0 : i32
      %dma_start3A_399 = tpu.memref_slice %arg8[%dma_start3A_395, %dma_start3A_397, %dma_start3A_398] : memref<8x128x16xf32, #tpu.memory_space<vmem>> -> memref<1x128x16xf32, #tpu.memory_space<vmem>>
      %dma_start3A_400 = tpu.memref_squeeze %dma_start3A_399 : memref<1x128x16xf32, #tpu.memory_space<vmem>> -> memref<128x16xf32, #tpu.memory_space<vmem>>
      %dma_start3A_401 = arith.constant 0 : i32
      %dma_start3A_402 = tpu.memref_slice %arg7[%add3A_380, %dma_start3A_401] : memref<80x128xi32, #tpu.memory_space<vmem>> -> memref<1x128xi32, #tpu.memory_space<vmem>>
      %dma_start3A_403 = tpu.memref_squeeze %dma_start3A_402 : memref<1x128xi32, #tpu.memory_space<vmem>> -> memref<128xi32, #tpu.memory_space<vmem>>
      %dma_start3A_404 = arith.constant 0 : i32
      %dma_start3A_405 = arith.constant 0 : i32
      %dma_start3A_406 = tpu.memref_slice %arg9[%dma_start3A_404, %dma_start3A_405] : memref<10240x16xf32, #tpu.memory_space<vmem_shared>> -> memref<10240x16xf32, #tpu.memory_space<vmem_shared>>
      %dma_start3A_407 = tpu.memref_slice %arg12[%dma_start3A_396] : memref<8x!tpu.dma_semaphore, #tpu.memory_space<semaphore_mem>> -> memref<1x!tpu.dma_semaphore, #tpu.memory_space<semaphore_mem>>
      %dma_start3A_408 = tpu.memref_squeeze %dma_start3A_407 : memref<1x!tpu.dma_semaphore, #tpu.memory_space<semaphore_mem>> -> memref<!tpu.dma_semaphore, #tpu.memory_space<semaphore_mem>>
      tpu.enqueue_indirect_dma source(%dma_start3A_400 : memref<128x16xf32, #tpu.memory_space<vmem>>) target(%dma_start3A_406 : memref<10240x16xf32, #tpu.memory_space<vmem_shared>>) offsets(%dma_start3A_403 : memref<128xi32, #tpu.memory_space<vmem>>) semaphore(%dma_start3A_408 : memref<!tpu.dma_semaphore, #tpu.memory_space<semaphore_mem>>) {add = true}
      %sub3A_409 = arith.constant 6 : i32
      %sub3A_410 = arith.subi %add3A_380, %sub3A_409 : i32
      %ge3A_411 = arith.constant 0 : i32
      %ge3A_412 = arith.cmpi sge, %sub3A_410, %ge3A_411 : i32
      %add3A_413 = arith.constant 8 : i32
      %add3A_414 = arith.addi %sub3A_410, %add3A_413 : i32
      %lt3A_415 = arith.constant 80 : i32
      %lt3A_416 = arith.cmpi slt, %add3A_414, %lt3A_415 : i32
      %and3A_417 = arith.andi %ge3A_412, %lt3A_416 : i1
      %convert_element_type3A_418 = arith.extui %and3A_417 : i1 to i32
      %cond3A_419 = arith.constant 0 : i32
      %cond3A_420 = arith.cmpi ne, %convert_element_type3A_418, %cond3A_419 : i32
      scf.if %cond3A_420 {
        %dma_wait3A_597 = arith.constant 5 : i32
        %dma_wait3A_598 = arith.constant 5 : i32
        %dma_wait3A_599 = arith.constant 0 : i32
        %dma_wait3A_600 = arith.constant 0 : i32
        %dma_wait3A_601 = tpu.memref_slice %arg8[%dma_wait3A_597, %dma_wait3A_599, %dma_wait3A_600] : memref<8x128x16xf32, #tpu.memory_space<vmem>> -> memref<1x128x16xf32, #tpu.memory_space<vmem>>
        %dma_wait3A_602 = tpu.memref_squeeze %dma_wait3A_601 : memref<1x128x16xf32, #tpu.memory_space<vmem>> -> memref<128x16xf32, #tpu.memory_space<vmem>>
        %dma_wait3A_603 = arith.constant 0 : i32
        %dma_wait3A_604 = tpu.memref_slice %arg7[%sub3A_410, %dma_wait3A_603] : memref<80x128xi32, #tpu.memory_space<vmem>> -> memref<1x128xi32, #tpu.memory_space<vmem>>
        %dma_wait3A_605 = tpu.memref_squeeze %dma_wait3A_604 : memref<1x128xi32, #tpu.memory_space<vmem>> -> memref<128xi32, #tpu.memory_space<vmem>>
        %dma_wait3A_606 = arith.constant 0 : i32
        %dma_wait3A_607 = arith.constant 0 : i32
        %dma_wait3A_608 = tpu.memref_slice %arg9[%dma_wait3A_606, %dma_wait3A_607] : memref<10240x16xf32, #tpu.memory_space<vmem_shared>> -> memref<10240x16xf32, #tpu.memory_space<vmem_shared>>
        %dma_wait3A_609 = tpu.memref_slice %arg12[%dma_wait3A_598] : memref<8x!tpu.dma_semaphore, #tpu.memory_space<semaphore_mem>> -> memref<1x!tpu.dma_semaphore, #tpu.memory_space<semaphore_mem>>
        %dma_wait3A_610 = tpu.memref_squeeze %dma_wait3A_609 : memref<1x!tpu.dma_semaphore, #tpu.memory_space<semaphore_mem>> -> memref<!tpu.dma_semaphore, #tpu.memory_space<semaphore_mem>>
        tpu.wait_indirect_dma semaphore(%dma_wait3A_610 : memref<!tpu.dma_semaphore, #tpu.memory_space<semaphore_mem>>) src(%dma_wait3A_602 : memref<128x16xf32, #tpu.memory_space<vmem>>) dst(%dma_wait3A_608 : memref<10240x16xf32, #tpu.memory_space<vmem_shared>>)
        %add3A_611 = arith.constant 8 : i32
        %add3A_612 = arith.addi %sub3A_410, %add3A_611 : i32
        %dma_start3A_613 = arith.constant 5 : i32
        %dma_start3A_614 = arith.constant 5 : i32
        %dma_start3A_615 = arith.constant 0 : i32
        %dma_start3A_616 = arith.constant 0 : i32
        %dma_start3A_617 = tpu.memref_slice %arg8[%dma_start3A_613, %dma_start3A_615, %dma_start3A_616] : memref<8x128x16xf32, #tpu.memory_space<vmem>> -> memref<1x128x16xf32, #tpu.memory_space<vmem>>
        %dma_start3A_618 = tpu.memref_squeeze %dma_start3A_617 : memref<1x128x16xf32, #tpu.memory_space<vmem>> -> memref<128x16xf32, #tpu.memory_space<vmem>>
        %dma_start3A_619 = arith.constant 0 : i32
        %dma_start3A_620 = tpu.memref_slice %arg6[%add3A_612, %dma_start3A_619] : memref<80x128xi32, #tpu.memory_space<vmem>> -> memref<1x128xi32, #tpu.memory_space<vmem>>
        %dma_start3A_621 = tpu.memref_squeeze %dma_start3A_620 : memref<1x128xi32, #tpu.memory_space<vmem>> -> memref<128xi32, #tpu.memory_space<vmem>>
        %dma_start3A_622 = arith.constant 0 : i32
        %dma_start3A_623 = arith.constant 0 : i32
        %dma_start3A_624 = tpu.memref_slice %arg10[%dma_start3A_622, %dma_start3A_623] : memref<10000x16xf32, #tpu.memory_space<vmem_shared>> -> memref<10000x16xf32, #tpu.memory_space<vmem_shared>>
        %dma_start3A_625 = tpu.memref_slice %arg11[%dma_start3A_614] : memref<8x!tpu.dma_semaphore, #tpu.memory_space<semaphore_mem>> -> memref<1x!tpu.dma_semaphore, #tpu.memory_space<semaphore_mem>>
        %dma_start3A_626 = tpu.memref_squeeze %dma_start3A_625 : memref<1x!tpu.dma_semaphore, #tpu.memory_space<semaphore_mem>> -> memref<!tpu.dma_semaphore, #tpu.memory_space<semaphore_mem>>
        tpu.enqueue_indirect_dma source(%dma_start3A_624 : memref<10000x16xf32, #tpu.memory_space<vmem_shared>>) target(%dma_start3A_618 : memref<128x16xf32, #tpu.memory_space<vmem>>) offsets(%dma_start3A_621 : memref<128xi32, #tpu.memory_space<vmem>>) semaphore(%dma_start3A_626 : memref<!tpu.dma_semaphore, #tpu.memory_space<semaphore_mem>>)
      } else {
      }
      %mul3A_421 = arith.constant 8 : i32
      %mul3A_422 = arith.muli %scan3A_250, %mul3A_421 : i32
      %add3A_423 = arith.constant 4 : i32
      %add3A_424 = arith.addi %mul3A_422, %add3A_423 : i32
      %dma_wait3A_425 = arith.constant 4 : i32
      %dma_wait3A_426 = arith.constant 4 : i32
      %dma_wait3A_427 = arith.constant 0 : i32
      %dma_wait3A_428 = arith.constant 0 : i32
      %dma_wait3A_429 = tpu.memref_slice %arg8[%dma_wait3A_425, %dma_wait3A_427, %dma_wait3A_428] : memref<8x128x16xf32, #tpu.memory_space<vmem>> -> memref<1x128x16xf32, #tpu.memory_space<vmem>>
      %dma_wait3A_430 = tpu.memref_squeeze %dma_wait3A_429 : memref<1x128x16xf32, #tpu.memory_space<vmem>> -> memref<128x16xf32, #tpu.memory_space<vmem>>
      %dma_wait3A_431 = arith.constant 0 : i32
      %dma_wait3A_432 = tpu.memref_slice %arg6[%add3A_424, %dma_wait3A_431] : memref<80x128xi32, #tpu.memory_space<vmem>> -> memref<1x128xi32, #tpu.memory_space<vmem>>
      %dma_wait3A_433 = tpu.memref_squeeze %dma_wait3A_432 : memref<1x128xi32, #tpu.memory_space<vmem>> -> memref<128xi32, #tpu.memory_space<vmem>>
      %dma_wait3A_434 = arith.constant 0 : i32
      %dma_wait3A_435 = arith.constant 0 : i32
      %dma_wait3A_436 = tpu.memref_slice %arg10[%dma_wait3A_434, %dma_wait3A_435] : memref<10000x16xf32, #tpu.memory_space<vmem_shared>> -> memref<10000x16xf32, #tpu.memory_space<vmem_shared>>
      %dma_wait3A_437 = tpu.memref_slice %arg11[%dma_wait3A_426] : memref<8x!tpu.dma_semaphore, #tpu.memory_space<semaphore_mem>> -> memref<1x!tpu.dma_semaphore, #tpu.memory_space<semaphore_mem>>
      %dma_wait3A_438 = tpu.memref_squeeze %dma_wait3A_437 : memref<1x!tpu.dma_semaphore, #tpu.memory_space<semaphore_mem>> -> memref<!tpu.dma_semaphore, #tpu.memory_space<semaphore_mem>>
      tpu.wait_indirect_dma semaphore(%dma_wait3A_438 : memref<!tpu.dma_semaphore, #tpu.memory_space<semaphore_mem>>) src(%dma_wait3A_436 : memref<10000x16xf32, #tpu.memory_space<vmem_shared>>) dst(%dma_wait3A_430 : memref<128x16xf32, #tpu.memory_space<vmem>>)
      %dma_start3A_439 = arith.constant 4 : i32
      %dma_start3A_440 = arith.constant 4 : i32
      %dma_start3A_441 = arith.constant 0 : i32
      %dma_start3A_442 = arith.constant 0 : i32
      %dma_start3A_443 = tpu.memref_slice %arg8[%dma_start3A_439, %dma_start3A_441, %dma_start3A_442] : memref<8x128x16xf32, #tpu.memory_space<vmem>> -> memref<1x128x16xf32, #tpu.memory_space<vmem>>
      %dma_start3A_444 = tpu.memref_squeeze %dma_start3A_443 : memref<1x128x16xf32, #tpu.memory_space<vmem>> -> memref<128x16xf32, #tpu.memory_space<vmem>>
      %dma_start3A_445 = arith.constant 0 : i32
      %dma_start3A_446 = tpu.memref_slice %arg7[%add3A_424, %dma_start3A_445] : memref<80x128xi32, #tpu.memory_space<vmem>> -> memref<1x128xi32, #tpu.memory_space<vmem>>
      %dma_start3A_447 = tpu.memref_squeeze %dma_start3A_446 : memref<1x128xi32, #tpu.memory_space<vmem>> -> memref<128xi32, #tpu.memory_space<vmem>>
      %dma_start3A_448 = arith.constant 0 : i32
      %dma_start3A_449 = arith.constant 0 : i32
      %dma_start3A_450 = tpu.memref_slice %arg9[%dma_start3A_448, %dma_start3A_449] : memref<10240x16xf32, #tpu.memory_space<vmem_shared>> -> memref<10240x16xf32, #tpu.memory_space<vmem_shared>>
      %dma_start3A_451 = tpu.memref_slice %arg12[%dma_start3A_440] : memref<8x!tpu.dma_semaphore, #tpu.memory_space<semaphore_mem>> -> memref<1x!tpu.dma_semaphore, #tpu.memory_space<semaphore_mem>>
      %dma_start3A_452 = tpu.memref_squeeze %dma_start3A_451 : memref<1x!tpu.dma_semaphore, #tpu.memory_space<semaphore_mem>> -> memref<!tpu.dma_semaphore, #tpu.memory_space<semaphore_mem>>
      tpu.enqueue_indirect_dma source(%dma_start3A_444 : memref<128x16xf32, #tpu.memory_space<vmem>>) target(%dma_start3A_450 : memref<10240x16xf32, #tpu.memory_space<vmem_shared>>) offsets(%dma_start3A_447 : memref<128xi32, #tpu.memory_space<vmem>>) semaphore(%dma_start3A_452 : memref<!tpu.dma_semaphore, #tpu.memory_space<semaphore_mem>>) {add = true}
      %sub3A_453 = arith.constant 6 : i32
      %sub3A_454 = arith.subi %add3A_424, %sub3A_453 : i32
      %ge3A_455 = arith.constant 0 : i32
      %ge3A_456 = arith.cmpi sge, %sub3A_454, %ge3A_455 : i32
      %add3A_457 = arith.constant 8 : i32
      %add3A_458 = arith.addi %sub3A_454, %add3A_457 : i32
      %lt3A_459 = arith.constant 80 : i32
      %lt3A_460 = arith.cmpi slt, %add3A_458, %lt3A_459 : i32
      %and3A_461 = arith.andi %ge3A_456, %lt3A_460 : i1
      %convert_element_type3A_462 = arith.extui %and3A_461 : i1 to i32
      %cond3A_463 = arith.constant 0 : i32
      %cond3A_464 = arith.cmpi ne, %convert_element_type3A_462, %cond3A_463 : i32
      scf.if %cond3A_464 {
        %dma_wait3A_597 = arith.constant 6 : i32
        %dma_wait3A_598 = arith.constant 6 : i32
        %dma_wait3A_599 = arith.constant 0 : i32
        %dma_wait3A_600 = arith.constant 0 : i32
        %dma_wait3A_601 = tpu.memref_slice %arg8[%dma_wait3A_597, %dma_wait3A_599, %dma_wait3A_600] : memref<8x128x16xf32, #tpu.memory_space<vmem>> -> memref<1x128x16xf32, #tpu.memory_space<vmem>>
        %dma_wait3A_602 = tpu.memref_squeeze %dma_wait3A_601 : memref<1x128x16xf32, #tpu.memory_space<vmem>> -> memref<128x16xf32, #tpu.memory_space<vmem>>
        %dma_wait3A_603 = arith.constant 0 : i32
        %dma_wait3A_604 = tpu.memref_slice %arg7[%sub3A_454, %dma_wait3A_603] : memref<80x128xi32, #tpu.memory_space<vmem>> -> memref<1x128xi32, #tpu.memory_space<vmem>>
        %dma_wait3A_605 = tpu.memref_squeeze %dma_wait3A_604 : memref<1x128xi32, #tpu.memory_space<vmem>> -> memref<128xi32, #tpu.memory_space<vmem>>
        %dma_wait3A_606 = arith.constant 0 : i32
        %dma_wait3A_607 = arith.constant 0 : i32
        %dma_wait3A_608 = tpu.memref_slice %arg9[%dma_wait3A_606, %dma_wait3A_607] : memref<10240x16xf32, #tpu.memory_space<vmem_shared>> -> memref<10240x16xf32, #tpu.memory_space<vmem_shared>>
        %dma_wait3A_609 = tpu.memref_slice %arg12[%dma_wait3A_598] : memref<8x!tpu.dma_semaphore, #tpu.memory_space<semaphore_mem>> -> memref<1x!tpu.dma_semaphore, #tpu.memory_space<semaphore_mem>>
        %dma_wait3A_610 = tpu.memref_squeeze %dma_wait3A_609 : memref<1x!tpu.dma_semaphore, #tpu.memory_space<semaphore_mem>> -> memref<!tpu.dma_semaphore, #tpu.memory_space<semaphore_mem>>
        tpu.wait_indirect_dma semaphore(%dma_wait3A_610 : memref<!tpu.dma_semaphore, #tpu.memory_space<semaphore_mem>>) src(%dma_wait3A_602 : memref<128x16xf32, #tpu.memory_space<vmem>>) dst(%dma_wait3A_608 : memref<10240x16xf32, #tpu.memory_space<vmem_shared>>)
        %add3A_611 = arith.constant 8 : i32
        %add3A_612 = arith.addi %sub3A_454, %add3A_611 : i32
        %dma_start3A_613 = arith.constant 6 : i32
        %dma_start3A_614 = arith.constant 6 : i32
        %dma_start3A_615 = arith.constant 0 : i32
        %dma_start3A_616 = arith.constant 0 : i32
        %dma_start3A_617 = tpu.memref_slice %arg8[%dma_start3A_613, %dma_start3A_615, %dma_start3A_616] : memref<8x128x16xf32, #tpu.memory_space<vmem>> -> memref<1x128x16xf32, #tpu.memory_space<vmem>>
        %dma_start3A_618 = tpu.memref_squeeze %dma_start3A_617 : memref<1x128x16xf32, #tpu.memory_space<vmem>> -> memref<128x16xf32, #tpu.memory_space<vmem>>
        %dma_start3A_619 = arith.constant 0 : i32
        %dma_start3A_620 = tpu.memref_slice %arg6[%add3A_612, %dma_start3A_619] : memref<80x128xi32, #tpu.memory_space<vmem>> -> memref<1x128xi32, #tpu.memory_space<vmem>>
        %dma_start3A_621 = tpu.memref_squeeze %dma_start3A_620 : memref<1x128xi32, #tpu.memory_space<vmem>> -> memref<128xi32, #tpu.memory_space<vmem>>
        %dma_start3A_622 = arith.constant 0 : i32
        %dma_start3A_623 = arith.constant 0 : i32
        %dma_start3A_624 = tpu.memref_slice %arg10[%dma_start3A_622, %dma_start3A_623] : memref<10000x16xf32, #tpu.memory_space<vmem_shared>> -> memref<10000x16xf32, #tpu.memory_space<vmem_shared>>
        %dma_start3A_625 = tpu.memref_slice %arg11[%dma_start3A_614] : memref<8x!tpu.dma_semaphore, #tpu.memory_space<semaphore_mem>> -> memref<1x!tpu.dma_semaphore, #tpu.memory_space<semaphore_mem>>
        %dma_start3A_626 = tpu.memref_squeeze %dma_start3A_625 : memref<1x!tpu.dma_semaphore, #tpu.memory_space<semaphore_mem>> -> memref<!tpu.dma_semaphore, #tpu.memory_space<semaphore_mem>>
        tpu.enqueue_indirect_dma source(%dma_start3A_624 : memref<10000x16xf32, #tpu.memory_space<vmem_shared>>) target(%dma_start3A_618 : memref<128x16xf32, #tpu.memory_space<vmem>>) offsets(%dma_start3A_621 : memref<128xi32, #tpu.memory_space<vmem>>) semaphore(%dma_start3A_626 : memref<!tpu.dma_semaphore, #tpu.memory_space<semaphore_mem>>)
      } else {
      }
      %mul3A_465 = arith.constant 8 : i32
      %mul3A_466 = arith.muli %scan3A_250, %mul3A_465 : i32
      %add3A_467 = arith.constant 5 : i32
      %add3A_468 = arith.addi %mul3A_466, %add3A_467 : i32
      %dma_wait3A_469 = arith.constant 5 : i32
      %dma_wait3A_470 = arith.constant 5 : i32
      %dma_wait3A_471 = arith.constant 0 : i32
      %dma_wait3A_472 = arith.constant 0 : i32
      %dma_wait3A_473 = tpu.memref_slice %arg8[%dma_wait3A_469, %dma_wait3A_471, %dma_wait3A_472] : memref<8x128x16xf32, #tpu.memory_space<vmem>> -> memref<1x128x16xf32, #tpu.memory_space<vmem>>
      %dma_wait3A_474 = tpu.memref_squeeze %dma_wait3A_473 : memref<1x128x16xf32, #tpu.memory_space<vmem>> -> memref<128x16xf32, #tpu.memory_space<vmem>>
      %dma_wait3A_475 = arith.constant 0 : i32
      %dma_wait3A_476 = tpu.memref_slice %arg6[%add3A_468, %dma_wait3A_475] : memref<80x128xi32, #tpu.memory_space<vmem>> -> memref<1x128xi32, #tpu.memory_space<vmem>>
      %dma_wait3A_477 = tpu.memref_squeeze %dma_wait3A_476 : memref<1x128xi32, #tpu.memory_space<vmem>> -> memref<128xi32, #tpu.memory_space<vmem>>
      %dma_wait3A_478 = arith.constant 0 : i32
      %dma_wait3A_479 = arith.constant 0 : i32
      %dma_wait3A_480 = tpu.memref_slice %arg10[%dma_wait3A_478, %dma_wait3A_479] : memref<10000x16xf32, #tpu.memory_space<vmem_shared>> -> memref<10000x16xf32, #tpu.memory_space<vmem_shared>>
      %dma_wait3A_481 = tpu.memref_slice %arg11[%dma_wait3A_470] : memref<8x!tpu.dma_semaphore, #tpu.memory_space<semaphore_mem>> -> memref<1x!tpu.dma_semaphore, #tpu.memory_space<semaphore_mem>>
      %dma_wait3A_482 = tpu.memref_squeeze %dma_wait3A_481 : memref<1x!tpu.dma_semaphore, #tpu.memory_space<semaphore_mem>> -> memref<!tpu.dma_semaphore, #tpu.memory_space<semaphore_mem>>
      tpu.wait_indirect_dma semaphore(%dma_wait3A_482 : memref<!tpu.dma_semaphore, #tpu.memory_space<semaphore_mem>>) src(%dma_wait3A_480 : memref<10000x16xf32, #tpu.memory_space<vmem_shared>>) dst(%dma_wait3A_474 : memref<128x16xf32, #tpu.memory_space<vmem>>)
      %dma_start3A_483 = arith.constant 5 : i32
      %dma_start3A_484 = arith.constant 5 : i32
      %dma_start3A_485 = arith.constant 0 : i32
      %dma_start3A_486 = arith.constant 0 : i32
      %dma_start3A_487 = tpu.memref_slice %arg8[%dma_start3A_483, %dma_start3A_485, %dma_start3A_486] : memref<8x128x16xf32, #tpu.memory_space<vmem>> -> memref<1x128x16xf32, #tpu.memory_space<vmem>>
      %dma_start3A_488 = tpu.memref_squeeze %dma_start3A_487 : memref<1x128x16xf32, #tpu.memory_space<vmem>> -> memref<128x16xf32, #tpu.memory_space<vmem>>
      %dma_start3A_489 = arith.constant 0 : i32
      %dma_start3A_490 = tpu.memref_slice %arg7[%add3A_468, %dma_start3A_489] : memref<80x128xi32, #tpu.memory_space<vmem>> -> memref<1x128xi32, #tpu.memory_space<vmem>>
      %dma_start3A_491 = tpu.memref_squeeze %dma_start3A_490 : memref<1x128xi32, #tpu.memory_space<vmem>> -> memref<128xi32, #tpu.memory_space<vmem>>
      %dma_start3A_492 = arith.constant 0 : i32
      %dma_start3A_493 = arith.constant 0 : i32
      %dma_start3A_494 = tpu.memref_slice %arg9[%dma_start3A_492, %dma_start3A_493] : memref<10240x16xf32, #tpu.memory_space<vmem_shared>> -> memref<10240x16xf32, #tpu.memory_space<vmem_shared>>
      %dma_start3A_495 = tpu.memref_slice %arg12[%dma_start3A_484] : memref<8x!tpu.dma_semaphore, #tpu.memory_space<semaphore_mem>> -> memref<1x!tpu.dma_semaphore, #tpu.memory_space<semaphore_mem>>
      %dma_start3A_496 = tpu.memref_squeeze %dma_start3A_495 : memref<1x!tpu.dma_semaphore, #tpu.memory_space<semaphore_mem>> -> memref<!tpu.dma_semaphore, #tpu.memory_space<semaphore_mem>>
      tpu.enqueue_indirect_dma source(%dma_start3A_488 : memref<128x16xf32, #tpu.memory_space<vmem>>) target(%dma_start3A_494 : memref<10240x16xf32, #tpu.memory_space<vmem_shared>>) offsets(%dma_start3A_491 : memref<128xi32, #tpu.memory_space<vmem>>) semaphore(%dma_start3A_496 : memref<!tpu.dma_semaphore, #tpu.memory_space<semaphore_mem>>) {add = true}
      %sub3A_497 = arith.constant 6 : i32
      %sub3A_498 = arith.subi %add3A_468, %sub3A_497 : i32
      %ge3A_499 = arith.constant 0 : i32
      %ge3A_500 = arith.cmpi sge, %sub3A_498, %ge3A_499 : i32
      %add3A_501 = arith.constant 8 : i32
      %add3A_502 = arith.addi %sub3A_498, %add3A_501 : i32
      %lt3A_503 = arith.constant 80 : i32
      %lt3A_504 = arith.cmpi slt, %add3A_502, %lt3A_503 : i32
      %and3A_505 = arith.andi %ge3A_500, %lt3A_504 : i1
      %convert_element_type3A_506 = arith.extui %and3A_505 : i1 to i32
      %cond3A_507 = arith.constant 0 : i32
      %cond3A_508 = arith.cmpi ne, %convert_element_type3A_506, %cond3A_507 : i32
      scf.if %cond3A_508 {
        %dma_wait3A_597 = arith.constant 7 : i32
        %dma_wait3A_598 = arith.constant 7 : i32
        %dma_wait3A_599 = arith.constant 0 : i32
        %dma_wait3A_600 = arith.constant 0 : i32
        %dma_wait3A_601 = tpu.memref_slice %arg8[%dma_wait3A_597, %dma_wait3A_599, %dma_wait3A_600] : memref<8x128x16xf32, #tpu.memory_space<vmem>> -> memref<1x128x16xf32, #tpu.memory_space<vmem>>
        %dma_wait3A_602 = tpu.memref_squeeze %dma_wait3A_601 : memref<1x128x16xf32, #tpu.memory_space<vmem>> -> memref<128x16xf32, #tpu.memory_space<vmem>>
        %dma_wait3A_603 = arith.constant 0 : i32
        %dma_wait3A_604 = tpu.memref_slice %arg7[%sub3A_498, %dma_wait3A_603] : memref<80x128xi32, #tpu.memory_space<vmem>> -> memref<1x128xi32, #tpu.memory_space<vmem>>
        %dma_wait3A_605 = tpu.memref_squeeze %dma_wait3A_604 : memref<1x128xi32, #tpu.memory_space<vmem>> -> memref<128xi32, #tpu.memory_space<vmem>>
        %dma_wait3A_606 = arith.constant 0 : i32
        %dma_wait3A_607 = arith.constant 0 : i32
        %dma_wait3A_608 = tpu.memref_slice %arg9[%dma_wait3A_606, %dma_wait3A_607] : memref<10240x16xf32, #tpu.memory_space<vmem_shared>> -> memref<10240x16xf32, #tpu.memory_space<vmem_shared>>
        %dma_wait3A_609 = tpu.memref_slice %arg12[%dma_wait3A_598] : memref<8x!tpu.dma_semaphore, #tpu.memory_space<semaphore_mem>> -> memref<1x!tpu.dma_semaphore, #tpu.memory_space<semaphore_mem>>
        %dma_wait3A_610 = tpu.memref_squeeze %dma_wait3A_609 : memref<1x!tpu.dma_semaphore, #tpu.memory_space<semaphore_mem>> -> memref<!tpu.dma_semaphore, #tpu.memory_space<semaphore_mem>>
        tpu.wait_indirect_dma semaphore(%dma_wait3A_610 : memref<!tpu.dma_semaphore, #tpu.memory_space<semaphore_mem>>) src(%dma_wait3A_602 : memref<128x16xf32, #tpu.memory_space<vmem>>) dst(%dma_wait3A_608 : memref<10240x16xf32, #tpu.memory_space<vmem_shared>>)
        %add3A_611 = arith.constant 8 : i32
        %add3A_612 = arith.addi %sub3A_498, %add3A_611 : i32
        %dma_start3A_613 = arith.constant 7 : i32
        %dma_start3A_614 = arith.constant 7 : i32
        %dma_start3A_615 = arith.constant 0 : i32
        %dma_start3A_616 = arith.constant 0 : i32
        %dma_start3A_617 = tpu.memref_slice %arg8[%dma_start3A_613, %dma_start3A_615, %dma_start3A_616] : memref<8x128x16xf32, #tpu.memory_space<vmem>> -> memref<1x128x16xf32, #tpu.memory_space<vmem>>
        %dma_start3A_618 = tpu.memref_squeeze %dma_start3A_617 : memref<1x128x16xf32, #tpu.memory_space<vmem>> -> memref<128x16xf32, #tpu.memory_space<vmem>>
        %dma_start3A_619 = arith.constant 0 : i32
        %dma_start3A_620 = tpu.memref_slice %arg6[%add3A_612, %dma_start3A_619] : memref<80x128xi32, #tpu.memory_space<vmem>> -> memref<1x128xi32, #tpu.memory_space<vmem>>
        %dma_start3A_621 = tpu.memref_squeeze %dma_start3A_620 : memref<1x128xi32, #tpu.memory_space<vmem>> -> memref<128xi32, #tpu.memory_space<vmem>>
        %dma_start3A_622 = arith.constant 0 : i32
        %dma_start3A_623 = arith.constant 0 : i32
        %dma_start3A_624 = tpu.memref_slice %arg10[%dma_start3A_622, %dma_start3A_623] : memref<10000x16xf32, #tpu.memory_space<vmem_shared>> -> memref<10000x16xf32, #tpu.memory_space<vmem_shared>>
        %dma_start3A_625 = tpu.memref_slice %arg11[%dma_start3A_614] : memref<8x!tpu.dma_semaphore, #tpu.memory_space<semaphore_mem>> -> memref<1x!tpu.dma_semaphore, #tpu.memory_space<semaphore_mem>>
        %dma_start3A_626 = tpu.memref_squeeze %dma_start3A_625 : memref<1x!tpu.dma_semaphore, #tpu.memory_space<semaphore_mem>> -> memref<!tpu.dma_semaphore, #tpu.memory_space<semaphore_mem>>
        tpu.enqueue_indirect_dma source(%dma_start3A_624 : memref<10000x16xf32, #tpu.memory_space<vmem_shared>>) target(%dma_start3A_618 : memref<128x16xf32, #tpu.memory_space<vmem>>) offsets(%dma_start3A_621 : memref<128xi32, #tpu.memory_space<vmem>>) semaphore(%dma_start3A_626 : memref<!tpu.dma_semaphore, #tpu.memory_space<semaphore_mem>>)
      } else {
      }
      %mul3A_509 = arith.constant 8 : i32
      %mul3A_510 = arith.muli %scan3A_250, %mul3A_509 : i32
      %add3A_511 = arith.constant 6 : i32
      %add3A_512 = arith.addi %mul3A_510, %add3A_511 : i32
      %dma_wait3A_513 = arith.constant 6 : i32
      %dma_wait3A_514 = arith.constant 6 : i32
      %dma_wait3A_515 = arith.constant 0 : i32
      %dma_wait3A_516 = arith.constant 0 : i32
      %dma_wait3A_517 = tpu.memref_slice %arg8[%dma_wait3A_513, %dma_wait3A_515, %dma_wait3A_516] : memref<8x128x16xf32, #tpu.memory_space<vmem>> -> memref<1x128x16xf32, #tpu.memory_space<vmem>>
      %dma_wait3A_518 = tpu.memref_squeeze %dma_wait3A_517 : memref<1x128x16xf32, #tpu.memory_space<vmem>> -> memref<128x16xf32, #tpu.memory_space<vmem>>
      %dma_wait3A_519 = arith.constant 0 : i32
      %dma_wait3A_520 = tpu.memref_slice %arg6[%add3A_512, %dma_wait3A_519] : memref<80x128xi32, #tpu.memory_space<vmem>> -> memref<1x128xi32, #tpu.memory_space<vmem>>
      %dma_wait3A_521 = tpu.memref_squeeze %dma_wait3A_520 : memref<1x128xi32, #tpu.memory_space<vmem>> -> memref<128xi32, #tpu.memory_space<vmem>>
      %dma_wait3A_522 = arith.constant 0 : i32
      %dma_wait3A_523 = arith.constant 0 : i32
      %dma_wait3A_524 = tpu.memref_slice %arg10[%dma_wait3A_522, %dma_wait3A_523] : memref<10000x16xf32, #tpu.memory_space<vmem_shared>> -> memref<10000x16xf32, #tpu.memory_space<vmem_shared>>
      %dma_wait3A_525 = tpu.memref_slice %arg11[%dma_wait3A_514] : memref<8x!tpu.dma_semaphore, #tpu.memory_space<semaphore_mem>> -> memref<1x!tpu.dma_semaphore, #tpu.memory_space<semaphore_mem>>
      %dma_wait3A_526 = tpu.memref_squeeze %dma_wait3A_525 : memref<1x!tpu.dma_semaphore, #tpu.memory_space<semaphore_mem>> -> memref<!tpu.dma_semaphore, #tpu.memory_space<semaphore_mem>>
      tpu.wait_indirect_dma semaphore(%dma_wait3A_526 : memref<!tpu.dma_semaphore, #tpu.memory_space<semaphore_mem>>) src(%dma_wait3A_524 : memref<10000x16xf32, #tpu.memory_space<vmem_shared>>) dst(%dma_wait3A_518 : memref<128x16xf32, #tpu.memory_space<vmem>>)
      %dma_start3A_527 = arith.constant 6 : i32
      %dma_start3A_528 = arith.constant 6 : i32
      %dma_start3A_529 = arith.constant 0 : i32
      %dma_start3A_530 = arith.constant 0 : i32
      %dma_start3A_531 = tpu.memref_slice %arg8[%dma_start3A_527, %dma_start3A_529, %dma_start3A_530] : memref<8x128x16xf32, #tpu.memory_space<vmem>> -> memref<1x128x16xf32, #tpu.memory_space<vmem>>
      %dma_start3A_532 = tpu.memref_squeeze %dma_start3A_531 : memref<1x128x16xf32, #tpu.memory_space<vmem>> -> memref<128x16xf32, #tpu.memory_space<vmem>>
      %dma_start3A_533 = arith.constant 0 : i32
      %dma_start3A_534 = tpu.memref_slice %arg7[%add3A_512, %dma_start3A_533] : memref<80x128xi32, #tpu.memory_space<vmem>> -> memref<1x128xi32, #tpu.memory_space<vmem>>
      %dma_start3A_535 = tpu.memref_squeeze %dma_start3A_534 : memref<1x128xi32, #tpu.memory_space<vmem>> -> memref<128xi32, #tpu.memory_space<vmem>>
      %dma_start3A_536 = arith.constant 0 : i32
      %dma_start3A_537 = arith.constant 0 : i32
      %dma_start3A_538 = tpu.memref_slice %arg9[%dma_start3A_536, %dma_start3A_537] : memref<10240x16xf32, #tpu.memory_space<vmem_shared>> -> memref<10240x16xf32, #tpu.memory_space<vmem_shared>>
      %dma_start3A_539 = tpu.memref_slice %arg12[%dma_start3A_528] : memref<8x!tpu.dma_semaphore, #tpu.memory_space<semaphore_mem>> -> memref<1x!tpu.dma_semaphore, #tpu.memory_space<semaphore_mem>>
      %dma_start3A_540 = tpu.memref_squeeze %dma_start3A_539 : memref<1x!tpu.dma_semaphore, #tpu.memory_space<semaphore_mem>> -> memref<!tpu.dma_semaphore, #tpu.memory_space<semaphore_mem>>
      tpu.enqueue_indirect_dma source(%dma_start3A_532 : memref<128x16xf32, #tpu.memory_space<vmem>>) target(%dma_start3A_538 : memref<10240x16xf32, #tpu.memory_space<vmem_shared>>) offsets(%dma_start3A_535 : memref<128xi32, #tpu.memory_space<vmem>>) semaphore(%dma_start3A_540 : memref<!tpu.dma_semaphore, #tpu.memory_space<semaphore_mem>>) {add = true}
      %sub3A_541 = arith.constant 6 : i32
      %sub3A_542 = arith.subi %add3A_512, %sub3A_541 : i32
      %ge3A_543 = arith.constant 0 : i32
      %ge3A_544 = arith.cmpi sge, %sub3A_542, %ge3A_543 : i32
      %add3A_545 = arith.constant 8 : i32
      %add3A_546 = arith.addi %sub3A_542, %add3A_545 : i32
      %lt3A_547 = arith.constant 80 : i32
      %lt3A_548 = arith.cmpi slt, %add3A_546, %lt3A_547 : i32
      %and3A_549 = arith.andi %ge3A_544, %lt3A_548 : i1
      %convert_element_type3A_550 = arith.extui %and3A_549 : i1 to i32
      %cond3A_551 = arith.constant 0 : i32
      %cond3A_552 = arith.cmpi ne, %convert_element_type3A_550, %cond3A_551 : i32
      scf.if %cond3A_552 {
        %dma_wait3A_597 = arith.constant 0 : i32
        %dma_wait3A_598 = arith.constant 0 : i32
        %dma_wait3A_599 = arith.constant 0 : i32
        %dma_wait3A_600 = arith.constant 0 : i32
        %dma_wait3A_601 = tpu.memref_slice %arg8[%dma_wait3A_597, %dma_wait3A_599, %dma_wait3A_600] : memref<8x128x16xf32, #tpu.memory_space<vmem>> -> memref<1x128x16xf32, #tpu.memory_space<vmem>>
        %dma_wait3A_602 = tpu.memref_squeeze %dma_wait3A_601 : memref<1x128x16xf32, #tpu.memory_space<vmem>> -> memref<128x16xf32, #tpu.memory_space<vmem>>
        %dma_wait3A_603 = arith.constant 0 : i32
        %dma_wait3A_604 = tpu.memref_slice %arg7[%sub3A_542, %dma_wait3A_603] : memref<80x128xi32, #tpu.memory_space<vmem>> -> memref<1x128xi32, #tpu.memory_space<vmem>>
        %dma_wait3A_605 = tpu.memref_squeeze %dma_wait3A_604 : memref<1x128xi32, #tpu.memory_space<vmem>> -> memref<128xi32, #tpu.memory_space<vmem>>
        %dma_wait3A_606 = arith.constant 0 : i32
        %dma_wait3A_607 = arith.constant 0 : i32
        %dma_wait3A_608 = tpu.memref_slice %arg9[%dma_wait3A_606, %dma_wait3A_607] : memref<10240x16xf32, #tpu.memory_space<vmem_shared>> -> memref<10240x16xf32, #tpu.memory_space<vmem_shared>>
        %dma_wait3A_609 = tpu.memref_slice %arg12[%dma_wait3A_598] : memref<8x!tpu.dma_semaphore, #tpu.memory_space<semaphore_mem>> -> memref<1x!tpu.dma_semaphore, #tpu.memory_space<semaphore_mem>>
        %dma_wait3A_610 = tpu.memref_squeeze %dma_wait3A_609 : memref<1x!tpu.dma_semaphore, #tpu.memory_space<semaphore_mem>> -> memref<!tpu.dma_semaphore, #tpu.memory_space<semaphore_mem>>
        tpu.wait_indirect_dma semaphore(%dma_wait3A_610 : memref<!tpu.dma_semaphore, #tpu.memory_space<semaphore_mem>>) src(%dma_wait3A_602 : memref<128x16xf32, #tpu.memory_space<vmem>>) dst(%dma_wait3A_608 : memref<10240x16xf32, #tpu.memory_space<vmem_shared>>)
        %add3A_611 = arith.constant 8 : i32
        %add3A_612 = arith.addi %sub3A_542, %add3A_611 : i32
        %dma_start3A_613 = arith.constant 0 : i32
        %dma_start3A_614 = arith.constant 0 : i32
        %dma_start3A_615 = arith.constant 0 : i32
        %dma_start3A_616 = arith.constant 0 : i32
        %dma_start3A_617 = tpu.memref_slice %arg8[%dma_start3A_613, %dma_start3A_615, %dma_start3A_616] : memref<8x128x16xf32, #tpu.memory_space<vmem>> -> memref<1x128x16xf32, #tpu.memory_space<vmem>>
        %dma_start3A_618 = tpu.memref_squeeze %dma_start3A_617 : memref<1x128x16xf32, #tpu.memory_space<vmem>> -> memref<128x16xf32, #tpu.memory_space<vmem>>
        %dma_start3A_619 = arith.constant 0 : i32
        %dma_start3A_620 = tpu.memref_slice %arg6[%add3A_612, %dma_start3A_619] : memref<80x128xi32, #tpu.memory_space<vmem>> -> memref<1x128xi32, #tpu.memory_space<vmem>>
        %dma_start3A_621 = tpu.memref_squeeze %dma_start3A_620 : memref<1x128xi32, #tpu.memory_space<vmem>> -> memref<128xi32, #tpu.memory_space<vmem>>
        %dma_start3A_622 = arith.constant 0 : i32
        %dma_start3A_623 = arith.constant 0 : i32
        %dma_start3A_624 = tpu.memref_slice %arg10[%dma_start3A_622, %dma_start3A_623] : memref<10000x16xf32, #tpu.memory_space<vmem_shared>> -> memref<10000x16xf32, #tpu.memory_space<vmem_shared>>
        %dma_start3A_625 = tpu.memref_slice %arg11[%dma_start3A_614] : memref<8x!tpu.dma_semaphore, #tpu.memory_space<semaphore_mem>> -> memref<1x!tpu.dma_semaphore, #tpu.memory_space<semaphore_mem>>
        %dma_start3A_626 = tpu.memref_squeeze %dma_start3A_625 : memref<1x!tpu.dma_semaphore, #tpu.memory_space<semaphore_mem>> -> memref<!tpu.dma_semaphore, #tpu.memory_space<semaphore_mem>>
        tpu.enqueue_indirect_dma source(%dma_start3A_624 : memref<10000x16xf32, #tpu.memory_space<vmem_shared>>) target(%dma_start3A_618 : memref<128x16xf32, #tpu.memory_space<vmem>>) offsets(%dma_start3A_621 : memref<128xi32, #tpu.memory_space<vmem>>) semaphore(%dma_start3A_626 : memref<!tpu.dma_semaphore, #tpu.memory_space<semaphore_mem>>)
      } else {
      }
      %mul3A_553 = arith.constant 8 : i32
      %mul3A_554 = arith.muli %scan3A_250, %mul3A_553 : i32
      %add3A_555 = arith.constant 7 : i32
      %add3A_556 = arith.addi %mul3A_554, %add3A_555 : i32
      %dma_wait3A_557 = arith.constant 7 : i32
      %dma_wait3A_558 = arith.constant 7 : i32
      %dma_wait3A_559 = arith.constant 0 : i32
      %dma_wait3A_560 = arith.constant 0 : i32
      %dma_wait3A_561 = tpu.memref_slice %arg8[%dma_wait3A_557, %dma_wait3A_559, %dma_wait3A_560] : memref<8x128x16xf32, #tpu.memory_space<vmem>> -> memref<1x128x16xf32, #tpu.memory_space<vmem>>
      %dma_wait3A_562 = tpu.memref_squeeze %dma_wait3A_561 : memref<1x128x16xf32, #tpu.memory_space<vmem>> -> memref<128x16xf32, #tpu.memory_space<vmem>>
      %dma_wait3A_563 = arith.constant 0 : i32
      %dma_wait3A_564 = tpu.memref_slice %arg6[%add3A_556, %dma_wait3A_563] : memref<80x128xi32, #tpu.memory_space<vmem>> -> memref<1x128xi32, #tpu.memory_space<vmem>>
      %dma_wait3A_565 = tpu.memref_squeeze %dma_wait3A_564 : memref<1x128xi32, #tpu.memory_space<vmem>> -> memref<128xi32, #tpu.memory_space<vmem>>
      %dma_wait3A_566 = arith.constant 0 : i32
      %dma_wait3A_567 = arith.constant 0 : i32
      %dma_wait3A_568 = tpu.memref_slice %arg10[%dma_wait3A_566, %dma_wait3A_567] : memref<10000x16xf32, #tpu.memory_space<vmem_shared>> -> memref<10000x16xf32, #tpu.memory_space<vmem_shared>>
      %dma_wait3A_569 = tpu.memref_slice %arg11[%dma_wait3A_558] : memref<8x!tpu.dma_semaphore, #tpu.memory_space<semaphore_mem>> -> memref<1x!tpu.dma_semaphore, #tpu.memory_space<semaphore_mem>>
      %dma_wait3A_570 = tpu.memref_squeeze %dma_wait3A_569 : memref<1x!tpu.dma_semaphore, #tpu.memory_space<semaphore_mem>> -> memref<!tpu.dma_semaphore, #tpu.memory_space<semaphore_mem>>
      tpu.wait_indirect_dma semaphore(%dma_wait3A_570 : memref<!tpu.dma_semaphore, #tpu.memory_space<semaphore_mem>>) src(%dma_wait3A_568 : memref<10000x16xf32, #tpu.memory_space<vmem_shared>>) dst(%dma_wait3A_562 : memref<128x16xf32, #tpu.memory_space<vmem>>)
      %dma_start3A_571 = arith.constant 7 : i32
      %dma_start3A_572 = arith.constant 7 : i32
      %dma_start3A_573 = arith.constant 0 : i32
      %dma_start3A_574 = arith.constant 0 : i32
      %dma_start3A_575 = tpu.memref_slice %arg8[%dma_start3A_571, %dma_start3A_573, %dma_start3A_574] : memref<8x128x16xf32, #tpu.memory_space<vmem>> -> memref<1x128x16xf32, #tpu.memory_space<vmem>>
      %dma_start3A_576 = tpu.memref_squeeze %dma_start3A_575 : memref<1x128x16xf32, #tpu.memory_space<vmem>> -> memref<128x16xf32, #tpu.memory_space<vmem>>
      %dma_start3A_577 = arith.constant 0 : i32
      %dma_start3A_578 = tpu.memref_slice %arg7[%add3A_556, %dma_start3A_577] : memref<80x128xi32, #tpu.memory_space<vmem>> -> memref<1x128xi32, #tpu.memory_space<vmem>>
      %dma_start3A_579 = tpu.memref_squeeze %dma_start3A_578 : memref<1x128xi32, #tpu.memory_space<vmem>> -> memref<128xi32, #tpu.memory_space<vmem>>
      %dma_start3A_580 = arith.constant 0 : i32
      %dma_start3A_581 = arith.constant 0 : i32
      %dma_start3A_582 = tpu.memref_slice %arg9[%dma_start3A_580, %dma_start3A_581] : memref<10240x16xf32, #tpu.memory_space<vmem_shared>> -> memref<10240x16xf32, #tpu.memory_space<vmem_shared>>
      %dma_start3A_583 = tpu.memref_slice %arg12[%dma_start3A_572] : memref<8x!tpu.dma_semaphore, #tpu.memory_space<semaphore_mem>> -> memref<1x!tpu.dma_semaphore, #tpu.memory_space<semaphore_mem>>
      %dma_start3A_584 = tpu.memref_squeeze %dma_start3A_583 : memref<1x!tpu.dma_semaphore, #tpu.memory_space<semaphore_mem>> -> memref<!tpu.dma_semaphore, #tpu.memory_space<semaphore_mem>>
      tpu.enqueue_indirect_dma source(%dma_start3A_576 : memref<128x16xf32, #tpu.memory_space<vmem>>) target(%dma_start3A_582 : memref<10240x16xf32, #tpu.memory_space<vmem_shared>>) offsets(%dma_start3A_579 : memref<128xi32, #tpu.memory_space<vmem>>) semaphore(%dma_start3A_584 : memref<!tpu.dma_semaphore, #tpu.memory_space<semaphore_mem>>) {add = true}
      %sub3A_585 = arith.constant 6 : i32
      %sub3A_586 = arith.subi %add3A_556, %sub3A_585 : i32
      %ge3A_587 = arith.constant 0 : i32
      %ge3A_588 = arith.cmpi sge, %sub3A_586, %ge3A_587 : i32
      %add3A_589 = arith.constant 8 : i32
      %add3A_590 = arith.addi %sub3A_586, %add3A_589 : i32
      %lt3A_591 = arith.constant 80 : i32
      %lt3A_592 = arith.cmpi slt, %add3A_590, %lt3A_591 : i32
      %and3A_593 = arith.andi %ge3A_588, %lt3A_592 : i1
      %convert_element_type3A_594 = arith.extui %and3A_593 : i1 to i32
      %cond3A_595 = arith.constant 0 : i32
      %cond3A_596 = arith.cmpi ne, %convert_element_type3A_594, %cond3A_595 : i32
      scf.if %cond3A_596 {
        %dma_wait3A_597 = arith.constant 1 : i32
        %dma_wait3A_598 = arith.constant 1 : i32
        %dma_wait3A_599 = arith.constant 0 : i32
        %dma_wait3A_600 = arith.constant 0 : i32
        %dma_wait3A_601 = tpu.memref_slice %arg8[%dma_wait3A_597, %dma_wait3A_599, %dma_wait3A_600] : memref<8x128x16xf32, #tpu.memory_space<vmem>> -> memref<1x128x16xf32, #tpu.memory_space<vmem>>
        %dma_wait3A_602 = tpu.memref_squeeze %dma_wait3A_601 : memref<1x128x16xf32, #tpu.memory_space<vmem>> -> memref<128x16xf32, #tpu.memory_space<vmem>>
        %dma_wait3A_603 = arith.constant 0 : i32
        %dma_wait3A_604 = tpu.memref_slice %arg7[%sub3A_586, %dma_wait3A_603] : memref<80x128xi32, #tpu.memory_space<vmem>> -> memref<1x128xi32, #tpu.memory_space<vmem>>
        %dma_wait3A_605 = tpu.memref_squeeze %dma_wait3A_604 : memref<1x128xi32, #tpu.memory_space<vmem>> -> memref<128xi32, #tpu.memory_space<vmem>>
        %dma_wait3A_606 = arith.constant 0 : i32
        %dma_wait3A_607 = arith.constant 0 : i32
        %dma_wait3A_608 = tpu.memref_slice %arg9[%dma_wait3A_606, %dma_wait3A_607] : memref<10240x16xf32, #tpu.memory_space<vmem_shared>> -> memref<10240x16xf32, #tpu.memory_space<vmem_shared>>
        %dma_wait3A_609 = tpu.memref_slice %arg12[%dma_wait3A_598] : memref<8x!tpu.dma_semaphore, #tpu.memory_space<semaphore_mem>> -> memref<1x!tpu.dma_semaphore, #tpu.memory_space<semaphore_mem>>
        %dma_wait3A_610 = tpu.memref_squeeze %dma_wait3A_609 : memref<1x!tpu.dma_semaphore, #tpu.memory_space<semaphore_mem>> -> memref<!tpu.dma_semaphore, #tpu.memory_space<semaphore_mem>>
        tpu.wait_indirect_dma semaphore(%dma_wait3A_610 : memref<!tpu.dma_semaphore, #tpu.memory_space<semaphore_mem>>) src(%dma_wait3A_602 : memref<128x16xf32, #tpu.memory_space<vmem>>) dst(%dma_wait3A_608 : memref<10240x16xf32, #tpu.memory_space<vmem_shared>>)
        %add3A_611 = arith.constant 8 : i32
        %add3A_612 = arith.addi %sub3A_586, %add3A_611 : i32
        %dma_start3A_613 = arith.constant 1 : i32
        %dma_start3A_614 = arith.constant 1 : i32
        %dma_start3A_615 = arith.constant 0 : i32
        %dma_start3A_616 = arith.constant 0 : i32
        %dma_start3A_617 = tpu.memref_slice %arg8[%dma_start3A_613, %dma_start3A_615, %dma_start3A_616] : memref<8x128x16xf32, #tpu.memory_space<vmem>> -> memref<1x128x16xf32, #tpu.memory_space<vmem>>
        %dma_start3A_618 = tpu.memref_squeeze %dma_start3A_617 : memref<1x128x16xf32, #tpu.memory_space<vmem>> -> memref<128x16xf32, #tpu.memory_space<vmem>>
        %dma_start3A_619 = arith.constant 0 : i32
        %dma_start3A_620 = tpu.memref_slice %arg6[%add3A_612, %dma_start3A_619] : memref<80x128xi32, #tpu.memory_space<vmem>> -> memref<1x128xi32, #tpu.memory_space<vmem>>
        %dma_start3A_621 = tpu.memref_squeeze %dma_start3A_620 : memref<1x128xi32, #tpu.memory_space<vmem>> -> memref<128xi32, #tpu.memory_space<vmem>>
        %dma_start3A_622 = arith.constant 0 : i32
        %dma_start3A_623 = arith.constant 0 : i32
        %dma_start3A_624 = tpu.memref_slice %arg10[%dma_start3A_622, %dma_start3A_623] : memref<10000x16xf32, #tpu.memory_space<vmem_shared>> -> memref<10000x16xf32, #tpu.memory_space<vmem_shared>>
        %dma_start3A_625 = tpu.memref_slice %arg11[%dma_start3A_614] : memref<8x!tpu.dma_semaphore, #tpu.memory_space<semaphore_mem>> -> memref<1x!tpu.dma_semaphore, #tpu.memory_space<semaphore_mem>>
        %dma_start3A_626 = tpu.memref_squeeze %dma_start3A_625 : memref<1x!tpu.dma_semaphore, #tpu.memory_space<semaphore_mem>> -> memref<!tpu.dma_semaphore, #tpu.memory_space<semaphore_mem>>
        tpu.enqueue_indirect_dma source(%dma_start3A_624 : memref<10000x16xf32, #tpu.memory_space<vmem_shared>>) target(%dma_start3A_618 : memref<128x16xf32, #tpu.memory_space<vmem>>) offsets(%dma_start3A_621 : memref<128xi32, #tpu.memory_space<vmem>>) semaphore(%dma_start3A_626 : memref<!tpu.dma_semaphore, #tpu.memory_space<semaphore_mem>>)
      } else {
      }
    }
    %scan3A_129 = arith.constant 10 : i32
    %dma_wait3A = arith.constant 0 : i32
    %dma_wait3A_130 = arith.constant 72 : i32
    %dma_wait3A_131 = arith.constant 0 : i32
    %dma_wait3A_132 = arith.constant 0 : i32
    %dma_wait3A_133 = arith.constant 0 : i32
    %dma_wait3A_134 = tpu.memref_slice %arg8[%dma_wait3A, %dma_wait3A_132, %dma_wait3A_133] : memref<8x128x16xf32, #tpu.memory_space<vmem>> -> memref<1x128x16xf32, #tpu.memory_space<vmem>>
    %dma_wait3A_135 = tpu.memref_squeeze %dma_wait3A_134 : memref<1x128x16xf32, #tpu.memory_space<vmem>> -> memref<128x16xf32, #tpu.memory_space<vmem>>
    %dma_wait3A_136 = arith.constant 0 : i32
    %dma_wait3A_137 = tpu.memref_slice %arg7[%dma_wait3A_130, %dma_wait3A_136] : memref<80x128xi32, #tpu.memory_space<vmem>> -> memref<1x128xi32, #tpu.memory_space<vmem>>
    %dma_wait3A_138 = tpu.memref_squeeze %dma_wait3A_137 : memref<1x128xi32, #tpu.memory_space<vmem>> -> memref<128xi32, #tpu.memory_space<vmem>>
    %dma_wait3A_139 = arith.constant 0 : i32
    %dma_wait3A_140 = arith.constant 0 : i32
    %dma_wait3A_141 = tpu.memref_slice %arg9[%dma_wait3A_139, %dma_wait3A_140] : memref<10240x16xf32, #tpu.memory_space<vmem_shared>> -> memref<10240x16xf32, #tpu.memory_space<vmem_shared>>
    %dma_wait3A_142 = tpu.memref_slice %arg12[%dma_wait3A_131] : memref<8x!tpu.dma_semaphore, #tpu.memory_space<semaphore_mem>> -> memref<1x!tpu.dma_semaphore, #tpu.memory_space<semaphore_mem>>
    %dma_wait3A_143 = tpu.memref_squeeze %dma_wait3A_142 : memref<1x!tpu.dma_semaphore, #tpu.memory_space<semaphore_mem>> -> memref<!tpu.dma_semaphore, #tpu.memory_space<semaphore_mem>>
    tpu.wait_indirect_dma semaphore(%dma_wait3A_143 : memref<!tpu.dma_semaphore, #tpu.memory_space<semaphore_mem>>) src(%dma_wait3A_135 : memref<128x16xf32, #tpu.memory_space<vmem>>) dst(%dma_wait3A_141 : memref<10240x16xf32, #tpu.memory_space<vmem_shared>>)
    %dma_wait3A_144 = arith.constant 1 : i32
    %dma_wait3A_145 = arith.constant 73 : i32
    %dma_wait3A_146 = arith.constant 1 : i32
    %dma_wait3A_147 = arith.constant 0 : i32
    %dma_wait3A_148 = arith.constant 0 : i32
    %dma_wait3A_149 = tpu.memref_slice %arg8[%dma_wait3A_144, %dma_wait3A_147, %dma_wait3A_148] : memref<8x128x16xf32, #tpu.memory_space<vmem>> -> memref<1x128x16xf32, #tpu.memory_space<vmem>>
    %dma_wait3A_150 = tpu.memref_squeeze %dma_wait3A_149 : memref<1x128x16xf32, #tpu.memory_space<vmem>> -> memref<128x16xf32, #tpu.memory_space<vmem>>
    %dma_wait3A_151 = arith.constant 0 : i32
    %dma_wait3A_152 = tpu.memref_slice %arg7[%dma_wait3A_145, %dma_wait3A_151] : memref<80x128xi32, #tpu.memory_space<vmem>> -> memref<1x128xi32, #tpu.memory_space<vmem>>
    %dma_wait3A_153 = tpu.memref_squeeze %dma_wait3A_152 : memref<1x128xi32, #tpu.memory_space<vmem>> -> memref<128xi32, #tpu.memory_space<vmem>>
    %dma_wait3A_154 = arith.constant 0 : i32
    %dma_wait3A_155 = arith.constant 0 : i32
    %dma_wait3A_156 = tpu.memref_slice %arg9[%dma_wait3A_154, %dma_wait3A_155] : memref<10240x16xf32, #tpu.memory_space<vmem_shared>> -> memref<10240x16xf32, #tpu.memory_space<vmem_shared>>
    %dma_wait3A_157 = tpu.memref_slice %arg12[%dma_wait3A_146] : memref<8x!tpu.dma_semaphore, #tpu.memory_space<semaphore_mem>> -> memref<1x!tpu.dma_semaphore, #tpu.memory_space<semaphore_mem>>
    %dma_wait3A_158 = tpu.memref_squeeze %dma_wait3A_157 : memref<1x!tpu.dma_semaphore, #tpu.memory_space<semaphore_mem>> -> memref<!tpu.dma_semaphore, #tpu.memory_space<semaphore_mem>>
    tpu.wait_indirect_dma semaphore(%dma_wait3A_158 : memref<!tpu.dma_semaphore, #tpu.memory_space<semaphore_mem>>) src(%dma_wait3A_150 : memref<128x16xf32, #tpu.memory_space<vmem>>) dst(%dma_wait3A_156 : memref<10240x16xf32, #tpu.memory_space<vmem_shared>>)
    %dma_wait3A_159 = arith.constant 2 : i32
    %dma_wait3A_160 = arith.constant 74 : i32
    %dma_wait3A_161 = arith.constant 2 : i32
    %dma_wait3A_162 = arith.constant 0 : i32
    %dma_wait3A_163 = arith.constant 0 : i32
    %dma_wait3A_164 = tpu.memref_slice %arg8[%dma_wait3A_159, %dma_wait3A_162, %dma_wait3A_163] : memref<8x128x16xf32, #tpu.memory_space<vmem>> -> memref<1x128x16xf32, #tpu.memory_space<vmem>>
    %dma_wait3A_165 = tpu.memref_squeeze %dma_wait3A_164 : memref<1x128x16xf32, #tpu.memory_space<vmem>> -> memref<128x16xf32, #tpu.memory_space<vmem>>
    %dma_wait3A_166 = arith.constant 0 : i32
    %dma_wait3A_167 = tpu.memref_slice %arg7[%dma_wait3A_160, %dma_wait3A_166] : memref<80x128xi32, #tpu.memory_space<vmem>> -> memref<1x128xi32, #tpu.memory_space<vmem>>
    %dma_wait3A_168 = tpu.memref_squeeze %dma_wait3A_167 : memref<1x128xi32, #tpu.memory_space<vmem>> -> memref<128xi32, #tpu.memory_space<vmem>>
    %dma_wait3A_169 = arith.constant 0 : i32
    %dma_wait3A_170 = arith.constant 0 : i32
    %dma_wait3A_171 = tpu.memref_slice %arg9[%dma_wait3A_169, %dma_wait3A_170] : memref<10240x16xf32, #tpu.memory_space<vmem_shared>> -> memref<10240x16xf32, #tpu.memory_space<vmem_shared>>
    %dma_wait3A_172 = tpu.memref_slice %arg12[%dma_wait3A_161] : memref<8x!tpu.dma_semaphore, #tpu.memory_space<semaphore_mem>> -> memref<1x!tpu.dma_semaphore, #tpu.memory_space<semaphore_mem>>
    %dma_wait3A_173 = tpu.memref_squeeze %dma_wait3A_172 : memref<1x!tpu.dma_semaphore, #tpu.memory_space<semaphore_mem>> -> memref<!tpu.dma_semaphore, #tpu.memory_space<semaphore_mem>>
    tpu.wait_indirect_dma semaphore(%dma_wait3A_173 : memref<!tpu.dma_semaphore, #tpu.memory_space<semaphore_mem>>) src(%dma_wait3A_165 : memref<128x16xf32, #tpu.memory_space<vmem>>) dst(%dma_wait3A_171 : memref<10240x16xf32, #tpu.memory_space<vmem_shared>>)
    %dma_wait3A_174 = arith.constant 3 : i32
    %dma_wait3A_175 = arith.constant 75 : i32
    %dma_wait3A_176 = arith.constant 3 : i32
    %dma_wait3A_177 = arith.constant 0 : i32
    %dma_wait3A_178 = arith.constant 0 : i32
    %dma_wait3A_179 = tpu.memref_slice %arg8[%dma_wait3A_174, %dma_wait3A_177, %dma_wait3A_178] : memref<8x128x16xf32, #tpu.memory_space<vmem>> -> memref<1x128x16xf32, #tpu.memory_space<vmem>>
    %dma_wait3A_180 = tpu.memref_squeeze %dma_wait3A_179 : memref<1x128x16xf32, #tpu.memory_space<vmem>> -> memref<128x16xf32, #tpu.memory_space<vmem>>
    %dma_wait3A_181 = arith.constant 0 : i32
    %dma_wait3A_182 = tpu.memref_slice %arg7[%dma_wait3A_175, %dma_wait3A_181] : memref<80x128xi32, #tpu.memory_space<vmem>> -> memref<1x128xi32, #tpu.memory_space<vmem>>
    %dma_wait3A_183 = tpu.memref_squeeze %dma_wait3A_182 : memref<1x128xi32, #tpu.memory_space<vmem>> -> memref<128xi32, #tpu.memory_space<vmem>>
    %dma_wait3A_184 = arith.constant 0 : i32
    %dma_wait3A_185 = arith.constant 0 : i32
    %dma_wait3A_186 = tpu.memref_slice %arg9[%dma_wait3A_184, %dma_wait3A_185] : memref<10240x16xf32, #tpu.memory_space<vmem_shared>> -> memref<10240x16xf32, #tpu.memory_space<vmem_shared>>
    %dma_wait3A_187 = tpu.memref_slice %arg12[%dma_wait3A_176] : memref<8x!tpu.dma_semaphore, #tpu.memory_space<semaphore_mem>> -> memref<1x!tpu.dma_semaphore, #tpu.memory_space<semaphore_mem>>
    %dma_wait3A_188 = tpu.memref_squeeze %dma_wait3A_187 : memref<1x!tpu.dma_semaphore, #tpu.memory_space<semaphore_mem>> -> memref<!tpu.dma_semaphore, #tpu.memory_space<semaphore_mem>>
    tpu.wait_indirect_dma semaphore(%dma_wait3A_188 : memref<!tpu.dma_semaphore, #tpu.memory_space<semaphore_mem>>) src(%dma_wait3A_180 : memref<128x16xf32, #tpu.memory_space<vmem>>) dst(%dma_wait3A_186 : memref<10240x16xf32, #tpu.memory_space<vmem_shared>>)
    %dma_wait3A_189 = arith.constant 4 : i32
    %dma_wait3A_190 = arith.constant 76 : i32
    %dma_wait3A_191 = arith.constant 4 : i32
    %dma_wait3A_192 = arith.constant 0 : i32
    %dma_wait3A_193 = arith.constant 0 : i32
    %dma_wait3A_194 = tpu.memref_slice %arg8[%dma_wait3A_189, %dma_wait3A_192, %dma_wait3A_193] : memref<8x128x16xf32, #tpu.memory_space<vmem>> -> memref<1x128x16xf32, #tpu.memory_space<vmem>>
    %dma_wait3A_195 = tpu.memref_squeeze %dma_wait3A_194 : memref<1x128x16xf32, #tpu.memory_space<vmem>> -> memref<128x16xf32, #tpu.memory_space<vmem>>
    %dma_wait3A_196 = arith.constant 0 : i32
    %dma_wait3A_197 = tpu.memref_slice %arg7[%dma_wait3A_190, %dma_wait3A_196] : memref<80x128xi32, #tpu.memory_space<vmem>> -> memref<1x128xi32, #tpu.memory_space<vmem>>
    %dma_wait3A_198 = tpu.memref_squeeze %dma_wait3A_197 : memref<1x128xi32, #tpu.memory_space<vmem>> -> memref<128xi32, #tpu.memory_space<vmem>>
    %dma_wait3A_199 = arith.constant 0 : i32
    %dma_wait3A_200 = arith.constant 0 : i32
    %dma_wait3A_201 = tpu.memref_slice %arg9[%dma_wait3A_199, %dma_wait3A_200] : memref<10240x16xf32, #tpu.memory_space<vmem_shared>> -> memref<10240x16xf32, #tpu.memory_space<vmem_shared>>
    %dma_wait3A_202 = tpu.memref_slice %arg12[%dma_wait3A_191] : memref<8x!tpu.dma_semaphore, #tpu.memory_space<semaphore_mem>> -> memref<1x!tpu.dma_semaphore, #tpu.memory_space<semaphore_mem>>
    %dma_wait3A_203 = tpu.memref_squeeze %dma_wait3A_202 : memref<1x!tpu.dma_semaphore, #tpu.memory_space<semaphore_mem>> -> memref<!tpu.dma_semaphore, #tpu.memory_space<semaphore_mem>>
    tpu.wait_indirect_dma semaphore(%dma_wait3A_203 : memref<!tpu.dma_semaphore, #tpu.memory_space<semaphore_mem>>) src(%dma_wait3A_195 : memref<128x16xf32, #tpu.memory_space<vmem>>) dst(%dma_wait3A_201 : memref<10240x16xf32, #tpu.memory_space<vmem_shared>>)
    %dma_wait3A_204 = arith.constant 5 : i32
    %dma_wait3A_205 = arith.constant 77 : i32
    %dma_wait3A_206 = arith.constant 5 : i32
    %dma_wait3A_207 = arith.constant 0 : i32
    %dma_wait3A_208 = arith.constant 0 : i32
    %dma_wait3A_209 = tpu.memref_slice %arg8[%dma_wait3A_204, %dma_wait3A_207, %dma_wait3A_208] : memref<8x128x16xf32, #tpu.memory_space<vmem>> -> memref<1x128x16xf32, #tpu.memory_space<vmem>>
    %dma_wait3A_210 = tpu.memref_squeeze %dma_wait3A_209 : memref<1x128x16xf32, #tpu.memory_space<vmem>> -> memref<128x16xf32, #tpu.memory_space<vmem>>
    %dma_wait3A_211 = arith.constant 0 : i32
    %dma_wait3A_212 = tpu.memref_slice %arg7[%dma_wait3A_205, %dma_wait3A_211] : memref<80x128xi32, #tpu.memory_space<vmem>> -> memref<1x128xi32, #tpu.memory_space<vmem>>
    %dma_wait3A_213 = tpu.memref_squeeze %dma_wait3A_212 : memref<1x128xi32, #tpu.memory_space<vmem>> -> memref<128xi32, #tpu.memory_space<vmem>>
    %dma_wait3A_214 = arith.constant 0 : i32
    %dma_wait3A_215 = arith.constant 0 : i32
    %dma_wait3A_216 = tpu.memref_slice %arg9[%dma_wait3A_214, %dma_wait3A_215] : memref<10240x16xf32, #tpu.memory_space<vmem_shared>> -> memref<10240x16xf32, #tpu.memory_space<vmem_shared>>
    %dma_wait3A_217 = tpu.memref_slice %arg12[%dma_wait3A_206] : memref<8x!tpu.dma_semaphore, #tpu.memory_space<semaphore_mem>> -> memref<1x!tpu.dma_semaphore, #tpu.memory_space<semaphore_mem>>
    %dma_wait3A_218 = tpu.memref_squeeze %dma_wait3A_217 : memref<1x!tpu.dma_semaphore, #tpu.memory_space<semaphore_mem>> -> memref<!tpu.dma_semaphore, #tpu.memory_space<semaphore_mem>>
    tpu.wait_indirect_dma semaphore(%dma_wait3A_218 : memref<!tpu.dma_semaphore, #tpu.memory_space<semaphore_mem>>) src(%dma_wait3A_210 : memref<128x16xf32, #tpu.memory_space<vmem>>) dst(%dma_wait3A_216 : memref<10240x16xf32, #tpu.memory_space<vmem_shared>>)
    %dma_wait3A_219 = arith.constant 6 : i32
    %dma_wait3A_220 = arith.constant 78 : i32
    %dma_wait3A_221 = arith.constant 6 : i32
    %dma_wait3A_222 = arith.constant 0 : i32
    %dma_wait3A_223 = arith.constant 0 : i32
    %dma_wait3A_224 = tpu.memref_slice %arg8[%dma_wait3A_219, %dma_wait3A_222, %dma_wait3A_223] : memref<8x128x16xf32, #tpu.memory_space<vmem>> -> memref<1x128x16xf32, #tpu.memory_space<vmem>>
    %dma_wait3A_225 = tpu.memref_squeeze %dma_wait3A_224 : memref<1x128x16xf32, #tpu.memory_space<vmem>> -> memref<128x16xf32, #tpu.memory_space<vmem>>
    %dma_wait3A_226 = arith.constant 0 : i32
    %dma_wait3A_227 = tpu.memref_slice %arg7[%dma_wait3A_220, %dma_wait3A_226] : memref<80x128xi32, #tpu.memory_space<vmem>> -> memref<1x128xi32, #tpu.memory_space<vmem>>
    %dma_wait3A_228 = tpu.memref_squeeze %dma_wait3A_227 : memref<1x128xi32, #tpu.memory_space<vmem>> -> memref<128xi32, #tpu.memory_space<vmem>>
    %dma_wait3A_229 = arith.constant 0 : i32
    %dma_wait3A_230 = arith.constant 0 : i32
    %dma_wait3A_231 = tpu.memref_slice %arg9[%dma_wait3A_229, %dma_wait3A_230] : memref<10240x16xf32, #tpu.memory_space<vmem_shared>> -> memref<10240x16xf32, #tpu.memory_space<vmem_shared>>
    %dma_wait3A_232 = tpu.memref_slice %arg12[%dma_wait3A_221] : memref<8x!tpu.dma_semaphore, #tpu.memory_space<semaphore_mem>> -> memref<1x!tpu.dma_semaphore, #tpu.memory_space<semaphore_mem>>
    %dma_wait3A_233 = tpu.memref_squeeze %dma_wait3A_232 : memref<1x!tpu.dma_semaphore, #tpu.memory_space<semaphore_mem>> -> memref<!tpu.dma_semaphore, #tpu.memory_space<semaphore_mem>>
    tpu.wait_indirect_dma semaphore(%dma_wait3A_233 : memref<!tpu.dma_semaphore, #tpu.memory_space<semaphore_mem>>) src(%dma_wait3A_225 : memref<128x16xf32, #tpu.memory_space<vmem>>) dst(%dma_wait3A_231 : memref<10240x16xf32, #tpu.memory_space<vmem_shared>>)
    %dma_wait3A_234 = arith.constant 7 : i32
    %dma_wait3A_235 = arith.constant 79 : i32
    %dma_wait3A_236 = arith.constant 7 : i32
    %dma_wait3A_237 = arith.constant 0 : i32
    %dma_wait3A_238 = arith.constant 0 : i32
    %dma_wait3A_239 = tpu.memref_slice %arg8[%dma_wait3A_234, %dma_wait3A_237, %dma_wait3A_238] : memref<8x128x16xf32, #tpu.memory_space<vmem>> -> memref<1x128x16xf32, #tpu.memory_space<vmem>>
    %dma_wait3A_240 = tpu.memref_squeeze %dma_wait3A_239 : memref<1x128x16xf32, #tpu.memory_space<vmem>> -> memref<128x16xf32, #tpu.memory_space<vmem>>
    %dma_wait3A_241 = arith.constant 0 : i32
    %dma_wait3A_242 = tpu.memref_slice %arg7[%dma_wait3A_235, %dma_wait3A_241] : memref<80x128xi32, #tpu.memory_space<vmem>> -> memref<1x128xi32, #tpu.memory_space<vmem>>
    %dma_wait3A_243 = tpu.memref_squeeze %dma_wait3A_242 : memref<1x128xi32, #tpu.memory_space<vmem>> -> memref<128xi32, #tpu.memory_space<vmem>>
    %dma_wait3A_244 = arith.constant 0 : i32
    %dma_wait3A_245 = arith.constant 0 : i32
    %dma_wait3A_246 = tpu.memref_slice %arg9[%dma_wait3A_244, %dma_wait3A_245] : memref<10240x16xf32, #tpu.memory_space<vmem_shared>> -> memref<10240x16xf32, #tpu.memory_space<vmem_shared>>
    %dma_wait3A_247 = tpu.memref_slice %arg12[%dma_wait3A_236] : memref<8x!tpu.dma_semaphore, #tpu.memory_space<semaphore_mem>> -> memref<1x!tpu.dma_semaphore, #tpu.memory_space<semaphore_mem>>
    %dma_wait3A_248 = tpu.memref_squeeze %dma_wait3A_247 : memref<1x!tpu.dma_semaphore, #tpu.memory_space<semaphore_mem>> -> memref<!tpu.dma_semaphore, #tpu.memory_space<semaphore_mem>>
    tpu.wait_indirect_dma semaphore(%dma_wait3A_248 : memref<!tpu.dma_semaphore, #tpu.memory_space<semaphore_mem>>) src(%dma_wait3A_240 : memref<128x16xf32, #tpu.memory_space<vmem>>) dst(%dma_wait3A_246 : memref<10240x16xf32, #tpu.memory_space<vmem_shared>>)
    %barrier3A_249 = arith.constant 0 : index
    tpu.barrier barrier_id(%barrier3A_249)
    "tpu.region"() ({
      %run_scoped3A_250 = tpu.sem_alloc : memref<!tpu.dma_semaphore, #tpu.memory_space<semaphore_mem>>
      %dma_start3A_251 = arith.constant 0 : i32
      %dma_start3A_252 = arith.constant 0 : i32
      %dma_start3A_253 = tpu.memref_slice %arg5[%arg0, %dma_start3A_251, %dma_start3A_252] : memref<2x10240x16xf32, #tpu.memory_space<hbm>> -> memref<1x10240x16xf32, #tpu.memory_space<hbm>>
      %dma_start3A_254 = tpu.memref_squeeze %dma_start3A_253 : memref<1x10240x16xf32, #tpu.memory_space<hbm>> -> memref<10240x16xf32, #tpu.memory_space<hbm>>
      %dma_start3A_255 = arith.constant 0 : i32
      %dma_start3A_256 = tpu.memref_slice %dma_start3A_254[%mul3A_2, %dma_start3A_255] : memref<10240x16xf32, #tpu.memory_space<hbm>> -> memref<640x16xf32, #tpu.memory_space<hbm>>
      %dma_start3A_257 = arith.constant 0 : i32
      %dma_start3A_258 = tpu.memref_slice %arg9[%mul3A_2, %dma_start3A_257] : memref<10240x16xf32, #tpu.memory_space<vmem_shared>> -> memref<640x16xf32, #tpu.memory_space<vmem_shared>>
      tpu.enqueue_dma source(%dma_start3A_258 : memref<640x16xf32, #tpu.memory_space<vmem_shared>>) target(%dma_start3A_256 : memref<640x16xf32, #tpu.memory_space<hbm>>) target_semaphore(%run_scoped3A_250 : memref<!tpu.dma_semaphore, #tpu.memory_space<semaphore_mem>>)
      %dma_wait3A_259 = arith.constant 0 : i32
      %dma_wait3A_260 = arith.constant 0 : i32
      %dma_wait3A_261 = tpu.memref_slice %arg5[%arg0, %dma_wait3A_259, %dma_wait3A_260] : memref<2x10240x16xf32, #tpu.memory_space<hbm>> -> memref<1x10240x16xf32, #tpu.memory_space<hbm>>
      %dma_wait3A_262 = tpu.memref_squeeze %dma_wait3A_261 : memref<1x10240x16xf32, #tpu.memory_space<hbm>> -> memref<10240x16xf32, #tpu.memory_space<hbm>>
      %dma_wait3A_263 = arith.constant 0 : i32
      %dma_wait3A_264 = tpu.memref_slice %dma_wait3A_262[%mul3A_2, %dma_wait3A_263] : memref<10240x16xf32, #tpu.memory_space<hbm>> -> memref<640x16xf32, #tpu.memory_space<hbm>>
      %dma_wait3A_265 = arith.constant 0 : i32
      %dma_wait3A_266 = tpu.memref_slice %arg9[%mul3A_2, %dma_wait3A_265] : memref<10240x16xf32, #tpu.memory_space<vmem_shared>> -> memref<640x16xf32, #tpu.memory_space<vmem_shared>>
      tpu.wait_dma2 semaphore(%run_scoped3A_250 : memref<!tpu.dma_semaphore, #tpu.memory_space<semaphore_mem>>) src(%dma_wait3A_266 : memref<640x16xf32, #tpu.memory_space<vmem_shared>>) dst(%dma_wait3A_264 : memref<640x16xf32, #tpu.memory_space<hbm>>)
      tpu.yield
    }) : () -> ()
    return
  }
}

module attributes {stable_mosaic.version = 14 : i64} {
  func.func @_tc1a(%arg0: memref<10000x128xf32, #tpu.memory_space<vmem>>, %arg1: memref<128x128xf32, #tpu.memory_space<vmem>>, %arg2: memref<10000x128xf32, #tpu.memory_space<vmem>>) attributes {dimension_semantics = [], scalar_prefetch = 0 : i64, scratch_operands = 0 : i64, tpu.core_type = #tpu.core_type<tc>} {
    %get3A = arith.constant 0 : index
    %get3A_0 = arith.constant 0 : index
    %get3A_1 = vector.load %arg0[%get3A, %get3A_0] : memref<10000x128xf32, #tpu.memory_space<vmem>>, vector<10000x128xf32>
    %get3A_2 = arith.constant 0 : index
    %get3A_3 = arith.constant 0 : index
    %get3A_4 = vector.load %arg1[%get3A_2, %get3A_3] : memref<128x128xf32, #tpu.memory_space<vmem>>, vector<128x128xf32>
    %dot_general3A = arith.constant dense<0.000000e+00> : vector<10000x128xf32>
    %dot_general3A_5 = tpu.matmul %get3A_1, %get3A_4, %dot_general3A {dimension_numbers = #tpu.dot_dimension_numbers<[1], [0], [0], [1], [0, 0, 1, 1], [], []>, transpose_lhs_hint = false} : vector<10000x128xf32>, vector<128x128xf32>, vector<10000x128xf32> -> vector<10000x128xf32>
    %swap3A = arith.constant 0 : index
    %swap3A_6 = arith.constant 0 : index
    %swap3A_7 = vector.load %arg2[%swap3A, %swap3A_6] : memref<10000x128xf32, #tpu.memory_space<vmem>>, vector<10000x128xf32>
    tpu.vector_store %arg2[%swap3A, %swap3A_6], %dot_general3A_5 {strides = array<i32>} : memref<10000x128xf32, #tpu.memory_space<vmem>>, vector<10000x128xf32>,
    return
  }
}

module attributes {stable_mosaic.version = 14 : i64} {
  func.func @_tc1b(%arg0: memref<2x1250x8xf32, #tpu.memory_space<vmem>>, %arg1: memref<10000x128xf32, #tpu.memory_space<vmem>>, %arg2: memref<1250x128xf32, #tpu.memory_space<vmem>>, %arg3: memref<1250x128xf32, #tpu.memory_space<vmem>>) attributes {dimension_semantics = [], scalar_prefetch = 0 : i64, scratch_operands = 0 : i64, tpu.core_type = #tpu.core_type<tc>} {
    %get3A = arith.constant 0 : index
    %get3A_0 = arith.constant 0 : index
    %get3A_1 = arith.constant 0 : index
    %get3A_2 = vector.load %arg0[%get3A, %get3A_0, %get3A_1] : memref<2x1250x8xf32, #tpu.memory_space<vmem>>, vector<2x1250x8xf32>
    %slice3A = vector.extract_strided_slice %get3A_2 {offsets = [0, 0, 0], sizes = [1, 1250, 8], strides = [1, 1, 1]} : vector<2x1250x8xf32> to vector<1x1250x8xf32>
    %squeeze3A = vector.shape_cast %slice3A : vector<1x1250x8xf32> to vector<1250x8xf32>
    %slice3A_3 = vector.extract_strided_slice %get3A_2 {offsets = [1, 0, 0], sizes = [1, 1250, 8], strides = [1, 1, 1]} : vector<2x1250x8xf32> to vector<1x1250x8xf32>
    %squeeze3A_4 = vector.shape_cast %slice3A_3 : vector<1x1250x8xf32> to vector<1250x8xf32>
    %add3A = arith.addf %squeeze3A, %squeeze3A_4 : vector<1250x8xf32>
    %add3A_5 = arith.constant 1.000000e+00 : f32
    %add3A_6 = vector.broadcast %add3A_5 : f32 to vector<1250x8xf32>
    %add3A_7 = arith.addf %add3A, %add3A_6 : vector<1250x8xf32>
    %rsqrt3A = math.rsqrt %add3A_7 : vector<1250x8xf32>
    %iota3A = tpu.iota {dimensions = array<i32: 1>} : vector<1250x128xi32>
    %jit3A = arith.constant 16 : i32
    %div3A = vector.broadcast %jit3A : i32 to vector<1250x128xi32>
    %div3A_8 = arith.divsi %iota3A, %div3A : vector<1250x128xi32>
    %sign3A = arith.constant 0 : i32
    %sign3A_9 = vector.broadcast %sign3A : i32 to vector<1250x128xi32>
    %sign3A_10 = arith.cmpi sgt, %iota3A, %sign3A_9 : vector<1250x128xi32>
    %sign3A_11 = arith.extui %sign3A_10 : vector<1250x128xi1> to vector<1250x128xi32>
    %sign3A_12 = arith.constant 0 : i32
    %sign3A_13 = vector.broadcast %sign3A_12 : i32 to vector<1250x128xi32>
    %sign3A_14 = arith.cmpi slt, %iota3A, %sign3A_13 : vector<1250x128xi32>
    %sign3A_15 = arith.extui %sign3A_14 : vector<1250x128xi1> to vector<1250x128xi32>
    %sign3A_16 = arith.subi %sign3A_11, %sign3A_15 : vector<1250x128xi32>
    %sign3A_17 = arith.constant 0 : i32
    %sign3A_18 = arith.cmpi sgt, %jit3A, %sign3A_17 : i32
    %sign3A_19 = arith.extui %sign3A_18 : i1 to i32
    %sign3A_20 = arith.constant 0 : i32
    %sign3A_21 = arith.cmpi slt, %jit3A, %sign3A_20 : i32
    %sign3A_22 = arith.extui %sign3A_21 : i1 to i32
    %sign3A_23 = arith.subi %sign3A_19, %sign3A_22 : i32
    %ne3A = vector.broadcast %sign3A_23 : i32 to vector<1250x128xi32>
    %ne3A_24 = arith.cmpi ne, %sign3A_16, %ne3A : vector<1250x128xi32>
    %rem3A = vector.broadcast %jit3A : i32 to vector<1250x128xi32>
    %rem3A_25 = arith.remsi %iota3A, %rem3A : vector<1250x128xi32>
    %ne3A_26 = arith.constant 0 : i32
    %ne3A_27 = vector.broadcast %ne3A_26 : i32 to vector<1250x128xi32>
    %ne3A_28 = arith.cmpi ne, %rem3A_25, %ne3A_27 : vector<1250x128xi32>
    %and3A = arith.andi %ne3A_24, %ne3A_28 : vector<1250x128xi1>
    %sub3A = arith.constant 1 : i32
    %sub3A_29 = vector.broadcast %sub3A : i32 to vector<1250x128xi32>
    %sub3A_30 = arith.subi %div3A_8, %sub3A_29 : vector<1250x128xi32>
    %select_n3A = arith.select %and3A, %sub3A_30, %div3A_8 : vector<1250x128xi1>, vector<1250x128xi32>
    %slice3A_31 = vector.extract_strided_slice %rsqrt3A {offsets = [0, 0], sizes = [1250, 1], strides = [1, 1]} : vector<1250x8xf32> to vector<1250x1xf32>
    %broadcast_in_dim3A = vector.shape_cast %slice3A_31 : vector<1250x1xf32> to vector<1250x1xf32>
    %broadcast_in_dim3A_32 = vector.broadcast %broadcast_in_dim3A : vector<1250x1xf32> to vector<1250x128xf32>
    %eq3A = arith.constant 1 : i32
    %eq3A_33 = vector.broadcast %eq3A : i32 to vector<1250x128xi32>
    %eq3A_34 = arith.cmpi eq, %select_n3A, %eq3A_33 : vector<1250x128xi32>
    %slice3A_35 = vector.extract_strided_slice %rsqrt3A {offsets = [0, 1], sizes = [1250, 1], strides = [1, 1]} : vector<1250x8xf32> to vector<1250x1xf32>
    %broadcast_in_dim3A_36 = vector.shape_cast %slice3A_35 : vector<1250x1xf32> to vector<1250x1xf32>
    %broadcast_in_dim3A_37 = vector.broadcast %broadcast_in_dim3A_36 : vector<1250x1xf32> to vector<1250x128xf32>
    %select_n3A_38 = arith.select %eq3A_34, %broadcast_in_dim3A_37, %broadcast_in_dim3A_32 : vector<1250x128xi1>, vector<1250x128xf32>
    %eq3A_39 = arith.constant 2 : i32
    %eq3A_40 = vector.broadcast %eq3A_39 : i32 to vector<1250x128xi32>
    %eq3A_41 = arith.cmpi eq, %select_n3A, %eq3A_40 : vector<1250x128xi32>
    %slice3A_42 = vector.extract_strided_slice %rsqrt3A {offsets = [0, 2], sizes = [1250, 1], strides = [1, 1]} : vector<1250x8xf32> to vector<1250x1xf32>
    %broadcast_in_dim3A_43 = vector.shape_cast %slice3A_42 : vector<1250x1xf32> to vector<1250x1xf32>
    %broadcast_in_dim3A_44 = vector.broadcast %broadcast_in_dim3A_43 : vector<1250x1xf32> to vector<1250x128xf32>
    %select_n3A_45 = arith.select %eq3A_41, %broadcast_in_dim3A_44, %select_n3A_38 : vector<1250x128xi1>, vector<1250x128xf32>
    %eq3A_46 = arith.constant 3 : i32
    %eq3A_47 = vector.broadcast %eq3A_46 : i32 to vector<1250x128xi32>
    %eq3A_48 = arith.cmpi eq, %select_n3A, %eq3A_47 : vector<1250x128xi32>
    %slice3A_49 = vector.extract_strided_slice %rsqrt3A {offsets = [0, 3], sizes = [1250, 1], strides = [1, 1]} : vector<1250x8xf32> to vector<1250x1xf32>
    %broadcast_in_dim3A_50 = vector.shape_cast %slice3A_49 : vector<1250x1xf32> to vector<1250x1xf32>
    %broadcast_in_dim3A_51 = vector.broadcast %broadcast_in_dim3A_50 : vector<1250x1xf32> to vector<1250x128xf32>
    %select_n3A_52 = arith.select %eq3A_48, %broadcast_in_dim3A_51, %select_n3A_45 : vector<1250x128xi1>, vector<1250x128xf32>
    %eq3A_53 = arith.constant 4 : i32
    %eq3A_54 = vector.broadcast %eq3A_53 : i32 to vector<1250x128xi32>
    %eq3A_55 = arith.cmpi eq, %select_n3A, %eq3A_54 : vector<1250x128xi32>
    %slice3A_56 = vector.extract_strided_slice %rsqrt3A {offsets = [0, 4], sizes = [1250, 1], strides = [1, 1]} : vector<1250x8xf32> to vector<1250x1xf32>
    %broadcast_in_dim3A_57 = vector.shape_cast %slice3A_56 : vector<1250x1xf32> to vector<1250x1xf32>
    %broadcast_in_dim3A_58 = vector.broadcast %broadcast_in_dim3A_57 : vector<1250x1xf32> to vector<1250x128xf32>
    %select_n3A_59 = arith.select %eq3A_55, %broadcast_in_dim3A_58, %select_n3A_52 : vector<1250x128xi1>, vector<1250x128xf32>
    %eq3A_60 = arith.constant 5 : i32
    %eq3A_61 = vector.broadcast %eq3A_60 : i32 to vector<1250x128xi32>
    %eq3A_62 = arith.cmpi eq, %select_n3A, %eq3A_61 : vector<1250x128xi32>
    %slice3A_63 = vector.extract_strided_slice %rsqrt3A {offsets = [0, 5], sizes = [1250, 1], strides = [1, 1]} : vector<1250x8xf32> to vector<1250x1xf32>
    %broadcast_in_dim3A_64 = vector.shape_cast %slice3A_63 : vector<1250x1xf32> to vector<1250x1xf32>
    %broadcast_in_dim3A_65 = vector.broadcast %broadcast_in_dim3A_64 : vector<1250x1xf32> to vector<1250x128xf32>
    %select_n3A_66 = arith.select %eq3A_62, %broadcast_in_dim3A_65, %select_n3A_59 : vector<1250x128xi1>, vector<1250x128xf32>
    %eq3A_67 = arith.constant 6 : i32
    %eq3A_68 = vector.broadcast %eq3A_67 : i32 to vector<1250x128xi32>
    %eq3A_69 = arith.cmpi eq, %select_n3A, %eq3A_68 : vector<1250x128xi32>
    %slice3A_70 = vector.extract_strided_slice %rsqrt3A {offsets = [0, 6], sizes = [1250, 1], strides = [1, 1]} : vector<1250x8xf32> to vector<1250x1xf32>
    %broadcast_in_dim3A_71 = vector.shape_cast %slice3A_70 : vector<1250x1xf32> to vector<1250x1xf32>
    %broadcast_in_dim3A_72 = vector.broadcast %broadcast_in_dim3A_71 : vector<1250x1xf32> to vector<1250x128xf32>
    %select_n3A_73 = arith.select %eq3A_69, %broadcast_in_dim3A_72, %select_n3A_66 : vector<1250x128xi1>, vector<1250x128xf32>
    %eq3A_74 = arith.constant 7 : i32
    %eq3A_75 = vector.broadcast %eq3A_74 : i32 to vector<1250x128xi32>
    %eq3A_76 = arith.cmpi eq, %select_n3A, %eq3A_75 : vector<1250x128xi32>
    %slice3A_77 = vector.extract_strided_slice %rsqrt3A {offsets = [0, 7], sizes = [1250, 1], strides = [1, 1]} : vector<1250x8xf32> to vector<1250x1xf32>
    %broadcast_in_dim3A_78 = vector.shape_cast %slice3A_77 : vector<1250x1xf32> to vector<1250x1xf32>
    %broadcast_in_dim3A_79 = vector.broadcast %broadcast_in_dim3A_78 : vector<1250x1xf32> to vector<1250x128xf32>
    %select_n3A_80 = arith.select %eq3A_76, %broadcast_in_dim3A_79, %select_n3A_73 : vector<1250x128xi1>, vector<1250x128xf32>
    %get3A_81 = arith.constant 0 : index
    %get3A_82 = arith.constant 0 : index
    %get3A_83 = vector.load %arg1[%get3A_81, %get3A_82] : memref<10000x128xf32, #tpu.memory_space<vmem>>, vector<10000x128xf32>
    %reshape3A = vector.shape_cast %get3A_83 : vector<10000x128xf32> to vector<1250x8x128xf32>
    %iota3A_84 = tpu.iota {dimensions = array<i32: 1>} : vector<1250x128xi32>
    %jit3A_85 = arith.constant 16 : i32
    %div3A_86 = vector.broadcast %jit3A_85 : i32 to vector<1250x128xi32>
    %div3A_87 = arith.divsi %iota3A_84, %div3A_86 : vector<1250x128xi32>
    %sign3A_88 = arith.constant 0 : i32
    %sign3A_89 = vector.broadcast %sign3A_88 : i32 to vector<1250x128xi32>
    %sign3A_90 = arith.cmpi sgt, %iota3A_84, %sign3A_89 : vector<1250x128xi32>
    %sign3A_91 = arith.extui %sign3A_90 : vector<1250x128xi1> to vector<1250x128xi32>
    %sign3A_92 = arith.constant 0 : i32
    %sign3A_93 = vector.broadcast %sign3A_92 : i32 to vector<1250x128xi32>
    %sign3A_94 = arith.cmpi slt, %iota3A_84, %sign3A_93 : vector<1250x128xi32>
    %sign3A_95 = arith.extui %sign3A_94 : vector<1250x128xi1> to vector<1250x128xi32>
    %sign3A_96 = arith.subi %sign3A_91, %sign3A_95 : vector<1250x128xi32>
    %sign3A_97 = arith.constant 0 : i32
    %sign3A_98 = arith.cmpi sgt, %jit3A_85, %sign3A_97 : i32
    %sign3A_99 = arith.extui %sign3A_98 : i1 to i32
    %sign3A_100 = arith.constant 0 : i32
    %sign3A_101 = arith.cmpi slt, %jit3A_85, %sign3A_100 : i32
    %sign3A_102 = arith.extui %sign3A_101 : i1 to i32
    %sign3A_103 = arith.subi %sign3A_99, %sign3A_102 : i32
    %ne3A_104 = vector.broadcast %sign3A_103 : i32 to vector<1250x128xi32>
    %ne3A_105 = arith.cmpi ne, %sign3A_96, %ne3A_104 : vector<1250x128xi32>
    %rem3A_106 = vector.broadcast %jit3A_85 : i32 to vector<1250x128xi32>
    %rem3A_107 = arith.remsi %iota3A_84, %rem3A_106 : vector<1250x128xi32>
    %ne3A_108 = arith.constant 0 : i32
    %ne3A_109 = vector.broadcast %ne3A_108 : i32 to vector<1250x128xi32>
    %ne3A_110 = arith.cmpi ne, %rem3A_107, %ne3A_109 : vector<1250x128xi32>
    %and3A_111 = arith.andi %ne3A_105, %ne3A_110 : vector<1250x128xi1>
    %sub3A_112 = arith.constant 1 : i32
    %sub3A_113 = vector.broadcast %sub3A_112 : i32 to vector<1250x128xi32>
    %sub3A_114 = arith.subi %div3A_87, %sub3A_113 : vector<1250x128xi32>
    %select_n3A_115 = arith.select %and3A_111, %sub3A_114, %div3A_87 : vector<1250x128xi1>, vector<1250x128xi32>
    %slice3A_116 = vector.extract_strided_slice %reshape3A {offsets = [0, 0, 0], sizes = [1250, 1, 128], strides = [1, 1, 1]} : vector<1250x8x128xf32> to vector<1250x1x128xf32>
    %squeeze3A_117 = vector.shape_cast %slice3A_116 : vector<1250x1x128xf32> to vector<1250x128xf32>
    %eq3A_118 = arith.constant 1 : i32
    %eq3A_119 = vector.broadcast %eq3A_118 : i32 to vector<1250x128xi32>
    %eq3A_120 = arith.cmpi eq, %select_n3A_115, %eq3A_119 : vector<1250x128xi32>
    %slice3A_121 = vector.extract_strided_slice %reshape3A {offsets = [0, 1, 0], sizes = [1250, 1, 128], strides = [1, 1, 1]} : vector<1250x8x128xf32> to vector<1250x1x128xf32>
    %squeeze3A_122 = vector.shape_cast %slice3A_121 : vector<1250x1x128xf32> to vector<1250x128xf32>
    %select_n3A_123 = arith.select %eq3A_120, %squeeze3A_122, %squeeze3A_117 : vector<1250x128xi1>, vector<1250x128xf32>
    %eq3A_124 = arith.constant 2 : i32
    %eq3A_125 = vector.broadcast %eq3A_124 : i32 to vector<1250x128xi32>
    %eq3A_126 = arith.cmpi eq, %select_n3A_115, %eq3A_125 : vector<1250x128xi32>
    %slice3A_127 = vector.extract_strided_slice %reshape3A {offsets = [0, 2, 0], sizes = [1250, 1, 128], strides = [1, 1, 1]} : vector<1250x8x128xf32> to vector<1250x1x128xf32>
    %squeeze3A_128 = vector.shape_cast %slice3A_127 : vector<1250x1x128xf32> to vector<1250x128xf32>
    %select_n3A_129 = arith.select %eq3A_126, %squeeze3A_128, %select_n3A_123 : vector<1250x128xi1>, vector<1250x128xf32>
    %eq3A_130 = arith.constant 3 : i32
    %eq3A_131 = vector.broadcast %eq3A_130 : i32 to vector<1250x128xi32>
    %eq3A_132 = arith.cmpi eq, %select_n3A_115, %eq3A_131 : vector<1250x128xi32>
    %slice3A_133 = vector.extract_strided_slice %reshape3A {offsets = [0, 3, 0], sizes = [1250, 1, 128], strides = [1, 1, 1]} : vector<1250x8x128xf32> to vector<1250x1x128xf32>
    %squeeze3A_134 = vector.shape_cast %slice3A_133 : vector<1250x1x128xf32> to vector<1250x128xf32>
    %select_n3A_135 = arith.select %eq3A_132, %squeeze3A_134, %select_n3A_129 : vector<1250x128xi1>, vector<1250x128xf32>
    %eq3A_136 = arith.constant 4 : i32
    %eq3A_137 = vector.broadcast %eq3A_136 : i32 to vector<1250x128xi32>
    %eq3A_138 = arith.cmpi eq, %select_n3A_115, %eq3A_137 : vector<1250x128xi32>
    %slice3A_139 = vector.extract_strided_slice %reshape3A {offsets = [0, 4, 0], sizes = [1250, 1, 128], strides = [1, 1, 1]} : vector<1250x8x128xf32> to vector<1250x1x128xf32>
    %squeeze3A_140 = vector.shape_cast %slice3A_139 : vector<1250x1x128xf32> to vector<1250x128xf32>
    %select_n3A_141 = arith.select %eq3A_138, %squeeze3A_140, %select_n3A_135 : vector<1250x128xi1>, vector<1250x128xf32>
    %eq3A_142 = arith.constant 5 : i32
    %eq3A_143 = vector.broadcast %eq3A_142 : i32 to vector<1250x128xi32>
    %eq3A_144 = arith.cmpi eq, %select_n3A_115, %eq3A_143 : vector<1250x128xi32>
    %slice3A_145 = vector.extract_strided_slice %reshape3A {offsets = [0, 5, 0], sizes = [1250, 1, 128], strides = [1, 1, 1]} : vector<1250x8x128xf32> to vector<1250x1x128xf32>
    %squeeze3A_146 = vector.shape_cast %slice3A_145 : vector<1250x1x128xf32> to vector<1250x128xf32>
    %select_n3A_147 = arith.select %eq3A_144, %squeeze3A_146, %select_n3A_141 : vector<1250x128xi1>, vector<1250x128xf32>
    %eq3A_148 = arith.constant 6 : i32
    %eq3A_149 = vector.broadcast %eq3A_148 : i32 to vector<1250x128xi32>
    %eq3A_150 = arith.cmpi eq, %select_n3A_115, %eq3A_149 : vector<1250x128xi32>
    %slice3A_151 = vector.extract_strided_slice %reshape3A {offsets = [0, 6, 0], sizes = [1250, 1, 128], strides = [1, 1, 1]} : vector<1250x8x128xf32> to vector<1250x1x128xf32>
    %squeeze3A_152 = vector.shape_cast %slice3A_151 : vector<1250x1x128xf32> to vector<1250x128xf32>
    %select_n3A_153 = arith.select %eq3A_150, %squeeze3A_152, %select_n3A_147 : vector<1250x128xi1>, vector<1250x128xf32>
    %eq3A_154 = arith.constant 7 : i32
    %eq3A_155 = vector.broadcast %eq3A_154 : i32 to vector<1250x128xi32>
    %eq3A_156 = arith.cmpi eq, %select_n3A_115, %eq3A_155 : vector<1250x128xi32>
    %slice3A_157 = vector.extract_strided_slice %reshape3A {offsets = [0, 7, 0], sizes = [1250, 1, 128], strides = [1, 1, 1]} : vector<1250x8x128xf32> to vector<1250x1x128xf32>
    %squeeze3A_158 = vector.shape_cast %slice3A_157 : vector<1250x1x128xf32> to vector<1250x128xf32>
    %select_n3A_159 = arith.select %eq3A_156, %squeeze3A_158, %select_n3A_153 : vector<1250x128xi1>, vector<1250x128xf32>
    %mul3A = arith.mulf %select_n3A_159, %select_n3A_80 : vector<1250x128xf32>
    %swap3A = arith.constant 0 : index
    %swap3A_160 = arith.constant 0 : index
    %swap3A_161 = vector.load %arg2[%swap3A, %swap3A_160] : memref<1250x128xf32, #tpu.memory_space<vmem>>, vector<1250x128xf32>
    tpu.vector_store %arg2[%swap3A, %swap3A_160], %mul3A {strides = array<i32>} : memref<1250x128xf32, #tpu.memory_space<vmem>>, vector<1250x128xf32>,
    %swap3A_162 = arith.constant 0 : index
    %swap3A_163 = arith.constant 0 : index
    %swap3A_164 = vector.load %arg3[%swap3A_162, %swap3A_163] : memref<1250x128xf32, #tpu.memory_space<vmem>>, vector<1250x128xf32>
    tpu.vector_store %arg3[%swap3A_162, %swap3A_163], %select_n3A_80 {strides = array<i32>} : memref<1250x128xf32, #tpu.memory_space<vmem>>, vector<1250x128xf32>,
    return
  }
}

module attributes {stable_mosaic.version = 14 : i64} {
  func.func @_tc2(%arg0: memref<2x1280x128xf32, #tpu.memory_space<vmem>>, %arg1: memref<1250x128xf32, #tpu.memory_space<vmem>>, %arg2: memref<1250x128xf32, #tpu.memory_space<vmem>>, %arg3: memref<1x128xf32, #tpu.memory_space<vmem>>, %arg4: memref<128x128xf32, #tpu.memory_space<vmem>>, %arg5: memref<1250x128xf32, #tpu.memory_space<vmem>>) attributes {dimension_semantics = [], scalar_prefetch = 0 : i64, scratch_operands = 0 : i64, tpu.core_type = #tpu.core_type<tc>} {
    %get3A = arith.constant 0 : index
    %get3A_0 = arith.constant 0 : index
    %get3A_1 = arith.constant 0 : index
    %get3A_2 = vector.load %arg0[%get3A, %get3A_0, %get3A_1] : memref<2x1280x128xf32, #tpu.memory_space<vmem>>, vector<2x1280x128xf32>
    %slice3A = vector.extract_strided_slice %get3A_2 {offsets = [0, 0, 0], sizes = [1, 1250, 128], strides = [1, 1, 1]} : vector<2x1280x128xf32> to vector<1x1250x128xf32>
    %squeeze3A = vector.shape_cast %slice3A : vector<1x1250x128xf32> to vector<1250x128xf32>
    %slice3A_3 = vector.extract_strided_slice %get3A_2 {offsets = [1, 0, 0], sizes = [1, 1250, 128], strides = [1, 1, 1]} : vector<2x1280x128xf32> to vector<1x1250x128xf32>
    %squeeze3A_4 = vector.shape_cast %slice3A_3 : vector<1x1250x128xf32> to vector<1250x128xf32>
    %add3A = arith.addf %squeeze3A, %squeeze3A_4 : vector<1250x128xf32>
    %get3A_5 = arith.constant 0 : index
    %get3A_6 = arith.constant 0 : index
    %get3A_7 = vector.load %arg2[%get3A_5, %get3A_6] : memref<1250x128xf32, #tpu.memory_space<vmem>>, vector<1250x128xf32>
    %get3A_8 = arith.constant 0 : index
    %get3A_9 = arith.constant 0 : index
    %get3A_10 = vector.load %arg1[%get3A_8, %get3A_9] : memref<1250x128xf32, #tpu.memory_space<vmem>>, vector<1250x128xf32>
    %add3A_11 = arith.addf %add3A, %get3A_10 : vector<1250x128xf32>
    %mul3A = arith.mulf %get3A_7, %add3A_11 : vector<1250x128xf32>
    %get3A_12 = arith.constant 0 : index
    %get3A_13 = arith.constant 0 : index
    %get3A_14 = vector.load %arg3[%get3A_12, %get3A_13] : memref<1x128xf32, #tpu.memory_space<vmem>>, vector<1x128xf32>
    %add3A_15 = vector.broadcast %get3A_14 : vector<1x128xf32> to vector<1250x128xf32>
    %add3A_16 = arith.addf %mul3A, %add3A_15 : vector<1250x128xf32>
    %max3A = arith.constant 0.000000e+00 : f32
    %max3A_17 = vector.broadcast %max3A : f32 to vector<1250x128xf32>
    %max3A_18 = arith.maximumf %add3A_16, %max3A_17 : vector<1250x128xf32>
    %get3A_19 = arith.constant 0 : index
    %get3A_20 = arith.constant 0 : index
    %get3A_21 = vector.load %arg4[%get3A_19, %get3A_20] : memref<128x128xf32, #tpu.memory_space<vmem>>, vector<128x128xf32>
    %dot_general3A = arith.constant dense<0.000000e+00> : vector<1250x128xf32>
    %dot_general3A_22 = tpu.matmul %max3A_18, %get3A_21, %dot_general3A {dimension_numbers = #tpu.dot_dimension_numbers<[1], [0], [0], [1], [0, 0, 1, 1], [], []>, transpose_lhs_hint = false} : vector<1250x128xf32>, vector<128x128xf32>, vector<1250x128xf32> -> vector<1250x128xf32>
    %mul3A_23 = arith.mulf %dot_general3A_22, %get3A_7 : vector<1250x128xf32>
    %swap3A = arith.constant 0 : index
    %swap3A_24 = arith.constant 0 : index
    %swap3A_25 = vector.load %arg5[%swap3A, %swap3A_24] : memref<1250x128xf32, #tpu.memory_space<vmem>>, vector<1250x128xf32>
    tpu.vector_store %arg5[%swap3A, %swap3A_24], %mul3A_23 {strides = array<i32>} : memref<1250x128xf32, #tpu.memory_space<vmem>>, vector<1250x128xf32>,
    return
  }
}

module attributes {stable_mosaic.version = 14 : i64} {
  func.func @_tc3(%arg0: memref<2x1280x128xf32, #tpu.memory_space<vmem>>, %arg1: memref<1250x128xf32, #tpu.memory_space<vmem>>, %arg2: memref<1250x128xf32, #tpu.memory_space<vmem>>, %arg3: memref<1x128xf32, #tpu.memory_space<vmem>>, %arg4: memref<128x8xf32, #tpu.memory_space<vmem>>, %arg5: memref<1x1xf32, #tpu.memory_space<vmem>>, %arg6: memref<1250x8xf32, #tpu.memory_space<vmem>>) attributes {dimension_semantics = [], scalar_prefetch = 0 : i64, scratch_operands = 0 : i64, tpu.core_type = #tpu.core_type<tc>} {
    %get3A = arith.constant 0 : index
    %get3A_0 = arith.constant 0 : index
    %get3A_1 = arith.constant 0 : index
    %get3A_2 = vector.load %arg0[%get3A, %get3A_0, %get3A_1] : memref<2x1280x128xf32, #tpu.memory_space<vmem>>, vector<2x1280x128xf32>
    %slice3A = vector.extract_strided_slice %get3A_2 {offsets = [0, 0, 0], sizes = [1, 1250, 128], strides = [1, 1, 1]} : vector<2x1280x128xf32> to vector<1x1250x128xf32>
    %squeeze3A = vector.shape_cast %slice3A : vector<1x1250x128xf32> to vector<1250x128xf32>
    %slice3A_3 = vector.extract_strided_slice %get3A_2 {offsets = [1, 0, 0], sizes = [1, 1250, 128], strides = [1, 1, 1]} : vector<2x1280x128xf32> to vector<1x1250x128xf32>
    %squeeze3A_4 = vector.shape_cast %slice3A_3 : vector<1x1250x128xf32> to vector<1250x128xf32>
    %add3A = arith.addf %squeeze3A, %squeeze3A_4 : vector<1250x128xf32>
    %get3A_5 = arith.constant 0 : index
    %get3A_6 = arith.constant 0 : index
    %get3A_7 = vector.load %arg2[%get3A_5, %get3A_6] : memref<1250x128xf32, #tpu.memory_space<vmem>>, vector<1250x128xf32>
    %get3A_8 = arith.constant 0 : index
    %get3A_9 = arith.constant 0 : index
    %get3A_10 = vector.load %arg1[%get3A_8, %get3A_9] : memref<1250x128xf32, #tpu.memory_space<vmem>>, vector<1250x128xf32>
    %add3A_11 = arith.addf %add3A, %get3A_10 : vector<1250x128xf32>
    %mul3A = arith.mulf %get3A_7, %add3A_11 : vector<1250x128xf32>
    %get3A_12 = arith.constant 0 : index
    %get3A_13 = arith.constant 0 : index
    %get3A_14 = vector.load %arg3[%get3A_12, %get3A_13] : memref<1x128xf32, #tpu.memory_space<vmem>>, vector<1x128xf32>
    %add3A_15 = vector.broadcast %get3A_14 : vector<1x128xf32> to vector<1250x128xf32>
    %add3A_16 = arith.addf %mul3A, %add3A_15 : vector<1250x128xf32>
    %max3A = arith.constant 0.000000e+00 : f32
    %max3A_17 = vector.broadcast %max3A : f32 to vector<1250x128xf32>
    %max3A_18 = arith.maximumf %add3A_16, %max3A_17 : vector<1250x128xf32>
    %get3A_19 = arith.constant 0 : index
    %get3A_20 = arith.constant 0 : index
    %get3A_21 = vector.load %arg4[%get3A_19, %get3A_20] : memref<128x8xf32, #tpu.memory_space<vmem>>, vector<128x8xf32>
    %dot_general3A = arith.constant dense<0.000000e+00> : vector<1250x8xf32>
    %dot_general3A_22 = tpu.matmul %max3A_18, %get3A_21, %dot_general3A {dimension_numbers = #tpu.dot_dimension_numbers<[1], [0], [0], [1], [0, 0, 1, 1], [], []>, transpose_lhs_hint = false} : vector<1250x128xf32>, vector<128x8xf32>, vector<1250x8xf32> -> vector<1250x8xf32>
    %get3A_23 = arith.constant 0 : index
    %get3A_24 = arith.constant 0 : index
    %get3A_25 = vector.load %arg5[%get3A_23, %get3A_24] : memref<1x1xf32, #tpu.memory_space<vmem>>, vector<1x1xf32>
    %add3A_26 = vector.broadcast %get3A_25 : vector<1x1xf32> to vector<1250x8xf32>
    %add3A_27 = arith.addf %dot_general3A_22, %add3A_26 : vector<1250x8xf32>
    %swap3A = arith.constant 0 : index
    %swap3A_28 = arith.constant 0 : index
    %swap3A_29 = vector.load %arg6[%swap3A, %swap3A_28] : memref<1250x8xf32, #tpu.memory_space<vmem>>, vector<1250x8xf32>
    tpu.vector_store %arg6[%swap3A, %swap3A_28], %add3A_27 {strides = array<i32>} : memref<1250x8xf32, #tpu.memory_space<vmem>>, vector<1250x8xf32>,
    return
  }
}

</mosaic_0001>

<sc_bundles>
// kernel: kernel.12.cloned.1.call-start
scs
__scs_entry_jumppad:
0x0: {  	(pc) =	sbr.rel $0x88, $3  }
0x1: {  	(tag) =	ssettag $0x0;
	lr =	simm.s32 $0x1  }
0x2: {  	[smem:$0x3F99] =	sst lr;
	_ =	strace $0xD0000000  }
0x3: {  	_ = 	snop  }
0x4: {  	_ = 	snop  }
0x5: {  	_ = 	snop  }
0x6: {  	_ = 	snop  }
0x7: {  	_ = 	snop  }
__scs_overlays_trampoline_lowered:
0x8: {  	[smem:$0x3FA8] =	sst s0  }
0x9: {  	[smem:$0x3FA9] =	sst s1  }
0xa: {  	[smem:$0x3FAA] =	sst s2  }
0xb: {  	[smem:$0x3FAB] =	sst s3  }
0xc: {  	[smem:$0x3FAC] =	sst s4  }
0xd: {  	[smem:$0x3FAD] =	sst s5  }
0xe: {  	[smem:$0x3FAE] =	sst s6  }
0xf: {  	[smem:$0x3FAF] =	sst s7  }
0x10: {  	[smem:$0x3FB0] =	sst s8  }
0x11: {  	[smem:$0x3FB1] =	sst s9;
	s0 =	simm.s32 @!p0 $0x0  }
0x12: {  	s1 =	sld [smem:$0x3F97];
	s0 =	simm.s32 @p0 $0x1  }
0x13: {  	[smem:$0x3FB2] =	sst s0;
	s0 =	simm.s32 @!p1 $0x0  }
0x14: {  	s2 =	sld [smem:$0x3F96];
	s0 =	simm.s32 @p1 $0x1  }
0x15: {  	[smem:$0x3FB3] =	sst s0;
	s0 =	simm.s32 @!p2 $0x0  }
0x16: {  	s3 =	sld [smem:$0x3FDB];
	s0 =	simm.s32 @p2 $0x1  }
0x17: {  	s4 =	simm.s32 $0x1BF5;
	[smem:$0x3FB5] =	sst s0  }
0x18: {  	s0 =	sld [smem:$0x3F98];
	_ =	swait.ge [sflag:s4], $0x0  }
0x19: {  	s7 =	sld [smem:$0x3F99]  }
0x1a: {  	s8 =	sadd.s32 $0xFFFFE003, lr  }
0x1b: {  	s9 =	sadd.s32 $0xFFFFFEF7, lr;
	s5 =	simm.s32 $0xFFFFFFFF;
	p2 =	slt.u32 s8, $0xFFFFF086  }
0x1c: {  	p1 =	slt.u32 s9, $0xF7A;
	s5 =	simm.s32 @!p2 $0x0  }
0x1d: {  	s5 =	simm.s32 @p1 $0x1;
	p0 =	seq.s32 s7, s2  }
0x1e: {  	s7 =	smul.u32 @!p0 $0xF7A, s2;
	p2 =	seq.s32 @!p0 s5, $0x0  }
0x1f: {  	s9 =	smul.u32 $0xF7A, s1;
	s8 =	simm.s32 @!p0 $0x1BF5;
	p2 =	por !p2, p0  }
0x20: {  	[sflag:s8] =	ssyncset.s32 @!p0 $0xFFFFF086;
	s6 =	sadd.s32 @!p0 s3, s7;
	s7 =	simm.s32 @!p0 $0x108  }
0x21: {  	s3 =	sadd.s32 s3, s9;
	s6 =	sadd.s32 @!p0 $0x88, s6;
	s7 =	simm.s32 @p2 $0x1082  }
0x22: {  	[simem:s7], [sflag:s8] =	dma.local @!p0 [hbm:s6], $0xF7A  }
0x23: {  	s9 =	sor.u32 $0xD0000000, s2;
	s6 =	simm.s32 $0x108;
	_ =	swait.ge @!p0 [sflag:s8], $0x0  }
0x24: {  	s3 =	sadd.s32 $0x88, s3;
	s6 =	simm.s32 @!p1 $0x1082;
	[sflag:s4] =	ssyncset.s32 $0xFFFFF086  }
0x25: {  	[simem:s6], [sflag:s4] =	dma.local [hbm:s3], $0xF7A  }
0x26: {  	[smem:$0x3F99] =	sst s1;
	(tag) =	ssettag s2;
	_ =	strace s9  }
0x27: {  	s1 =	sld [smem:$0x3FA9]  }
0x28: {  	s2 =	sld [smem:$0x3FAA]  }
0x29: {  	s4 =	sld [smem:$0x3FAC]  }
0x2a: {  	p0 =	seq.s32 s5, $0x0;
	s5 =	sld [smem:$0x3FAD]  }
0x2b: {  	s6 =	sld [smem:$0x3FAE]  }
0x2c: {  	s7 =	sld [smem:$0x3FAF]  }
0x2d: {  	s3 =	simm.s32 $0x108;
	s8 =	sld [smem:$0x3FB0]  }
0x2e: {  	s3 =	simm.s32 @!p0 $0x1082;
	s9 =	sld [smem:$0x3FB1]  }
0x2f: {  	lr =	sadd.s32 s0, s3;
	s0 =	sld [smem:$0x3FA8]  }
0x30: {  	s3 =	sld [smem:$0x3FAB]  }
0x31: {  	[smem:$0x3FB4] =	sst s10  }
0x32: {  	s10 =	sld [smem:$0x3FB2];
	_ =	sdelay $0x3  }
0x33: {  	p0 =	seq.s32 s10, $0x1;
	s10 =	sld [smem:$0x3FB4];
	_ =	sdelay $0x3  }
0x34: {  	[smem:$0x3FB4] =	sst s10  }
0x35: {  	s10 =	sld [smem:$0x3FB3];
	_ =	sdelay $0x3  }
0x36: {  	p1 =	seq.s32 s10, $0x1;
	s10 =	sld [smem:$0x3FB4];
	_ =	sdelay $0x3  }
0x37: {  	[smem:$0x3FB4] =	sst s10  }
0x38: {  	s10 =	sld [smem:$0x3FB5]  }
0x39: {  	_ = 	snop;
	(pc) =	sbr.ind lr, $3  }
0x3a: {  	_ = 	snop  }
0x3b: {  	_ = 	snop  }
0x3c: {  	p2 =	seq.s32 s10, $0x1;
	s10 =	sld [smem:$0x3FB4]  }
0x3d: {  	_ =	shalt  }
0x3e: {  	_ =	shalt  }
0x3f: {  	_ =	shalt  }
0x40: {  	_ =	shalt  }
0x41: {  	_ =	shalt  }
0x42: {  	_ =	shalt  }
0x43: {  	_ =	shalt  }
0x44: {  	_ =	shalt  }
0x45: {  	_ =	shalt  }
0x46: {  	_ =	shalt  }
0x47: {  	_ =	shalt  }
0x48: {  	_ =	shalt  }
0x49: {  	_ =	shalt  }
0x4a: {  	_ =	shalt  }
0x4b: {  	_ =	shalt  }
0x4c: {  	_ =	shalt  }
0x4d: {  	_ =	shalt  }
0x4e: {  	_ =	shalt  }
0x4f: {  	_ =	shalt  }
0x50: {  	_ =	shalt  }
0x51: {  	_ =	shalt  }
0x52: {  	_ =	shalt  }
0x53: {  	_ =	shalt  }
0x54: {  	_ =	shalt  }
0x55: {  	_ =	shalt  }
0x56: {  	_ =	shalt  }
0x57: {  	_ =	shalt  }
0x58: {  	_ =	shalt  }
0x59: {  	_ =	shalt  }
0x5a: {  	_ =	shalt  }
0x5b: {  	_ =	shalt  }
0x5c: {  	_ =	shalt  }
0x5d: {  	_ =	shalt  }
0x5e: {  	_ =	shalt  }
0x5f: {  	_ =	shalt  }
0x60: {  	_ =	shalt  }
0x61: {  	_ =	shalt  }
0x62: {  	_ =	shalt  }
0x63: {  	_ =	shalt  }
0x64: {  	_ =	shalt  }
0x65: {  	_ =	shalt  }
0x66: {  	_ =	shalt  }
0x67: {  	_ =	shalt  }
0x68: {  	_ =	shalt  }
0x69: {  	_ =	shalt  }
0x6a: {  	_ =	shalt  }
0x6b: {  	_ =	shalt  }
0x6c: {  	_ =	shalt  }
0x6d: {  	_ =	shalt  }
0x6e: {  	_ =	shalt  }
0x6f: {  	_ =	shalt  }
0x70: {  	_ =	shalt  }
0x71: {  	_ =	shalt  }
0x72: {  	_ =	shalt  }
0x73: {  	_ =	shalt  }
0x74: {  	_ =	shalt  }
0x75: {  	_ =	shalt  }
0x76: {  	_ =	shalt  }
0x77: {  	_ =	shalt  }
0x78: {  	_ =	shalt  }
0x79: {  	_ =	shalt  }
0x7a: {  	_ =	shalt  }
0x7b: {  	_ =	shalt  }
0x7c: {  	_ =	shalt  }
0x7d: {  	_ =	shalt  }
0x7e: {  	_ =	shalt  }
0x7f: {  	_ =	shalt  }
0x80: {  	_ =	shalt  }
0x81: {  	_ =	shalt  }
0x82: {  	_ =	shalt  }
0x83: {  	_ =	shalt  }
0x84: {  	_ =	shalt  }
0x85: {  	_ =	shalt  }
0x86: {  	_ =	shalt  }
0x87: {  	_ =	shalt  }
.Lfunc_end0:
.L_simem_size_0:
called_computation.1_lowered:
.L_overlay_start_0:
0x88: {  	s2 =	sld [smem:$0x3FD9]  }
0x89: {  	s3 =	sld [smem:$0x3FFE];
	_ =	sdelay $0x1  }
0x8a: {  	s1 =	srdreg.scid  }
0x8b: {  	s0 =	sand.u32 $0x1, s1  }
0x8c: {  	s16 =	sshll.u32 s0, $0xA;
	s2 =	sadd.s32 s3, s2  }
0x8d: {  	s2 =	sadd.s32 s2, s16  }
0x8e: {  	[smem:$0x3FC0] =	sst s2  }
0x8f: {  	_ = 	snop  }
0x90: {  	(tm) =	ssettm $0x1  }
0x91: {  	s17 =	sld [smem:$0x3FFB];
	_ =	sdelay $0x3  }
0x92: {  	_ =	strace s17  }
0x93: {  	s2 =	sld [smem:$0x3FFC];
	_ =	sdelay $0x3  }
0x94: {  	_ =	strace s2  }
0x95: {  	s2 =	sld [smem:$0x3FFD];
	_ =	sdelay $0x3  }
0x96: {  	_ =	strace s2  }
0x97: {  	_ =	strace $0x8FFFFFFF  }
0x98: {  	s18 =	sld [smem:$0x3FDB];
	_ =	sdelay $0x1  }
0x99: {  	s19 =	simm.s32 $_scs_section_size  }
0x9a: {  	s4 =	simm.s32 $_size__tile_overlayer_lowered;
	s5 =	simm.s32 $_tile_overlayer_lowered  }
0x9b: {  	s22 =	simm.s32 $0x1BFF;
	s21 =	sshll.u32 s5, $0x1;
	s2 =	sadd.s32 s19, s18  }
0x9c: {  	s6 =	simm.s32 $0x0;
	s20 =	sshll.u32 s4, $0x1;
	s4 =	sadd.s32 s21, s2  }
0x9d: {  	[timem:s6], [sflag:s22] =	dma.local [hbm:s4], s20  }
0x9e: {  	_ =	swait.ge [sflag:s22], s20  }
0x9f: {  	s3 =	ssub.s32 $0x0, s20;
	[sflag:s22] =	ssyncset.done $0x0  }
0xa0: {  	[sflag:s22] =	ssyncadd.s32 s3;
	_ =	sdelay $0x1  }
0xa1: {  	s23 =	simm.s32 $0x1B8B  }
0xa2: {  	_ =	swait.ge [sflag:s23], $0x1  }
0xa3: {  	[sflag:s23] =	ssyncset.done $0x0  }
0xa4: {  	s25 =	simm.s32 $0x1B8E;
	s24 =	sld [smem:$0x3FFE];
	[sflag:s23] =	ssyncadd.s32 $0xFFFFFFFF  }
0xa5: {  	s26 =	simm.s32 $execute0_lowered;
	[smem:$0x3FD2] =	sst s25  }
0xa6: {  	s4 =	sshll.u32 s26, $0x1;
	_ =	strace $0x80000049;
	[dreg:$0x1] =	wrdreg $0xFFFFFFFF  }
0xa7: {  	s28 =	simm.s32 $_size_execute0_lowered;
	s2 =	sadd.s32 s2, s4;
	[dreg:$0x0] =	wrdreg $0x0  }
0xa8: {  	s4 =	sshll.u32 s28, $0x1;
	[dreg:$0x2] =	wrdreg s2  }
0xa9: {  	[dreg:$0x3] =	wrdreg s4  }
0xaa: {  	[dreg:$0x4] =	wrdreg $0xC0  }
0xab: {  	_ =	task [dreg:s6], $0x5FFFF  }
0xac: {  	[dreg:$0x1] =	wrdreg $0xFFFFFFFF  }
0xad: {  	[dreg:$0x0] =	wrdreg $0x60  }
0xae: {  	[dreg:$0x2] =	wrdreg s24  }
0xaf: {  	[dreg:$0x3] =	wrdreg $0x90000  }
0xb0: {  	[dreg:$0x4] =	wrdreg $0xB8000  }
0xb1: {  	[dreg:$0x5] =	wrdreg $0x9  }
0xb2: {  	_ =	task.clear_ibuf [dreg:s6], $0x6FFFF;
	_ =	strace $0x90000049  }
0xb3: {  	s29 =	simm.s32 $0x9;
	_ =	strace $0x8000004B  }
0xb4: {  	_ =	swait.ge [sflag:s29], $0x1  }
0xb5: {  	[sflag:s29] =	ssyncadd.s32 $0xFFFFFFFF  }
0xb6: {  	_ =	strace $0x9000004B  }
0xb7: {  	_ =	sfence  }
0xb8: {  	s30 =	sld [smem:$0x0];
	_ =	sdelay $0x2  }
0xb9: {  	s31 =	sshll.u32 s1, $0xD;
	s1 =	sshrl.u32 s1, $0x2  }
0xba: {  	s3 =	sand.u32 $0x4000, s31;
	s1 =	sadd.s32 s1, s30  }
0xbb: {  	s0 =	sor.u32 s3, s0;
	s1 =	sshll.u32 s1, $0x11  }
0xbc: {  	s0 =	sor.u32 s1, s0  }
0xbd: {  	s0 =	sadd.s32 $0x8F2B, s0  }
0xbe: {  	[sflag:s0] =	ssyncadd.remote.s32 $0x1  }
0xbf: {  	_ =	sfence.sel $0xFFFF  }
0xc0: {  	[dreg:$0x0] =	wrdreg $0xFFFFFFFF;
	(pc) =	sbr.abs _section_cstart, $3  }
0xc1: {  	[dreg:$0x1] =	wrdreg $0xFFFFFFFF  }
0xc2: {  	_ =	task.clear_ibuf [dreg:s6], $0x2FFFF;
	_ =	strace $0x9FFFFFFF  }
0xc3: {  	(tm) =	ssettm $0x7FFFFFFF  }
tec
execute0_lowered:
.L_overlay_start_1:
0x0: {  	(tag) =	ssettag $0x1  }
0x1: {  	s0 =	rddreg [dreg:$0x0]  }
0x2: {  	s1 =	rddreg [dreg:$0x1]  }
0x3: {  	s3 =	rddreg [dreg:$0x2]  }
0x4: {  	s12 =	stileid.u32;
	s2 =	srdreg.scid;
	s6 =	simm.s32 $0x0  }
0x5: {  	s15 =	simm.s32 $0x80;
	s23 =	simm.s32 $0x7000;
	s29 =	simm.s32 $0x8000  }
0x6: {  	s31 =	simm.s32 $0x8800;
	s14 =	simm.s32 $0x3;
	s28 =	simm.s32 $0x8  }
0x7: {  	s30 =	simm.s32 $0x9;
	s4 =	smul.u32 $0x2710, s12;
	s2 =	sand.u32 $0x1, s2  }
0x8: {  	s5 =	sshll.u32 s12, $0x1;
	[smem:$0x7FF] =	sst s6;
	s9 =	sadd.s32 $0x1BE00, s0  }
0x9: {  	s10 =	smul.u32 $0x2800, s12;
	s19 =	sshll.u32 s12, $0x6;
	s5 =	sor.u32 s2, s5  }
0xa: {  	_ =	strace $0x8000004A;
	s17 =	smul.u32 $0x5000, s2;
	s2 =	ssub.s32 $0x2, s2  }
0xb: {  	[dreg:$0x4] =	wrdreg s9;
	s6 =	sor.u32 $0x1C11, s19;
	s19 =	simm.s32 $0x6000  }
0xc: {  	s16 =	sshrl.u32 s4, $0x3;
	s5 =	smul.u32 $0x500, s5;
	s18 =	sshrl.u32 s2, $0x1  }
0xd: {  	s20 =	sadd.s32 s10, s1;
	s4 =	sadd.s32 s4, s3;
	s24 =	sshrl.u32 s10, $0x3  }
0xe: {  	s7 =	sadd.s32 s16, s0;
	s11 =	sadd.s32 s17, s0;
	s2 =	ssub.s32 s2, s18  }
0xf: {  	s10 =	sshrl.u32 s20, $0x3;
	s25 =	sshrl.u32 s4, $0x3;
	s16 =	simm.s32 $0x5000  }
0x10: {  	s17 =	simm.s32 $0x5800;
	s18 =	simm.s32 $0x4;
	s20 =	simm.s32 $0x5  }
0x11: {  	s4 =	simm.s32 $0x0;
	s8 =	sadd.s32 s5, s0;
	s7 =	sadd.s32 $0x16E00, s7  }
0x12: {  	s0 =	sadd.s32 $0xCE00, s0;
	s22 =	sadd.s32 $0x1C400, s11;
	s2 =	smax.u32 s2, $0x1  }
0x13: {  	s11 =	simm.s32 $0x11;
	[dreg:$0x8] =	wrdreg s25;
	s25 =	simm.s32 $0x7  }
.Ltmp0:
0x14: {  	[dreg:$0x5] =	wrdreg s7;
	s21 =	sadd.s32 $0x2E00, s8;
	(pc) =	sbr.rel .LBB2_1-.Ltmp0, $4  }
0x15: {  	[dreg:$0x7] =	wrdreg s2;
	s0 =	sadd.s32 s5, s0;
	s26 =	sadd.s32 s24, s22  }
0x16: {  	s2 =	simm.s32 $0x1;
	s22 =	simm.s32 $0x6;
	[dreg:$0x6] =	wrdreg s21  }
0x17: {  	s5 =	simm.s32 $0xA;
	[dreg:$0x9] =	wrdreg s0;
	s21 =	simm.s32 $0x6800  }
0x18: {  	[dreg:$0xa] =	wrdreg s26;
	s26 =	simm.s32 $0x7800;
	s0 =	simm.s32 $0x2  }
.LBB2_4:
0x19: {  	_ =	swait.ge [sflag:s28], $0x800  }
0x1a: {  	[sflag:s28] =	ssyncset.done $0x0  }
0x1b: {  	s7 =	simm.s32 $0x4F80;
	[sflag:s28] =	ssyncadd.s32 $0xFFFFF800  }
0x1c: {  	[spmem:s1] =	stream.indirect.scatter.add.f32 [tilespmem:s31], [sflag:$0x10], $0x10, s7, s15, $0xb8;
	[tilespmem:$0xDF10] =	vst v63  }
0x1d: {  	_ =	swait.ge [sflag:s30], $0x800  }
0x1e: {  	[sflag:s30] =	ssyncset.done $0x0  }
0x1f: {  	[sflag:s30] =	ssyncadd.s32 $0xFFFFF800  }
0x20: {  	_ =	swait.ge [sflag:s5], $0x800  }
0x21: {  	[sflag:s5] =	ssyncset.done $0x0  }
0x22: {  	s12 =	simm.s32 $0xB;
	[sflag:s5] =	ssyncadd.s32 $0xFFFFF800  }
0x23: {  	_ =	swait.ge [sflag:s12], $0x800  }
0x24: {  	[sflag:s12] =	ssyncset.done $0x0  }
0x25: {  	s13 =	simm.s32 $0xC;
	[sflag:s12] =	ssyncadd.s32 $0xFFFFF800  }
0x26: {  	_ =	swait.ge [sflag:s13], $0x800  }
0x27: {  	[sflag:s13] =	ssyncset.done $0x0  }
0x28: {  	s24 =	simm.s32 $0xD;
	[sflag:s13] =	ssyncadd.s32 $0xFFFFF800  }
0x29: {  	_ =	swait.ge [sflag:s24], $0x800  }
0x2a: {  	[sflag:s24] =	ssyncset.done $0x0  }
0x2b: {  	s8 =	simm.s32 $0xE;
	[sflag:s24] =	ssyncadd.s32 $0xFFFFF800  }
0x2c: {  	_ =	swait.ge [sflag:s8], $0x800  }
0x2d: {  	[sflag:s8] =	ssyncset.done $0x0  }
0x2e: {  	s9 =	simm.s32 $0xF;
	[sflag:s8] =	ssyncadd.s32 $0xFFFFF800  }
0x2f: {  	_ =	swait.ge [sflag:s9], $0x800  }
0x30: {  	[sflag:s9] =	ssyncset.done $0x0  }
0x31: {  	s12 =	simm.s32 $0x10;
	[sflag:s9] =	ssyncadd.s32 $0xFFFFF800  }
0x32: {  	_ =	swait.ge [sflag:s12], $0x800  }
0x33: {  	[sflag:s12] =	ssyncset.done $0x0  }
0x34: {  	[sflag:s12] =	ssyncadd.s32 $0xFFFFF800  }
0x35: {  	[bflag:$0x0] =	sbarrier.arrive $0xFFFF  }
0x36: {  	s13 =	rddreg [dreg:$0xa]  }
0x37: {  	[hbm:s13], [sflag:s6] =	dma.local [spmem:s10], $0x500  }
0x38: {  	_ =	swait.ge [sflag:s11], $0x500  }
0x39: {  	s4 =	sadd.s32 $0x1, s4;
	s24 =	rddreg [dreg:$0x7]  }
0x3a: {  	p0 =	sne.s32 s4, s24  }
.Ltmp1:
0x3b: {  	_ = 	snop;
	(pc) =	sbr.rel @!p0 .LBB2_5-.Ltmp1, $3  }
0x3c: {  	_ =	sdelay $0x1  }
0x3d: {  	[sflag:s11] =	ssyncset.done $0x0  }
0x3e: {  	[sflag:s11] =	ssyncadd.s32 $0xFFFFFB00  }
.LBB2_1:
0x3f: {  	s7 =	rddreg [dreg:$0x4]  }
0x40: {  	[spmem:s10], [sflag:s6] =	dma.local [hbm:s7], $0x500  }
0x41: {  	_ =	swait.ge [sflag:s11], $0x500  }
0x42: {  	[sflag:s11] =	ssyncset.done $0x0;
	s13 =	rddreg [dreg:$0x5]  }
0x43: {  	s8 =	rddreg [dreg:$0x8];
	[sflag:s11] =	ssyncadd.s32 $0xFFFFFB00  }
0x44: {  	[spmem:s8], [sflag:s6] =	dma.local [hbm:s13], $0x4E2  }
0x45: {  	_ =	swait.ge [sflag:s11], $0x4E2  }
0x46: {  	[sflag:s11] =	ssyncset.done $0x0  }
0x47: {  	s24 =	simm.s32 $0x0;
	s12 =	rddreg [dreg:$0x6];
	[sflag:s11] =	ssyncadd.s32 $0xFFFFFB1E  }
0x48: {  	[tilespmem:s24], [sflag:$0x11] =	stream.linear.gather [hbm4b:s12+s24], $0x2800, $0x38;
	[tilespmem:$0xDF10] =	vst v63  }
0x49: {  	_ =	swait.ge [sflag:s11], $0x2800  }
0x4a: {  	[sflag:s11] =	ssyncset.done $0x0  }
0x4b: {  	s9 =	simm.s32 $0x2800;
	s13 =	rddreg [dreg:$0x9];
	[sflag:s11] =	ssyncadd.s32 $0xFFFFD800  }
0x4c: {  	[tilespmem:s9], [sflag:$0x11] =	stream.linear.gather [hbm4b:s13+s24], $0x2800, $0x38;
	[tilespmem:$0xDF10] =	vst v63  }
0x4d: {  	_ =	swait.ge [sflag:s11], $0x2800  }
0x4e: {  	[sflag:s11] =	ssyncset.done $0x0  }
0x4f: {  	[sflag:s11] =	ssyncadd.s32 $0xFFFFD800  }
0x50: {  	[bflag:$0x0] =	sbarrier.arrive $0xFFFF  }
0x51: {  	[tilespmem:s16], [sflag:$0x1] =	stream.indirect.gather [spmem:s3], $0x10, s24, s15, $0xb8;
	[tilespmem:$0xDF10] =	vst v63  }
0x52: {  	_ = 	snop  }
0x53: {  	[tilespmem:s17], [sflag:$0x2] =	stream.indirect.gather [spmem:s3], $0x10, s15, s15, $0xb8;
	[tilespmem:$0xDF10] =	vst v63  }
0x54: {  	s24 =	simm.s32 $0x100  }
0x55: {  	[tilespmem:s19], [sflag:$0x3] =	stream.indirect.gather [spmem:s3], $0x10, s24, s15, $0xb8;
	[tilespmem:$0xDF10] =	vst v63  }
0x56: {  	s8 =	simm.s32 $0x180  }
0x57: {  	[tilespmem:s21], [sflag:$0x4] =	stream.indirect.gather [spmem:s3], $0x10, s8, s15, $0xb8;
	[tilespmem:$0xDF10] =	vst v63  }
0x58: {  	s9 =	simm.s32 $0x200  }
0x59: {  	[tilespmem:s23], [sflag:$0x5] =	stream.indirect.gather [spmem:s3], $0x10, s9, s15, $0xb8;
	[tilespmem:$0xDF10] =	vst v63  }
0x5a: {  	s12 =	simm.s32 $0x280  }
0x5b: {  	[tilespmem:s26], [sflag:$0x6] =	stream.indirect.gather [spmem:s3], $0x10, s12, s15, $0xb8;
	[tilespmem:$0xDF10] =	vst v63  }
0x5c: {  	s13 =	simm.s32 $0x300  }
0x5d: {  	[tilespmem:s29], [sflag:$0x7] =	stream.indirect.gather [spmem:s3], $0x10, s13, s15, $0xb8;
	[tilespmem:$0xDF10] =	vst v63  }
0x5e: {  	s7 =	simm.s32 $0x0;
	s24 =	simm.s32 $0x380  }
0x5f: {  	[tilespmem:s31], [sflag:$0x8] =	stream.indirect.gather [spmem:s3], $0x10, s24, s15, $0xb8;
	[tilespmem:$0xDF10] =	vst v63  }
.LBB2_2:
0x60: {  	_ =	swait.ge [sflag:s2], $0x800  }
0x61: {  	s8 =	sshra.s32 s7, $0x2;
	[sflag:s2] =	ssyncset.done $0x0  }
0x62: {  	p0 =	seq.s32 s7, $0x0;
	s9 =	sadd.s32 $0x2800, s8;
	[sflag:s2] =	ssyncadd.s32 $0xFFFFF800  }
0x63: {  	[spmem:s1] =	stream.indirect.scatter.add.f32 [tilespmem:s16], [sflag:$0x9], $0x10, s9, s15, $0xb8;
	[tilespmem:$0xDF10] =	vst v63  }
0x64: {  	s9 =	simm.s32 @!p0 $0xB  }
0x65: {  	_ =	swait.ge @!p0 [sflag:s9], $0x800  }
0x66: {  	[sflag:s9] =	ssyncset.done @!p0 $0x0  }
0x67: {  	[sflag:s9] =	ssyncadd.s32 @!p0 $0xFFFFF800;
	s9 =	sshra.s32 @!p0 s7, $0x2  }
0x68: {  	s13 =	simm.s32 @!p0 $0x80;
	s24 =	simm.s32 @!p0 $0x6000;
	s12 =	sadd.s32 @!p0 $0x100, s9  }
0x69: {  	[tilespmem:s24], [sflag:$0x3] =	stream.indirect.gather @!p0 [spmem:s3], $0x10, s12, s13, $0xb8;
	[tilespmem:$0xDF10] =	vst v63  }
0x6a: {  	_ =	swait.ge [sflag:s0], $0x800  }
0x6b: {  	[sflag:s0] =	ssyncset.done $0x0  }
0x6c: {  	s24 =	sadd.s32 $0x2880, s8;
	s12 =	simm.s32 @!p0 $0xC;
	[sflag:s0] =	ssyncadd.s32 $0xFFFFF800  }
0x6d: {  	[spmem:s1] =	stream.indirect.scatter.add.f32 [tilespmem:s17], [sflag:$0xA], $0x10, s24, s15, $0xb8;
	[tilespmem:$0xDF10] =	vst v63  }
0x6e: {  	_ =	swait.ge @!p0 [sflag:s12], $0x800  }
0x6f: {  	[sflag:s12] =	ssyncset.done @!p0 $0x0  }
0x70: {  	s24 =	simm.s32 @!p0 $0x6800;
	[sflag:s12] =	ssyncadd.s32 @!p0 $0xFFFFF800;
	s12 =	sadd.s32 @!p0 $0x180, s9  }
0x71: {  	[tilespmem:s24], [sflag:$0x4] =	stream.indirect.gather @!p0 [spmem:s3], $0x10, s12, s13, $0xb8;
	[tilespmem:$0xDF10] =	vst v63  }
0x72: {  	_ =	swait.ge [sflag:s14], $0x800  }
0x73: {  	[sflag:s14] =	ssyncset.done $0x0  }
0x74: {  	s24 =	sadd.s32 $0x2900, s8;
	s12 =	simm.s32 @!p0 $0xD;
	[sflag:s14] =	ssyncadd.s32 $0xFFFFF800  }
0x75: {  	[spmem:s1] =	stream.indirect.scatter.add.f32 [tilespmem:s19], [sflag:$0xB], $0x10, s24, s15, $0xb8;
	[tilespmem:$0xDF10] =	vst v63  }
0x76: {  	_ =	swait.ge @!p0 [sflag:s12], $0x800  }
0x77: {  	[sflag:s12] =	ssyncset.done @!p0 $0x0  }
0x78: {  	s24 =	simm.s32 @!p0 $0x7000;
	[sflag:s12] =	ssyncadd.s32 @!p0 $0xFFFFF800;
	s12 =	sadd.s32 @!p0 $0x200, s9  }
0x79: {  	[tilespmem:s24], [sflag:$0x5] =	stream.indirect.gather @!p0 [spmem:s3], $0x10, s12, s13, $0xb8;
	[tilespmem:$0xDF10] =	vst v63  }
0x7a: {  	_ =	swait.ge [sflag:s18], $0x800  }
0x7b: {  	[sflag:s18] =	ssyncset.done $0x0  }
0x7c: {  	s24 =	sadd.s32 $0x2980, s8;
	s12 =	simm.s32 @!p0 $0xE;
	[sflag:s18] =	ssyncadd.s32 $0xFFFFF800  }
0x7d: {  	[spmem:s1] =	stream.indirect.scatter.add.f32 [tilespmem:s21], [sflag:$0xC], $0x10, s24, s15, $0xb8;
	[tilespmem:$0xDF10] =	vst v63  }
0x7e: {  	_ =	swait.ge @!p0 [sflag:s12], $0x800  }
0x7f: {  	[sflag:s12] =	ssyncset.done @!p0 $0x0  }
0x80: {  	s24 =	simm.s32 @!p0 $0x7800;
	[sflag:s12] =	ssyncadd.s32 @!p0 $0xFFFFF800;
	s12 =	sadd.s32 @!p0 $0x280, s9  }
0x81: {  	[tilespmem:s24], [sflag:$0x6] =	stream.indirect.gather @!p0 [spmem:s3], $0x10, s12, s13, $0xb8;
	[tilespmem:$0xDF10] =	vst v63  }
0x82: {  	_ =	swait.ge [sflag:s20], $0x800  }
0x83: {  	[sflag:s20] =	ssyncset.done $0x0  }
0x84: {  	s24 =	sadd.s32 $0x2A00, s8;
	s12 =	simm.s32 @!p0 $0xF;
	[sflag:s20] =	ssyncadd.s32 $0xFFFFF800  }
0x85: {  	[spmem:s1] =	stream.indirect.scatter.add.f32 [tilespmem:s23], [sflag:$0xD], $0x10, s24, s15, $0xb8;
	[tilespmem:$0xDF10] =	vst v63  }
0x86: {  	_ =	swait.ge @!p0 [sflag:s12], $0x800  }
0x87: {  	[sflag:s12] =	ssyncset.done @!p0 $0x0  }
0x88: {  	s24 =	simm.s32 @!p0 $0x8000;
	[sflag:s12] =	ssyncadd.s32 @!p0 $0xFFFFF800;
	s12 =	sadd.s32 @!p0 $0x300, s9  }
0x89: {  	[tilespmem:s24], [sflag:$0x7] =	stream.indirect.gather @!p0 [spmem:s3], $0x10, s12, s13, $0xb8;
	[tilespmem:$0xDF10] =	vst v63  }
0x8a: {  	_ =	swait.ge [sflag:s22], $0x800  }
0x8b: {  	[sflag:s22] =	ssyncset.done $0x0  }
0x8c: {  	s24 =	sadd.s32 $0x2A80, s8;
	s12 =	simm.s32 @!p0 $0x10;
	[sflag:s22] =	ssyncadd.s32 $0xFFFFF800  }
0x8d: {  	[spmem:s1] =	stream.indirect.scatter.add.f32 [tilespmem:s26], [sflag:$0xE], $0x10, s24, s15, $0xb8;
	[tilespmem:$0xDF10] =	vst v63  }
0x8e: {  	_ =	swait.ge @!p0 [sflag:s12], $0x800  }
0x8f: {  	[sflag:s12] =	ssyncset.done @!p0 $0x0  }
0x90: {  	s9 =	sadd.s32 @!p0 $0x380, s9;
	[sflag:s12] =	ssyncadd.s32 @!p0 $0xFFFFF800;
	s12 =	simm.s32 @!p0 $0x8800  }
0x91: {  	[tilespmem:s12], [sflag:$0x8] =	stream.indirect.gather @!p0 [spmem:s3], $0x10, s9, s13, $0xb8;
	[tilespmem:$0xDF10] =	vst v63  }
0x92: {  	p0 =	seq.s32 s7, $0x9000  }
.Ltmp2:
0x93: {  	_ = 	snop;
	(pc) =	sbr.rel @p0 .LBB2_4-.Ltmp2, $4  }
0x94: {  	_ =	swait.ge [sflag:s25], $0x800  }
0x95: {  	[sflag:s25] =	ssyncset.done $0x0  }
0x96: {  	s24 =	sadd.s32 $0x2B00, s8;
	[sflag:s25] =	ssyncadd.s32 $0xFFFFF800  }
0x97: {  	[spmem:s1] =	stream.indirect.scatter.add.f32 [tilespmem:s29], [sflag:$0xF], $0x10, s24, s15, $0xb8;
	[tilespmem:$0xDF10] =	vst v63  }
0x98: {  	_ =	swait.ge [sflag:s30], $0x800  }
0x99: {  	[sflag:s30] =	ssyncset.done $0x0  }
0x9a: {  	s9 =	sadd.s32 $0x400, s8;
	[sflag:s30] =	ssyncadd.s32 $0xFFFFF800  }
0x9b: {  	[tilespmem:s16], [sflag:$0x1] =	stream.indirect.gather [spmem:s3], $0x10, s9, s15, $0xb8;
	[tilespmem:$0xDF10] =	vst v63  }
0x9c: {  	_ =	swait.ge [sflag:s28], $0x800  }
0x9d: {  	[sflag:s28] =	ssyncset.done $0x0  }
0x9e: {  	s13 =	sadd.s32 $0x2B80, s8;
	[sflag:s28] =	ssyncadd.s32 $0xFFFFF800  }
0x9f: {  	[spmem:s1] =	stream.indirect.scatter.add.f32 [tilespmem:s31], [sflag:$0x10], $0x10, s13, s15, $0xb8;
	[tilespmem:$0xDF10] =	vst v63  }
.Ltmp3:
0xa0: {  	_ = 	snop;
	(pc) =	sbr.rel .LBB2_2-.Ltmp3, $4  }
0xa1: {  	_ =	swait.ge [sflag:s5], $0x800  }
0xa2: {  	[sflag:s5] =	ssyncset.done $0x0  }
0xa3: {  	s24 =	sadd.s32 $0x480, s8;
	s7 =	sadd.s32 $0x1000, s7;
	[sflag:s5] =	ssyncadd.s32 $0xFFFFF800  }
0xa4: {  	[tilespmem:s17], [sflag:$0x2] =	stream.indirect.gather [spmem:s3], $0x10, s24, s15, $0xb8;
	[tilespmem:$0xDF10] =	vst v63  }
.LBB2_5:
0xa5: {  	_ =	sfence.sel $0x180000  }
0xa6: {  	[bflag:$0x0] =	sbarrier.arrive $0xFFFF  }
0xa7: {  	_ =	strace $0x9000004A  }
0xa8: {  	s0 =	stileid.u32;
	[bflag:$0x2] =	sbarrier.arrive $0xFFFF  }
0xa9: {  	p0 =	sne.s32 s0, $0x0;
	s0 =	rddreg [dreg:$0x3]  }
0xaa: {  	s0 =	sadd.s32 @!p0 $0x100000, s0  }
0xab: {  	[sflag:s0] =	ssyncadd.tile.s32 @!p0 $0x1;
	_ =	shalt  }
.Lfunc_end2:
_tile_overlayer_lowered:
.L_overlay_start_2:
0xac: {  	(tag) =	ssettag $0x2  }
0xad: {  	s0 =	rddreg [dreg:$0x0];
	s2 =	stileid.u32  }
0xae: {  	s1 =	rddreg [dreg:$0x1];
	p0 =	sne.s32 s2, $0x0  }
0xaf: {  	s3 =	rddreg [dreg:$0x2];
	[bflag:$0x3] =	sbarrier.arrive $0xFFFF;
	s2 =	simm.s32 @!p0 $0x1C11  }
0xb0: {  	[timem:s3], [sflag:s2] =	dma.local @!p0 [hbm:s0], s1  }
0xb1: {  	s0 =	simm.s32 @!p0 $0x11  }
0xb2: {  	_ =	swait.ge @!p0 [sflag:s0], s1  }
0xb3: {  	s1 =	ssub.s32 @!p0 $0x0, s1;
	[sflag:s0] =	ssyncset.done @!p0 $0x0  }
0xb4: {  	[sflag:s0] =	ssyncadd.s32 @!p0 s1  }
0xb5: {  	[bflag:$0x3] =	sbarrier.arrive $0xFFFF  }
0xb6: {  	_ =	shalt  }

// kernel: kernel.15.cloned.1.call-start
scs
__scs_entry_jumppad:
0x0: {  	(pc) =	sbr.rel $0x88, $3  }
0x1: {  	(tag) =	ssettag $0x0;
	lr =	simm.s32 $0x1  }
0x2: {  	[smem:$0x3F99] =	sst lr;
	_ =	strace $0xD0000000  }
0x3: {  	_ = 	snop  }
0x4: {  	_ = 	snop  }
0x5: {  	_ = 	snop  }
0x6: {  	_ = 	snop  }
0x7: {  	_ = 	snop  }
__scs_overlays_trampoline_lowered:
0x8: {  	[smem:$0x3FA8] =	sst s0  }
0x9: {  	[smem:$0x3FA9] =	sst s1  }
0xa: {  	[smem:$0x3FAA] =	sst s2  }
0xb: {  	[smem:$0x3FAB] =	sst s3  }
0xc: {  	[smem:$0x3FAC] =	sst s4  }
0xd: {  	[smem:$0x3FAD] =	sst s5  }
0xe: {  	[smem:$0x3FAE] =	sst s6  }
0xf: {  	[smem:$0x3FAF] =	sst s7  }
0x10: {  	[smem:$0x3FB0] =	sst s8  }
0x11: {  	[smem:$0x3FB1] =	sst s9;
	s0 =	simm.s32 @!p0 $0x0  }
0x12: {  	s1 =	sld [smem:$0x3F97];
	s0 =	simm.s32 @p0 $0x1  }
0x13: {  	[smem:$0x3FB2] =	sst s0;
	s0 =	simm.s32 @!p1 $0x0  }
0x14: {  	s2 =	sld [smem:$0x3F96];
	s0 =	simm.s32 @p1 $0x1  }
0x15: {  	[smem:$0x3FB3] =	sst s0;
	s0 =	simm.s32 @!p2 $0x0  }
0x16: {  	s3 =	sld [smem:$0x3FDB];
	s0 =	simm.s32 @p2 $0x1  }
0x17: {  	s4 =	simm.s32 $0x1BF5;
	[smem:$0x3FB5] =	sst s0  }
0x18: {  	s0 =	sld [smem:$0x3F98];
	_ =	swait.ge [sflag:s4], $0x0  }
0x19: {  	s7 =	sld [smem:$0x3F99]  }
0x1a: {  	s8 =	sadd.s32 $0xFFFFE003, lr  }
0x1b: {  	s9 =	sadd.s32 $0xFFFFFEF7, lr;
	s5 =	simm.s32 $0xFFFFFFFF;
	p2 =	slt.u32 s8, $0xFFFFF086  }
0x1c: {  	p1 =	slt.u32 s9, $0xF7A;
	s5 =	simm.s32 @!p2 $0x0  }
0x1d: {  	s5 =	simm.s32 @p1 $0x1;
	p0 =	seq.s32 s7, s2  }
0x1e: {  	s7 =	smul.u32 @!p0 $0xF7A, s2;
	p2 =	seq.s32 @!p0 s5, $0x0  }
0x1f: {  	s9 =	smul.u32 $0xF7A, s1;
	s8 =	simm.s32 @!p0 $0x1BF5;
	p2 =	por !p2, p0  }
0x20: {  	[sflag:s8] =	ssyncset.s32 @!p0 $0xFFFFF086;
	s6 =	sadd.s32 @!p0 s3, s7;
	s7 =	simm.s32 @!p0 $0x108  }
0x21: {  	s3 =	sadd.s32 s3, s9;
	s6 =	sadd.s32 @!p0 $0x88, s6;
	s7 =	simm.s32 @p2 $0x1082  }
0x22: {  	[simem:s7], [sflag:s8] =	dma.local @!p0 [hbm:s6], $0xF7A  }
0x23: {  	s9 =	sor.u32 $0xD0000000, s2;
	s6 =	simm.s32 $0x108;
	_ =	swait.ge @!p0 [sflag:s8], $0x0  }
0x24: {  	s3 =	sadd.s32 $0x88, s3;
	s6 =	simm.s32 @!p1 $0x1082;
	[sflag:s4] =	ssyncset.s32 $0xFFFFF086  }
0x25: {  	[simem:s6], [sflag:s4] =	dma.local [hbm:s3], $0xF7A  }
0x26: {  	[smem:$0x3F99] =	sst s1;
	(tag) =	ssettag s2;
	_ =	strace s9  }
0x27: {  	s1 =	sld [smem:$0x3FA9]  }
0x28: {  	s2 =	sld [smem:$0x3FAA]  }
0x29: {  	s4 =	sld [smem:$0x3FAC]  }
0x2a: {  	p0 =	seq.s32 s5, $0x0;
	s5 =	sld [smem:$0x3FAD]  }
0x2b: {  	s6 =	sld [smem:$0x3FAE]  }
0x2c: {  	s7 =	sld [smem:$0x3FAF]  }
0x2d: {  	s3 =	simm.s32 $0x108;
	s8 =	sld [smem:$0x3FB0]  }
0x2e: {  	s3 =	simm.s32 @!p0 $0x1082;
	s9 =	sld [smem:$0x3FB1]  }
0x2f: {  	lr =	sadd.s32 s0, s3;
	s0 =	sld [smem:$0x3FA8]  }
0x30: {  	s3 =	sld [smem:$0x3FAB]  }
0x31: {  	[smem:$0x3FB4] =	sst s10  }
0x32: {  	s10 =	sld [smem:$0x3FB2];
	_ =	sdelay $0x3  }
0x33: {  	p0 =	seq.s32 s10, $0x1;
	s10 =	sld [smem:$0x3FB4];
	_ =	sdelay $0x3  }
0x34: {  	[smem:$0x3FB4] =	sst s10  }
0x35: {  	s10 =	sld [smem:$0x3FB3];
	_ =	sdelay $0x3  }
0x36: {  	p1 =	seq.s32 s10, $0x1;
	s10 =	sld [smem:$0x3FB4];
	_ =	sdelay $0x3  }
0x37: {  	[smem:$0x3FB4] =	sst s10  }
0x38: {  	s10 =	sld [smem:$0x3FB5]  }
0x39: {  	_ = 	snop;
	(pc) =	sbr.ind lr, $3  }
0x3a: {  	_ = 	snop  }
0x3b: {  	_ = 	snop  }
0x3c: {  	p2 =	seq.s32 s10, $0x1;
	s10 =	sld [smem:$0x3FB4]  }
0x3d: {  	_ =	shalt  }
0x3e: {  	_ =	shalt  }
0x3f: {  	_ =	shalt  }
0x40: {  	_ =	shalt  }
0x41: {  	_ =	shalt  }
0x42: {  	_ =	shalt  }
0x43: {  	_ =	shalt  }
0x44: {  	_ =	shalt  }
0x45: {  	_ =	shalt  }
0x46: {  	_ =	shalt  }
0x47: {  	_ =	shalt  }
0x48: {  	_ =	shalt  }
0x49: {  	_ =	shalt  }
0x4a: {  	_ =	shalt  }
0x4b: {  	_ =	shalt  }
0x4c: {  	_ =	shalt  }
0x4d: {  	_ =	shalt  }
0x4e: {  	_ =	shalt  }
0x4f: {  	_ =	shalt  }
0x50: {  	_ =	shalt  }
0x51: {  	_ =	shalt  }
0x52: {  	_ =	shalt  }
0x53: {  	_ =	shalt  }
0x54: {  	_ =	shalt  }
0x55: {  	_ =	shalt  }
0x56: {  	_ =	shalt  }
0x57: {  	_ =	shalt  }
0x58: {  	_ =	shalt  }
0x59: {  	_ =	shalt  }
0x5a: {  	_ =	shalt  }
0x5b: {  	_ =	shalt  }
0x5c: {  	_ =	shalt  }
0x5d: {  	_ =	shalt  }
0x5e: {  	_ =	shalt  }
0x5f: {  	_ =	shalt  }
0x60: {  	_ =	shalt  }
0x61: {  	_ =	shalt  }
0x62: {  	_ =	shalt  }
0x63: {  	_ =	shalt  }
0x64: {  	_ =	shalt  }
0x65: {  	_ =	shalt  }
0x66: {  	_ =	shalt  }
0x67: {  	_ =	shalt  }
0x68: {  	_ =	shalt  }
0x69: {  	_ =	shalt  }
0x6a: {  	_ =	shalt  }
0x6b: {  	_ =	shalt  }
0x6c: {  	_ =	shalt  }
0x6d: {  	_ =	shalt  }
0x6e: {  	_ =	shalt  }
0x6f: {  	_ =	shalt  }
0x70: {  	_ =	shalt  }
0x71: {  	_ =	shalt  }
0x72: {  	_ =	shalt  }
0x73: {  	_ =	shalt  }
0x74: {  	_ =	shalt  }
0x75: {  	_ =	shalt  }
0x76: {  	_ =	shalt  }
0x77: {  	_ =	shalt  }
0x78: {  	_ =	shalt  }
0x79: {  	_ =	shalt  }
0x7a: {  	_ =	shalt  }
0x7b: {  	_ =	shalt  }
0x7c: {  	_ =	shalt  }
0x7d: {  	_ =	shalt  }
0x7e: {  	_ =	shalt  }
0x7f: {  	_ =	shalt  }
0x80: {  	_ =	shalt  }
0x81: {  	_ =	shalt  }
0x82: {  	_ =	shalt  }
0x83: {  	_ =	shalt  }
0x84: {  	_ =	shalt  }
0x85: {  	_ =	shalt  }
0x86: {  	_ =	shalt  }
0x87: {  	_ =	shalt  }
.Lfunc_end0:
.L_simem_size_0:
called_computation.2_lowered:
.L_overlay_start_0:
0x88: {  	s2 =	sld [smem:$0x3FD9]  }
0x89: {  	s3 =	sld [smem:$0x3FFE];
	_ =	sdelay $0x1  }
0x8a: {  	s1 =	srdreg.scid  }
0x8b: {  	s0 =	sand.u32 $0x1, s1  }
0x8c: {  	s16 =	sshll.u32 s0, $0xA;
	s2 =	sadd.s32 s3, s2  }
0x8d: {  	s2 =	sadd.s32 s2, s16  }
0x8e: {  	[smem:$0x3FC0] =	sst s2  }
0x8f: {  	_ = 	snop  }
0x90: {  	(tm) =	ssettm $0x1  }
0x91: {  	s17 =	sld [smem:$0x3FFB];
	_ =	sdelay $0x3  }
0x92: {  	_ =	strace s17  }
0x93: {  	s2 =	sld [smem:$0x3FFC];
	_ =	sdelay $0x3  }
0x94: {  	_ =	strace s2  }
0x95: {  	s2 =	sld [smem:$0x3FFD];
	_ =	sdelay $0x3  }
0x96: {  	_ =	strace s2  }
0x97: {  	_ =	strace $0x8FFFFFFF  }
0x98: {  	s18 =	sld [smem:$0x3FDB];
	_ =	sdelay $0x1  }
0x99: {  	s19 =	simm.s32 $_scs_section_size  }
0x9a: {  	s4 =	simm.s32 $_size__tile_overlayer_lowered;
	s5 =	simm.s32 $_tile_overlayer_lowered  }
0x9b: {  	s22 =	simm.s32 $0x1BFF;
	s21 =	sshll.u32 s5, $0x1;
	s2 =	sadd.s32 s19, s18  }
0x9c: {  	s6 =	simm.s32 $0x0;
	s20 =	sshll.u32 s4, $0x1;
	s4 =	sadd.s32 s21, s2  }
0x9d: {  	[timem:s6], [sflag:s22] =	dma.local [hbm:s4], s20  }
0x9e: {  	_ =	swait.ge [sflag:s22], s20  }
0x9f: {  	s3 =	ssub.s32 $0x0, s20;
	[sflag:s22] =	ssyncset.done $0x0  }
0xa0: {  	[sflag:s22] =	ssyncadd.s32 s3;
	_ =	sdelay $0x1  }
0xa1: {  	s23 =	simm.s32 $0x1B8B  }
0xa2: {  	_ =	swait.ge [sflag:s23], $0x1  }
0xa3: {  	[sflag:s23] =	ssyncset.done $0x0  }
0xa4: {  	s25 =	simm.s32 $0x1B8E;
	s24 =	sld [smem:$0x3FFE];
	[sflag:s23] =	ssyncadd.s32 $0xFFFFFFFF  }
0xa5: {  	s26 =	simm.s32 $execute0_lowered;
	[smem:$0x3FD2] =	sst s25  }
0xa6: {  	s4 =	sshll.u32 s26, $0x1;
	_ =	strace $0x8000004C;
	[dreg:$0x1] =	wrdreg $0xFFFFFFFF  }
0xa7: {  	s28 =	simm.s32 $_size_execute0_lowered;
	s2 =	sadd.s32 s2, s4;
	[dreg:$0x0] =	wrdreg $0x0  }
0xa8: {  	s4 =	sshll.u32 s28, $0x1;
	[dreg:$0x2] =	wrdreg s2  }
0xa9: {  	[dreg:$0x3] =	wrdreg s4  }
0xaa: {  	[dreg:$0x4] =	wrdreg $0xC0  }
0xab: {  	_ =	task [dreg:s6], $0x5FFFF  }
0xac: {  	[dreg:$0x1] =	wrdreg $0xFFFFFFFF  }
0xad: {  	[dreg:$0x0] =	wrdreg $0x60  }
0xae: {  	[dreg:$0x2] =	wrdreg s24  }
0xaf: {  	[dreg:$0x3] =	wrdreg $0x90000  }
0xb0: {  	[dreg:$0x4] =	wrdreg $0xB8000  }
0xb1: {  	[dreg:$0x5] =	wrdreg $0x9  }
0xb2: {  	_ =	task.clear_ibuf [dreg:s6], $0x6FFFF;
	_ =	strace $0x9000004C  }
0xb3: {  	s29 =	simm.s32 $0x9;
	_ =	strace $0x8000004E  }
0xb4: {  	_ =	swait.ge [sflag:s29], $0x1  }
0xb5: {  	[sflag:s29] =	ssyncadd.s32 $0xFFFFFFFF  }
0xb6: {  	_ =	strace $0x9000004E  }
0xb7: {  	_ =	sfence  }
0xb8: {  	s30 =	sld [smem:$0x0];
	_ =	sdelay $0x2  }
0xb9: {  	s31 =	sshll.u32 s1, $0xD;
	s1 =	sshrl.u32 s1, $0x2  }
0xba: {  	s3 =	sand.u32 $0x4000, s31;
	s1 =	sadd.s32 s1, s30  }
0xbb: {  	s0 =	sor.u32 s3, s0;
	s1 =	sshll.u32 s1, $0x11  }
0xbc: {  	s0 =	sor.u32 s1, s0  }
0xbd: {  	s0 =	sadd.s32 $0x8F2B, s0  }
0xbe: {  	[sflag:s0] =	ssyncadd.remote.s32 $0x1  }
0xbf: {  	_ =	sfence.sel $0xFFFF  }
0xc0: {  	[dreg:$0x0] =	wrdreg $0xFFFFFFFF;
	(pc) =	sbr.abs _section_cstart, $3  }
0xc1: {  	[dreg:$0x1] =	wrdreg $0xFFFFFFFF  }
0xc2: {  	_ =	task.clear_ibuf [dreg:s6], $0x2FFFF;
	_ =	strace $0x9FFFFFFF  }
0xc3: {  	(tm) =	ssettm $0x7FFFFFFF  }
tec
execute0_lowered:
.L_overlay_start_1:
0x0: {  	(tag) =	ssettag $0x1  }
0x1: {  	s0 =	rddreg [dreg:$0x0]  }
0x2: {  	s1 =	rddreg [dreg:$0x1]  }
0x3: {  	s3 =	rddreg [dreg:$0x2]  }
0x4: {  	s12 =	stileid.u32;
	s2 =	srdreg.scid;
	s6 =	simm.s32 $0x0  }
0x5: {  	s15 =	simm.s32 $0x80;
	s23 =	simm.s32 $0x7000;
	s29 =	simm.s32 $0x8000  }
0x6: {  	s31 =	simm.s32 $0x8800;
	s14 =	simm.s32 $0x3;
	s28 =	simm.s32 $0x8  }
0x7: {  	s30 =	simm.s32 $0x9;
	s4 =	smul.u32 $0x2710, s12;
	s2 =	sand.u32 $0x1, s2  }
0x8: {  	s5 =	sshll.u32 s12, $0x1;
	[smem:$0x7FF] =	sst s6;
	s9 =	sadd.s32 $0x1BE00, s0  }
0x9: {  	s10 =	smul.u32 $0x2800, s12;
	s19 =	sshll.u32 s12, $0x6;
	s5 =	sor.u32 s2, s5  }
0xa: {  	_ =	strace $0x8000004D;
	s17 =	smul.u32 $0x5000, s2;
	s2 =	ssub.s32 $0x2, s2  }
0xb: {  	[dreg:$0x4] =	wrdreg s9;
	s6 =	sor.u32 $0x1C11, s19;
	s19 =	simm.s32 $0x6000  }
0xc: {  	s16 =	sshrl.u32 s4, $0x3;
	s5 =	smul.u32 $0x500, s5;
	s18 =	sshrl.u32 s2, $0x1  }
0xd: {  	s20 =	sadd.s32 s10, s1;
	s4 =	sadd.s32 s4, s3;
	s24 =	sshrl.u32 s10, $0x3  }
0xe: {  	s7 =	sadd.s32 s16, s0;
	s11 =	sadd.s32 s17, s0;
	s2 =	ssub.s32 s2, s18  }
0xf: {  	s10 =	sshrl.u32 s20, $0x3;
	s25 =	sshrl.u32 s4, $0x3;
	s16 =	simm.s32 $0x5000  }
0x10: {  	s17 =	simm.s32 $0x5800;
	s18 =	simm.s32 $0x4;
	s20 =	simm.s32 $0x5  }
0x11: {  	s4 =	simm.s32 $0x0;
	s8 =	sadd.s32 s5, s0;
	s7 =	sadd.s32 $0x16E00, s7  }
0x12: {  	s0 =	sadd.s32 $0xCE00, s0;
	s22 =	sadd.s32 $0x1C400, s11;
	s2 =	smax.u32 s2, $0x1  }
0x13: {  	s11 =	simm.s32 $0x11;
	[dreg:$0x8] =	wrdreg s25;
	s25 =	simm.s32 $0x7  }
.Ltmp0:
0x14: {  	[dreg:$0x5] =	wrdreg s7;
	s21 =	sadd.s32 $0x2E00, s8;
	(pc) =	sbr.rel .LBB2_1-.Ltmp0, $4  }
0x15: {  	[dreg:$0x7] =	wrdreg s2;
	s0 =	sadd.s32 s5, s0;
	s26 =	sadd.s32 s24, s22  }
0x16: {  	s2 =	simm.s32 $0x1;
	s22 =	simm.s32 $0x6;
	[dreg:$0x6] =	wrdreg s21  }
0x17: {  	s5 =	simm.s32 $0xA;
	[dreg:$0x9] =	wrdreg s0;
	s21 =	simm.s32 $0x6800  }
0x18: {  	[dreg:$0xa] =	wrdreg s26;
	s26 =	simm.s32 $0x7800;
	s0 =	simm.s32 $0x2  }
.LBB2_4:
0x19: {  	_ =	swait.ge [sflag:s28], $0x800  }
0x1a: {  	[sflag:s28] =	ssyncset.done $0x0  }
0x1b: {  	s7 =	simm.s32 $0x4F80;
	[sflag:s28] =	ssyncadd.s32 $0xFFFFF800  }
0x1c: {  	[spmem:s1] =	stream.indirect.scatter.add.f32 [tilespmem:s31], [sflag:$0x10], $0x10, s7, s15, $0xb8;
	[tilespmem:$0xDF10] =	vst v63  }
0x1d: {  	_ =	swait.ge [sflag:s30], $0x800  }
0x1e: {  	[sflag:s30] =	ssyncset.done $0x0  }
0x1f: {  	[sflag:s30] =	ssyncadd.s32 $0xFFFFF800  }
0x20: {  	_ =	swait.ge [sflag:s5], $0x800  }
0x21: {  	[sflag:s5] =	ssyncset.done $0x0  }
0x22: {  	s12 =	simm.s32 $0xB;
	[sflag:s5] =	ssyncadd.s32 $0xFFFFF800  }
0x23: {  	_ =	swait.ge [sflag:s12], $0x800  }
0x24: {  	[sflag:s12] =	ssyncset.done $0x0  }
0x25: {  	s13 =	simm.s32 $0xC;
	[sflag:s12] =	ssyncadd.s32 $0xFFFFF800  }
0x26: {  	_ =	swait.ge [sflag:s13], $0x800  }
0x27: {  	[sflag:s13] =	ssyncset.done $0x0  }
0x28: {  	s24 =	simm.s32 $0xD;
	[sflag:s13] =	ssyncadd.s32 $0xFFFFF800  }
0x29: {  	_ =	swait.ge [sflag:s24], $0x800  }
0x2a: {  	[sflag:s24] =	ssyncset.done $0x0  }
0x2b: {  	s8 =	simm.s32 $0xE;
	[sflag:s24] =	ssyncadd.s32 $0xFFFFF800  }
0x2c: {  	_ =	swait.ge [sflag:s8], $0x800  }
0x2d: {  	[sflag:s8] =	ssyncset.done $0x0  }
0x2e: {  	s9 =	simm.s32 $0xF;
	[sflag:s8] =	ssyncadd.s32 $0xFFFFF800  }
0x2f: {  	_ =	swait.ge [sflag:s9], $0x800  }
0x30: {  	[sflag:s9] =	ssyncset.done $0x0  }
0x31: {  	s12 =	simm.s32 $0x10;
	[sflag:s9] =	ssyncadd.s32 $0xFFFFF800  }
0x32: {  	_ =	swait.ge [sflag:s12], $0x800  }
0x33: {  	[sflag:s12] =	ssyncset.done $0x0  }
0x34: {  	[sflag:s12] =	ssyncadd.s32 $0xFFFFF800  }
0x35: {  	[bflag:$0x0] =	sbarrier.arrive $0xFFFF  }
0x36: {  	s13 =	rddreg [dreg:$0xa]  }
0x37: {  	[hbm:s13], [sflag:s6] =	dma.local [spmem:s10], $0x500  }
0x38: {  	_ =	swait.ge [sflag:s11], $0x500  }
0x39: {  	s4 =	sadd.s32 $0x1, s4;
	s24 =	rddreg [dreg:$0x7]  }
0x3a: {  	p0 =	sne.s32 s4, s24  }
.Ltmp1:
0x3b: {  	_ = 	snop;
	(pc) =	sbr.rel @!p0 .LBB2_5-.Ltmp1, $3  }
0x3c: {  	_ =	sdelay $0x1  }
0x3d: {  	[sflag:s11] =	ssyncset.done $0x0  }
0x3e: {  	[sflag:s11] =	ssyncadd.s32 $0xFFFFFB00  }
.LBB2_1:
0x3f: {  	s7 =	rddreg [dreg:$0x4]  }
0x40: {  	[spmem:s10], [sflag:s6] =	dma.local [hbm:s7], $0x500  }
0x41: {  	_ =	swait.ge [sflag:s11], $0x500  }
0x42: {  	[sflag:s11] =	ssyncset.done $0x0;
	s13 =	rddreg [dreg:$0x5]  }
0x43: {  	s8 =	rddreg [dreg:$0x8];
	[sflag:s11] =	ssyncadd.s32 $0xFFFFFB00  }
0x44: {  	[spmem:s8], [sflag:s6] =	dma.local [hbm:s13], $0x4E2  }
0x45: {  	_ =	swait.ge [sflag:s11], $0x4E2  }
0x46: {  	[sflag:s11] =	ssyncset.done $0x0  }
0x47: {  	s24 =	simm.s32 $0x0;
	s12 =	rddreg [dreg:$0x6];
	[sflag:s11] =	ssyncadd.s32 $0xFFFFFB1E  }
0x48: {  	[tilespmem:s24], [sflag:$0x11] =	stream.linear.gather [hbm4b:s12+s24], $0x2800, $0x38;
	[tilespmem:$0xDF10] =	vst v63  }
0x49: {  	_ =	swait.ge [sflag:s11], $0x2800  }
0x4a: {  	[sflag:s11] =	ssyncset.done $0x0  }
0x4b: {  	s9 =	simm.s32 $0x2800;
	s13 =	rddreg [dreg:$0x9];
	[sflag:s11] =	ssyncadd.s32 $0xFFFFD800  }
0x4c: {  	[tilespmem:s9], [sflag:$0x11] =	stream.linear.gather [hbm4b:s13+s24], $0x2800, $0x38;
	[tilespmem:$0xDF10] =	vst v63  }
0x4d: {  	_ =	swait.ge [sflag:s11], $0x2800  }
0x4e: {  	[sflag:s11] =	ssyncset.done $0x0  }
0x4f: {  	[sflag:s11] =	ssyncadd.s32 $0xFFFFD800  }
0x50: {  	[bflag:$0x0] =	sbarrier.arrive $0xFFFF  }
0x51: {  	[tilespmem:s16], [sflag:$0x1] =	stream.indirect.gather [spmem:s3], $0x10, s24, s15, $0xb8;
	[tilespmem:$0xDF10] =	vst v63  }
0x52: {  	_ = 	snop  }
0x53: {  	[tilespmem:s17], [sflag:$0x2] =	stream.indirect.gather [spmem:s3], $0x10, s15, s15, $0xb8;
	[tilespmem:$0xDF10] =	vst v63  }
0x54: {  	s24 =	simm.s32 $0x100  }
0x55: {  	[tilespmem:s19], [sflag:$0x3] =	stream.indirect.gather [spmem:s3], $0x10, s24, s15, $0xb8;
	[tilespmem:$0xDF10] =	vst v63  }
0x56: {  	s8 =	simm.s32 $0x180  }
0x57: {  	[tilespmem:s21], [sflag:$0x4] =	stream.indirect.gather [spmem:s3], $0x10, s8, s15, $0xb8;
	[tilespmem:$0xDF10] =	vst v63  }
0x58: {  	s9 =	simm.s32 $0x200  }
0x59: {  	[tilespmem:s23], [sflag:$0x5] =	stream.indirect.gather [spmem:s3], $0x10, s9, s15, $0xb8;
	[tilespmem:$0xDF10] =	vst v63  }
0x5a: {  	s12 =	simm.s32 $0x280  }
0x5b: {  	[tilespmem:s26], [sflag:$0x6] =	stream.indirect.gather [spmem:s3], $0x10, s12, s15, $0xb8;
	[tilespmem:$0xDF10] =	vst v63  }
0x5c: {  	s13 =	simm.s32 $0x300  }
0x5d: {  	[tilespmem:s29], [sflag:$0x7] =	stream.indirect.gather [spmem:s3], $0x10, s13, s15, $0xb8;
	[tilespmem:$0xDF10] =	vst v63  }
0x5e: {  	s7 =	simm.s32 $0x0;
	s24 =	simm.s32 $0x380  }
0x5f: {  	[tilespmem:s31], [sflag:$0x8] =	stream.indirect.gather [spmem:s3], $0x10, s24, s15, $0xb8;
	[tilespmem:$0xDF10] =	vst v63  }
.LBB2_2:
0x60: {  	_ =	swait.ge [sflag:s2], $0x800  }
0x61: {  	s8 =	sshra.s32 s7, $0x2;
	[sflag:s2] =	ssyncset.done $0x0  }
0x62: {  	p0 =	seq.s32 s7, $0x0;
	s9 =	sadd.s32 $0x2800, s8;
	[sflag:s2] =	ssyncadd.s32 $0xFFFFF800  }
0x63: {  	[spmem:s1] =	stream.indirect.scatter.add.f32 [tilespmem:s16], [sflag:$0x9], $0x10, s9, s15, $0xb8;
	[tilespmem:$0xDF10] =	vst v63  }
0x64: {  	s9 =	simm.s32 @!p0 $0xB  }
0x65: {  	_ =	swait.ge @!p0 [sflag:s9], $0x800  }
0x66: {  	[sflag:s9] =	ssyncset.done @!p0 $0x0  }
0x67: {  	[sflag:s9] =	ssyncadd.s32 @!p0 $0xFFFFF800;
	s9 =	sshra.s32 @!p0 s7, $0x2  }
0x68: {  	s13 =	simm.s32 @!p0 $0x80;
	s24 =	simm.s32 @!p0 $0x6000;
	s12 =	sadd.s32 @!p0 $0x100, s9  }
0x69: {  	[tilespmem:s24], [sflag:$0x3] =	stream.indirect.gather @!p0 [spmem:s3], $0x10, s12, s13, $0xb8;
	[tilespmem:$0xDF10] =	vst v63  }
0x6a: {  	_ =	swait.ge [sflag:s0], $0x800  }
0x6b: {  	[sflag:s0] =	ssyncset.done $0x0  }
0x6c: {  	s24 =	sadd.s32 $0x2880, s8;
	s12 =	simm.s32 @!p0 $0xC;
	[sflag:s0] =	ssyncadd.s32 $0xFFFFF800  }
0x6d: {  	[spmem:s1] =	stream.indirect.scatter.add.f32 [tilespmem:s17], [sflag:$0xA], $0x10, s24, s15, $0xb8;
	[tilespmem:$0xDF10] =	vst v63  }
0x6e: {  	_ =	swait.ge @!p0 [sflag:s12], $0x800  }
0x6f: {  	[sflag:s12] =	ssyncset.done @!p0 $0x0  }
0x70: {  	s24 =	simm.s32 @!p0 $0x6800;
	[sflag:s12] =	ssyncadd.s32 @!p0 $0xFFFFF800;
	s12 =	sadd.s32 @!p0 $0x180, s9  }
0x71: {  	[tilespmem:s24], [sflag:$0x4] =	stream.indirect.gather @!p0 [spmem:s3], $0x10, s12, s13, $0xb8;
	[tilespmem:$0xDF10] =	vst v63  }
0x72: {  	_ =	swait.ge [sflag:s14], $0x800  }
0x73: {  	[sflag:s14] =	ssyncset.done $0x0  }
0x74: {  	s24 =	sadd.s32 $0x2900, s8;
	s12 =	simm.s32 @!p0 $0xD;
	[sflag:s14] =	ssyncadd.s32 $0xFFFFF800  }
0x75: {  	[spmem:s1] =	stream.indirect.scatter.add.f32 [tilespmem:s19], [sflag:$0xB], $0x10, s24, s15, $0xb8;
	[tilespmem:$0xDF10] =	vst v63  }
0x76: {  	_ =	swait.ge @!p0 [sflag:s12], $0x800  }
0x77: {  	[sflag:s12] =	ssyncset.done @!p0 $0x0  }
0x78: {  	s24 =	simm.s32 @!p0 $0x7000;
	[sflag:s12] =	ssyncadd.s32 @!p0 $0xFFFFF800;
	s12 =	sadd.s32 @!p0 $0x200, s9  }
0x79: {  	[tilespmem:s24], [sflag:$0x5] =	stream.indirect.gather @!p0 [spmem:s3], $0x10, s12, s13, $0xb8;
	[tilespmem:$0xDF10] =	vst v63  }
0x7a: {  	_ =	swait.ge [sflag:s18], $0x800  }
0x7b: {  	[sflag:s18] =	ssyncset.done $0x0  }
0x7c: {  	s24 =	sadd.s32 $0x2980, s8;
	s12 =	simm.s32 @!p0 $0xE;
	[sflag:s18] =	ssyncadd.s32 $0xFFFFF800  }
0x7d: {  	[spmem:s1] =	stream.indirect.scatter.add.f32 [tilespmem:s21], [sflag:$0xC], $0x10, s24, s15, $0xb8;
	[tilespmem:$0xDF10] =	vst v63  }
0x7e: {  	_ =	swait.ge @!p0 [sflag:s12], $0x800  }
0x7f: {  	[sflag:s12] =	ssyncset.done @!p0 $0x0  }
0x80: {  	s24 =	simm.s32 @!p0 $0x7800;
	[sflag:s12] =	ssyncadd.s32 @!p0 $0xFFFFF800;
	s12 =	sadd.s32 @!p0 $0x280, s9  }
0x81: {  	[tilespmem:s24], [sflag:$0x6] =	stream.indirect.gather @!p0 [spmem:s3], $0x10, s12, s13, $0xb8;
	[tilespmem:$0xDF10] =	vst v63  }
0x82: {  	_ =	swait.ge [sflag:s20], $0x800  }
0x83: {  	[sflag:s20] =	ssyncset.done $0x0  }
0x84: {  	s24 =	sadd.s32 $0x2A00, s8;
	s12 =	simm.s32 @!p0 $0xF;
	[sflag:s20] =	ssyncadd.s32 $0xFFFFF800  }
0x85: {  	[spmem:s1] =	stream.indirect.scatter.add.f32 [tilespmem:s23], [sflag:$0xD], $0x10, s24, s15, $0xb8;
	[tilespmem:$0xDF10] =	vst v63  }
0x86: {  	_ =	swait.ge @!p0 [sflag:s12], $0x800  }
0x87: {  	[sflag:s12] =	ssyncset.done @!p0 $0x0  }
0x88: {  	s24 =	simm.s32 @!p0 $0x8000;
	[sflag:s12] =	ssyncadd.s32 @!p0 $0xFFFFF800;
	s12 =	sadd.s32 @!p0 $0x300, s9  }
0x89: {  	[tilespmem:s24], [sflag:$0x7] =	stream.indirect.gather @!p0 [spmem:s3], $0x10, s12, s13, $0xb8;
	[tilespmem:$0xDF10] =	vst v63  }
0x8a: {  	_ =	swait.ge [sflag:s22], $0x800  }
0x8b: {  	[sflag:s22] =	ssyncset.done $0x0  }
0x8c: {  	s24 =	sadd.s32 $0x2A80, s8;
	s12 =	simm.s32 @!p0 $0x10;
	[sflag:s22] =	ssyncadd.s32 $0xFFFFF800  }
0x8d: {  	[spmem:s1] =	stream.indirect.scatter.add.f32 [tilespmem:s26], [sflag:$0xE], $0x10, s24, s15, $0xb8;
	[tilespmem:$0xDF10] =	vst v63  }
0x8e: {  	_ =	swait.ge @!p0 [sflag:s12], $0x800  }
0x8f: {  	[sflag:s12] =	ssyncset.done @!p0 $0x0  }
0x90: {  	s9 =	sadd.s32 @!p0 $0x380, s9;
	[sflag:s12] =	ssyncadd.s32 @!p0 $0xFFFFF800;
	s12 =	simm.s32 @!p0 $0x8800  }
0x91: {  	[tilespmem:s12], [sflag:$0x8] =	stream.indirect.gather @!p0 [spmem:s3], $0x10, s9, s13, $0xb8;
	[tilespmem:$0xDF10] =	vst v63  }
0x92: {  	p0 =	seq.s32 s7, $0x9000  }
.Ltmp2:
0x93: {  	_ = 	snop;
	(pc) =	sbr.rel @p0 .LBB2_4-.Ltmp2, $4  }
0x94: {  	_ =	swait.ge [sflag:s25], $0x800  }
0x95: {  	[sflag:s25] =	ssyncset.done $0x0  }
0x96: {  	s24 =	sadd.s32 $0x2B00, s8;
	[sflag:s25] =	ssyncadd.s32 $0xFFFFF800  }
0x97: {  	[spmem:s1] =	stream.indirect.scatter.add.f32 [tilespmem:s29], [sflag:$0xF], $0x10, s24, s15, $0xb8;
	[tilespmem:$0xDF10] =	vst v63  }
0x98: {  	_ =	swait.ge [sflag:s30], $0x800  }
0x99: {  	[sflag:s30] =	ssyncset.done $0x0  }
0x9a: {  	s9 =	sadd.s32 $0x400, s8;
	[sflag:s30] =	ssyncadd.s32 $0xFFFFF800  }
0x9b: {  	[tilespmem:s16], [sflag:$0x1] =	stream.indirect.gather [spmem:s3], $0x10, s9, s15, $0xb8;
	[tilespmem:$0xDF10] =	vst v63  }
0x9c: {  	_ =	swait.ge [sflag:s28], $0x800  }
0x9d: {  	[sflag:s28] =	ssyncset.done $0x0  }
0x9e: {  	s13 =	sadd.s32 $0x2B80, s8;
	[sflag:s28] =	ssyncadd.s32 $0xFFFFF800  }
0x9f: {  	[spmem:s1] =	stream.indirect.scatter.add.f32 [tilespmem:s31], [sflag:$0x10], $0x10, s13, s15, $0xb8;
	[tilespmem:$0xDF10] =	vst v63  }
.Ltmp3:
0xa0: {  	_ = 	snop;
	(pc) =	sbr.rel .LBB2_2-.Ltmp3, $4  }
0xa1: {  	_ =	swait.ge [sflag:s5], $0x800  }
0xa2: {  	[sflag:s5] =	ssyncset.done $0x0  }
0xa3: {  	s24 =	sadd.s32 $0x480, s8;
	s7 =	sadd.s32 $0x1000, s7;
	[sflag:s5] =	ssyncadd.s32 $0xFFFFF800  }
0xa4: {  	[tilespmem:s17], [sflag:$0x2] =	stream.indirect.gather [spmem:s3], $0x10, s24, s15, $0xb8;
	[tilespmem:$0xDF10] =	vst v63  }
.LBB2_5:
0xa5: {  	_ =	sfence.sel $0x180000  }
0xa6: {  	[bflag:$0x0] =	sbarrier.arrive $0xFFFF  }
0xa7: {  	_ =	strace $0x9000004D  }
0xa8: {  	s0 =	stileid.u32;
	[bflag:$0x2] =	sbarrier.arrive $0xFFFF  }
0xa9: {  	p0 =	sne.s32 s0, $0x0;
	s0 =	rddreg [dreg:$0x3]  }
0xaa: {  	s0 =	sadd.s32 @!p0 $0x100000, s0  }
0xab: {  	[sflag:s0] =	ssyncadd.tile.s32 @!p0 $0x1;
	_ =	shalt  }
.Lfunc_end2:
_tile_overlayer_lowered:
.L_overlay_start_2:
0xac: {  	(tag) =	ssettag $0x2  }
0xad: {  	s0 =	rddreg [dreg:$0x0];
	s2 =	stileid.u32  }
0xae: {  	s1 =	rddreg [dreg:$0x1];
	p0 =	sne.s32 s2, $0x0  }
0xaf: {  	s3 =	rddreg [dreg:$0x2];
	[bflag:$0x3] =	sbarrier.arrive $0xFFFF;
	s2 =	simm.s32 @!p0 $0x1C11  }
0xb0: {  	[timem:s3], [sflag:s2] =	dma.local @!p0 [hbm:s0], s1  }
0xb1: {  	s0 =	simm.s32 @!p0 $0x11  }
0xb2: {  	_ =	swait.ge @!p0 [sflag:s0], s1  }
0xb3: {  	s1 =	ssub.s32 @!p0 $0x0, s1;
	[sflag:s0] =	ssyncset.done @!p0 $0x0  }
0xb4: {  	[sflag:s0] =	ssyncadd.s32 @!p0 s1  }
0xb5: {  	[bflag:$0x3] =	sbarrier.arrive $0xFFFF  }
0xb6: {  	_ =	shalt  }

// kernel: kernel.9.cloned.1.call-start
scs
__scs_entry_jumppad:
0x0: {  	(pc) =	sbr.rel $0x88, $3  }
0x1: {  	(tag) =	ssettag $0x0;
	lr =	simm.s32 $0x1  }
0x2: {  	[smem:$0x3F99] =	sst lr;
	_ =	strace $0xD0000000  }
0x3: {  	_ = 	snop  }
0x4: {  	_ = 	snop  }
0x5: {  	_ = 	snop  }
0x6: {  	_ = 	snop  }
0x7: {  	_ = 	snop  }
__scs_overlays_trampoline_lowered:
0x8: {  	[smem:$0x3FA8] =	sst s0  }
0x9: {  	[smem:$0x3FA9] =	sst s1  }
0xa: {  	[smem:$0x3FAA] =	sst s2  }
0xb: {  	[smem:$0x3FAB] =	sst s3  }
0xc: {  	[smem:$0x3FAC] =	sst s4  }
0xd: {  	[smem:$0x3FAD] =	sst s5  }
0xe: {  	[smem:$0x3FAE] =	sst s6  }
0xf: {  	[smem:$0x3FAF] =	sst s7  }
0x10: {  	[smem:$0x3FB0] =	sst s8  }
0x11: {  	[smem:$0x3FB1] =	sst s9;
	s0 =	simm.s32 @!p0 $0x0  }
0x12: {  	s1 =	sld [smem:$0x3F97];
	s0 =	simm.s32 @p0 $0x1  }
0x13: {  	[smem:$0x3FB2] =	sst s0;
	s0 =	simm.s32 @!p1 $0x0  }
0x14: {  	s2 =	sld [smem:$0x3F96];
	s0 =	simm.s32 @p1 $0x1  }
0x15: {  	[smem:$0x3FB3] =	sst s0;
	s0 =	simm.s32 @!p2 $0x0  }
0x16: {  	s3 =	sld [smem:$0x3FDB];
	s0 =	simm.s32 @p2 $0x1  }
0x17: {  	s4 =	simm.s32 $0x1BF5;
	[smem:$0x3FB5] =	sst s0  }
0x18: {  	s0 =	sld [smem:$0x3F98];
	_ =	swait.ge [sflag:s4], $0x0  }
0x19: {  	s7 =	sld [smem:$0x3F99]  }
0x1a: {  	s8 =	sadd.s32 $0xFFFFE003, lr  }
0x1b: {  	s9 =	sadd.s32 $0xFFFFFEF7, lr;
	s5 =	simm.s32 $0xFFFFFFFF;
	p2 =	slt.u32 s8, $0xFFFFF086  }
0x1c: {  	p1 =	slt.u32 s9, $0xF7A;
	s5 =	simm.s32 @!p2 $0x0  }
0x1d: {  	s5 =	simm.s32 @p1 $0x1;
	p0 =	seq.s32 s7, s2  }
0x1e: {  	s7 =	smul.u32 @!p0 $0xF7A, s2;
	p2 =	seq.s32 @!p0 s5, $0x0  }
0x1f: {  	s9 =	smul.u32 $0xF7A, s1;
	s8 =	simm.s32 @!p0 $0x1BF5;
	p2 =	por !p2, p0  }
0x20: {  	[sflag:s8] =	ssyncset.s32 @!p0 $0xFFFFF086;
	s6 =	sadd.s32 @!p0 s3, s7;
	s7 =	simm.s32 @!p0 $0x108  }
0x21: {  	s3 =	sadd.s32 s3, s9;
	s6 =	sadd.s32 @!p0 $0x88, s6;
	s7 =	simm.s32 @p2 $0x1082  }
0x22: {  	[simem:s7], [sflag:s8] =	dma.local @!p0 [hbm:s6], $0xF7A  }
0x23: {  	s9 =	sor.u32 $0xD0000000, s2;
	s6 =	simm.s32 $0x108;
	_ =	swait.ge @!p0 [sflag:s8], $0x0  }
0x24: {  	s3 =	sadd.s32 $0x88, s3;
	s6 =	simm.s32 @!p1 $0x1082;
	[sflag:s4] =	ssyncset.s32 $0xFFFFF086  }
0x25: {  	[simem:s6], [sflag:s4] =	dma.local [hbm:s3], $0xF7A  }
0x26: {  	[smem:$0x3F99] =	sst s1;
	(tag) =	ssettag s2;
	_ =	strace s9  }
0x27: {  	s1 =	sld [smem:$0x3FA9]  }
0x28: {  	s2 =	sld [smem:$0x3FAA]  }
0x29: {  	s4 =	sld [smem:$0x3FAC]  }
0x2a: {  	p0 =	seq.s32 s5, $0x0;
	s5 =	sld [smem:$0x3FAD]  }
0x2b: {  	s6 =	sld [smem:$0x3FAE]  }
0x2c: {  	s7 =	sld [smem:$0x3FAF]  }
0x2d: {  	s3 =	simm.s32 $0x108;
	s8 =	sld [smem:$0x3FB0]  }
0x2e: {  	s3 =	simm.s32 @!p0 $0x1082;
	s9 =	sld [smem:$0x3FB1]  }
0x2f: {  	lr =	sadd.s32 s0, s3;
	s0 =	sld [smem:$0x3FA8]  }
0x30: {  	s3 =	sld [smem:$0x3FAB]  }
0x31: {  	[smem:$0x3FB4] =	sst s10  }
0x32: {  	s10 =	sld [smem:$0x3FB2];
	_ =	sdelay $0x3  }
0x33: {  	p0 =	seq.s32 s10, $0x1;
	s10 =	sld [smem:$0x3FB4];
	_ =	sdelay $0x3  }
0x34: {  	[smem:$0x3FB4] =	sst s10  }
0x35: {  	s10 =	sld [smem:$0x3FB3];
	_ =	sdelay $0x3  }
0x36: {  	p1 =	seq.s32 s10, $0x1;
	s10 =	sld [smem:$0x3FB4];
	_ =	sdelay $0x3  }
0x37: {  	[smem:$0x3FB4] =	sst s10  }
0x38: {  	s10 =	sld [smem:$0x3FB5]  }
0x39: {  	_ = 	snop;
	(pc) =	sbr.ind lr, $3  }
0x3a: {  	_ = 	snop  }
0x3b: {  	_ = 	snop  }
0x3c: {  	p2 =	seq.s32 s10, $0x1;
	s10 =	sld [smem:$0x3FB4]  }
0x3d: {  	_ =	shalt  }
0x3e: {  	_ =	shalt  }
0x3f: {  	_ =	shalt  }
0x40: {  	_ =	shalt  }
0x41: {  	_ =	shalt  }
0x42: {  	_ =	shalt  }
0x43: {  	_ =	shalt  }
0x44: {  	_ =	shalt  }
0x45: {  	_ =	shalt  }
0x46: {  	_ =	shalt  }
0x47: {  	_ =	shalt  }
0x48: {  	_ =	shalt  }
0x49: {  	_ =	shalt  }
0x4a: {  	_ =	shalt  }
0x4b: {  	_ =	shalt  }
0x4c: {  	_ =	shalt  }
0x4d: {  	_ =	shalt  }
0x4e: {  	_ =	shalt  }
0x4f: {  	_ =	shalt  }
0x50: {  	_ =	shalt  }
0x51: {  	_ =	shalt  }
0x52: {  	_ =	shalt  }
0x53: {  	_ =	shalt  }
0x54: {  	_ =	shalt  }
0x55: {  	_ =	shalt  }
0x56: {  	_ =	shalt  }
0x57: {  	_ =	shalt  }
0x58: {  	_ =	shalt  }
0x59: {  	_ =	shalt  }
0x5a: {  	_ =	shalt  }
0x5b: {  	_ =	shalt  }
0x5c: {  	_ =	shalt  }
0x5d: {  	_ =	shalt  }
0x5e: {  	_ =	shalt  }
0x5f: {  	_ =	shalt  }
0x60: {  	_ =	shalt  }
0x61: {  	_ =	shalt  }
0x62: {  	_ =	shalt  }
0x63: {  	_ =	shalt  }
0x64: {  	_ =	shalt  }
0x65: {  	_ =	shalt  }
0x66: {  	_ =	shalt  }
0x67: {  	_ =	shalt  }
0x68: {  	_ =	shalt  }
0x69: {  	_ =	shalt  }
0x6a: {  	_ =	shalt  }
0x6b: {  	_ =	shalt  }
0x6c: {  	_ =	shalt  }
0x6d: {  	_ =	shalt  }
0x6e: {  	_ =	shalt  }
0x6f: {  	_ =	shalt  }
0x70: {  	_ =	shalt  }
0x71: {  	_ =	shalt  }
0x72: {  	_ =	shalt  }
0x73: {  	_ =	shalt  }
0x74: {  	_ =	shalt  }
0x75: {  	_ =	shalt  }
0x76: {  	_ =	shalt  }
0x77: {  	_ =	shalt  }
0x78: {  	_ =	shalt  }
0x79: {  	_ =	shalt  }
0x7a: {  	_ =	shalt  }
0x7b: {  	_ =	shalt  }
0x7c: {  	_ =	shalt  }
0x7d: {  	_ =	shalt  }
0x7e: {  	_ =	shalt  }
0x7f: {  	_ =	shalt  }
0x80: {  	_ =	shalt  }
0x81: {  	_ =	shalt  }
0x82: {  	_ =	shalt  }
0x83: {  	_ =	shalt  }
0x84: {  	_ =	shalt  }
0x85: {  	_ =	shalt  }
0x86: {  	_ =	shalt  }
0x87: {  	_ =	shalt  }
.Lfunc_end0:
.L_simem_size_0:
called_computation_lowered:
.L_overlay_start_0:
0x88: {  	s2 =	sld [smem:$0x3FD9]  }
0x89: {  	s3 =	sld [smem:$0x3FFE];
	_ =	sdelay $0x1  }
0x8a: {  	s1 =	srdreg.scid  }
0x8b: {  	s0 =	sand.u32 $0x1, s1  }
0x8c: {  	s17 =	sshll.u32 s0, $0xA;
	s2 =	sadd.s32 s3, s2  }
0x8d: {  	s2 =	sadd.s32 s2, s17  }
0x8e: {  	[smem:$0x3FC0] =	sst s2  }
0x8f: {  	_ = 	snop  }
0x90: {  	s2 =	sld [smem:$0x3FD0];
	(tm) =	ssettm $0x1  }
0x91: {  	s18 =	sld [smem:$0x3FFB];
	_ =	sdelay $0x3  }
0x92: {  	_ =	strace s18  }
0x93: {  	s3 =	sld [smem:$0x3FFC];
	_ =	sdelay $0x3  }
0x94: {  	_ =	strace s3  }
0x95: {  	s3 =	sld [smem:$0x3FFD];
	_ =	sdelay $0x3  }
0x96: {  	_ =	strace s3  }
0x97: {  	_ =	strace $0x8FFFFFFF  }
0x98: {  	s19 =	sld [smem:$0x3FDB];
	_ =	sdelay $0x1  }
0x99: {  	s4 =	simm.s32 $_scs_section_size  }
0x9a: {  	s5 =	simm.s32 $_size__tile_overlayer_lowered;
	s6 =	simm.s32 $_tile_overlayer_lowered  }
0x9b: {  	s22 =	simm.s32 $0x1BFF;
	s21 =	sshll.u32 s6, $0x1;
	s3 =	sadd.s32 s4, s19  }
0x9c: {  	s7 =	simm.s32 $0x0;
	s20 =	sshll.u32 s5, $0x1;
	s5 =	sadd.s32 s21, s3  }
0x9d: {  	[timem:s7], [sflag:s22] =	dma.local [hbm:s5], s20  }
0x9e: {  	_ =	swait.ge [sflag:s22], s20  }
0x9f: {  	s4 =	ssub.s32 $0x0, s20;
	[sflag:s22] =	ssyncset.done $0x0  }
0xa0: {  	[sflag:s22] =	ssyncadd.s32 s4;
	_ =	sdelay $0x1  }
0xa1: {  	s23 =	simm.s32 $0x1B8B  }
0xa2: {  	_ =	swait.ge [sflag:s23], $0x1  }
0xa3: {  	[sflag:s23] =	ssyncset.done $0x0  }
0xa4: {  	s25 =	simm.s32 $0x1B8E;
	s24 =	sld [smem:$0x3FFE];
	[sflag:s23] =	ssyncadd.s32 $0xFFFFFFFF  }
0xa5: {  	s26 =	simm.s32 $execute0_lowered;
	[smem:$0x3FD2] =	sst s25  }
0xa6: {  	s5 =	sshll.u32 s26, $0x1;
	_ =	strace $0x80000046;
	[dreg:$0x1] =	wrdreg $0xFFFFFFFF  }
0xa7: {  	s28 =	simm.s32 $_size_execute0_lowered;
	s3 =	sadd.s32 s3, s5;
	[dreg:$0x0] =	wrdreg $0x0  }
0xa8: {  	s5 =	sshll.u32 s28, $0x1;
	[dreg:$0x2] =	wrdreg s3  }
0xa9: {  	[dreg:$0x3] =	wrdreg s5  }
0xaa: {  	[dreg:$0x4] =	wrdreg $0xC0  }
0xab: {  	_ =	task [dreg:s7], $0x5FFFF  }
0xac: {  	[dreg:$0x1] =	wrdreg $0xFFFFFFFF  }
0xad: {  	[dreg:$0x0] =	wrdreg $0x60  }
0xae: {  	[dreg:$0x2] =	wrdreg s24  }
0xaf: {  	[dreg:$0x3] =	wrdreg s2  }
0xb0: {  	[dreg:$0x4] =	wrdreg $0x28800  }
0xb1: {  	[dreg:$0x5] =	wrdreg $0x9  }
0xb2: {  	_ =	task.clear_ibuf [dreg:s7], $0x6FFFF;
	_ =	strace $0x90000046  }
0xb3: {  	s29 =	simm.s32 $0x9;
	_ =	strace $0x80000048  }
0xb4: {  	_ =	swait.ge [sflag:s29], $0x1  }
0xb5: {  	[sflag:s29] =	ssyncadd.s32 $0xFFFFFFFF  }
0xb6: {  	_ =	strace $0x90000048  }
0xb7: {  	_ =	sfence  }
0xb8: {  	s30 =	sld [smem:$0x0];
	_ =	sdelay $0x2  }
0xb9: {  	s31 =	sshll.u32 s1, $0xD;
	s1 =	sshrl.u32 s1, $0x2  }
0xba: {  	s3 =	sand.u32 $0x4000, s31;
	s1 =	sadd.s32 s1, s30  }
0xbb: {  	s0 =	sor.u32 s3, s0;
	s1 =	sshll.u32 s1, $0x11  }
0xbc: {  	s0 =	sor.u32 s1, s0  }
0xbd: {  	s0 =	sadd.s32 $0x8F2B, s0  }
0xbe: {  	[sflag:s0] =	ssyncadd.remote.s32 $0x1  }
0xbf: {  	_ =	sfence.sel $0xFFFF  }
0xc0: {  	[dreg:$0x0] =	wrdreg $0xFFFFFFFF;
	(pc) =	sbr.abs _section_cstart, $3  }
0xc1: {  	[dreg:$0x1] =	wrdreg $0xFFFFFFFF  }
0xc2: {  	_ =	task.clear_ibuf [dreg:s7], $0x2FFFF;
	_ =	strace $0x9FFFFFFF  }
0xc3: {  	(tm) =	ssettm $0x7FFFFFFF  }
tec
execute0_lowered:
.L_overlay_start_1:
0x0: {  	(tag) =	ssettag $0x1  }
0x1: {  	s7 =	rddreg [dreg:$0x0]  }
0x2: {  	s1 =	rddreg [dreg:$0x1]  }
0x3: {  	s2 =	rddreg [dreg:$0x2]  }
0x4: {  	s0 =	rddreg [dreg:$0x3];
	s3 =	simm.s32 $0x0;
	s4 =	srdreg.scid  }
0x5: {  	[smem:$0x7FF] =	sst s3;
	s8 =	sand.u32 $0x1, s4  }
0x6: {  	s4 =	stileid.u32;
	s5 =	sadd.s32 $0x16E00, s7;
	s14 =	sadd.s32 $0xCE00, s7  }
0x7: {  	s6 =	smul.u32 $0x500, s8;
	s9 =	ssub.s32 $0x2, s8;
	_ =	strace $0x80000047  }
0x8: {  	s11 =	smul.u32 $0x280, s4;
	s30 =	sshll.u32 s4, $0x6;
	s13 =	sshll.u32 s4, $0x1  }
0x9: {  	s10 =	sshrl.u32 s9, $0x1;
	s31 =	sor.u32 s8, s13;
	s12 =	sadd.s32 s6, s7  }
0xa: {  	s9 =	ssub.s32 s9, s10;
	s29 =	sadd.s32 s11, s2;
	s6 =	sor.u32 $0x1C02, s30  }
0xb: {  	s13 =	smul.u32 $0x500, s31;
	s16 =	sshrl.u32 s11, $0x3;
	s10 =	simm.s32 $0x2800  }
0xc: {  	s15 =	sadd.s32 $0x17000, s12;
	s7 =	smax.u32 s9, $0x1;
	s8 =	sshrl.u32 s29, $0x3  }
0xd: {  	s9 =	simm.s32 $0x2;
	s12 =	simm.s32 $0x80;
	s11 =	sadd.s32 s13, s14  }
0xe: {  	s13 =	simm.s32 $0x1;
	s14 =	sadd.s32 s16, s15;
	s15 =	simm.s32 $0x0  }
.LBB2_1:
0xf: {  	[spmem:s8], [sflag:s6] =	dma.local [hbm:s1], $0x50  }
0x10: {  	_ =	swait.ge [sflag:s9], $0x50  }
0x11: {  	[sflag:s9] =	ssyncset.done $0x0  }
0x12: {  	[sflag:s9] =	ssyncadd.s32 $0xFFFFFFB0  }
0x13: {  	[tilespmem:s10], [sflag:$0x2] =	stream.linear.gather [hbm4b:s5+s3], $0x80, $0x38;
	[tilespmem:$0x2B00] =	vst v63  }
0x14: {  	_ =	swait.ge [sflag:s9], $0x80  }
0x15: {  	[sflag:s9] =	ssyncset.done $0x0  }
0x16: {  	[sflag:s9] =	ssyncadd.s32 $0xFFFFFF80  }
0x17: {  	[tilespmem:s3], [sflag:$0x2] =	stream.linear.gather [hbm4b:s11+s3], $0x2800, $0x38;
	[tilespmem:$0x2B00] =	vst v63  }
0x18: {  	_ =	swait.ge [sflag:s9], $0x2800  }
0x19: {  	[sflag:s9] =	ssyncset.done $0x0  }
0x1a: {  	[sflag:s9] =	ssyncadd.s32 $0xFFFFD800  }
0x1b: {  	s16 =	simm.s32 $0x0;
	[bflag:$0x0] =	sbarrier.arrive $0xFFFF  }
.LBB2_2:
0x1c: {  	p0 =	sne.s32 s16, $0x9E00  }
.Ltmp0:
0x1d: {  	_ = 	snop;
	(pc) =	sbr.rel @p0 .LBB2_2-.Ltmp0, $3  }
0x1e: {  	_ =	sdelay $0x1  }
0x1f: {  	s17 =	sshra.s32 s16, $0x2;
	s16 =	sadd.s32 $0x200, s16  }
0x20: {  	[spmem:s2] =	stream.indirect.scatter.add.f32 [tilespmem:s10], [sflag:$0x1], $0x1, s17, s12, $0xb8;
	[tilespmem:$0x2B00] =	vst v63  }
0x21: {  	_ =	swait.ge [sflag:s13], $0x80  }
0x22: {  	s16 =	simm.s32 $0x4F;
	[sflag:s13] =	ssyncset.done $0x0  }
.LBB2_4:
0x23: {  	p0 =	sne.s32 s16, $0x1;
	s16 =	sadd.s32 $0xFFFFFFFF, s16;
	[sflag:s13] =	ssyncadd.s32 $0xFFFFFF80  }
.Ltmp1:
0x24: {  	(pc) =	sbr.rel @p0 .LBB2_4-.Ltmp1, $3  }
0x25: {  	_ =	sdelay $0x1  }
0x26: {  	_ =	swait.ge [sflag:s13], $0x80  }
0x27: {  	[sflag:s13] =	ssyncset.done $0x0  }
0x28: {  	s15 =	sadd.s32 $0x1, s15  }
0x29: {  	[sflag:s13] =	ssyncadd.s32 $0xFFFFFF80;
	p0 =	sne.s32 s15, s7  }
.Ltmp2:
0x2a: {  	[bflag:$0x0] =	sbarrier.arrive $0xFFFF;
	(pc) =	sbr.rel @p0 .LBB2_1-.Ltmp2, $4  }
0x2b: {  	[hbm:s14], [sflag:s6] =	dma.local [spmem:s8], $0x50  }
0x2c: {  	_ =	swait.ge [sflag:s9], $0x50  }
0x2d: {  	[sflag:s9] =	ssyncset.done $0x0  }
0x2e: {  	[sflag:s9] =	ssyncadd.s32 $0xFFFFFFB0  }
0x2f: {  	_ =	sfence.sel $0x180000  }
0x30: {  	[bflag:$0x0] =	sbarrier.arrive $0xFFFF  }
0x31: {  	p0 =	sne.s32 s4, $0x0;
	_ =	strace $0x90000047  }
0x32: {  	s0 =	sadd.s32 @!p0 $0x100000, s0;
	[bflag:$0x2] =	sbarrier.arrive $0xFFFF  }
0x33: {  	[sflag:s0] =	ssyncadd.tile.s32 @!p0 $0x1;
	_ =	shalt  }
.Lfunc_end2:
_tile_overlayer_lowered:
.L_overlay_start_2:
0x34: {  	(tag) =	ssettag $0x2  }
0x35: {  	s0 =	rddreg [dreg:$0x0];
	s2 =	stileid.u32  }
0x36: {  	s1 =	rddreg [dreg:$0x1];
	p0 =	sne.s32 s2, $0x0  }
0x37: {  	s3 =	rddreg [dreg:$0x2];
	[bflag:$0x3] =	sbarrier.arrive $0xFFFF;
	s2 =	simm.s32 @!p0 $0x1C02  }
0x38: {  	[timem:s3], [sflag:s2] =	dma.local @!p0 [hbm:s0], s1  }
0x39: {  	s0 =	simm.s32 @!p0 $0x2  }
0x3a: {  	_ =	swait.ge @!p0 [sflag:s0], s1  }
0x3b: {  	s1 =	ssub.s32 @!p0 $0x0, s1;
	[sflag:s0] =	ssyncset.done @!p0 $0x0  }
0x3c: {  	[sflag:s0] =	ssyncadd.s32 @!p0 s1  }
0x3d: {  	[bflag:$0x3] =	sbarrier.arrive $0xFFFF  }
0x3e: {  	_ =	shalt  }

</sc_bundles>
